<compile_context>
chip_gen: v7x
topology: tpu7x:2x2x1
jax: 0.10.2.dev20260603
libtpu: 0.0.44.dev20260713+nightly
codegen_flags: <defaults>
</compile_context>

<pallas_src>
import jax
import jax.numpy as jnp
from jax import lax
from jax.experimental import pallas as pl
from jax.experimental.pallas import tpu as pltpu
from jax.experimental.pallas import tpu_sc as plsc

B = 32
N = 32768
D = 8192
K = 16
NC = 2
NS = 16
GCH = 1024
NCHUNK = D // GCH


def _body(x_hbm, det_hbm, out_hbm, xrow, stat, dbufs, sems, xsem):
    wid = lax.axis_index("s") * NC + lax.axis_index("c")

    xcopy = pltpu.async_copy(x_hbm.at[wid], xrow, xsem)
    copies = [None, None]
    copies[0] = pltpu.async_copy(
        det_hbm.at[:, pl.ds(0, GCH)], dbufs[0], sems[0])

    zeros = jnp.zeros((K,), jnp.int32)

    @plsc.parallel_loop(0, N // K, unroll=16)
    def _zero(i):
        stat[pl.ds(i * K, K)] = zeros

    xcopy.wait()
    ones = jnp.ones((K,), jnp.int32)

    for cidx in range(NCHUNK):
        cur = cidx % 2
        copies[cur].wait()
        if cidx + 1 < NCHUNK:
            copies[1 - cur] = pltpu.async_copy(
                det_hbm.at[:, pl.ds((cidx + 1) * GCH, GCH)],
                dbufs[1 - cur], sems[1 - cur])
        dbuf = dbufs[cur]

        @plsc.parallel_loop(0, GCH // K)
        def _group(g):
            base = g * K
            ids = [dbuf[j, pl.ds(base, K)] for j in range(K)]
            vals = [plsc.load_gather(xrow, [ids[j]]) for j in range(K)]
            pairs = [(vals[j], j) for j in range(K)]
            while len(pairs) > 1:
                nxt = []
                for i in range(0, len(pairs), 2):
                    (av, aj), (bv, bj) = pairs[i], pairs[i + 1]
                    take_a = av >= bv
                    nxt.append((jnp.where(take_a, av, bv),
                                jnp.where(take_a, aj, bj)))
                pairs = nxt
            wmin = pairs[0][1]
            for j in range(K):
                plsc.addupdate_scatter(stat, [ids[j]], ones, mask=wmin != j)

    seg = N // 8
    ocopies = []
    for p in range(8):
        @plsc.parallel_loop(p * seg // K, (p + 1) * seg // K, unroll=8)
        def _fin(i):
            s = stat[pl.ds(i * K, K)]
            xrow[pl.ds(i * K, K)] = jnp.where(s == 0, 1.0, 0.0)

        ocopies.append(pltpu.async_copy(
            xrow.at[pl.ds(p * seg, seg)],
            out_hbm.at[wid, pl.ds(p * seg, seg)], xsem))
    for c in ocopies:
        c.wait()


@jax.jit
def kernel(x, detectors):
    run = pl.kernel(
        _body,
        out_type=jax.ShapeDtypeStruct((B, N), jnp.float32),
        mesh=plsc.VectorSubcoreMesh(
            core_axis_name="c", subcore_axis_name="s",
            num_cores=NC, num_subcores=NS,
        ),
        compiler_params=pltpu.CompilerParams(
            needs_layout_passes=False, disable_bounds_checks=True),
        scratch_types=[
            pltpu.VMEM((N,), jnp.float32),
            pltpu.VMEM((N,), jnp.int32),
            [pltpu.VMEM((K, GCH), jnp.int32) for _ in range(2)],
            [pltpu.SemaphoreType.DMA for _ in range(2)],
            pltpu.SemaphoreType.DMA,
        ],
    )
    det_t = detectors.T
    return run(x, det_t)

# --- scband reference (transcript-rebuilt; emitter-appended) ---
"""Pipeline reference for scband-inhibition-layer-56538949485246 (READ-ONLY COPY).

The authoritative reference and input builder live on the scoring server;
editing this copy changes nothing except your own understanding.
"""

import jax, jax.numpy as jnp
import numpy as np

N_INPUTS = 32768
N_DETECTORS = 8192
MAX_INPUTS = 16
BATCH = 32


def setup_inputs(seed: int = 0) -> dict:
    key = jax.random.key(seed)
    k1, k2 = jax.random.split(key)
    x = jax.random.normal(k1, (BATCH, N_INPUTS), dtype=jnp.float32)
    # detector wiring: each detector monitors MAX_INPUTS input neuron ids (learned/connectivity param,
    # normally passed via initialize_detectors). All slots valid (>=2 non -1 entries per row).
    detectors = jax.random.randint(k2, (N_DETECTORS, MAX_INPUTS), 0, N_INPUTS, dtype=jnp.int32)
    return {"x": x, "detectors": detectors}


def reference(x, detectors):
    # Faithful JAX translation of InhibitionLayer.forward (spiking inhibition, WTA per detector):
    # for each (batch, detector): winner = argmax of x over the detector's inputs; all other
    # (losing) inputs of that detector get their winning_stat incremented. Output spikes (1.0)
    # only for inputs that were never inhibited (winning_stat == 0).
    B, N = x.shape
    D, K = detectors.shape
    det_b = jnp.broadcast_to(detectors[None, :, :], (B, D, K))
    vals = x[:, detectors]                                    # gather: [B, D, K]
    wpos = jnp.argmax(vals, axis=-1)                          # winner slot per detector [B, D]
    winner_ids = jnp.take_along_axis(det_b, wpos[:, :, None], axis=2)[:, :, 0]   # [B, D]
    # pre-winner (runner-up) ids, tracked by the data manager for hebbian updates
    kk = jnp.arange(K)[None, None, :]
    masked = jnp.where(kk == wpos[:, :, None], -jnp.inf, vals)
    ppos = jnp.argmax(masked, axis=-1)
    prewinner_ids = jnp.take_along_axis(det_b, ppos[:, :, None], axis=2)[:, :, 0]  # [B, D] (unused by output)
    # winning_stat: number of detectors in which this input lost (scatter-add)
    b_idx = jnp.broadcast_to(jnp.arange(B)[:, None, None], (B, D, K))
    stat = jnp.zeros((B, N), dtype=jnp.int32)
    stat = stat.at[b_idx, det_b].add(1)
    stat = stat.at[jnp.arange(B)[:, None], winner_ids].add(-1)
    output = (stat == 0).astype(jnp.float32)
    # spiking_inhibition=True -> binary spike output (no multiply by x)
    return output

if __name__ == "__main__":
    import jax
    _d = setup_inputs()
    print(jax.jit(kernel)(*tuple(_d.values())))

</pallas_src>

<mosaic_0001>
#map = affine_map<(d0, d1) -> (0, 0)>
module attributes {stable_mosaic.version = 14 : i64} {
  func.func @_body(%arg0: i32, %arg1: i32, %arg2: memref<32x32768xf32, #tpu.memory_space<hbm>>, %arg3: memref<16x8192xi32, #tpu.memory_space<hbm>>, %arg4: memref<32x32768xf32, #tpu.memory_space<hbm>>, %arg5: memref<32768xf32, #tpu.memory_space<vmem>>, %arg6: memref<32768xi32, #tpu.memory_space<vmem>>, %arg7: memref<16x1024xi32, #tpu.memory_space<vmem>>, %arg8: memref<16x1024xi32, #tpu.memory_space<vmem>>, %arg9: memref<!tpu.dma_semaphore, #tpu.memory_space<semaphore_mem>>, %arg10: memref<!tpu.dma_semaphore, #tpu.memory_space<semaphore_mem>>, %arg11: memref<!tpu.dma_semaphore, #tpu.memory_space<semaphore_mem>>) attributes {dimension_semantics = [#tpu.dimension_semantics<core_parallel>, #tpu.dimension_semantics<subcore_parallel>], iteration_bounds = array<i64: 2, 16>, scalar_prefetch = 0 : i64, scratch_operands = 7 : i64, tpu.core_type = #tpu.core_type<sc_vector_subcore>, window_params = [{transform_indices = #map}, {transform_indices = #map}, {transform_indices = #map}]} {
    %mul3A = arith.constant 2 : i32
    %mul3A_0 = arith.muli %arg1, %mul3A : i32
    %add3A = arith.addi %mul3A_0, %arg0 : i32
    %dma_start3A = arith.constant 0 : i32
    %dma_start3A_1 = tpu.memref_slice %arg2[%add3A, %dma_start3A] : memref<32x32768xf32, #tpu.memory_space<hbm>> -> memref<1x32768xf32, #tpu.memory_space<hbm>>
    %dma_start3A_2 = tpu.memref_squeeze %dma_start3A_1 : memref<1x32768xf32, #tpu.memory_space<hbm>> -> memref<32768xf32, #tpu.memory_space<hbm>>
    %dma_start3A_3 = arith.constant 0 : i32
    %dma_start3A_4 = tpu.memref_slice %arg2[%add3A, %dma_start3A_3] : memref<32x32768xf32, #tpu.memory_space<hbm>> -> memref<1x32768xf32, #tpu.memory_space<hbm>>
    %dma_start3A_5 = tpu.memref_squeeze %dma_start3A_4 : memref<1x32768xf32, #tpu.memory_space<hbm>> -> memref<32768xf32, #tpu.memory_space<hbm>>
    tpu.enqueue_dma source(%dma_start3A_5 : memref<32768xf32, #tpu.memory_space<hbm>>) target(%arg5 : memref<32768xf32, #tpu.memory_space<vmem>>) target_semaphore(%arg11 : memref<!tpu.dma_semaphore, #tpu.memory_space<semaphore_mem>>)
    %dma_start3A_6 = arith.constant 0 : i32
    %dma_start3A_7 = arith.constant 0 : i32
    %dma_start3A_8 = tpu.memref_slice %arg3[%dma_start3A_6, %dma_start3A_7] : memref<16x8192xi32, #tpu.memory_space<hbm>> -> memref<16x1024xi32, #tpu.memory_space<hbm>>
    %dma_start3A_9 = arith.constant 0 : i32
    %dma_start3A_10 = arith.constant 0 : i32
    %dma_start3A_11 = tpu.memref_slice %arg3[%dma_start3A_9, %dma_start3A_10] : memref<16x8192xi32, #tpu.memory_space<hbm>> -> memref<16x1024xi32, #tpu.memory_space<hbm>>
    tpu.enqueue_dma source(%dma_start3A_11 : memref<16x1024xi32, #tpu.memory_space<hbm>>) target(%arg7 : memref<16x1024xi32, #tpu.memory_space<vmem>>) target_semaphore(%arg9 : memref<!tpu.dma_semaphore, #tpu.memory_space<semaphore_mem>>)
    %broadcast_in_dim3A = arith.constant 0 : i32
    %broadcast_in_dim3A_12 = vector.broadcast %broadcast_in_dim3A : i32 to vector<16xi32>
    %parallel_loop3A = arith.constant 0 : i32
    %parallel_loop3A_13 = arith.constant 2048 : i32
    %parallel_loop3A_14 = arith.constant 1 : i32
    scf.for %parallel_loop3A_320 = %parallel_loop3A to %parallel_loop3A_13 step %parallel_loop3A_14  : i32 {
      %parallel_loop3A_321 = arith.constant 16 : i32
      %parallel_loop3A_322 = arith.muli %parallel_loop3A_320, %parallel_loop3A_321 : i32
      %parallel_loop3A_323 = arith.index_cast %parallel_loop3A_322 : i32 to index
      %parallel_loop3A_324 = tpu.vector_load %arg6[%parallel_loop3A_323] {strides = array<i32>} : memref<32768xi32, #tpu.memory_space<vmem>>, vector<16xi32>,
      tpu.vector_store %arg6[%parallel_loop3A_323], %broadcast_in_dim3A_12 {strides = array<i32>} : memref<32768xi32, #tpu.memory_space<vmem>>, vector<16xi32>,
    } {sc.loop_unroll_factor = 16 : i64, sc.parallel_access}
    %dma_wait3A = arith.constant 0 : i32
    %dma_wait3A_15 = tpu.memref_slice %arg2[%add3A, %dma_wait3A] : memref<32x32768xf32, #tpu.memory_space<hbm>> -> memref<1x32768xf32, #tpu.memory_space<hbm>>
    %dma_wait3A_16 = tpu.memref_squeeze %dma_wait3A_15 : memref<1x32768xf32, #tpu.memory_space<hbm>> -> memref<32768xf32, #tpu.memory_space<hbm>>
    %dma_wait3A_17 = arith.constant 0 : i32
    %dma_wait3A_18 = tpu.memref_slice %arg2[%add3A, %dma_wait3A_17] : memref<32x32768xf32, #tpu.memory_space<hbm>> -> memref<1x32768xf32, #tpu.memory_space<hbm>>
    %dma_wait3A_19 = tpu.memref_squeeze %dma_wait3A_18 : memref<1x32768xf32, #tpu.memory_space<hbm>> -> memref<32768xf32, #tpu.memory_space<hbm>>
    tpu.wait_dma2 semaphore(%arg11 : memref<!tpu.dma_semaphore, #tpu.memory_space<semaphore_mem>>) src(%dma_wait3A_19 : memref<32768xf32, #tpu.memory_space<hbm>>) dst(%arg5 : memref<32768xf32, #tpu.memory_space<vmem>>)
    %broadcast_in_dim3A_20 = arith.constant 1 : i32
    %broadcast_in_dim3A_21 = vector.broadcast %broadcast_in_dim3A_20 : i32 to vector<16xi32>
    %dma_wait3A_22 = arith.constant 0 : i32
    %dma_wait3A_23 = arith.constant 0 : i32
    %dma_wait3A_24 = tpu.memref_slice %arg3[%dma_wait3A_22, %dma_wait3A_23] : memref<16x8192xi32, #tpu.memory_space<hbm>> -> memref<16x1024xi32, #tpu.memory_space<hbm>>
    %dma_wait3A_25 = arith.constant 0 : i32
    %dma_wait3A_26 = arith.constant 0 : i32
    %dma_wait3A_27 = tpu.memref_slice %arg3[%dma_wait3A_25, %dma_wait3A_26] : memref<16x8192xi32, #tpu.memory_space<hbm>> -> memref<16x1024xi32, #tpu.memory_space<hbm>>
    tpu.wait_dma2 semaphore(%arg9 : memref<!tpu.dma_semaphore, #tpu.memory_space<semaphore_mem>>) src(%dma_wait3A_27 : memref<16x1024xi32, #tpu.memory_space<hbm>>) dst(%arg7 : memref<16x1024xi32, #tpu.memory_space<vmem>>)
    %dma_start3A_28 = arith.constant 0 : i32
    %dma_start3A_29 = arith.constant 1024 : i32
    %dma_start3A_30 = tpu.memref_slice %arg3[%dma_start3A_28, %dma_start3A_29] : memref<16x8192xi32, #tpu.memory_space<hbm>> -> memref<16x1024xi32, #tpu.memory_space<hbm>>
    %dma_start3A_31 = arith.constant 0 : i32
    %dma_start3A_32 = arith.constant 1024 : i32
    %dma_start3A_33 = tpu.memref_slice %arg3[%dma_start3A_31, %dma_start3A_32] : memref<16x8192xi32, #tpu.memory_space<hbm>> -> memref<16x1024xi32, #tpu.memory_space<hbm>>
    tpu.enqueue_dma source(%dma_start3A_33 : memref<16x1024xi32, #tpu.memory_space<hbm>>) target(%arg8 : memref<16x1024xi32, #tpu.memory_space<vmem>>) target_semaphore(%arg10 : memref<!tpu.dma_semaphore, #tpu.memory_space<semaphore_mem>>)
    %parallel_loop3A_34 = arith.constant 0 : i32
    %parallel_loop3A_35 = arith.constant 64 : i32
    %parallel_loop3A_36 = arith.constant 1 : i32
    scf.for %parallel_loop3A_320 = %parallel_loop3A_34 to %parallel_loop3A_35 step %parallel_loop3A_36  : i32 {
      %parallel_loop3A_321 = arith.constant 16 : i32
      %parallel_loop3A_322 = arith.muli %parallel_loop3A_320, %parallel_loop3A_321 : i32
      %parallel_loop3A_323 = arith.constant 0 : i32
      %parallel_loop3A_324 = arith.index_cast %parallel_loop3A_323 : i32 to index
      %parallel_loop3A_325 = arith.index_cast %parallel_loop3A_322 : i32 to index
      %parallel_loop3A_326 = tpu.vector_load %arg7[%parallel_loop3A_324, %parallel_loop3A_325] {strides = array<i32>} : memref<16x1024xi32, #tpu.memory_space<vmem>>, vector<16xi32>,
      %parallel_loop3A_327 = arith.constant 1 : i32
      %parallel_loop3A_328 = arith.index_cast %parallel_loop3A_327 : i32 to index
      %parallel_loop3A_329 = arith.index_cast %parallel_loop3A_322 : i32 to index
      %parallel_loop3A_330 = tpu.vector_load %arg7[%parallel_loop3A_328, %parallel_loop3A_329] {strides = array<i32>} : memref<16x1024xi32, #tpu.memory_space<vmem>>, vector<16xi32>,
      %parallel_loop3A_331 = arith.constant 2 : i32
      %parallel_loop3A_332 = arith.index_cast %parallel_loop3A_331 : i32 to index
      %parallel_loop3A_333 = arith.index_cast %parallel_loop3A_322 : i32 to index
      %parallel_loop3A_334 = tpu.vector_load %arg7[%parallel_loop3A_332, %parallel_loop3A_333] {strides = array<i32>} : memref<16x1024xi32, #tpu.memory_space<vmem>>, vector<16xi32>,
      %parallel_loop3A_335 = arith.constant 3 : i32
      %parallel_loop3A_336 = arith.index_cast %parallel_loop3A_335 : i32 to index
      %parallel_loop3A_337 = arith.index_cast %parallel_loop3A_322 : i32 to index
      %parallel_loop3A_338 = tpu.vector_load %arg7[%parallel_loop3A_336, %parallel_loop3A_337] {strides = array<i32>} : memref<16x1024xi32, #tpu.memory_space<vmem>>, vector<16xi32>,
      %parallel_loop3A_339 = arith.constant 4 : i32
      %parallel_loop3A_340 = arith.index_cast %parallel_loop3A_339 : i32 to index
      %parallel_loop3A_341 = arith.index_cast %parallel_loop3A_322 : i32 to index
      %parallel_loop3A_342 = tpu.vector_load %arg7[%parallel_loop3A_340, %parallel_loop3A_341] {strides = array<i32>} : memref<16x1024xi32, #tpu.memory_space<vmem>>, vector<16xi32>,
      %parallel_loop3A_343 = arith.constant 5 : i32
      %parallel_loop3A_344 = arith.index_cast %parallel_loop3A_343 : i32 to index
      %parallel_loop3A_345 = arith.index_cast %parallel_loop3A_322 : i32 to index
      %parallel_loop3A_346 = tpu.vector_load %arg7[%parallel_loop3A_344, %parallel_loop3A_345] {strides = array<i32>} : memref<16x1024xi32, #tpu.memory_space<vmem>>, vector<16xi32>,
      %parallel_loop3A_347 = arith.constant 6 : i32
      %parallel_loop3A_348 = arith.index_cast %parallel_loop3A_347 : i32 to index
      %parallel_loop3A_349 = arith.index_cast %parallel_loop3A_322 : i32 to index
      %parallel_loop3A_350 = tpu.vector_load %arg7[%parallel_loop3A_348, %parallel_loop3A_349] {strides = array<i32>} : memref<16x1024xi32, #tpu.memory_space<vmem>>, vector<16xi32>,
      %parallel_loop3A_351 = arith.constant 7 : i32
      %parallel_loop3A_352 = arith.index_cast %parallel_loop3A_351 : i32 to index
      %parallel_loop3A_353 = arith.index_cast %parallel_loop3A_322 : i32 to index
      %parallel_loop3A_354 = tpu.vector_load %arg7[%parallel_loop3A_352, %parallel_loop3A_353] {strides = array<i32>} : memref<16x1024xi32, #tpu.memory_space<vmem>>, vector<16xi32>,
      %parallel_loop3A_355 = arith.constant 8 : i32
      %parallel_loop3A_356 = arith.index_cast %parallel_loop3A_355 : i32 to index
      %parallel_loop3A_357 = arith.index_cast %parallel_loop3A_322 : i32 to index
      %parallel_loop3A_358 = tpu.vector_load %arg7[%parallel_loop3A_356, %parallel_loop3A_357] {strides = array<i32>} : memref<16x1024xi32, #tpu.memory_space<vmem>>, vector<16xi32>,
      %parallel_loop3A_359 = arith.constant 9 : i32
      %parallel_loop3A_360 = arith.index_cast %parallel_loop3A_359 : i32 to index
      %parallel_loop3A_361 = arith.index_cast %parallel_loop3A_322 : i32 to index
      %parallel_loop3A_362 = tpu.vector_load %arg7[%parallel_loop3A_360, %parallel_loop3A_361] {strides = array<i32>} : memref<16x1024xi32, #tpu.memory_space<vmem>>, vector<16xi32>,
      %parallel_loop3A_363 = arith.constant 10 : i32
      %parallel_loop3A_364 = arith.index_cast %parallel_loop3A_363 : i32 to index
      %parallel_loop3A_365 = arith.index_cast %parallel_loop3A_322 : i32 to index
      %parallel_loop3A_366 = tpu.vector_load %arg7[%parallel_loop3A_364, %parallel_loop3A_365] {strides = array<i32>} : memref<16x1024xi32, #tpu.memory_space<vmem>>, vector<16xi32>,
      %parallel_loop3A_367 = arith.constant 11 : i32
      %parallel_loop3A_368 = arith.index_cast %parallel_loop3A_367 : i32 to index
      %parallel_loop3A_369 = arith.index_cast %parallel_loop3A_322 : i32 to index
      %parallel_loop3A_370 = tpu.vector_load %arg7[%parallel_loop3A_368, %parallel_loop3A_369] {strides = array<i32>} : memref<16x1024xi32, #tpu.memory_space<vmem>>, vector<16xi32>,
      %parallel_loop3A_371 = arith.constant 12 : i32
      %parallel_loop3A_372 = arith.index_cast %parallel_loop3A_371 : i32 to index
      %parallel_loop3A_373 = arith.index_cast %parallel_loop3A_322 : i32 to index
      %parallel_loop3A_374 = tpu.vector_load %arg7[%parallel_loop3A_372, %parallel_loop3A_373] {strides = array<i32>} : memref<16x1024xi32, #tpu.memory_space<vmem>>, vector<16xi32>,
      %parallel_loop3A_375 = arith.constant 13 : i32
      %parallel_loop3A_376 = arith.index_cast %parallel_loop3A_375 : i32 to index
      %parallel_loop3A_377 = arith.index_cast %parallel_loop3A_322 : i32 to index
      %parallel_loop3A_378 = tpu.vector_load %arg7[%parallel_loop3A_376, %parallel_loop3A_377] {strides = array<i32>} : memref<16x1024xi32, #tpu.memory_space<vmem>>, vector<16xi32>,
      %parallel_loop3A_379 = arith.constant 14 : i32
      %parallel_loop3A_380 = arith.index_cast %parallel_loop3A_379 : i32 to index
      %parallel_loop3A_381 = arith.index_cast %parallel_loop3A_322 : i32 to index
      %parallel_loop3A_382 = tpu.vector_load %arg7[%parallel_loop3A_380, %parallel_loop3A_381] {strides = array<i32>} : memref<16x1024xi32, #tpu.memory_space<vmem>>, vector<16xi32>,
      %parallel_loop3A_383 = arith.constant 15 : i32
      %parallel_loop3A_384 = arith.index_cast %parallel_loop3A_383 : i32 to index
      %parallel_loop3A_385 = arith.index_cast %parallel_loop3A_322 : i32 to index
      %parallel_loop3A_386 = tpu.vector_load %arg7[%parallel_loop3A_384, %parallel_loop3A_385] {strides = array<i32>} : memref<16x1024xi32, #tpu.memory_space<vmem>>, vector<16xi32>,
      %parallel_loop3A_387 = tpu.vector_load_idx %arg5[%parallel_loop3A_326] : memref<32768xf32, #tpu.memory_space<vmem>>[vector<16xi32>], vector<16xf32>,
      %parallel_loop3A_388 = tpu.vector_load_idx %arg5[%parallel_loop3A_330] : memref<32768xf32, #tpu.memory_space<vmem>>[vector<16xi32>], vector<16xf32>,
      %parallel_loop3A_389 = tpu.vector_load_idx %arg5[%parallel_loop3A_334] : memref<32768xf32, #tpu.memory_space<vmem>>[vector<16xi32>], vector<16xf32>,
      %parallel_loop3A_390 = tpu.vector_load_idx %arg5[%parallel_loop3A_338] : memref<32768xf32, #tpu.memory_space<vmem>>[vector<16xi32>], vector<16xf32>,
      %parallel_loop3A_391 = tpu.vector_load_idx %arg5[%parallel_loop3A_342] : memref<32768xf32, #tpu.memory_space<vmem>>[vector<16xi32>], vector<16xf32>,
      %parallel_loop3A_392 = tpu.vector_load_idx %arg5[%parallel_loop3A_346] : memref<32768xf32, #tpu.memory_space<vmem>>[vector<16xi32>], vector<16xf32>,
      %parallel_loop3A_393 = tpu.vector_load_idx %arg5[%parallel_loop3A_350] : memref<32768xf32, #tpu.memory_space<vmem>>[vector<16xi32>], vector<16xf32>,
      %parallel_loop3A_394 = tpu.vector_load_idx %arg5[%parallel_loop3A_354] : memref<32768xf32, #tpu.memory_space<vmem>>[vector<16xi32>], vector<16xf32>,
      %parallel_loop3A_395 = tpu.vector_load_idx %arg5[%parallel_loop3A_358] : memref<32768xf32, #tpu.memory_space<vmem>>[vector<16xi32>], vector<16xf32>,
      %parallel_loop3A_396 = tpu.vector_load_idx %arg5[%parallel_loop3A_362] : memref<32768xf32, #tpu.memory_space<vmem>>[vector<16xi32>], vector<16xf32>,
      %parallel_loop3A_397 = tpu.vector_load_idx %arg5[%parallel_loop3A_366] : memref<32768xf32, #tpu.memory_space<vmem>>[vector<16xi32>], vector<16xf32>,
      %parallel_loop3A_398 = tpu.vector_load_idx %arg5[%parallel_loop3A_370] : memref<32768xf32, #tpu.memory_space<vmem>>[vector<16xi32>], vector<16xf32>,
      %parallel_loop3A_399 = tpu.vector_load_idx %arg5[%parallel_loop3A_374] : memref<32768xf32, #tpu.memory_space<vmem>>[vector<16xi32>], vector<16xf32>,
      %parallel_loop3A_400 = tpu.vector_load_idx %arg5[%parallel_loop3A_378] : memref<32768xf32, #tpu.memory_space<vmem>>[vector<16xi32>], vector<16xf32>,
      %parallel_loop3A_401 = tpu.vector_load_idx %arg5[%parallel_loop3A_382] : memref<32768xf32, #tpu.memory_space<vmem>>[vector<16xi32>], vector<16xf32>,
      %parallel_loop3A_402 = tpu.vector_load_idx %arg5[%parallel_loop3A_386] : memref<32768xf32, #tpu.memory_space<vmem>>[vector<16xi32>], vector<16xf32>,
      %parallel_loop3A_403 = arith.cmpf oge, %parallel_loop3A_387, %parallel_loop3A_388 : vector<16xf32>
      %parallel_loop3A_404 = arith.select %parallel_loop3A_403, %parallel_loop3A_387, %parallel_loop3A_388 : vector<16xi1>, vector<16xf32>
      %parallel_loop3A_405 = arith.constant 0 : i32
      %parallel_loop3A_406 = arith.constant 1 : i32
      %parallel_loop3A_407 = vector.broadcast %parallel_loop3A_405 : i32 to vector<16xi32>
      %parallel_loop3A_408 = vector.broadcast %parallel_loop3A_406 : i32 to vector<16xi32>
      %parallel_loop3A_409 = arith.select %parallel_loop3A_403, %parallel_loop3A_407, %parallel_loop3A_408 : vector<16xi1>, vector<16xi32>
      %parallel_loop3A_410 = arith.cmpf oge, %parallel_loop3A_389, %parallel_loop3A_390 : vector<16xf32>
      %parallel_loop3A_411 = arith.select %parallel_loop3A_410, %parallel_loop3A_389, %parallel_loop3A_390 : vector<16xi1>, vector<16xf32>
      %parallel_loop3A_412 = arith.constant 2 : i32
      %parallel_loop3A_413 = arith.constant 3 : i32
      %parallel_loop3A_414 = vector.broadcast %parallel_loop3A_412 : i32 to vector<16xi32>
      %parallel_loop3A_415 = vector.broadcast %parallel_loop3A_413 : i32 to vector<16xi32>
      %parallel_loop3A_416 = arith.select %parallel_loop3A_410, %parallel_loop3A_414, %parallel_loop3A_415 : vector<16xi1>, vector<16xi32>
      %parallel_loop3A_417 = arith.cmpf oge, %parallel_loop3A_391, %parallel_loop3A_392 : vector<16xf32>
      %parallel_loop3A_418 = arith.select %parallel_loop3A_417, %parallel_loop3A_391, %parallel_loop3A_392 : vector<16xi1>, vector<16xf32>
      %parallel_loop3A_419 = arith.constant 4 : i32
      %parallel_loop3A_420 = arith.constant 5 : i32
      %parallel_loop3A_421 = vector.broadcast %parallel_loop3A_419 : i32 to vector<16xi32>
      %parallel_loop3A_422 = vector.broadcast %parallel_loop3A_420 : i32 to vector<16xi32>
      %parallel_loop3A_423 = arith.select %parallel_loop3A_417, %parallel_loop3A_421, %parallel_loop3A_422 : vector<16xi1>, vector<16xi32>
      %parallel_loop3A_424 = arith.cmpf oge, %parallel_loop3A_393, %parallel_loop3A_394 : vector<16xf32>
      %parallel_loop3A_425 = arith.select %parallel_loop3A_424, %parallel_loop3A_393, %parallel_loop3A_394 : vector<16xi1>, vector<16xf32>
      %parallel_loop3A_426 = arith.constant 6 : i32
      %parallel_loop3A_427 = arith.constant 7 : i32
      %parallel_loop3A_428 = vector.broadcast %parallel_loop3A_426 : i32 to vector<16xi32>
      %parallel_loop3A_429 = vector.broadcast %parallel_loop3A_427 : i32 to vector<16xi32>
      %parallel_loop3A_430 = arith.select %parallel_loop3A_424, %parallel_loop3A_428, %parallel_loop3A_429 : vector<16xi1>, vector<16xi32>
      %parallel_loop3A_431 = arith.cmpf oge, %parallel_loop3A_395, %parallel_loop3A_396 : vector<16xf32>
      %parallel_loop3A_432 = arith.select %parallel_loop3A_431, %parallel_loop3A_395, %parallel_loop3A_396 : vector<16xi1>, vector<16xf32>
      %parallel_loop3A_433 = arith.constant 8 : i32
      %parallel_loop3A_434 = arith.constant 9 : i32
      %parallel_loop3A_435 = vector.broadcast %parallel_loop3A_433 : i32 to vector<16xi32>
      %parallel_loop3A_436 = vector.broadcast %parallel_loop3A_434 : i32 to vector<16xi32>
      %parallel_loop3A_437 = arith.select %parallel_loop3A_431, %parallel_loop3A_435, %parallel_loop3A_436 : vector<16xi1>, vector<16xi32>
      %parallel_loop3A_438 = arith.cmpf oge, %parallel_loop3A_397, %parallel_loop3A_398 : vector<16xf32>
      %parallel_loop3A_439 = arith.select %parallel_loop3A_438, %parallel_loop3A_397, %parallel_loop3A_398 : vector<16xi1>, vector<16xf32>
      %parallel_loop3A_440 = arith.constant 10 : i32
      %parallel_loop3A_441 = arith.constant 11 : i32
      %parallel_loop3A_442 = vector.broadcast %parallel_loop3A_440 : i32 to vector<16xi32>
      %parallel_loop3A_443 = vector.broadcast %parallel_loop3A_441 : i32 to vector<16xi32>
      %parallel_loop3A_444 = arith.select %parallel_loop3A_438, %parallel_loop3A_442, %parallel_loop3A_443 : vector<16xi1>, vector<16xi32>
      %parallel_loop3A_445 = arith.cmpf oge, %parallel_loop3A_399, %parallel_loop3A_400 : vector<16xf32>
      %parallel_loop3A_446 = arith.select %parallel_loop3A_445, %parallel_loop3A_399, %parallel_loop3A_400 : vector<16xi1>, vector<16xf32>
      %parallel_loop3A_447 = arith.constant 12 : i32
      %parallel_loop3A_448 = arith.constant 13 : i32
      %parallel_loop3A_449 = vector.broadcast %parallel_loop3A_447 : i32 to vector<16xi32>
      %parallel_loop3A_450 = vector.broadcast %parallel_loop3A_448 : i32 to vector<16xi32>
      %parallel_loop3A_451 = arith.select %parallel_loop3A_445, %parallel_loop3A_449, %parallel_loop3A_450 : vector<16xi1>, vector<16xi32>
      %parallel_loop3A_452 = arith.cmpf oge, %parallel_loop3A_401, %parallel_loop3A_402 : vector<16xf32>
      %parallel_loop3A_453 = arith.select %parallel_loop3A_452, %parallel_loop3A_401, %parallel_loop3A_402 : vector<16xi1>, vector<16xf32>
      %parallel_loop3A_454 = arith.constant 14 : i32
      %parallel_loop3A_455 = arith.constant 15 : i32
      %parallel_loop3A_456 = vector.broadcast %parallel_loop3A_454 : i32 to vector<16xi32>
      %parallel_loop3A_457 = vector.broadcast %parallel_loop3A_455 : i32 to vector<16xi32>
      %parallel_loop3A_458 = arith.select %parallel_loop3A_452, %parallel_loop3A_456, %parallel_loop3A_457 : vector<16xi1>, vector<16xi32>
      %parallel_loop3A_459 = arith.cmpf oge, %parallel_loop3A_404, %parallel_loop3A_411 : vector<16xf32>
      %parallel_loop3A_460 = arith.select %parallel_loop3A_459, %parallel_loop3A_404, %parallel_loop3A_411 : vector<16xi1>, vector<16xf32>
      %parallel_loop3A_461 = arith.select %parallel_loop3A_459, %parallel_loop3A_409, %parallel_loop3A_416 : vector<16xi1>, vector<16xi32>
      %parallel_loop3A_462 = arith.cmpf oge, %parallel_loop3A_418, %parallel_loop3A_425 : vector<16xf32>
      %parallel_loop3A_463 = arith.select %parallel_loop3A_462, %parallel_loop3A_418, %parallel_loop3A_425 : vector<16xi1>, vector<16xf32>
      %parallel_loop3A_464 = arith.select %parallel_loop3A_462, %parallel_loop3A_423, %parallel_loop3A_430 : vector<16xi1>, vector<16xi32>
      %parallel_loop3A_465 = arith.cmpf oge, %parallel_loop3A_432, %parallel_loop3A_439 : vector<16xf32>
      %parallel_loop3A_466 = arith.select %parallel_loop3A_465, %parallel_loop3A_432, %parallel_loop3A_439 : vector<16xi1>, vector<16xf32>
      %parallel_loop3A_467 = arith.select %parallel_loop3A_465, %parallel_loop3A_437, %parallel_loop3A_444 : vector<16xi1>, vector<16xi32>
      %parallel_loop3A_468 = arith.cmpf oge, %parallel_loop3A_446, %parallel_loop3A_453 : vector<16xf32>
      %parallel_loop3A_469 = arith.select %parallel_loop3A_468, %parallel_loop3A_446, %parallel_loop3A_453 : vector<16xi1>, vector<16xf32>
      %parallel_loop3A_470 = arith.select %parallel_loop3A_468, %parallel_loop3A_451, %parallel_loop3A_458 : vector<16xi1>, vector<16xi32>
      %parallel_loop3A_471 = arith.cmpf oge, %parallel_loop3A_460, %parallel_loop3A_463 : vector<16xf32>
      %parallel_loop3A_472 = arith.select %parallel_loop3A_471, %parallel_loop3A_460, %parallel_loop3A_463 : vector<16xi1>, vector<16xf32>
      %parallel_loop3A_473 = arith.select %parallel_loop3A_471, %parallel_loop3A_461, %parallel_loop3A_464 : vector<16xi1>, vector<16xi32>
      %parallel_loop3A_474 = arith.cmpf oge, %parallel_loop3A_466, %parallel_loop3A_469 : vector<16xf32>
      %parallel_loop3A_475 = arith.select %parallel_loop3A_474, %parallel_loop3A_466, %parallel_loop3A_469 : vector<16xi1>, vector<16xf32>
      %parallel_loop3A_476 = arith.select %parallel_loop3A_474, %parallel_loop3A_467, %parallel_loop3A_470 : vector<16xi1>, vector<16xi32>
      %parallel_loop3A_477 = arith.cmpf oge, %parallel_loop3A_472, %parallel_loop3A_475 : vector<16xf32>
      %parallel_loop3A_478 = arith.select %parallel_loop3A_477, %parallel_loop3A_472, %parallel_loop3A_475 : vector<16xi1>, vector<16xf32>
      %parallel_loop3A_479 = arith.select %parallel_loop3A_477, %parallel_loop3A_473, %parallel_loop3A_476 : vector<16xi1>, vector<16xi32>
      %parallel_loop3A_480 = arith.constant 0 : i32
      %parallel_loop3A_481 = vector.broadcast %parallel_loop3A_480 : i32 to vector<16xi32>
      %parallel_loop3A_482 = arith.cmpi ne, %parallel_loop3A_479, %parallel_loop3A_481 : vector<16xi32>
      tpu.vector_store_idx %arg6[%parallel_loop3A_326], %broadcast_in_dim3A_21 masked %parallel_loop3A_482 {add = true} : memref<32768xi32, #tpu.memory_space<vmem>>[vector<16xi32>], vector<16xi32>, vector<16xi1>
      %parallel_loop3A_483 = arith.constant 1 : i32
      %parallel_loop3A_484 = vector.broadcast %parallel_loop3A_483 : i32 to vector<16xi32>
      %parallel_loop3A_485 = arith.cmpi ne, %parallel_loop3A_479, %parallel_loop3A_484 : vector<16xi32>
      tpu.vector_store_idx %arg6[%parallel_loop3A_330], %broadcast_in_dim3A_21 masked %parallel_loop3A_485 {add = true} : memref<32768xi32, #tpu.memory_space<vmem>>[vector<16xi32>], vector<16xi32>, vector<16xi1>
      %parallel_loop3A_486 = arith.constant 2 : i32
      %parallel_loop3A_487 = vector.broadcast %parallel_loop3A_486 : i32 to vector<16xi32>
      %parallel_loop3A_488 = arith.cmpi ne, %parallel_loop3A_479, %parallel_loop3A_487 : vector<16xi32>
      tpu.vector_store_idx %arg6[%parallel_loop3A_334], %broadcast_in_dim3A_21 masked %parallel_loop3A_488 {add = true} : memref<32768xi32, #tpu.memory_space<vmem>>[vector<16xi32>], vector<16xi32>, vector<16xi1>
      %parallel_loop3A_489 = arith.constant 3 : i32
      %parallel_loop3A_490 = vector.broadcast %parallel_loop3A_489 : i32 to vector<16xi32>
      %parallel_loop3A_491 = arith.cmpi ne, %parallel_loop3A_479, %parallel_loop3A_490 : vector<16xi32>
      tpu.vector_store_idx %arg6[%parallel_loop3A_338], %broadcast_in_dim3A_21 masked %parallel_loop3A_491 {add = true} : memref<32768xi32, #tpu.memory_space<vmem>>[vector<16xi32>], vector<16xi32>, vector<16xi1>
      %parallel_loop3A_492 = arith.constant 4 : i32
      %parallel_loop3A_493 = vector.broadcast %parallel_loop3A_492 : i32 to vector<16xi32>
      %parallel_loop3A_494 = arith.cmpi ne, %parallel_loop3A_479, %parallel_loop3A_493 : vector<16xi32>
      tpu.vector_store_idx %arg6[%parallel_loop3A_342], %broadcast_in_dim3A_21 masked %parallel_loop3A_494 {add = true} : memref<32768xi32, #tpu.memory_space<vmem>>[vector<16xi32>], vector<16xi32>, vector<16xi1>
      %parallel_loop3A_495 = arith.constant 5 : i32
      %parallel_loop3A_496 = vector.broadcast %parallel_loop3A_495 : i32 to vector<16xi32>
      %parallel_loop3A_497 = arith.cmpi ne, %parallel_loop3A_479, %parallel_loop3A_496 : vector<16xi32>
      tpu.vector_store_idx %arg6[%parallel_loop3A_346], %broadcast_in_dim3A_21 masked %parallel_loop3A_497 {add = true} : memref<32768xi32, #tpu.memory_space<vmem>>[vector<16xi32>], vector<16xi32>, vector<16xi1>
      %parallel_loop3A_498 = arith.constant 6 : i32
      %parallel_loop3A_499 = vector.broadcast %parallel_loop3A_498 : i32 to vector<16xi32>
      %parallel_loop3A_500 = arith.cmpi ne, %parallel_loop3A_479, %parallel_loop3A_499 : vector<16xi32>
      tpu.vector_store_idx %arg6[%parallel_loop3A_350], %broadcast_in_dim3A_21 masked %parallel_loop3A_500 {add = true} : memref<32768xi32, #tpu.memory_space<vmem>>[vector<16xi32>], vector<16xi32>, vector<16xi1>
      %parallel_loop3A_501 = arith.constant 7 : i32
      %parallel_loop3A_502 = vector.broadcast %parallel_loop3A_501 : i32 to vector<16xi32>
      %parallel_loop3A_503 = arith.cmpi ne, %parallel_loop3A_479, %parallel_loop3A_502 : vector<16xi32>
      tpu.vector_store_idx %arg6[%parallel_loop3A_354], %broadcast_in_dim3A_21 masked %parallel_loop3A_503 {add = true} : memref<32768xi32, #tpu.memory_space<vmem>>[vector<16xi32>], vector<16xi32>, vector<16xi1>
      %parallel_loop3A_504 = arith.constant 8 : i32
      %parallel_loop3A_505 = vector.broadcast %parallel_loop3A_504 : i32 to vector<16xi32>
      %parallel_loop3A_506 = arith.cmpi ne, %parallel_loop3A_479, %parallel_loop3A_505 : vector<16xi32>
      tpu.vector_store_idx %arg6[%parallel_loop3A_358], %broadcast_in_dim3A_21 masked %parallel_loop3A_506 {add = true} : memref<32768xi32, #tpu.memory_space<vmem>>[vector<16xi32>], vector<16xi32>, vector<16xi1>
      %parallel_loop3A_507 = arith.constant 9 : i32
      %parallel_loop3A_508 = vector.broadcast %parallel_loop3A_507 : i32 to vector<16xi32>
      %parallel_loop3A_509 = arith.cmpi ne, %parallel_loop3A_479, %parallel_loop3A_508 : vector<16xi32>
      tpu.vector_store_idx %arg6[%parallel_loop3A_362], %broadcast_in_dim3A_21 masked %parallel_loop3A_509 {add = true} : memref<32768xi32, #tpu.memory_space<vmem>>[vector<16xi32>], vector<16xi32>, vector<16xi1>
      %parallel_loop3A_510 = arith.constant 10 : i32
      %parallel_loop3A_511 = vector.broadcast %parallel_loop3A_510 : i32 to vector<16xi32>
      %parallel_loop3A_512 = arith.cmpi ne, %parallel_loop3A_479, %parallel_loop3A_511 : vector<16xi32>
      tpu.vector_store_idx %arg6[%parallel_loop3A_366], %broadcast_in_dim3A_21 masked %parallel_loop3A_512 {add = true} : memref<32768xi32, #tpu.memory_space<vmem>>[vector<16xi32>], vector<16xi32>, vector<16xi1>
      %parallel_loop3A_513 = arith.constant 11 : i32
      %parallel_loop3A_514 = vector.broadcast %parallel_loop3A_513 : i32 to vector<16xi32>
      %parallel_loop3A_515 = arith.cmpi ne, %parallel_loop3A_479, %parallel_loop3A_514 : vector<16xi32>
      tpu.vector_store_idx %arg6[%parallel_loop3A_370], %broadcast_in_dim3A_21 masked %parallel_loop3A_515 {add = true} : memref<32768xi32, #tpu.memory_space<vmem>>[vector<16xi32>], vector<16xi32>, vector<16xi1>
      %parallel_loop3A_516 = arith.constant 12 : i32
      %parallel_loop3A_517 = vector.broadcast %parallel_loop3A_516 : i32 to vector<16xi32>
      %parallel_loop3A_518 = arith.cmpi ne, %parallel_loop3A_479, %parallel_loop3A_517 : vector<16xi32>
      tpu.vector_store_idx %arg6[%parallel_loop3A_374], %broadcast_in_dim3A_21 masked %parallel_loop3A_518 {add = true} : memref<32768xi32, #tpu.memory_space<vmem>>[vector<16xi32>], vector<16xi32>, vector<16xi1>
      %parallel_loop3A_519 = arith.constant 13 : i32
      %parallel_loop3A_520 = vector.broadcast %parallel_loop3A_519 : i32 to vector<16xi32>
      %parallel_loop3A_521 = arith.cmpi ne, %parallel_loop3A_479, %parallel_loop3A_520 : vector<16xi32>
      tpu.vector_store_idx %arg6[%parallel_loop3A_378], %broadcast_in_dim3A_21 masked %parallel_loop3A_521 {add = true} : memref<32768xi32, #tpu.memory_space<vmem>>[vector<16xi32>], vector<16xi32>, vector<16xi1>
      %parallel_loop3A_522 = arith.constant 14 : i32
      %parallel_loop3A_523 = vector.broadcast %parallel_loop3A_522 : i32 to vector<16xi32>
      %parallel_loop3A_524 = arith.cmpi ne, %parallel_loop3A_479, %parallel_loop3A_523 : vector<16xi32>
      tpu.vector_store_idx %arg6[%parallel_loop3A_382], %broadcast_in_dim3A_21 masked %parallel_loop3A_524 {add = true} : memref<32768xi32, #tpu.memory_space<vmem>>[vector<16xi32>], vector<16xi32>, vector<16xi1>
      %parallel_loop3A_525 = arith.constant 15 : i32
      %parallel_loop3A_526 = vector.broadcast %parallel_loop3A_525 : i32 to vector<16xi32>
      %parallel_loop3A_527 = arith.cmpi ne, %parallel_loop3A_479, %parallel_loop3A_526 : vector<16xi32>
      tpu.vector_store_idx %arg6[%parallel_loop3A_386], %broadcast_in_dim3A_21 masked %parallel_loop3A_527 {add = true} : memref<32768xi32, #tpu.memory_space<vmem>>[vector<16xi32>], vector<16xi32>, vector<16xi1>
    } {sc.loop_unroll_factor = 1 : i64, sc.parallel_access}
    %dma_wait3A_37 = arith.constant 0 : i32
    %dma_wait3A_38 = arith.constant 1024 : i32
    %dma_wait3A_39 = tpu.memref_slice %arg3[%dma_wait3A_37, %dma_wait3A_38] : memref<16x8192xi32, #tpu.memory_space<hbm>> -> memref<16x1024xi32, #tpu.memory_space<hbm>>
    %dma_wait3A_40 = arith.constant 0 : i32
    %dma_wait3A_41 = arith.constant 1024 : i32
    %dma_wait3A_42 = tpu.memref_slice %arg3[%dma_wait3A_40, %dma_wait3A_41] : memref<16x8192xi32, #tpu.memory_space<hbm>> -> memref<16x1024xi32, #tpu.memory_space<hbm>>
    tpu.wait_dma2 semaphore(%arg10 : memref<!tpu.dma_semaphore, #tpu.memory_space<semaphore_mem>>) src(%dma_wait3A_42 : memref<16x1024xi32, #tpu.memory_space<hbm>>) dst(%arg8 : memref<16x1024xi32, #tpu.memory_space<vmem>>)
    %dma_start3A_43 = arith.constant 0 : i32
    %dma_start3A_44 = arith.constant 2048 : i32
    %dma_start3A_45 = tpu.memref_slice %arg3[%dma_start3A_43, %dma_start3A_44] : memref<16x8192xi32, #tpu.memory_space<hbm>> -> memref<16x1024xi32, #tpu.memory_space<hbm>>
    %dma_start3A_46 = arith.constant 0 : i32
    %dma_start3A_47 = arith.constant 2048 : i32
    %dma_start3A_48 = tpu.memref_slice %arg3[%dma_start3A_46, %dma_start3A_47] : memref<16x8192xi32, #tpu.memory_space<hbm>> -> memref<16x1024xi32, #tpu.memory_space<hbm>>
    tpu.enqueue_dma source(%dma_start3A_48 : memref<16x1024xi32, #tpu.memory_space<hbm>>) target(%arg7 : memref<16x1024xi32, #tpu.memory_space<vmem>>) target_semaphore(%arg9 : memref<!tpu.dma_semaphore, #tpu.memory_space<semaphore_mem>>)
    %parallel_loop3A_49 = arith.constant 0 : i32
    %parallel_loop3A_50 = arith.constant 64 : i32
    %parallel_loop3A_51 = arith.constant 1 : i32
    scf.for %parallel_loop3A_320 = %parallel_loop3A_49 to %parallel_loop3A_50 step %parallel_loop3A_51  : i32 {
      %parallel_loop3A_321 = arith.constant 16 : i32
      %parallel_loop3A_322 = arith.muli %parallel_loop3A_320, %parallel_loop3A_321 : i32
      %parallel_loop3A_323 = arith.constant 0 : i32
      %parallel_loop3A_324 = arith.index_cast %parallel_loop3A_323 : i32 to index
      %parallel_loop3A_325 = arith.index_cast %parallel_loop3A_322 : i32 to index
      %parallel_loop3A_326 = tpu.vector_load %arg8[%parallel_loop3A_324, %parallel_loop3A_325] {strides = array<i32>} : memref<16x1024xi32, #tpu.memory_space<vmem>>, vector<16xi32>,
      %parallel_loop3A_327 = arith.constant 1 : i32
      %parallel_loop3A_328 = arith.index_cast %parallel_loop3A_327 : i32 to index
      %parallel_loop3A_329 = arith.index_cast %parallel_loop3A_322 : i32 to index
      %parallel_loop3A_330 = tpu.vector_load %arg8[%parallel_loop3A_328, %parallel_loop3A_329] {strides = array<i32>} : memref<16x1024xi32, #tpu.memory_space<vmem>>, vector<16xi32>,
      %parallel_loop3A_331 = arith.constant 2 : i32
      %parallel_loop3A_332 = arith.index_cast %parallel_loop3A_331 : i32 to index
      %parallel_loop3A_333 = arith.index_cast %parallel_loop3A_322 : i32 to index
      %parallel_loop3A_334 = tpu.vector_load %arg8[%parallel_loop3A_332, %parallel_loop3A_333] {strides = array<i32>} : memref<16x1024xi32, #tpu.memory_space<vmem>>, vector<16xi32>,
      %parallel_loop3A_335 = arith.constant 3 : i32
      %parallel_loop3A_336 = arith.index_cast %parallel_loop3A_335 : i32 to index
      %parallel_loop3A_337 = arith.index_cast %parallel_loop3A_322 : i32 to index
      %parallel_loop3A_338 = tpu.vector_load %arg8[%parallel_loop3A_336, %parallel_loop3A_337] {strides = array<i32>} : memref<16x1024xi32, #tpu.memory_space<vmem>>, vector<16xi32>,
      %parallel_loop3A_339 = arith.constant 4 : i32
      %parallel_loop3A_340 = arith.index_cast %parallel_loop3A_339 : i32 to index
      %parallel_loop3A_341 = arith.index_cast %parallel_loop3A_322 : i32 to index
      %parallel_loop3A_342 = tpu.vector_load %arg8[%parallel_loop3A_340, %parallel_loop3A_341] {strides = array<i32>} : memref<16x1024xi32, #tpu.memory_space<vmem>>, vector<16xi32>,
      %parallel_loop3A_343 = arith.constant 5 : i32
      %parallel_loop3A_344 = arith.index_cast %parallel_loop3A_343 : i32 to index
      %parallel_loop3A_345 = arith.index_cast %parallel_loop3A_322 : i32 to index
      %parallel_loop3A_346 = tpu.vector_load %arg8[%parallel_loop3A_344, %parallel_loop3A_345] {strides = array<i32>} : memref<16x1024xi32, #tpu.memory_space<vmem>>, vector<16xi32>,
      %parallel_loop3A_347 = arith.constant 6 : i32
      %parallel_loop3A_348 = arith.index_cast %parallel_loop3A_347 : i32 to index
      %parallel_loop3A_349 = arith.index_cast %parallel_loop3A_322 : i32 to index
      %parallel_loop3A_350 = tpu.vector_load %arg8[%parallel_loop3A_348, %parallel_loop3A_349] {strides = array<i32>} : memref<16x1024xi32, #tpu.memory_space<vmem>>, vector<16xi32>,
      %parallel_loop3A_351 = arith.constant 7 : i32
      %parallel_loop3A_352 = arith.index_cast %parallel_loop3A_351 : i32 to index
      %parallel_loop3A_353 = arith.index_cast %parallel_loop3A_322 : i32 to index
      %parallel_loop3A_354 = tpu.vector_load %arg8[%parallel_loop3A_352, %parallel_loop3A_353] {strides = array<i32>} : memref<16x1024xi32, #tpu.memory_space<vmem>>, vector<16xi32>,
      %parallel_loop3A_355 = arith.constant 8 : i32
      %parallel_loop3A_356 = arith.index_cast %parallel_loop3A_355 : i32 to index
      %parallel_loop3A_357 = arith.index_cast %parallel_loop3A_322 : i32 to index
      %parallel_loop3A_358 = tpu.vector_load %arg8[%parallel_loop3A_356, %parallel_loop3A_357] {strides = array<i32>} : memref<16x1024xi32, #tpu.memory_space<vmem>>, vector<16xi32>,
      %parallel_loop3A_359 = arith.constant 9 : i32
      %parallel_loop3A_360 = arith.index_cast %parallel_loop3A_359 : i32 to index
      %parallel_loop3A_361 = arith.index_cast %parallel_loop3A_322 : i32 to index
      %parallel_loop3A_362 = tpu.vector_load %arg8[%parallel_loop3A_360, %parallel_loop3A_361] {strides = array<i32>} : memref<16x1024xi32, #tpu.memory_space<vmem>>, vector<16xi32>,
      %parallel_loop3A_363 = arith.constant 10 : i32
      %parallel_loop3A_364 = arith.index_cast %parallel_loop3A_363 : i32 to index
      %parallel_loop3A_365 = arith.index_cast %parallel_loop3A_322 : i32 to index
      %parallel_loop3A_366 = tpu.vector_load %arg8[%parallel_loop3A_364, %parallel_loop3A_365] {strides = array<i32>} : memref<16x1024xi32, #tpu.memory_space<vmem>>, vector<16xi32>,
      %parallel_loop3A_367 = arith.constant 11 : i32
      %parallel_loop3A_368 = arith.index_cast %parallel_loop3A_367 : i32 to index
      %parallel_loop3A_369 = arith.index_cast %parallel_loop3A_322 : i32 to index
      %parallel_loop3A_370 = tpu.vector_load %arg8[%parallel_loop3A_368, %parallel_loop3A_369] {strides = array<i32>} : memref<16x1024xi32, #tpu.memory_space<vmem>>, vector<16xi32>,
      %parallel_loop3A_371 = arith.constant 12 : i32
      %parallel_loop3A_372 = arith.index_cast %parallel_loop3A_371 : i32 to index
      %parallel_loop3A_373 = arith.index_cast %parallel_loop3A_322 : i32 to index
      %parallel_loop3A_374 = tpu.vector_load %arg8[%parallel_loop3A_372, %parallel_loop3A_373] {strides = array<i32>} : memref<16x1024xi32, #tpu.memory_space<vmem>>, vector<16xi32>,
      %parallel_loop3A_375 = arith.constant 13 : i32
      %parallel_loop3A_376 = arith.index_cast %parallel_loop3A_375 : i32 to index
      %parallel_loop3A_377 = arith.index_cast %parallel_loop3A_322 : i32 to index
      %parallel_loop3A_378 = tpu.vector_load %arg8[%parallel_loop3A_376, %parallel_loop3A_377] {strides = array<i32>} : memref<16x1024xi32, #tpu.memory_space<vmem>>, vector<16xi32>,
      %parallel_loop3A_379 = arith.constant 14 : i32
      %parallel_loop3A_380 = arith.index_cast %parallel_loop3A_379 : i32 to index
      %parallel_loop3A_381 = arith.index_cast %parallel_loop3A_322 : i32 to index
      %parallel_loop3A_382 = tpu.vector_load %arg8[%parallel_loop3A_380, %parallel_loop3A_381] {strides = array<i32>} : memref<16x1024xi32, #tpu.memory_space<vmem>>, vector<16xi32>,
      %parallel_loop3A_383 = arith.constant 15 : i32
      %parallel_loop3A_384 = arith.index_cast %parallel_loop3A_383 : i32 to index
      %parallel_loop3A_385 = arith.index_cast %parallel_loop3A_322 : i32 to index
      %parallel_loop3A_386 = tpu.vector_load %arg8[%parallel_loop3A_384, %parallel_loop3A_385] {strides = array<i32>} : memref<16x1024xi32, #tpu.memory_space<vmem>>, vector<16xi32>,
      %parallel_loop3A_387 = tpu.vector_load_idx %arg5[%parallel_loop3A_326] : memref<32768xf32, #tpu.memory_space<vmem>>[vector<16xi32>], vector<16xf32>,
      %parallel_loop3A_388 = tpu.vector_load_idx %arg5[%parallel_loop3A_330] : memref<32768xf32, #tpu.memory_space<vmem>>[vector<16xi32>], vector<16xf32>,
      %parallel_loop3A_389 = tpu.vector_load_idx %arg5[%parallel_loop3A_334] : memref<32768xf32, #tpu.memory_space<vmem>>[vector<16xi32>], vector<16xf32>,
      %parallel_loop3A_390 = tpu.vector_load_idx %arg5[%parallel_loop3A_338] : memref<32768xf32, #tpu.memory_space<vmem>>[vector<16xi32>], vector<16xf32>,
      %parallel_loop3A_391 = tpu.vector_load_idx %arg5[%parallel_loop3A_342] : memref<32768xf32, #tpu.memory_space<vmem>>[vector<16xi32>], vector<16xf32>,
      %parallel_loop3A_392 = tpu.vector_load_idx %arg5[%parallel_loop3A_346] : memref<32768xf32, #tpu.memory_space<vmem>>[vector<16xi32>], vector<16xf32>,
      %parallel_loop3A_393 = tpu.vector_load_idx %arg5[%parallel_loop3A_350] : memref<32768xf32, #tpu.memory_space<vmem>>[vector<16xi32>], vector<16xf32>,
      %parallel_loop3A_394 = tpu.vector_load_idx %arg5[%parallel_loop3A_354] : memref<32768xf32, #tpu.memory_space<vmem>>[vector<16xi32>], vector<16xf32>,
      %parallel_loop3A_395 = tpu.vector_load_idx %arg5[%parallel_loop3A_358] : memref<32768xf32, #tpu.memory_space<vmem>>[vector<16xi32>], vector<16xf32>,
      %parallel_loop3A_396 = tpu.vector_load_idx %arg5[%parallel_loop3A_362] : memref<32768xf32, #tpu.memory_space<vmem>>[vector<16xi32>], vector<16xf32>,
      %parallel_loop3A_397 = tpu.vector_load_idx %arg5[%parallel_loop3A_366] : memref<32768xf32, #tpu.memory_space<vmem>>[vector<16xi32>], vector<16xf32>,
      %parallel_loop3A_398 = tpu.vector_load_idx %arg5[%parallel_loop3A_370] : memref<32768xf32, #tpu.memory_space<vmem>>[vector<16xi32>], vector<16xf32>,
      %parallel_loop3A_399 = tpu.vector_load_idx %arg5[%parallel_loop3A_374] : memref<32768xf32, #tpu.memory_space<vmem>>[vector<16xi32>], vector<16xf32>,
      %parallel_loop3A_400 = tpu.vector_load_idx %arg5[%parallel_loop3A_378] : memref<32768xf32, #tpu.memory_space<vmem>>[vector<16xi32>], vector<16xf32>,
      %parallel_loop3A_401 = tpu.vector_load_idx %arg5[%parallel_loop3A_382] : memref<32768xf32, #tpu.memory_space<vmem>>[vector<16xi32>], vector<16xf32>,
      %parallel_loop3A_402 = tpu.vector_load_idx %arg5[%parallel_loop3A_386] : memref<32768xf32, #tpu.memory_space<vmem>>[vector<16xi32>], vector<16xf32>,
      %parallel_loop3A_403 = arith.cmpf oge, %parallel_loop3A_387, %parallel_loop3A_388 : vector<16xf32>
      %parallel_loop3A_404 = arith.select %parallel_loop3A_403, %parallel_loop3A_387, %parallel_loop3A_388 : vector<16xi1>, vector<16xf32>
      %parallel_loop3A_405 = arith.constant 0 : i32
      %parallel_loop3A_406 = arith.constant 1 : i32
      %parallel_loop3A_407 = vector.broadcast %parallel_loop3A_405 : i32 to vector<16xi32>
      %parallel_loop3A_408 = vector.broadcast %parallel_loop3A_406 : i32 to vector<16xi32>
      %parallel_loop3A_409 = arith.select %parallel_loop3A_403, %parallel_loop3A_407, %parallel_loop3A_408 : vector<16xi1>, vector<16xi32>
      %parallel_loop3A_410 = arith.cmpf oge, %parallel_loop3A_389, %parallel_loop3A_390 : vector<16xf32>
      %parallel_loop3A_411 = arith.select %parallel_loop3A_410, %parallel_loop3A_389, %parallel_loop3A_390 : vector<16xi1>, vector<16xf32>
      %parallel_loop3A_412 = arith.constant 2 : i32
      %parallel_loop3A_413 = arith.constant 3 : i32
      %parallel_loop3A_414 = vector.broadcast %parallel_loop3A_412 : i32 to vector<16xi32>
      %parallel_loop3A_415 = vector.broadcast %parallel_loop3A_413 : i32 to vector<16xi32>
      %parallel_loop3A_416 = arith.select %parallel_loop3A_410, %parallel_loop3A_414, %parallel_loop3A_415 : vector<16xi1>, vector<16xi32>
      %parallel_loop3A_417 = arith.cmpf oge, %parallel_loop3A_391, %parallel_loop3A_392 : vector<16xf32>
      %parallel_loop3A_418 = arith.select %parallel_loop3A_417, %parallel_loop3A_391, %parallel_loop3A_392 : vector<16xi1>, vector<16xf32>
      %parallel_loop3A_419 = arith.constant 4 : i32
      %parallel_loop3A_420 = arith.constant 5 : i32
      %parallel_loop3A_421 = vector.broadcast %parallel_loop3A_419 : i32 to vector<16xi32>
      %parallel_loop3A_422 = vector.broadcast %parallel_loop3A_420 : i32 to vector<16xi32>
      %parallel_loop3A_423 = arith.select %parallel_loop3A_417, %parallel_loop3A_421, %parallel_loop3A_422 : vector<16xi1>, vector<16xi32>
      %parallel_loop3A_424 = arith.cmpf oge, %parallel_loop3A_393, %parallel_loop3A_394 : vector<16xf32>
      %parallel_loop3A_425 = arith.select %parallel_loop3A_424, %parallel_loop3A_393, %parallel_loop3A_394 : vector<16xi1>, vector<16xf32>
      %parallel_loop3A_426 = arith.constant 6 : i32
      %parallel_loop3A_427 = arith.constant 7 : i32
      %parallel_loop3A_428 = vector.broadcast %parallel_loop3A_426 : i32 to vector<16xi32>
      %parallel_loop3A_429 = vector.broadcast %parallel_loop3A_427 : i32 to vector<16xi32>
      %parallel_loop3A_430 = arith.select %parallel_loop3A_424, %parallel_loop3A_428, %parallel_loop3A_429 : vector<16xi1>, vector<16xi32>
      %parallel_loop3A_431 = arith.cmpf oge, %parallel_loop3A_395, %parallel_loop3A_396 : vector<16xf32>
      %parallel_loop3A_432 = arith.select %parallel_loop3A_431, %parallel_loop3A_395, %parallel_loop3A_396 : vector<16xi1>, vector<16xf32>
      %parallel_loop3A_433 = arith.constant 8 : i32
      %parallel_loop3A_434 = arith.constant 9 : i32
      %parallel_loop3A_435 = vector.broadcast %parallel_loop3A_433 : i32 to vector<16xi32>
      %parallel_loop3A_436 = vector.broadcast %parallel_loop3A_434 : i32 to vector<16xi32>
      %parallel_loop3A_437 = arith.select %parallel_loop3A_431, %parallel_loop3A_435, %parallel_loop3A_436 : vector<16xi1>, vector<16xi32>
      %parallel_loop3A_438 = arith.cmpf oge, %parallel_loop3A_397, %parallel_loop3A_398 : vector<16xf32>
      %parallel_loop3A_439 = arith.select %parallel_loop3A_438, %parallel_loop3A_397, %parallel_loop3A_398 : vector<16xi1>, vector<16xf32>
      %parallel_loop3A_440 = arith.constant 10 : i32
      %parallel_loop3A_441 = arith.constant 11 : i32
      %parallel_loop3A_442 = vector.broadcast %parallel_loop3A_440 : i32 to vector<16xi32>
      %parallel_loop3A_443 = vector.broadcast %parallel_loop3A_441 : i32 to vector<16xi32>
      %parallel_loop3A_444 = arith.select %parallel_loop3A_438, %parallel_loop3A_442, %parallel_loop3A_443 : vector<16xi1>, vector<16xi32>
      %parallel_loop3A_445 = arith.cmpf oge, %parallel_loop3A_399, %parallel_loop3A_400 : vector<16xf32>
      %parallel_loop3A_446 = arith.select %parallel_loop3A_445, %parallel_loop3A_399, %parallel_loop3A_400 : vector<16xi1>, vector<16xf32>
      %parallel_loop3A_447 = arith.constant 12 : i32
      %parallel_loop3A_448 = arith.constant 13 : i32
      %parallel_loop3A_449 = vector.broadcast %parallel_loop3A_447 : i32 to vector<16xi32>
      %parallel_loop3A_450 = vector.broadcast %parallel_loop3A_448 : i32 to vector<16xi32>
      %parallel_loop3A_451 = arith.select %parallel_loop3A_445, %parallel_loop3A_449, %parallel_loop3A_450 : vector<16xi1>, vector<16xi32>
      %parallel_loop3A_452 = arith.cmpf oge, %parallel_loop3A_401, %parallel_loop3A_402 : vector<16xf32>
      %parallel_loop3A_453 = arith.select %parallel_loop3A_452, %parallel_loop3A_401, %parallel_loop3A_402 : vector<16xi1>, vector<16xf32>
      %parallel_loop3A_454 = arith.constant 14 : i32
      %parallel_loop3A_455 = arith.constant 15 : i32
      %parallel_loop3A_456 = vector.broadcast %parallel_loop3A_454 : i32 to vector<16xi32>
      %parallel_loop3A_457 = vector.broadcast %parallel_loop3A_455 : i32 to vector<16xi32>
      %parallel_loop3A_458 = arith.select %parallel_loop3A_452, %parallel_loop3A_456, %parallel_loop3A_457 : vector<16xi1>, vector<16xi32>
      %parallel_loop3A_459 = arith.cmpf oge, %parallel_loop3A_404, %parallel_loop3A_411 : vector<16xf32>
      %parallel_loop3A_460 = arith.select %parallel_loop3A_459, %parallel_loop3A_404, %parallel_loop3A_411 : vector<16xi1>, vector<16xf32>
      %parallel_loop3A_461 = arith.select %parallel_loop3A_459, %parallel_loop3A_409, %parallel_loop3A_416 : vector<16xi1>, vector<16xi32>
      %parallel_loop3A_462 = arith.cmpf oge, %parallel_loop3A_418, %parallel_loop3A_425 : vector<16xf32>
      %parallel_loop3A_463 = arith.select %parallel_loop3A_462, %parallel_loop3A_418, %parallel_loop3A_425 : vector<16xi1>, vector<16xf32>
      %parallel_loop3A_464 = arith.select %parallel_loop3A_462, %parallel_loop3A_423, %parallel_loop3A_430 : vector<16xi1>, vector<16xi32>
      %parallel_loop3A_465 = arith.cmpf oge, %parallel_loop3A_432, %parallel_loop3A_439 : vector<16xf32>
      %parallel_loop3A_466 = arith.select %parallel_loop3A_465, %parallel_loop3A_432, %parallel_loop3A_439 : vector<16xi1>, vector<16xf32>
      %parallel_loop3A_467 = arith.select %parallel_loop3A_465, %parallel_loop3A_437, %parallel_loop3A_444 : vector<16xi1>, vector<16xi32>
      %parallel_loop3A_468 = arith.cmpf oge, %parallel_loop3A_446, %parallel_loop3A_453 : vector<16xf32>
      %parallel_loop3A_469 = arith.select %parallel_loop3A_468, %parallel_loop3A_446, %parallel_loop3A_453 : vector<16xi1>, vector<16xf32>
      %parallel_loop3A_470 = arith.select %parallel_loop3A_468, %parallel_loop3A_451, %parallel_loop3A_458 : vector<16xi1>, vector<16xi32>
      %parallel_loop3A_471 = arith.cmpf oge, %parallel_loop3A_460, %parallel_loop3A_463 : vector<16xf32>
      %parallel_loop3A_472 = arith.select %parallel_loop3A_471, %parallel_loop3A_460, %parallel_loop3A_463 : vector<16xi1>, vector<16xf32>
      %parallel_loop3A_473 = arith.select %parallel_loop3A_471, %parallel_loop3A_461, %parallel_loop3A_464 : vector<16xi1>, vector<16xi32>
      %parallel_loop3A_474 = arith.cmpf oge, %parallel_loop3A_466, %parallel_loop3A_469 : vector<16xf32>
      %parallel_loop3A_475 = arith.select %parallel_loop3A_474, %parallel_loop3A_466, %parallel_loop3A_469 : vector<16xi1>, vector<16xf32>
      %parallel_loop3A_476 = arith.select %parallel_loop3A_474, %parallel_loop3A_467, %parallel_loop3A_470 : vector<16xi1>, vector<16xi32>
      %parallel_loop3A_477 = arith.cmpf oge, %parallel_loop3A_472, %parallel_loop3A_475 : vector<16xf32>
      %parallel_loop3A_478 = arith.select %parallel_loop3A_477, %parallel_loop3A_472, %parallel_loop3A_475 : vector<16xi1>, vector<16xf32>
      %parallel_loop3A_479 = arith.select %parallel_loop3A_477, %parallel_loop3A_473, %parallel_loop3A_476 : vector<16xi1>, vector<16xi32>
      %parallel_loop3A_480 = arith.constant 0 : i32
      %parallel_loop3A_481 = vector.broadcast %parallel_loop3A_480 : i32 to vector<16xi32>
      %parallel_loop3A_482 = arith.cmpi ne, %parallel_loop3A_479, %parallel_loop3A_481 : vector<16xi32>
      tpu.vector_store_idx %arg6[%parallel_loop3A_326], %broadcast_in_dim3A_21 masked %parallel_loop3A_482 {add = true} : memref<32768xi32, #tpu.memory_space<vmem>>[vector<16xi32>], vector<16xi32>, vector<16xi1>
      %parallel_loop3A_483 = arith.constant 1 : i32
      %parallel_loop3A_484 = vector.broadcast %parallel_loop3A_483 : i32 to vector<16xi32>
      %parallel_loop3A_485 = arith.cmpi ne, %parallel_loop3A_479, %parallel_loop3A_484 : vector<16xi32>
      tpu.vector_store_idx %arg6[%parallel_loop3A_330], %broadcast_in_dim3A_21 masked %parallel_loop3A_485 {add = true} : memref<32768xi32, #tpu.memory_space<vmem>>[vector<16xi32>], vector<16xi32>, vector<16xi1>
      %parallel_loop3A_486 = arith.constant 2 : i32
      %parallel_loop3A_487 = vector.broadcast %parallel_loop3A_486 : i32 to vector<16xi32>
      %parallel_loop3A_488 = arith.cmpi ne, %parallel_loop3A_479, %parallel_loop3A_487 : vector<16xi32>
      tpu.vector_store_idx %arg6[%parallel_loop3A_334], %broadcast_in_dim3A_21 masked %parallel_loop3A_488 {add = true} : memref<32768xi32, #tpu.memory_space<vmem>>[vector<16xi32>], vector<16xi32>, vector<16xi1>
      %parallel_loop3A_489 = arith.constant 3 : i32
      %parallel_loop3A_490 = vector.broadcast %parallel_loop3A_489 : i32 to vector<16xi32>
      %parallel_loop3A_491 = arith.cmpi ne, %parallel_loop3A_479, %parallel_loop3A_490 : vector<16xi32>
      tpu.vector_store_idx %arg6[%parallel_loop3A_338], %broadcast_in_dim3A_21 masked %parallel_loop3A_491 {add = true} : memref<32768xi32, #tpu.memory_space<vmem>>[vector<16xi32>], vector<16xi32>, vector<16xi1>
      %parallel_loop3A_492 = arith.constant 4 : i32
      %parallel_loop3A_493 = vector.broadcast %parallel_loop3A_492 : i32 to vector<16xi32>
      %parallel_loop3A_494 = arith.cmpi ne, %parallel_loop3A_479, %parallel_loop3A_493 : vector<16xi32>
      tpu.vector_store_idx %arg6[%parallel_loop3A_342], %broadcast_in_dim3A_21 masked %parallel_loop3A_494 {add = true} : memref<32768xi32, #tpu.memory_space<vmem>>[vector<16xi32>], vector<16xi32>, vector<16xi1>
      %parallel_loop3A_495 = arith.constant 5 : i32
      %parallel_loop3A_496 = vector.broadcast %parallel_loop3A_495 : i32 to vector<16xi32>
      %parallel_loop3A_497 = arith.cmpi ne, %parallel_loop3A_479, %parallel_loop3A_496 : vector<16xi32>
      tpu.vector_store_idx %arg6[%parallel_loop3A_346], %broadcast_in_dim3A_21 masked %parallel_loop3A_497 {add = true} : memref<32768xi32, #tpu.memory_space<vmem>>[vector<16xi32>], vector<16xi32>, vector<16xi1>
      %parallel_loop3A_498 = arith.constant 6 : i32
      %parallel_loop3A_499 = vector.broadcast %parallel_loop3A_498 : i32 to vector<16xi32>
      %parallel_loop3A_500 = arith.cmpi ne, %parallel_loop3A_479, %parallel_loop3A_499 : vector<16xi32>
      tpu.vector_store_idx %arg6[%parallel_loop3A_350], %broadcast_in_dim3A_21 masked %parallel_loop3A_500 {add = true} : memref<32768xi32, #tpu.memory_space<vmem>>[vector<16xi32>], vector<16xi32>, vector<16xi1>
      %parallel_loop3A_501 = arith.constant 7 : i32
      %parallel_loop3A_502 = vector.broadcast %parallel_loop3A_501 : i32 to vector<16xi32>
      %parallel_loop3A_503 = arith.cmpi ne, %parallel_loop3A_479, %parallel_loop3A_502 : vector<16xi32>
      tpu.vector_store_idx %arg6[%parallel_loop3A_354], %broadcast_in_dim3A_21 masked %parallel_loop3A_503 {add = true} : memref<32768xi32, #tpu.memory_space<vmem>>[vector<16xi32>], vector<16xi32>, vector<16xi1>
      %parallel_loop3A_504 = arith.constant 8 : i32
      %parallel_loop3A_505 = vector.broadcast %parallel_loop3A_504 : i32 to vector<16xi32>
      %parallel_loop3A_506 = arith.cmpi ne, %parallel_loop3A_479, %parallel_loop3A_505 : vector<16xi32>
      tpu.vector_store_idx %arg6[%parallel_loop3A_358], %broadcast_in_dim3A_21 masked %parallel_loop3A_506 {add = true} : memref<32768xi32, #tpu.memory_space<vmem>>[vector<16xi32>], vector<16xi32>, vector<16xi1>
      %parallel_loop3A_507 = arith.constant 9 : i32
      %parallel_loop3A_508 = vector.broadcast %parallel_loop3A_507 : i32 to vector<16xi32>
      %parallel_loop3A_509 = arith.cmpi ne, %parallel_loop3A_479, %parallel_loop3A_508 : vector<16xi32>
      tpu.vector_store_idx %arg6[%parallel_loop3A_362], %broadcast_in_dim3A_21 masked %parallel_loop3A_509 {add = true} : memref<32768xi32, #tpu.memory_space<vmem>>[vector<16xi32>], vector<16xi32>, vector<16xi1>
      %parallel_loop3A_510 = arith.constant 10 : i32
      %parallel_loop3A_511 = vector.broadcast %parallel_loop3A_510 : i32 to vector<16xi32>
      %parallel_loop3A_512 = arith.cmpi ne, %parallel_loop3A_479, %parallel_loop3A_511 : vector<16xi32>
      tpu.vector_store_idx %arg6[%parallel_loop3A_366], %broadcast_in_dim3A_21 masked %parallel_loop3A_512 {add = true} : memref<32768xi32, #tpu.memory_space<vmem>>[vector<16xi32>], vector<16xi32>, vector<16xi1>
      %parallel_loop3A_513 = arith.constant 11 : i32
      %parallel_loop3A_514 = vector.broadcast %parallel_loop3A_513 : i32 to vector<16xi32>
      %parallel_loop3A_515 = arith.cmpi ne, %parallel_loop3A_479, %parallel_loop3A_514 : vector<16xi32>
      tpu.vector_store_idx %arg6[%parallel_loop3A_370], %broadcast_in_dim3A_21 masked %parallel_loop3A_515 {add = true} : memref<32768xi32, #tpu.memory_space<vmem>>[vector<16xi32>], vector<16xi32>, vector<16xi1>
      %parallel_loop3A_516 = arith.constant 12 : i32
      %parallel_loop3A_517 = vector.broadcast %parallel_loop3A_516 : i32 to vector<16xi32>
      %parallel_loop3A_518 = arith.cmpi ne, %parallel_loop3A_479, %parallel_loop3A_517 : vector<16xi32>
      tpu.vector_store_idx %arg6[%parallel_loop3A_374], %broadcast_in_dim3A_21 masked %parallel_loop3A_518 {add = true} : memref<32768xi32, #tpu.memory_space<vmem>>[vector<16xi32>], vector<16xi32>, vector<16xi1>
      %parallel_loop3A_519 = arith.constant 13 : i32
      %parallel_loop3A_520 = vector.broadcast %parallel_loop3A_519 : i32 to vector<16xi32>
      %parallel_loop3A_521 = arith.cmpi ne, %parallel_loop3A_479, %parallel_loop3A_520 : vector<16xi32>
      tpu.vector_store_idx %arg6[%parallel_loop3A_378], %broadcast_in_dim3A_21 masked %parallel_loop3A_521 {add = true} : memref<32768xi32, #tpu.memory_space<vmem>>[vector<16xi32>], vector<16xi32>, vector<16xi1>
      %parallel_loop3A_522 = arith.constant 14 : i32
      %parallel_loop3A_523 = vector.broadcast %parallel_loop3A_522 : i32 to vector<16xi32>
      %parallel_loop3A_524 = arith.cmpi ne, %parallel_loop3A_479, %parallel_loop3A_523 : vector<16xi32>
      tpu.vector_store_idx %arg6[%parallel_loop3A_382], %broadcast_in_dim3A_21 masked %parallel_loop3A_524 {add = true} : memref<32768xi32, #tpu.memory_space<vmem>>[vector<16xi32>], vector<16xi32>, vector<16xi1>
      %parallel_loop3A_525 = arith.constant 15 : i32
      %parallel_loop3A_526 = vector.broadcast %parallel_loop3A_525 : i32 to vector<16xi32>
      %parallel_loop3A_527 = arith.cmpi ne, %parallel_loop3A_479, %parallel_loop3A_526 : vector<16xi32>
      tpu.vector_store_idx %arg6[%parallel_loop3A_386], %broadcast_in_dim3A_21 masked %parallel_loop3A_527 {add = true} : memref<32768xi32, #tpu.memory_space<vmem>>[vector<16xi32>], vector<16xi32>, vector<16xi1>
    } {sc.loop_unroll_factor = 1 : i64, sc.parallel_access}
    %dma_wait3A_52 = arith.constant 0 : i32
    %dma_wait3A_53 = arith.constant 2048 : i32
    %dma_wait3A_54 = tpu.memref_slice %arg3[%dma_wait3A_52, %dma_wait3A_53] : memref<16x8192xi32, #tpu.memory_space<hbm>> -> memref<16x1024xi32, #tpu.memory_space<hbm>>
    %dma_wait3A_55 = arith.constant 0 : i32
    %dma_wait3A_56 = arith.constant 2048 : i32
    %dma_wait3A_57 = tpu.memref_slice %arg3[%dma_wait3A_55, %dma_wait3A_56] : memref<16x8192xi32, #tpu.memory_space<hbm>> -> memref<16x1024xi32, #tpu.memory_space<hbm>>
    tpu.wait_dma2 semaphore(%arg9 : memref<!tpu.dma_semaphore, #tpu.memory_space<semaphore_mem>>) src(%dma_wait3A_57 : memref<16x1024xi32, #tpu.memory_space<hbm>>) dst(%arg7 : memref<16x1024xi32, #tpu.memory_space<vmem>>)
    %dma_start3A_58 = arith.constant 0 : i32
    %dma_start3A_59 = arith.constant 3072 : i32
    %dma_start3A_60 = tpu.memref_slice %arg3[%dma_start3A_58, %dma_start3A_59] : memref<16x8192xi32, #tpu.memory_space<hbm>> -> memref<16x1024xi32, #tpu.memory_space<hbm>>
    %dma_start3A_61 = arith.constant 0 : i32
    %dma_start3A_62 = arith.constant 3072 : i32
    %dma_start3A_63 = tpu.memref_slice %arg3[%dma_start3A_61, %dma_start3A_62] : memref<16x8192xi32, #tpu.memory_space<hbm>> -> memref<16x1024xi32, #tpu.memory_space<hbm>>
    tpu.enqueue_dma source(%dma_start3A_63 : memref<16x1024xi32, #tpu.memory_space<hbm>>) target(%arg8 : memref<16x1024xi32, #tpu.memory_space<vmem>>) target_semaphore(%arg10 : memref<!tpu.dma_semaphore, #tpu.memory_space<semaphore_mem>>)
    %parallel_loop3A_64 = arith.constant 0 : i32
    %parallel_loop3A_65 = arith.constant 64 : i32
    %parallel_loop3A_66 = arith.constant 1 : i32
    scf.for %parallel_loop3A_320 = %parallel_loop3A_64 to %parallel_loop3A_65 step %parallel_loop3A_66  : i32 {
      %parallel_loop3A_321 = arith.constant 16 : i32
      %parallel_loop3A_322 = arith.muli %parallel_loop3A_320, %parallel_loop3A_321 : i32
      %parallel_loop3A_323 = arith.constant 0 : i32
      %parallel_loop3A_324 = arith.index_cast %parallel_loop3A_323 : i32 to index
      %parallel_loop3A_325 = arith.index_cast %parallel_loop3A_322 : i32 to index
      %parallel_loop3A_326 = tpu.vector_load %arg7[%parallel_loop3A_324, %parallel_loop3A_325] {strides = array<i32>} : memref<16x1024xi32, #tpu.memory_space<vmem>>, vector<16xi32>,
      %parallel_loop3A_327 = arith.constant 1 : i32
      %parallel_loop3A_328 = arith.index_cast %parallel_loop3A_327 : i32 to index
      %parallel_loop3A_329 = arith.index_cast %parallel_loop3A_322 : i32 to index
      %parallel_loop3A_330 = tpu.vector_load %arg7[%parallel_loop3A_328, %parallel_loop3A_329] {strides = array<i32>} : memref<16x1024xi32, #tpu.memory_space<vmem>>, vector<16xi32>,
      %parallel_loop3A_331 = arith.constant 2 : i32
      %parallel_loop3A_332 = arith.index_cast %parallel_loop3A_331 : i32 to index
      %parallel_loop3A_333 = arith.index_cast %parallel_loop3A_322 : i32 to index
      %parallel_loop3A_334 = tpu.vector_load %arg7[%parallel_loop3A_332, %parallel_loop3A_333] {strides = array<i32>} : memref<16x1024xi32, #tpu.memory_space<vmem>>, vector<16xi32>,
      %parallel_loop3A_335 = arith.constant 3 : i32
      %parallel_loop3A_336 = arith.index_cast %parallel_loop3A_335 : i32 to index
      %parallel_loop3A_337 = arith.index_cast %parallel_loop3A_322 : i32 to index
      %parallel_loop3A_338 = tpu.vector_load %arg7[%parallel_loop3A_336, %parallel_loop3A_337] {strides = array<i32>} : memref<16x1024xi32, #tpu.memory_space<vmem>>, vector<16xi32>,
      %parallel_loop3A_339 = arith.constant 4 : i32
      %parallel_loop3A_340 = arith.index_cast %parallel_loop3A_339 : i32 to index
      %parallel_loop3A_341 = arith.index_cast %parallel_loop3A_322 : i32 to index
      %parallel_loop3A_342 = tpu.vector_load %arg7[%parallel_loop3A_340, %parallel_loop3A_341] {strides = array<i32>} : memref<16x1024xi32, #tpu.memory_space<vmem>>, vector<16xi32>,
      %parallel_loop3A_343 = arith.constant 5 : i32
      %parallel_loop3A_344 = arith.index_cast %parallel_loop3A_343 : i32 to index
      %parallel_loop3A_345 = arith.index_cast %parallel_loop3A_322 : i32 to index
      %parallel_loop3A_346 = tpu.vector_load %arg7[%parallel_loop3A_344, %parallel_loop3A_345] {strides = array<i32>} : memref<16x1024xi32, #tpu.memory_space<vmem>>, vector<16xi32>,
      %parallel_loop3A_347 = arith.constant 6 : i32
      %parallel_loop3A_348 = arith.index_cast %parallel_loop3A_347 : i32 to index
      %parallel_loop3A_349 = arith.index_cast %parallel_loop3A_322 : i32 to index
      %parallel_loop3A_350 = tpu.vector_load %arg7[%parallel_loop3A_348, %parallel_loop3A_349] {strides = array<i32>} : memref<16x1024xi32, #tpu.memory_space<vmem>>, vector<16xi32>,
      %parallel_loop3A_351 = arith.constant 7 : i32
      %parallel_loop3A_352 = arith.index_cast %parallel_loop3A_351 : i32 to index
      %parallel_loop3A_353 = arith.index_cast %parallel_loop3A_322 : i32 to index
      %parallel_loop3A_354 = tpu.vector_load %arg7[%parallel_loop3A_352, %parallel_loop3A_353] {strides = array<i32>} : memref<16x1024xi32, #tpu.memory_space<vmem>>, vector<16xi32>,
      %parallel_loop3A_355 = arith.constant 8 : i32
      %parallel_loop3A_356 = arith.index_cast %parallel_loop3A_355 : i32 to index
      %parallel_loop3A_357 = arith.index_cast %parallel_loop3A_322 : i32 to index
      %parallel_loop3A_358 = tpu.vector_load %arg7[%parallel_loop3A_356, %parallel_loop3A_357] {strides = array<i32>} : memref<16x1024xi32, #tpu.memory_space<vmem>>, vector<16xi32>,
      %parallel_loop3A_359 = arith.constant 9 : i32
      %parallel_loop3A_360 = arith.index_cast %parallel_loop3A_359 : i32 to index
      %parallel_loop3A_361 = arith.index_cast %parallel_loop3A_322 : i32 to index
      %parallel_loop3A_362 = tpu.vector_load %arg7[%parallel_loop3A_360, %parallel_loop3A_361] {strides = array<i32>} : memref<16x1024xi32, #tpu.memory_space<vmem>>, vector<16xi32>,
      %parallel_loop3A_363 = arith.constant 10 : i32
      %parallel_loop3A_364 = arith.index_cast %parallel_loop3A_363 : i32 to index
      %parallel_loop3A_365 = arith.index_cast %parallel_loop3A_322 : i32 to index
      %parallel_loop3A_366 = tpu.vector_load %arg7[%parallel_loop3A_364, %parallel_loop3A_365] {strides = array<i32>} : memref<16x1024xi32, #tpu.memory_space<vmem>>, vector<16xi32>,
      %parallel_loop3A_367 = arith.constant 11 : i32
      %parallel_loop3A_368 = arith.index_cast %parallel_loop3A_367 : i32 to index
      %parallel_loop3A_369 = arith.index_cast %parallel_loop3A_322 : i32 to index
      %parallel_loop3A_370 = tpu.vector_load %arg7[%parallel_loop3A_368, %parallel_loop3A_369] {strides = array<i32>} : memref<16x1024xi32, #tpu.memory_space<vmem>>, vector<16xi32>,
      %parallel_loop3A_371 = arith.constant 12 : i32
      %parallel_loop3A_372 = arith.index_cast %parallel_loop3A_371 : i32 to index
      %parallel_loop3A_373 = arith.index_cast %parallel_loop3A_322 : i32 to index
      %parallel_loop3A_374 = tpu.vector_load %arg7[%parallel_loop3A_372, %parallel_loop3A_373] {strides = array<i32>} : memref<16x1024xi32, #tpu.memory_space<vmem>>, vector<16xi32>,
      %parallel_loop3A_375 = arith.constant 13 : i32
      %parallel_loop3A_376 = arith.index_cast %parallel_loop3A_375 : i32 to index
      %parallel_loop3A_377 = arith.index_cast %parallel_loop3A_322 : i32 to index
      %parallel_loop3A_378 = tpu.vector_load %arg7[%parallel_loop3A_376, %parallel_loop3A_377] {strides = array<i32>} : memref<16x1024xi32, #tpu.memory_space<vmem>>, vector<16xi32>,
      %parallel_loop3A_379 = arith.constant 14 : i32
      %parallel_loop3A_380 = arith.index_cast %parallel_loop3A_379 : i32 to index
      %parallel_loop3A_381 = arith.index_cast %parallel_loop3A_322 : i32 to index
      %parallel_loop3A_382 = tpu.vector_load %arg7[%parallel_loop3A_380, %parallel_loop3A_381] {strides = array<i32>} : memref<16x1024xi32, #tpu.memory_space<vmem>>, vector<16xi32>,
      %parallel_loop3A_383 = arith.constant 15 : i32
      %parallel_loop3A_384 = arith.index_cast %parallel_loop3A_383 : i32 to index
      %parallel_loop3A_385 = arith.index_cast %parallel_loop3A_322 : i32 to index
      %parallel_loop3A_386 = tpu.vector_load %arg7[%parallel_loop3A_384, %parallel_loop3A_385] {strides = array<i32>} : memref<16x1024xi32, #tpu.memory_space<vmem>>, vector<16xi32>,
      %parallel_loop3A_387 = tpu.vector_load_idx %arg5[%parallel_loop3A_326] : memref<32768xf32, #tpu.memory_space<vmem>>[vector<16xi32>], vector<16xf32>,
      %parallel_loop3A_388 = tpu.vector_load_idx %arg5[%parallel_loop3A_330] : memref<32768xf32, #tpu.memory_space<vmem>>[vector<16xi32>], vector<16xf32>,
      %parallel_loop3A_389 = tpu.vector_load_idx %arg5[%parallel_loop3A_334] : memref<32768xf32, #tpu.memory_space<vmem>>[vector<16xi32>], vector<16xf32>,
      %parallel_loop3A_390 = tpu.vector_load_idx %arg5[%parallel_loop3A_338] : memref<32768xf32, #tpu.memory_space<vmem>>[vector<16xi32>], vector<16xf32>,
      %parallel_loop3A_391 = tpu.vector_load_idx %arg5[%parallel_loop3A_342] : memref<32768xf32, #tpu.memory_space<vmem>>[vector<16xi32>], vector<16xf32>,
      %parallel_loop3A_392 = tpu.vector_load_idx %arg5[%parallel_loop3A_346] : memref<32768xf32, #tpu.memory_space<vmem>>[vector<16xi32>], vector<16xf32>,
      %parallel_loop3A_393 = tpu.vector_load_idx %arg5[%parallel_loop3A_350] : memref<32768xf32, #tpu.memory_space<vmem>>[vector<16xi32>], vector<16xf32>,
      %parallel_loop3A_394 = tpu.vector_load_idx %arg5[%parallel_loop3A_354] : memref<32768xf32, #tpu.memory_space<vmem>>[vector<16xi32>], vector<16xf32>,
      %parallel_loop3A_395 = tpu.vector_load_idx %arg5[%parallel_loop3A_358] : memref<32768xf32, #tpu.memory_space<vmem>>[vector<16xi32>], vector<16xf32>,
      %parallel_loop3A_396 = tpu.vector_load_idx %arg5[%parallel_loop3A_362] : memref<32768xf32, #tpu.memory_space<vmem>>[vector<16xi32>], vector<16xf32>,
      %parallel_loop3A_397 = tpu.vector_load_idx %arg5[%parallel_loop3A_366] : memref<32768xf32, #tpu.memory_space<vmem>>[vector<16xi32>], vector<16xf32>,
      %parallel_loop3A_398 = tpu.vector_load_idx %arg5[%parallel_loop3A_370] : memref<32768xf32, #tpu.memory_space<vmem>>[vector<16xi32>], vector<16xf32>,
      %parallel_loop3A_399 = tpu.vector_load_idx %arg5[%parallel_loop3A_374] : memref<32768xf32, #tpu.memory_space<vmem>>[vector<16xi32>], vector<16xf32>,
      %parallel_loop3A_400 = tpu.vector_load_idx %arg5[%parallel_loop3A_378] : memref<32768xf32, #tpu.memory_space<vmem>>[vector<16xi32>], vector<16xf32>,
      %parallel_loop3A_401 = tpu.vector_load_idx %arg5[%parallel_loop3A_382] : memref<32768xf32, #tpu.memory_space<vmem>>[vector<16xi32>], vector<16xf32>,
      %parallel_loop3A_402 = tpu.vector_load_idx %arg5[%parallel_loop3A_386] : memref<32768xf32, #tpu.memory_space<vmem>>[vector<16xi32>], vector<16xf32>,
      %parallel_loop3A_403 = arith.cmpf oge, %parallel_loop3A_387, %parallel_loop3A_388 : vector<16xf32>
      %parallel_loop3A_404 = arith.select %parallel_loop3A_403, %parallel_loop3A_387, %parallel_loop3A_388 : vector<16xi1>, vector<16xf32>
      %parallel_loop3A_405 = arith.constant 0 : i32
      %parallel_loop3A_406 = arith.constant 1 : i32
      %parallel_loop3A_407 = vector.broadcast %parallel_loop3A_405 : i32 to vector<16xi32>
      %parallel_loop3A_408 = vector.broadcast %parallel_loop3A_406 : i32 to vector<16xi32>
      %parallel_loop3A_409 = arith.select %parallel_loop3A_403, %parallel_loop3A_407, %parallel_loop3A_408 : vector<16xi1>, vector<16xi32>
      %parallel_loop3A_410 = arith.cmpf oge, %parallel_loop3A_389, %parallel_loop3A_390 : vector<16xf32>
      %parallel_loop3A_411 = arith.select %parallel_loop3A_410, %parallel_loop3A_389, %parallel_loop3A_390 : vector<16xi1>, vector<16xf32>
      %parallel_loop3A_412 = arith.constant 2 : i32
      %parallel_loop3A_413 = arith.constant 3 : i32
      %parallel_loop3A_414 = vector.broadcast %parallel_loop3A_412 : i32 to vector<16xi32>
      %parallel_loop3A_415 = vector.broadcast %parallel_loop3A_413 : i32 to vector<16xi32>
      %parallel_loop3A_416 = arith.select %parallel_loop3A_410, %parallel_loop3A_414, %parallel_loop3A_415 : vector<16xi1>, vector<16xi32>
      %parallel_loop3A_417 = arith.cmpf oge, %parallel_loop3A_391, %parallel_loop3A_392 : vector<16xf32>
      %parallel_loop3A_418 = arith.select %parallel_loop3A_417, %parallel_loop3A_391, %parallel_loop3A_392 : vector<16xi1>, vector<16xf32>
      %parallel_loop3A_419 = arith.constant 4 : i32
      %parallel_loop3A_420 = arith.constant 5 : i32
      %parallel_loop3A_421 = vector.broadcast %parallel_loop3A_419 : i32 to vector<16xi32>
      %parallel_loop3A_422 = vector.broadcast %parallel_loop3A_420 : i32 to vector<16xi32>
      %parallel_loop3A_423 = arith.select %parallel_loop3A_417, %parallel_loop3A_421, %parallel_loop3A_422 : vector<16xi1>, vector<16xi32>
      %parallel_loop3A_424 = arith.cmpf oge, %parallel_loop3A_393, %parallel_loop3A_394 : vector<16xf32>
      %parallel_loop3A_425 = arith.select %parallel_loop3A_424, %parallel_loop3A_393, %parallel_loop3A_394 : vector<16xi1>, vector<16xf32>
      %parallel_loop3A_426 = arith.constant 6 : i32
      %parallel_loop3A_427 = arith.constant 7 : i32
      %parallel_loop3A_428 = vector.broadcast %parallel_loop3A_426 : i32 to vector<16xi32>
      %parallel_loop3A_429 = vector.broadcast %parallel_loop3A_427 : i32 to vector<16xi32>
      %parallel_loop3A_430 = arith.select %parallel_loop3A_424, %parallel_loop3A_428, %parallel_loop3A_429 : vector<16xi1>, vector<16xi32>
      %parallel_loop3A_431 = arith.cmpf oge, %parallel_loop3A_395, %parallel_loop3A_396 : vector<16xf32>
      %parallel_loop3A_432 = arith.select %parallel_loop3A_431, %parallel_loop3A_395, %parallel_loop3A_396 : vector<16xi1>, vector<16xf32>
      %parallel_loop3A_433 = arith.constant 8 : i32
      %parallel_loop3A_434 = arith.constant 9 : i32
      %parallel_loop3A_435 = vector.broadcast %parallel_loop3A_433 : i32 to vector<16xi32>
      %parallel_loop3A_436 = vector.broadcast %parallel_loop3A_434 : i32 to vector<16xi32>
      %parallel_loop3A_437 = arith.select %parallel_loop3A_431, %parallel_loop3A_435, %parallel_loop3A_436 : vector<16xi1>, vector<16xi32>
      %parallel_loop3A_438 = arith.cmpf oge, %parallel_loop3A_397, %parallel_loop3A_398 : vector<16xf32>
      %parallel_loop3A_439 = arith.select %parallel_loop3A_438, %parallel_loop3A_397, %parallel_loop3A_398 : vector<16xi1>, vector<16xf32>
      %parallel_loop3A_440 = arith.constant 10 : i32
      %parallel_loop3A_441 = arith.constant 11 : i32
      %parallel_loop3A_442 = vector.broadcast %parallel_loop3A_440 : i32 to vector<16xi32>
      %parallel_loop3A_443 = vector.broadcast %parallel_loop3A_441 : i32 to vector<16xi32>
      %parallel_loop3A_444 = arith.select %parallel_loop3A_438, %parallel_loop3A_442, %parallel_loop3A_443 : vector<16xi1>, vector<16xi32>
      %parallel_loop3A_445 = arith.cmpf oge, %parallel_loop3A_399, %parallel_loop3A_400 : vector<16xf32>
      %parallel_loop3A_446 = arith.select %parallel_loop3A_445, %parallel_loop3A_399, %parallel_loop3A_400 : vector<16xi1>, vector<16xf32>
      %parallel_loop3A_447 = arith.constant 12 : i32
      %parallel_loop3A_448 = arith.constant 13 : i32
      %parallel_loop3A_449 = vector.broadcast %parallel_loop3A_447 : i32 to vector<16xi32>
      %parallel_loop3A_450 = vector.broadcast %parallel_loop3A_448 : i32 to vector<16xi32>
      %parallel_loop3A_451 = arith.select %parallel_loop3A_445, %parallel_loop3A_449, %parallel_loop3A_450 : vector<16xi1>, vector<16xi32>
      %parallel_loop3A_452 = arith.cmpf oge, %parallel_loop3A_401, %parallel_loop3A_402 : vector<16xf32>
      %parallel_loop3A_453 = arith.select %parallel_loop3A_452, %parallel_loop3A_401, %parallel_loop3A_402 : vector<16xi1>, vector<16xf32>
      %parallel_loop3A_454 = arith.constant 14 : i32
      %parallel_loop3A_455 = arith.constant 15 : i32
      %parallel_loop3A_456 = vector.broadcast %parallel_loop3A_454 : i32 to vector<16xi32>
      %parallel_loop3A_457 = vector.broadcast %parallel_loop3A_455 : i32 to vector<16xi32>
      %parallel_loop3A_458 = arith.select %parallel_loop3A_452, %parallel_loop3A_456, %parallel_loop3A_457 : vector<16xi1>, vector<16xi32>
      %parallel_loop3A_459 = arith.cmpf oge, %parallel_loop3A_404, %parallel_loop3A_411 : vector<16xf32>
      %parallel_loop3A_460 = arith.select %parallel_loop3A_459, %parallel_loop3A_404, %parallel_loop3A_411 : vector<16xi1>, vector<16xf32>
      %parallel_loop3A_461 = arith.select %parallel_loop3A_459, %parallel_loop3A_409, %parallel_loop3A_416 : vector<16xi1>, vector<16xi32>
      %parallel_loop3A_462 = arith.cmpf oge, %parallel_loop3A_418, %parallel_loop3A_425 : vector<16xf32>
      %parallel_loop3A_463 = arith.select %parallel_loop3A_462, %parallel_loop3A_418, %parallel_loop3A_425 : vector<16xi1>, vector<16xf32>
      %parallel_loop3A_464 = arith.select %parallel_loop3A_462, %parallel_loop3A_423, %parallel_loop3A_430 : vector<16xi1>, vector<16xi32>
      %parallel_loop3A_465 = arith.cmpf oge, %parallel_loop3A_432, %parallel_loop3A_439 : vector<16xf32>
      %parallel_loop3A_466 = arith.select %parallel_loop3A_465, %parallel_loop3A_432, %parallel_loop3A_439 : vector<16xi1>, vector<16xf32>
      %parallel_loop3A_467 = arith.select %parallel_loop3A_465, %parallel_loop3A_437, %parallel_loop3A_444 : vector<16xi1>, vector<16xi32>
      %parallel_loop3A_468 = arith.cmpf oge, %parallel_loop3A_446, %parallel_loop3A_453 : vector<16xf32>
      %parallel_loop3A_469 = arith.select %parallel_loop3A_468, %parallel_loop3A_446, %parallel_loop3A_453 : vector<16xi1>, vector<16xf32>
      %parallel_loop3A_470 = arith.select %parallel_loop3A_468, %parallel_loop3A_451, %parallel_loop3A_458 : vector<16xi1>, vector<16xi32>
      %parallel_loop3A_471 = arith.cmpf oge, %parallel_loop3A_460, %parallel_loop3A_463 : vector<16xf32>
      %parallel_loop3A_472 = arith.select %parallel_loop3A_471, %parallel_loop3A_460, %parallel_loop3A_463 : vector<16xi1>, vector<16xf32>
      %parallel_loop3A_473 = arith.select %parallel_loop3A_471, %parallel_loop3A_461, %parallel_loop3A_464 : vector<16xi1>, vector<16xi32>
      %parallel_loop3A_474 = arith.cmpf oge, %parallel_loop3A_466, %parallel_loop3A_469 : vector<16xf32>
      %parallel_loop3A_475 = arith.select %parallel_loop3A_474, %parallel_loop3A_466, %parallel_loop3A_469 : vector<16xi1>, vector<16xf32>
      %parallel_loop3A_476 = arith.select %parallel_loop3A_474, %parallel_loop3A_467, %parallel_loop3A_470 : vector<16xi1>, vector<16xi32>
      %parallel_loop3A_477 = arith.cmpf oge, %parallel_loop3A_472, %parallel_loop3A_475 : vector<16xf32>
      %parallel_loop3A_478 = arith.select %parallel_loop3A_477, %parallel_loop3A_472, %parallel_loop3A_475 : vector<16xi1>, vector<16xf32>
      %parallel_loop3A_479 = arith.select %parallel_loop3A_477, %parallel_loop3A_473, %parallel_loop3A_476 : vector<16xi1>, vector<16xi32>
      %parallel_loop3A_480 = arith.constant 0 : i32
      %parallel_loop3A_481 = vector.broadcast %parallel_loop3A_480 : i32 to vector<16xi32>
      %parallel_loop3A_482 = arith.cmpi ne, %parallel_loop3A_479, %parallel_loop3A_481 : vector<16xi32>
      tpu.vector_store_idx %arg6[%parallel_loop3A_326], %broadcast_in_dim3A_21 masked %parallel_loop3A_482 {add = true} : memref<32768xi32, #tpu.memory_space<vmem>>[vector<16xi32>], vector<16xi32>, vector<16xi1>
      %parallel_loop3A_483 = arith.constant 1 : i32
      %parallel_loop3A_484 = vector.broadcast %parallel_loop3A_483 : i32 to vector<16xi32>
      %parallel_loop3A_485 = arith.cmpi ne, %parallel_loop3A_479, %parallel_loop3A_484 : vector<16xi32>
      tpu.vector_store_idx %arg6[%parallel_loop3A_330], %broadcast_in_dim3A_21 masked %parallel_loop3A_485 {add = true} : memref<32768xi32, #tpu.memory_space<vmem>>[vector<16xi32>], vector<16xi32>, vector<16xi1>
      %parallel_loop3A_486 = arith.constant 2 : i32
      %parallel_loop3A_487 = vector.broadcast %parallel_loop3A_486 : i32 to vector<16xi32>
      %parallel_loop3A_488 = arith.cmpi ne, %parallel_loop3A_479, %parallel_loop3A_487 : vector<16xi32>
      tpu.vector_store_idx %arg6[%parallel_loop3A_334], %broadcast_in_dim3A_21 masked %parallel_loop3A_488 {add = true} : memref<32768xi32, #tpu.memory_space<vmem>>[vector<16xi32>], vector<16xi32>, vector<16xi1>
      %parallel_loop3A_489 = arith.constant 3 : i32
      %parallel_loop3A_490 = vector.broadcast %parallel_loop3A_489 : i32 to vector<16xi32>
      %parallel_loop3A_491 = arith.cmpi ne, %parallel_loop3A_479, %parallel_loop3A_490 : vector<16xi32>
      tpu.vector_store_idx %arg6[%parallel_loop3A_338], %broadcast_in_dim3A_21 masked %parallel_loop3A_491 {add = true} : memref<32768xi32, #tpu.memory_space<vmem>>[vector<16xi32>], vector<16xi32>, vector<16xi1>
      %parallel_loop3A_492 = arith.constant 4 : i32
      %parallel_loop3A_493 = vector.broadcast %parallel_loop3A_492 : i32 to vector<16xi32>
      %parallel_loop3A_494 = arith.cmpi ne, %parallel_loop3A_479, %parallel_loop3A_493 : vector<16xi32>
      tpu.vector_store_idx %arg6[%parallel_loop3A_342], %broadcast_in_dim3A_21 masked %parallel_loop3A_494 {add = true} : memref<32768xi32, #tpu.memory_space<vmem>>[vector<16xi32>], vector<16xi32>, vector<16xi1>
      %parallel_loop3A_495 = arith.constant 5 : i32
      %parallel_loop3A_496 = vector.broadcast %parallel_loop3A_495 : i32 to vector<16xi32>
      %parallel_loop3A_497 = arith.cmpi ne, %parallel_loop3A_479, %parallel_loop3A_496 : vector<16xi32>
      tpu.vector_store_idx %arg6[%parallel_loop3A_346], %broadcast_in_dim3A_21 masked %parallel_loop3A_497 {add = true} : memref<32768xi32, #tpu.memory_space<vmem>>[vector<16xi32>], vector<16xi32>, vector<16xi1>
      %parallel_loop3A_498 = arith.constant 6 : i32
      %parallel_loop3A_499 = vector.broadcast %parallel_loop3A_498 : i32 to vector<16xi32>
      %parallel_loop3A_500 = arith.cmpi ne, %parallel_loop3A_479, %parallel_loop3A_499 : vector<16xi32>
      tpu.vector_store_idx %arg6[%parallel_loop3A_350], %broadcast_in_dim3A_21 masked %parallel_loop3A_500 {add = true} : memref<32768xi32, #tpu.memory_space<vmem>>[vector<16xi32>], vector<16xi32>, vector<16xi1>
      %parallel_loop3A_501 = arith.constant 7 : i32
      %parallel_loop3A_502 = vector.broadcast %parallel_loop3A_501 : i32 to vector<16xi32>
      %parallel_loop3A_503 = arith.cmpi ne, %parallel_loop3A_479, %parallel_loop3A_502 : vector<16xi32>
      tpu.vector_store_idx %arg6[%parallel_loop3A_354], %broadcast_in_dim3A_21 masked %parallel_loop3A_503 {add = true} : memref<32768xi32, #tpu.memory_space<vmem>>[vector<16xi32>], vector<16xi32>, vector<16xi1>
      %parallel_loop3A_504 = arith.constant 8 : i32
      %parallel_loop3A_505 = vector.broadcast %parallel_loop3A_504 : i32 to vector<16xi32>
      %parallel_loop3A_506 = arith.cmpi ne, %parallel_loop3A_479, %parallel_loop3A_505 : vector<16xi32>
      tpu.vector_store_idx %arg6[%parallel_loop3A_358], %broadcast_in_dim3A_21 masked %parallel_loop3A_506 {add = true} : memref<32768xi32, #tpu.memory_space<vmem>>[vector<16xi32>], vector<16xi32>, vector<16xi1>
      %parallel_loop3A_507 = arith.constant 9 : i32
      %parallel_loop3A_508 = vector.broadcast %parallel_loop3A_507 : i32 to vector<16xi32>
      %parallel_loop3A_509 = arith.cmpi ne, %parallel_loop3A_479, %parallel_loop3A_508 : vector<16xi32>
      tpu.vector_store_idx %arg6[%parallel_loop3A_362], %broadcast_in_dim3A_21 masked %parallel_loop3A_509 {add = true} : memref<32768xi32, #tpu.memory_space<vmem>>[vector<16xi32>], vector<16xi32>, vector<16xi1>
      %parallel_loop3A_510 = arith.constant 10 : i32
      %parallel_loop3A_511 = vector.broadcast %parallel_loop3A_510 : i32 to vector<16xi32>
      %parallel_loop3A_512 = arith.cmpi ne, %parallel_loop3A_479, %parallel_loop3A_511 : vector<16xi32>
      tpu.vector_store_idx %arg6[%parallel_loop3A_366], %broadcast_in_dim3A_21 masked %parallel_loop3A_512 {add = true} : memref<32768xi32, #tpu.memory_space<vmem>>[vector<16xi32>], vector<16xi32>, vector<16xi1>
      %parallel_loop3A_513 = arith.constant 11 : i32
      %parallel_loop3A_514 = vector.broadcast %parallel_loop3A_513 : i32 to vector<16xi32>
      %parallel_loop3A_515 = arith.cmpi ne, %parallel_loop3A_479, %parallel_loop3A_514 : vector<16xi32>
      tpu.vector_store_idx %arg6[%parallel_loop3A_370], %broadcast_in_dim3A_21 masked %parallel_loop3A_515 {add = true} : memref<32768xi32, #tpu.memory_space<vmem>>[vector<16xi32>], vector<16xi32>, vector<16xi1>
      %parallel_loop3A_516 = arith.constant 12 : i32
      %parallel_loop3A_517 = vector.broadcast %parallel_loop3A_516 : i32 to vector<16xi32>
      %parallel_loop3A_518 = arith.cmpi ne, %parallel_loop3A_479, %parallel_loop3A_517 : vector<16xi32>
      tpu.vector_store_idx %arg6[%parallel_loop3A_374], %broadcast_in_dim3A_21 masked %parallel_loop3A_518 {add = true} : memref<32768xi32, #tpu.memory_space<vmem>>[vector<16xi32>], vector<16xi32>, vector<16xi1>
      %parallel_loop3A_519 = arith.constant 13 : i32
      %parallel_loop3A_520 = vector.broadcast %parallel_loop3A_519 : i32 to vector<16xi32>
      %parallel_loop3A_521 = arith.cmpi ne, %parallel_loop3A_479, %parallel_loop3A_520 : vector<16xi32>
      tpu.vector_store_idx %arg6[%parallel_loop3A_378], %broadcast_in_dim3A_21 masked %parallel_loop3A_521 {add = true} : memref<32768xi32, #tpu.memory_space<vmem>>[vector<16xi32>], vector<16xi32>, vector<16xi1>
      %parallel_loop3A_522 = arith.constant 14 : i32
      %parallel_loop3A_523 = vector.broadcast %parallel_loop3A_522 : i32 to vector<16xi32>
      %parallel_loop3A_524 = arith.cmpi ne, %parallel_loop3A_479, %parallel_loop3A_523 : vector<16xi32>
      tpu.vector_store_idx %arg6[%parallel_loop3A_382], %broadcast_in_dim3A_21 masked %parallel_loop3A_524 {add = true} : memref<32768xi32, #tpu.memory_space<vmem>>[vector<16xi32>], vector<16xi32>, vector<16xi1>
      %parallel_loop3A_525 = arith.constant 15 : i32
      %parallel_loop3A_526 = vector.broadcast %parallel_loop3A_525 : i32 to vector<16xi32>
      %parallel_loop3A_527 = arith.cmpi ne, %parallel_loop3A_479, %parallel_loop3A_526 : vector<16xi32>
      tpu.vector_store_idx %arg6[%parallel_loop3A_386], %broadcast_in_dim3A_21 masked %parallel_loop3A_527 {add = true} : memref<32768xi32, #tpu.memory_space<vmem>>[vector<16xi32>], vector<16xi32>, vector<16xi1>
    } {sc.loop_unroll_factor = 1 : i64, sc.parallel_access}
    %dma_wait3A_67 = arith.constant 0 : i32
    %dma_wait3A_68 = arith.constant 3072 : i32
    %dma_wait3A_69 = tpu.memref_slice %arg3[%dma_wait3A_67, %dma_wait3A_68] : memref<16x8192xi32, #tpu.memory_space<hbm>> -> memref<16x1024xi32, #tpu.memory_space<hbm>>
    %dma_wait3A_70 = arith.constant 0 : i32
    %dma_wait3A_71 = arith.constant 3072 : i32
    %dma_wait3A_72 = tpu.memref_slice %arg3[%dma_wait3A_70, %dma_wait3A_71] : memref<16x8192xi32, #tpu.memory_space<hbm>> -> memref<16x1024xi32, #tpu.memory_space<hbm>>
    tpu.wait_dma2 semaphore(%arg10 : memref<!tpu.dma_semaphore, #tpu.memory_space<semaphore_mem>>) src(%dma_wait3A_72 : memref<16x1024xi32, #tpu.memory_space<hbm>>) dst(%arg8 : memref<16x1024xi32, #tpu.memory_space<vmem>>)
    %dma_start3A_73 = arith.constant 0 : i32
    %dma_start3A_74 = arith.constant 4096 : i32
    %dma_start3A_75 = tpu.memref_slice %arg3[%dma_start3A_73, %dma_start3A_74] : memref<16x8192xi32, #tpu.memory_space<hbm>> -> memref<16x1024xi32, #tpu.memory_space<hbm>>
    %dma_start3A_76 = arith.constant 0 : i32
    %dma_start3A_77 = arith.constant 4096 : i32
    %dma_start3A_78 = tpu.memref_slice %arg3[%dma_start3A_76, %dma_start3A_77] : memref<16x8192xi32, #tpu.memory_space<hbm>> -> memref<16x1024xi32, #tpu.memory_space<hbm>>
    tpu.enqueue_dma source(%dma_start3A_78 : memref<16x1024xi32, #tpu.memory_space<hbm>>) target(%arg7 : memref<16x1024xi32, #tpu.memory_space<vmem>>) target_semaphore(%arg9 : memref<!tpu.dma_semaphore, #tpu.memory_space<semaphore_mem>>)
    %parallel_loop3A_79 = arith.constant 0 : i32
    %parallel_loop3A_80 = arith.constant 64 : i32
    %parallel_loop3A_81 = arith.constant 1 : i32
    scf.for %parallel_loop3A_320 = %parallel_loop3A_79 to %parallel_loop3A_80 step %parallel_loop3A_81  : i32 {
      %parallel_loop3A_321 = arith.constant 16 : i32
      %parallel_loop3A_322 = arith.muli %parallel_loop3A_320, %parallel_loop3A_321 : i32
      %parallel_loop3A_323 = arith.constant 0 : i32
      %parallel_loop3A_324 = arith.index_cast %parallel_loop3A_323 : i32 to index
      %parallel_loop3A_325 = arith.index_cast %parallel_loop3A_322 : i32 to index
      %parallel_loop3A_326 = tpu.vector_load %arg8[%parallel_loop3A_324, %parallel_loop3A_325] {strides = array<i32>} : memref<16x1024xi32, #tpu.memory_space<vmem>>, vector<16xi32>,
      %parallel_loop3A_327 = arith.constant 1 : i32
      %parallel_loop3A_328 = arith.index_cast %parallel_loop3A_327 : i32 to index
      %parallel_loop3A_329 = arith.index_cast %parallel_loop3A_322 : i32 to index
      %parallel_loop3A_330 = tpu.vector_load %arg8[%parallel_loop3A_328, %parallel_loop3A_329] {strides = array<i32>} : memref<16x1024xi32, #tpu.memory_space<vmem>>, vector<16xi32>,
      %parallel_loop3A_331 = arith.constant 2 : i32
      %parallel_loop3A_332 = arith.index_cast %parallel_loop3A_331 : i32 to index
      %parallel_loop3A_333 = arith.index_cast %parallel_loop3A_322 : i32 to index
      %parallel_loop3A_334 = tpu.vector_load %arg8[%parallel_loop3A_332, %parallel_loop3A_333] {strides = array<i32>} : memref<16x1024xi32, #tpu.memory_space<vmem>>, vector<16xi32>,
      %parallel_loop3A_335 = arith.constant 3 : i32
      %parallel_loop3A_336 = arith.index_cast %parallel_loop3A_335 : i32 to index
      %parallel_loop3A_337 = arith.index_cast %parallel_loop3A_322 : i32 to index
      %parallel_loop3A_338 = tpu.vector_load %arg8[%parallel_loop3A_336, %parallel_loop3A_337] {strides = array<i32>} : memref<16x1024xi32, #tpu.memory_space<vmem>>, vector<16xi32>,
      %parallel_loop3A_339 = arith.constant 4 : i32
      %parallel_loop3A_340 = arith.index_cast %parallel_loop3A_339 : i32 to index
      %parallel_loop3A_341 = arith.index_cast %parallel_loop3A_322 : i32 to index
      %parallel_loop3A_342 = tpu.vector_load %arg8[%parallel_loop3A_340, %parallel_loop3A_341] {strides = array<i32>} : memref<16x1024xi32, #tpu.memory_space<vmem>>, vector<16xi32>,
      %parallel_loop3A_343 = arith.constant 5 : i32
      %parallel_loop3A_344 = arith.index_cast %parallel_loop3A_343 : i32 to index
      %parallel_loop3A_345 = arith.index_cast %parallel_loop3A_322 : i32 to index
      %parallel_loop3A_346 = tpu.vector_load %arg8[%parallel_loop3A_344, %parallel_loop3A_345] {strides = array<i32>} : memref<16x1024xi32, #tpu.memory_space<vmem>>, vector<16xi32>,
      %parallel_loop3A_347 = arith.constant 6 : i32
      %parallel_loop3A_348 = arith.index_cast %parallel_loop3A_347 : i32 to index
      %parallel_loop3A_349 = arith.index_cast %parallel_loop3A_322 : i32 to index
      %parallel_loop3A_350 = tpu.vector_load %arg8[%parallel_loop3A_348, %parallel_loop3A_349] {strides = array<i32>} : memref<16x1024xi32, #tpu.memory_space<vmem>>, vector<16xi32>,
      %parallel_loop3A_351 = arith.constant 7 : i32
      %parallel_loop3A_352 = arith.index_cast %parallel_loop3A_351 : i32 to index
      %parallel_loop3A_353 = arith.index_cast %parallel_loop3A_322 : i32 to index
      %parallel_loop3A_354 = tpu.vector_load %arg8[%parallel_loop3A_352, %parallel_loop3A_353] {strides = array<i32>} : memref<16x1024xi32, #tpu.memory_space<vmem>>, vector<16xi32>,
      %parallel_loop3A_355 = arith.constant 8 : i32
      %parallel_loop3A_356 = arith.index_cast %parallel_loop3A_355 : i32 to index
      %parallel_loop3A_357 = arith.index_cast %parallel_loop3A_322 : i32 to index
      %parallel_loop3A_358 = tpu.vector_load %arg8[%parallel_loop3A_356, %parallel_loop3A_357] {strides = array<i32>} : memref<16x1024xi32, #tpu.memory_space<vmem>>, vector<16xi32>,
      %parallel_loop3A_359 = arith.constant 9 : i32
      %parallel_loop3A_360 = arith.index_cast %parallel_loop3A_359 : i32 to index
      %parallel_loop3A_361 = arith.index_cast %parallel_loop3A_322 : i32 to index
      %parallel_loop3A_362 = tpu.vector_load %arg8[%parallel_loop3A_360, %parallel_loop3A_361] {strides = array<i32>} : memref<16x1024xi32, #tpu.memory_space<vmem>>, vector<16xi32>,
      %parallel_loop3A_363 = arith.constant 10 : i32
      %parallel_loop3A_364 = arith.index_cast %parallel_loop3A_363 : i32 to index
      %parallel_loop3A_365 = arith.index_cast %parallel_loop3A_322 : i32 to index
      %parallel_loop3A_366 = tpu.vector_load %arg8[%parallel_loop3A_364, %parallel_loop3A_365] {strides = array<i32>} : memref<16x1024xi32, #tpu.memory_space<vmem>>, vector<16xi32>,
      %parallel_loop3A_367 = arith.constant 11 : i32
      %parallel_loop3A_368 = arith.index_cast %parallel_loop3A_367 : i32 to index
      %parallel_loop3A_369 = arith.index_cast %parallel_loop3A_322 : i32 to index
      %parallel_loop3A_370 = tpu.vector_load %arg8[%parallel_loop3A_368, %parallel_loop3A_369] {strides = array<i32>} : memref<16x1024xi32, #tpu.memory_space<vmem>>, vector<16xi32>,
      %parallel_loop3A_371 = arith.constant 12 : i32
      %parallel_loop3A_372 = arith.index_cast %parallel_loop3A_371 : i32 to index
      %parallel_loop3A_373 = arith.index_cast %parallel_loop3A_322 : i32 to index
      %parallel_loop3A_374 = tpu.vector_load %arg8[%parallel_loop3A_372, %parallel_loop3A_373] {strides = array<i32>} : memref<16x1024xi32, #tpu.memory_space<vmem>>, vector<16xi32>,
      %parallel_loop3A_375 = arith.constant 13 : i32
      %parallel_loop3A_376 = arith.index_cast %parallel_loop3A_375 : i32 to index
      %parallel_loop3A_377 = arith.index_cast %parallel_loop3A_322 : i32 to index
      %parallel_loop3A_378 = tpu.vector_load %arg8[%parallel_loop3A_376, %parallel_loop3A_377] {strides = array<i32>} : memref<16x1024xi32, #tpu.memory_space<vmem>>, vector<16xi32>,
      %parallel_loop3A_379 = arith.constant 14 : i32
      %parallel_loop3A_380 = arith.index_cast %parallel_loop3A_379 : i32 to index
      %parallel_loop3A_381 = arith.index_cast %parallel_loop3A_322 : i32 to index
      %parallel_loop3A_382 = tpu.vector_load %arg8[%parallel_loop3A_380, %parallel_loop3A_381] {strides = array<i32>} : memref<16x1024xi32, #tpu.memory_space<vmem>>, vector<16xi32>,
      %parallel_loop3A_383 = arith.constant 15 : i32
      %parallel_loop3A_384 = arith.index_cast %parallel_loop3A_383 : i32 to index
      %parallel_loop3A_385 = arith.index_cast %parallel_loop3A_322 : i32 to index
      %parallel_loop3A_386 = tpu.vector_load %arg8[%parallel_loop3A_384, %parallel_loop3A_385] {strides = array<i32>} : memref<16x1024xi32, #tpu.memory_space<vmem>>, vector<16xi32>,
      %parallel_loop3A_387 = tpu.vector_load_idx %arg5[%parallel_loop3A_326] : memref<32768xf32, #tpu.memory_space<vmem>>[vector<16xi32>], vector<16xf32>,
      %parallel_loop3A_388 = tpu.vector_load_idx %arg5[%parallel_loop3A_330] : memref<32768xf32, #tpu.memory_space<vmem>>[vector<16xi32>], vector<16xf32>,
      %parallel_loop3A_389 = tpu.vector_load_idx %arg5[%parallel_loop3A_334] : memref<32768xf32, #tpu.memory_space<vmem>>[vector<16xi32>], vector<16xf32>,
      %parallel_loop3A_390 = tpu.vector_load_idx %arg5[%parallel_loop3A_338] : memref<32768xf32, #tpu.memory_space<vmem>>[vector<16xi32>], vector<16xf32>,
      %parallel_loop3A_391 = tpu.vector_load_idx %arg5[%parallel_loop3A_342] : memref<32768xf32, #tpu.memory_space<vmem>>[vector<16xi32>], vector<16xf32>,
      %parallel_loop3A_392 = tpu.vector_load_idx %arg5[%parallel_loop3A_346] : memref<32768xf32, #tpu.memory_space<vmem>>[vector<16xi32>], vector<16xf32>,
      %parallel_loop3A_393 = tpu.vector_load_idx %arg5[%parallel_loop3A_350] : memref<32768xf32, #tpu.memory_space<vmem>>[vector<16xi32>], vector<16xf32>,
      %parallel_loop3A_394 = tpu.vector_load_idx %arg5[%parallel_loop3A_354] : memref<32768xf32, #tpu.memory_space<vmem>>[vector<16xi32>], vector<16xf32>,
      %parallel_loop3A_395 = tpu.vector_load_idx %arg5[%parallel_loop3A_358] : memref<32768xf32, #tpu.memory_space<vmem>>[vector<16xi32>], vector<16xf32>,
      %parallel_loop3A_396 = tpu.vector_load_idx %arg5[%parallel_loop3A_362] : memref<32768xf32, #tpu.memory_space<vmem>>[vector<16xi32>], vector<16xf32>,
      %parallel_loop3A_397 = tpu.vector_load_idx %arg5[%parallel_loop3A_366] : memref<32768xf32, #tpu.memory_space<vmem>>[vector<16xi32>], vector<16xf32>,
      %parallel_loop3A_398 = tpu.vector_load_idx %arg5[%parallel_loop3A_370] : memref<32768xf32, #tpu.memory_space<vmem>>[vector<16xi32>], vector<16xf32>,
      %parallel_loop3A_399 = tpu.vector_load_idx %arg5[%parallel_loop3A_374] : memref<32768xf32, #tpu.memory_space<vmem>>[vector<16xi32>], vector<16xf32>,
      %parallel_loop3A_400 = tpu.vector_load_idx %arg5[%parallel_loop3A_378] : memref<32768xf32, #tpu.memory_space<vmem>>[vector<16xi32>], vector<16xf32>,
      %parallel_loop3A_401 = tpu.vector_load_idx %arg5[%parallel_loop3A_382] : memref<32768xf32, #tpu.memory_space<vmem>>[vector<16xi32>], vector<16xf32>,
      %parallel_loop3A_402 = tpu.vector_load_idx %arg5[%parallel_loop3A_386] : memref<32768xf32, #tpu.memory_space<vmem>>[vector<16xi32>], vector<16xf32>,
      %parallel_loop3A_403 = arith.cmpf oge, %parallel_loop3A_387, %parallel_loop3A_388 : vector<16xf32>
      %parallel_loop3A_404 = arith.select %parallel_loop3A_403, %parallel_loop3A_387, %parallel_loop3A_388 : vector<16xi1>, vector<16xf32>
      %parallel_loop3A_405 = arith.constant 0 : i32
      %parallel_loop3A_406 = arith.constant 1 : i32
      %parallel_loop3A_407 = vector.broadcast %parallel_loop3A_405 : i32 to vector<16xi32>
      %parallel_loop3A_408 = vector.broadcast %parallel_loop3A_406 : i32 to vector<16xi32>
      %parallel_loop3A_409 = arith.select %parallel_loop3A_403, %parallel_loop3A_407, %parallel_loop3A_408 : vector<16xi1>, vector<16xi32>
      %parallel_loop3A_410 = arith.cmpf oge, %parallel_loop3A_389, %parallel_loop3A_390 : vector<16xf32>
      %parallel_loop3A_411 = arith.select %parallel_loop3A_410, %parallel_loop3A_389, %parallel_loop3A_390 : vector<16xi1>, vector<16xf32>
      %parallel_loop3A_412 = arith.constant 2 : i32
      %parallel_loop3A_413 = arith.constant 3 : i32
      %parallel_loop3A_414 = vector.broadcast %parallel_loop3A_412 : i32 to vector<16xi32>
      %parallel_loop3A_415 = vector.broadcast %parallel_loop3A_413 : i32 to vector<16xi32>
      %parallel_loop3A_416 = arith.select %parallel_loop3A_410, %parallel_loop3A_414, %parallel_loop3A_415 : vector<16xi1>, vector<16xi32>
      %parallel_loop3A_417 = arith.cmpf oge, %parallel_loop3A_391, %parallel_loop3A_392 : vector<16xf32>
      %parallel_loop3A_418 = arith.select %parallel_loop3A_417, %parallel_loop3A_391, %parallel_loop3A_392 : vector<16xi1>, vector<16xf32>
      %parallel_loop3A_419 = arith.constant 4 : i32
      %parallel_loop3A_420 = arith.constant 5 : i32
      %parallel_loop3A_421 = vector.broadcast %parallel_loop3A_419 : i32 to vector<16xi32>
      %parallel_loop3A_422 = vector.broadcast %parallel_loop3A_420 : i32 to vector<16xi32>
      %parallel_loop3A_423 = arith.select %parallel_loop3A_417, %parallel_loop3A_421, %parallel_loop3A_422 : vector<16xi1>, vector<16xi32>
      %parallel_loop3A_424 = arith.cmpf oge, %parallel_loop3A_393, %parallel_loop3A_394 : vector<16xf32>
      %parallel_loop3A_425 = arith.select %parallel_loop3A_424, %parallel_loop3A_393, %parallel_loop3A_394 : vector<16xi1>, vector<16xf32>
      %parallel_loop3A_426 = arith.constant 6 : i32
      %parallel_loop3A_427 = arith.constant 7 : i32
      %parallel_loop3A_428 = vector.broadcast %parallel_loop3A_426 : i32 to vector<16xi32>
      %parallel_loop3A_429 = vector.broadcast %parallel_loop3A_427 : i32 to vector<16xi32>
      %parallel_loop3A_430 = arith.select %parallel_loop3A_424, %parallel_loop3A_428, %parallel_loop3A_429 : vector<16xi1>, vector<16xi32>
      %parallel_loop3A_431 = arith.cmpf oge, %parallel_loop3A_395, %parallel_loop3A_396 : vector<16xf32>
      %parallel_loop3A_432 = arith.select %parallel_loop3A_431, %parallel_loop3A_395, %parallel_loop3A_396 : vector<16xi1>, vector<16xf32>
      %parallel_loop3A_433 = arith.constant 8 : i32
      %parallel_loop3A_434 = arith.constant 9 : i32
      %parallel_loop3A_435 = vector.broadcast %parallel_loop3A_433 : i32 to vector<16xi32>
      %parallel_loop3A_436 = vector.broadcast %parallel_loop3A_434 : i32 to vector<16xi32>
      %parallel_loop3A_437 = arith.select %parallel_loop3A_431, %parallel_loop3A_435, %parallel_loop3A_436 : vector<16xi1>, vector<16xi32>
      %parallel_loop3A_438 = arith.cmpf oge, %parallel_loop3A_397, %parallel_loop3A_398 : vector<16xf32>
      %parallel_loop3A_439 = arith.select %parallel_loop3A_438, %parallel_loop3A_397, %parallel_loop3A_398 : vector<16xi1>, vector<16xf32>
      %parallel_loop3A_440 = arith.constant 10 : i32
      %parallel_loop3A_441 = arith.constant 11 : i32
      %parallel_loop3A_442 = vector.broadcast %parallel_loop3A_440 : i32 to vector<16xi32>
      %parallel_loop3A_443 = vector.broadcast %parallel_loop3A_441 : i32 to vector<16xi32>
      %parallel_loop3A_444 = arith.select %parallel_loop3A_438, %parallel_loop3A_442, %parallel_loop3A_443 : vector<16xi1>, vector<16xi32>
      %parallel_loop3A_445 = arith.cmpf oge, %parallel_loop3A_399, %parallel_loop3A_400 : vector<16xf32>
      %parallel_loop3A_446 = arith.select %parallel_loop3A_445, %parallel_loop3A_399, %parallel_loop3A_400 : vector<16xi1>, vector<16xf32>
      %parallel_loop3A_447 = arith.constant 12 : i32
      %parallel_loop3A_448 = arith.constant 13 : i32
      %parallel_loop3A_449 = vector.broadcast %parallel_loop3A_447 : i32 to vector<16xi32>
      %parallel_loop3A_450 = vector.broadcast %parallel_loop3A_448 : i32 to vector<16xi32>
      %parallel_loop3A_451 = arith.select %parallel_loop3A_445, %parallel_loop3A_449, %parallel_loop3A_450 : vector<16xi1>, vector<16xi32>
      %parallel_loop3A_452 = arith.cmpf oge, %parallel_loop3A_401, %parallel_loop3A_402 : vector<16xf32>
      %parallel_loop3A_453 = arith.select %parallel_loop3A_452, %parallel_loop3A_401, %parallel_loop3A_402 : vector<16xi1>, vector<16xf32>
      %parallel_loop3A_454 = arith.constant 14 : i32
      %parallel_loop3A_455 = arith.constant 15 : i32
      %parallel_loop3A_456 = vector.broadcast %parallel_loop3A_454 : i32 to vector<16xi32>
      %parallel_loop3A_457 = vector.broadcast %parallel_loop3A_455 : i32 to vector<16xi32>
      %parallel_loop3A_458 = arith.select %parallel_loop3A_452, %parallel_loop3A_456, %parallel_loop3A_457 : vector<16xi1>, vector<16xi32>
      %parallel_loop3A_459 = arith.cmpf oge, %parallel_loop3A_404, %parallel_loop3A_411 : vector<16xf32>
      %parallel_loop3A_460 = arith.select %parallel_loop3A_459, %parallel_loop3A_404, %parallel_loop3A_411 : vector<16xi1>, vector<16xf32>
      %parallel_loop3A_461 = arith.select %parallel_loop3A_459, %parallel_loop3A_409, %parallel_loop3A_416 : vector<16xi1>, vector<16xi32>
      %parallel_loop3A_462 = arith.cmpf oge, %parallel_loop3A_418, %parallel_loop3A_425 : vector<16xf32>
      %parallel_loop3A_463 = arith.select %parallel_loop3A_462, %parallel_loop3A_418, %parallel_loop3A_425 : vector<16xi1>, vector<16xf32>
      %parallel_loop3A_464 = arith.select %parallel_loop3A_462, %parallel_loop3A_423, %parallel_loop3A_430 : vector<16xi1>, vector<16xi32>
      %parallel_loop3A_465 = arith.cmpf oge, %parallel_loop3A_432, %parallel_loop3A_439 : vector<16xf32>
      %parallel_loop3A_466 = arith.select %parallel_loop3A_465, %parallel_loop3A_432, %parallel_loop3A_439 : vector<16xi1>, vector<16xf32>
      %parallel_loop3A_467 = arith.select %parallel_loop3A_465, %parallel_loop3A_437, %parallel_loop3A_444 : vector<16xi1>, vector<16xi32>
      %parallel_loop3A_468 = arith.cmpf oge, %parallel_loop3A_446, %parallel_loop3A_453 : vector<16xf32>
      %parallel_loop3A_469 = arith.select %parallel_loop3A_468, %parallel_loop3A_446, %parallel_loop3A_453 : vector<16xi1>, vector<16xf32>
      %parallel_loop3A_470 = arith.select %parallel_loop3A_468, %parallel_loop3A_451, %parallel_loop3A_458 : vector<16xi1>, vector<16xi32>
      %parallel_loop3A_471 = arith.cmpf oge, %parallel_loop3A_460, %parallel_loop3A_463 : vector<16xf32>
      %parallel_loop3A_472 = arith.select %parallel_loop3A_471, %parallel_loop3A_460, %parallel_loop3A_463 : vector<16xi1>, vector<16xf32>
      %parallel_loop3A_473 = arith.select %parallel_loop3A_471, %parallel_loop3A_461, %parallel_loop3A_464 : vector<16xi1>, vector<16xi32>
      %parallel_loop3A_474 = arith.cmpf oge, %parallel_loop3A_466, %parallel_loop3A_469 : vector<16xf32>
      %parallel_loop3A_475 = arith.select %parallel_loop3A_474, %parallel_loop3A_466, %parallel_loop3A_469 : vector<16xi1>, vector<16xf32>
      %parallel_loop3A_476 = arith.select %parallel_loop3A_474, %parallel_loop3A_467, %parallel_loop3A_470 : vector<16xi1>, vector<16xi32>
      %parallel_loop3A_477 = arith.cmpf oge, %parallel_loop3A_472, %parallel_loop3A_475 : vector<16xf32>
      %parallel_loop3A_478 = arith.select %parallel_loop3A_477, %parallel_loop3A_472, %parallel_loop3A_475 : vector<16xi1>, vector<16xf32>
      %parallel_loop3A_479 = arith.select %parallel_loop3A_477, %parallel_loop3A_473, %parallel_loop3A_476 : vector<16xi1>, vector<16xi32>
      %parallel_loop3A_480 = arith.constant 0 : i32
      %parallel_loop3A_481 = vector.broadcast %parallel_loop3A_480 : i32 to vector<16xi32>
      %parallel_loop3A_482 = arith.cmpi ne, %parallel_loop3A_479, %parallel_loop3A_481 : vector<16xi32>
      tpu.vector_store_idx %arg6[%parallel_loop3A_326], %broadcast_in_dim3A_21 masked %parallel_loop3A_482 {add = true} : memref<32768xi32, #tpu.memory_space<vmem>>[vector<16xi32>], vector<16xi32>, vector<16xi1>
      %parallel_loop3A_483 = arith.constant 1 : i32
      %parallel_loop3A_484 = vector.broadcast %parallel_loop3A_483 : i32 to vector<16xi32>
      %parallel_loop3A_485 = arith.cmpi ne, %parallel_loop3A_479, %parallel_loop3A_484 : vector<16xi32>
      tpu.vector_store_idx %arg6[%parallel_loop3A_330], %broadcast_in_dim3A_21 masked %parallel_loop3A_485 {add = true} : memref<32768xi32, #tpu.memory_space<vmem>>[vector<16xi32>], vector<16xi32>, vector<16xi1>
      %parallel_loop3A_486 = arith.constant 2 : i32
      %parallel_loop3A_487 = vector.broadcast %parallel_loop3A_486 : i32 to vector<16xi32>
      %parallel_loop3A_488 = arith.cmpi ne, %parallel_loop3A_479, %parallel_loop3A_487 : vector<16xi32>
      tpu.vector_store_idx %arg6[%parallel_loop3A_334], %broadcast_in_dim3A_21 masked %parallel_loop3A_488 {add = true} : memref<32768xi32, #tpu.memory_space<vmem>>[vector<16xi32>], vector<16xi32>, vector<16xi1>
      %parallel_loop3A_489 = arith.constant 3 : i32
      %parallel_loop3A_490 = vector.broadcast %parallel_loop3A_489 : i32 to vector<16xi32>
      %parallel_loop3A_491 = arith.cmpi ne, %parallel_loop3A_479, %parallel_loop3A_490 : vector<16xi32>
      tpu.vector_store_idx %arg6[%parallel_loop3A_338], %broadcast_in_dim3A_21 masked %parallel_loop3A_491 {add = true} : memref<32768xi32, #tpu.memory_space<vmem>>[vector<16xi32>], vector<16xi32>, vector<16xi1>
      %parallel_loop3A_492 = arith.constant 4 : i32
      %parallel_loop3A_493 = vector.broadcast %parallel_loop3A_492 : i32 to vector<16xi32>
      %parallel_loop3A_494 = arith.cmpi ne, %parallel_loop3A_479, %parallel_loop3A_493 : vector<16xi32>
      tpu.vector_store_idx %arg6[%parallel_loop3A_342], %broadcast_in_dim3A_21 masked %parallel_loop3A_494 {add = true} : memref<32768xi32, #tpu.memory_space<vmem>>[vector<16xi32>], vector<16xi32>, vector<16xi1>
      %parallel_loop3A_495 = arith.constant 5 : i32
      %parallel_loop3A_496 = vector.broadcast %parallel_loop3A_495 : i32 to vector<16xi32>
      %parallel_loop3A_497 = arith.cmpi ne, %parallel_loop3A_479, %parallel_loop3A_496 : vector<16xi32>
      tpu.vector_store_idx %arg6[%parallel_loop3A_346], %broadcast_in_dim3A_21 masked %parallel_loop3A_497 {add = true} : memref<32768xi32, #tpu.memory_space<vmem>>[vector<16xi32>], vector<16xi32>, vector<16xi1>
      %parallel_loop3A_498 = arith.constant 6 : i32
      %parallel_loop3A_499 = vector.broadcast %parallel_loop3A_498 : i32 to vector<16xi32>
      %parallel_loop3A_500 = arith.cmpi ne, %parallel_loop3A_479, %parallel_loop3A_499 : vector<16xi32>
      tpu.vector_store_idx %arg6[%parallel_loop3A_350], %broadcast_in_dim3A_21 masked %parallel_loop3A_500 {add = true} : memref<32768xi32, #tpu.memory_space<vmem>>[vector<16xi32>], vector<16xi32>, vector<16xi1>
      %parallel_loop3A_501 = arith.constant 7 : i32
      %parallel_loop3A_502 = vector.broadcast %parallel_loop3A_501 : i32 to vector<16xi32>
      %parallel_loop3A_503 = arith.cmpi ne, %parallel_loop3A_479, %parallel_loop3A_502 : vector<16xi32>
      tpu.vector_store_idx %arg6[%parallel_loop3A_354], %broadcast_in_dim3A_21 masked %parallel_loop3A_503 {add = true} : memref<32768xi32, #tpu.memory_space<vmem>>[vector<16xi32>], vector<16xi32>, vector<16xi1>
      %parallel_loop3A_504 = arith.constant 8 : i32
      %parallel_loop3A_505 = vector.broadcast %parallel_loop3A_504 : i32 to vector<16xi32>
      %parallel_loop3A_506 = arith.cmpi ne, %parallel_loop3A_479, %parallel_loop3A_505 : vector<16xi32>
      tpu.vector_store_idx %arg6[%parallel_loop3A_358], %broadcast_in_dim3A_21 masked %parallel_loop3A_506 {add = true} : memref<32768xi32, #tpu.memory_space<vmem>>[vector<16xi32>], vector<16xi32>, vector<16xi1>
      %parallel_loop3A_507 = arith.constant 9 : i32
      %parallel_loop3A_508 = vector.broadcast %parallel_loop3A_507 : i32 to vector<16xi32>
      %parallel_loop3A_509 = arith.cmpi ne, %parallel_loop3A_479, %parallel_loop3A_508 : vector<16xi32>
      tpu.vector_store_idx %arg6[%parallel_loop3A_362], %broadcast_in_dim3A_21 masked %parallel_loop3A_509 {add = true} : memref<32768xi32, #tpu.memory_space<vmem>>[vector<16xi32>], vector<16xi32>, vector<16xi1>
      %parallel_loop3A_510 = arith.constant 10 : i32
      %parallel_loop3A_511 = vector.broadcast %parallel_loop3A_510 : i32 to vector<16xi32>
      %parallel_loop3A_512 = arith.cmpi ne, %parallel_loop3A_479, %parallel_loop3A_511 : vector<16xi32>
      tpu.vector_store_idx %arg6[%parallel_loop3A_366], %broadcast_in_dim3A_21 masked %parallel_loop3A_512 {add = true} : memref<32768xi32, #tpu.memory_space<vmem>>[vector<16xi32>], vector<16xi32>, vector<16xi1>
      %parallel_loop3A_513 = arith.constant 11 : i32
      %parallel_loop3A_514 = vector.broadcast %parallel_loop3A_513 : i32 to vector<16xi32>
      %parallel_loop3A_515 = arith.cmpi ne, %parallel_loop3A_479, %parallel_loop3A_514 : vector<16xi32>
      tpu.vector_store_idx %arg6[%parallel_loop3A_370], %broadcast_in_dim3A_21 masked %parallel_loop3A_515 {add = true} : memref<32768xi32, #tpu.memory_space<vmem>>[vector<16xi32>], vector<16xi32>, vector<16xi1>
      %parallel_loop3A_516 = arith.constant 12 : i32
      %parallel_loop3A_517 = vector.broadcast %parallel_loop3A_516 : i32 to vector<16xi32>
      %parallel_loop3A_518 = arith.cmpi ne, %parallel_loop3A_479, %parallel_loop3A_517 : vector<16xi32>
      tpu.vector_store_idx %arg6[%parallel_loop3A_374], %broadcast_in_dim3A_21 masked %parallel_loop3A_518 {add = true} : memref<32768xi32, #tpu.memory_space<vmem>>[vector<16xi32>], vector<16xi32>, vector<16xi1>
      %parallel_loop3A_519 = arith.constant 13 : i32
      %parallel_loop3A_520 = vector.broadcast %parallel_loop3A_519 : i32 to vector<16xi32>
      %parallel_loop3A_521 = arith.cmpi ne, %parallel_loop3A_479, %parallel_loop3A_520 : vector<16xi32>
      tpu.vector_store_idx %arg6[%parallel_loop3A_378], %broadcast_in_dim3A_21 masked %parallel_loop3A_521 {add = true} : memref<32768xi32, #tpu.memory_space<vmem>>[vector<16xi32>], vector<16xi32>, vector<16xi1>
      %parallel_loop3A_522 = arith.constant 14 : i32
      %parallel_loop3A_523 = vector.broadcast %parallel_loop3A_522 : i32 to vector<16xi32>
      %parallel_loop3A_524 = arith.cmpi ne, %parallel_loop3A_479, %parallel_loop3A_523 : vector<16xi32>
      tpu.vector_store_idx %arg6[%parallel_loop3A_382], %broadcast_in_dim3A_21 masked %parallel_loop3A_524 {add = true} : memref<32768xi32, #tpu.memory_space<vmem>>[vector<16xi32>], vector<16xi32>, vector<16xi1>
      %parallel_loop3A_525 = arith.constant 15 : i32
      %parallel_loop3A_526 = vector.broadcast %parallel_loop3A_525 : i32 to vector<16xi32>
      %parallel_loop3A_527 = arith.cmpi ne, %parallel_loop3A_479, %parallel_loop3A_526 : vector<16xi32>
      tpu.vector_store_idx %arg6[%parallel_loop3A_386], %broadcast_in_dim3A_21 masked %parallel_loop3A_527 {add = true} : memref<32768xi32, #tpu.memory_space<vmem>>[vector<16xi32>], vector<16xi32>, vector<16xi1>
    } {sc.loop_unroll_factor = 1 : i64, sc.parallel_access}
    %dma_wait3A_82 = arith.constant 0 : i32
    %dma_wait3A_83 = arith.constant 4096 : i32
    %dma_wait3A_84 = tpu.memref_slice %arg3[%dma_wait3A_82, %dma_wait3A_83] : memref<16x8192xi32, #tpu.memory_space<hbm>> -> memref<16x1024xi32, #tpu.memory_space<hbm>>
    %dma_wait3A_85 = arith.constant 0 : i32
    %dma_wait3A_86 = arith.constant 4096 : i32
    %dma_wait3A_87 = tpu.memref_slice %arg3[%dma_wait3A_85, %dma_wait3A_86] : memref<16x8192xi32, #tpu.memory_space<hbm>> -> memref<16x1024xi32, #tpu.memory_space<hbm>>
    tpu.wait_dma2 semaphore(%arg9 : memref<!tpu.dma_semaphore, #tpu.memory_space<semaphore_mem>>) src(%dma_wait3A_87 : memref<16x1024xi32, #tpu.memory_space<hbm>>) dst(%arg7 : memref<16x1024xi32, #tpu.memory_space<vmem>>)
    %dma_start3A_88 = arith.constant 0 : i32
    %dma_start3A_89 = arith.constant 5120 : i32
    %dma_start3A_90 = tpu.memref_slice %arg3[%dma_start3A_88, %dma_start3A_89] : memref<16x8192xi32, #tpu.memory_space<hbm>> -> memref<16x1024xi32, #tpu.memory_space<hbm>>
    %dma_start3A_91 = arith.constant 0 : i32
    %dma_start3A_92 = arith.constant 5120 : i32
    %dma_start3A_93 = tpu.memref_slice %arg3[%dma_start3A_91, %dma_start3A_92] : memref<16x8192xi32, #tpu.memory_space<hbm>> -> memref<16x1024xi32, #tpu.memory_space<hbm>>
    tpu.enqueue_dma source(%dma_start3A_93 : memref<16x1024xi32, #tpu.memory_space<hbm>>) target(%arg8 : memref<16x1024xi32, #tpu.memory_space<vmem>>) target_semaphore(%arg10 : memref<!tpu.dma_semaphore, #tpu.memory_space<semaphore_mem>>)
    %parallel_loop3A_94 = arith.constant 0 : i32
    %parallel_loop3A_95 = arith.constant 64 : i32
    %parallel_loop3A_96 = arith.constant 1 : i32
    scf.for %parallel_loop3A_320 = %parallel_loop3A_94 to %parallel_loop3A_95 step %parallel_loop3A_96  : i32 {
      %parallel_loop3A_321 = arith.constant 16 : i32
      %parallel_loop3A_322 = arith.muli %parallel_loop3A_320, %parallel_loop3A_321 : i32
      %parallel_loop3A_323 = arith.constant 0 : i32
      %parallel_loop3A_324 = arith.index_cast %parallel_loop3A_323 : i32 to index
      %parallel_loop3A_325 = arith.index_cast %parallel_loop3A_322 : i32 to index
      %parallel_loop3A_326 = tpu.vector_load %arg7[%parallel_loop3A_324, %parallel_loop3A_325] {strides = array<i32>} : memref<16x1024xi32, #tpu.memory_space<vmem>>, vector<16xi32>,
      %parallel_loop3A_327 = arith.constant 1 : i32
      %parallel_loop3A_328 = arith.index_cast %parallel_loop3A_327 : i32 to index
      %parallel_loop3A_329 = arith.index_cast %parallel_loop3A_322 : i32 to index
      %parallel_loop3A_330 = tpu.vector_load %arg7[%parallel_loop3A_328, %parallel_loop3A_329] {strides = array<i32>} : memref<16x1024xi32, #tpu.memory_space<vmem>>, vector<16xi32>,
      %parallel_loop3A_331 = arith.constant 2 : i32
      %parallel_loop3A_332 = arith.index_cast %parallel_loop3A_331 : i32 to index
      %parallel_loop3A_333 = arith.index_cast %parallel_loop3A_322 : i32 to index
      %parallel_loop3A_334 = tpu.vector_load %arg7[%parallel_loop3A_332, %parallel_loop3A_333] {strides = array<i32>} : memref<16x1024xi32, #tpu.memory_space<vmem>>, vector<16xi32>,
      %parallel_loop3A_335 = arith.constant 3 : i32
      %parallel_loop3A_336 = arith.index_cast %parallel_loop3A_335 : i32 to index
      %parallel_loop3A_337 = arith.index_cast %parallel_loop3A_322 : i32 to index
      %parallel_loop3A_338 = tpu.vector_load %arg7[%parallel_loop3A_336, %parallel_loop3A_337] {strides = array<i32>} : memref<16x1024xi32, #tpu.memory_space<vmem>>, vector<16xi32>,
      %parallel_loop3A_339 = arith.constant 4 : i32
      %parallel_loop3A_340 = arith.index_cast %parallel_loop3A_339 : i32 to index
      %parallel_loop3A_341 = arith.index_cast %parallel_loop3A_322 : i32 to index
      %parallel_loop3A_342 = tpu.vector_load %arg7[%parallel_loop3A_340, %parallel_loop3A_341] {strides = array<i32>} : memref<16x1024xi32, #tpu.memory_space<vmem>>, vector<16xi32>,
      %parallel_loop3A_343 = arith.constant 5 : i32
      %parallel_loop3A_344 = arith.index_cast %parallel_loop3A_343 : i32 to index
      %parallel_loop3A_345 = arith.index_cast %parallel_loop3A_322 : i32 to index
      %parallel_loop3A_346 = tpu.vector_load %arg7[%parallel_loop3A_344, %parallel_loop3A_345] {strides = array<i32>} : memref<16x1024xi32, #tpu.memory_space<vmem>>, vector<16xi32>,
      %parallel_loop3A_347 = arith.constant 6 : i32
      %parallel_loop3A_348 = arith.index_cast %parallel_loop3A_347 : i32 to index
      %parallel_loop3A_349 = arith.index_cast %parallel_loop3A_322 : i32 to index
      %parallel_loop3A_350 = tpu.vector_load %arg7[%parallel_loop3A_348, %parallel_loop3A_349] {strides = array<i32>} : memref<16x1024xi32, #tpu.memory_space<vmem>>, vector<16xi32>,
      %parallel_loop3A_351 = arith.constant 7 : i32
      %parallel_loop3A_352 = arith.index_cast %parallel_loop3A_351 : i32 to index
      %parallel_loop3A_353 = arith.index_cast %parallel_loop3A_322 : i32 to index
      %parallel_loop3A_354 = tpu.vector_load %arg7[%parallel_loop3A_352, %parallel_loop3A_353] {strides = array<i32>} : memref<16x1024xi32, #tpu.memory_space<vmem>>, vector<16xi32>,
      %parallel_loop3A_355 = arith.constant 8 : i32
      %parallel_loop3A_356 = arith.index_cast %parallel_loop3A_355 : i32 to index
      %parallel_loop3A_357 = arith.index_cast %parallel_loop3A_322 : i32 to index
      %parallel_loop3A_358 = tpu.vector_load %arg7[%parallel_loop3A_356, %parallel_loop3A_357] {strides = array<i32>} : memref<16x1024xi32, #tpu.memory_space<vmem>>, vector<16xi32>,
      %parallel_loop3A_359 = arith.constant 9 : i32
      %parallel_loop3A_360 = arith.index_cast %parallel_loop3A_359 : i32 to index
      %parallel_loop3A_361 = arith.index_cast %parallel_loop3A_322 : i32 to index
      %parallel_loop3A_362 = tpu.vector_load %arg7[%parallel_loop3A_360, %parallel_loop3A_361] {strides = array<i32>} : memref<16x1024xi32, #tpu.memory_space<vmem>>, vector<16xi32>,
      %parallel_loop3A_363 = arith.constant 10 : i32
      %parallel_loop3A_364 = arith.index_cast %parallel_loop3A_363 : i32 to index
      %parallel_loop3A_365 = arith.index_cast %parallel_loop3A_322 : i32 to index
      %parallel_loop3A_366 = tpu.vector_load %arg7[%parallel_loop3A_364, %parallel_loop3A_365] {strides = array<i32>} : memref<16x1024xi32, #tpu.memory_space<vmem>>, vector<16xi32>,
      %parallel_loop3A_367 = arith.constant 11 : i32
      %parallel_loop3A_368 = arith.index_cast %parallel_loop3A_367 : i32 to index
      %parallel_loop3A_369 = arith.index_cast %parallel_loop3A_322 : i32 to index
      %parallel_loop3A_370 = tpu.vector_load %arg7[%parallel_loop3A_368, %parallel_loop3A_369] {strides = array<i32>} : memref<16x1024xi32, #tpu.memory_space<vmem>>, vector<16xi32>,
      %parallel_loop3A_371 = arith.constant 12 : i32
      %parallel_loop3A_372 = arith.index_cast %parallel_loop3A_371 : i32 to index
      %parallel_loop3A_373 = arith.index_cast %parallel_loop3A_322 : i32 to index
      %parallel_loop3A_374 = tpu.vector_load %arg7[%parallel_loop3A_372, %parallel_loop3A_373] {strides = array<i32>} : memref<16x1024xi32, #tpu.memory_space<vmem>>, vector<16xi32>,
      %parallel_loop3A_375 = arith.constant 13 : i32
      %parallel_loop3A_376 = arith.index_cast %parallel_loop3A_375 : i32 to index
      %parallel_loop3A_377 = arith.index_cast %parallel_loop3A_322 : i32 to index
      %parallel_loop3A_378 = tpu.vector_load %arg7[%parallel_loop3A_376, %parallel_loop3A_377] {strides = array<i32>} : memref<16x1024xi32, #tpu.memory_space<vmem>>, vector<16xi32>,
      %parallel_loop3A_379 = arith.constant 14 : i32
      %parallel_loop3A_380 = arith.index_cast %parallel_loop3A_379 : i32 to index
      %parallel_loop3A_381 = arith.index_cast %parallel_loop3A_322 : i32 to index
      %parallel_loop3A_382 = tpu.vector_load %arg7[%parallel_loop3A_380, %parallel_loop3A_381] {strides = array<i32>} : memref<16x1024xi32, #tpu.memory_space<vmem>>, vector<16xi32>,
      %parallel_loop3A_383 = arith.constant 15 : i32
      %parallel_loop3A_384 = arith.index_cast %parallel_loop3A_383 : i32 to index
      %parallel_loop3A_385 = arith.index_cast %parallel_loop3A_322 : i32 to index
      %parallel_loop3A_386 = tpu.vector_load %arg7[%parallel_loop3A_384, %parallel_loop3A_385] {strides = array<i32>} : memref<16x1024xi32, #tpu.memory_space<vmem>>, vector<16xi32>,
      %parallel_loop3A_387 = tpu.vector_load_idx %arg5[%parallel_loop3A_326] : memref<32768xf32, #tpu.memory_space<vmem>>[vector<16xi32>], vector<16xf32>,
      %parallel_loop3A_388 = tpu.vector_load_idx %arg5[%parallel_loop3A_330] : memref<32768xf32, #tpu.memory_space<vmem>>[vector<16xi32>], vector<16xf32>,
      %parallel_loop3A_389 = tpu.vector_load_idx %arg5[%parallel_loop3A_334] : memref<32768xf32, #tpu.memory_space<vmem>>[vector<16xi32>], vector<16xf32>,
      %parallel_loop3A_390 = tpu.vector_load_idx %arg5[%parallel_loop3A_338] : memref<32768xf32, #tpu.memory_space<vmem>>[vector<16xi32>], vector<16xf32>,
      %parallel_loop3A_391 = tpu.vector_load_idx %arg5[%parallel_loop3A_342] : memref<32768xf32, #tpu.memory_space<vmem>>[vector<16xi32>], vector<16xf32>,
      %parallel_loop3A_392 = tpu.vector_load_idx %arg5[%parallel_loop3A_346] : memref<32768xf32, #tpu.memory_space<vmem>>[vector<16xi32>], vector<16xf32>,
      %parallel_loop3A_393 = tpu.vector_load_idx %arg5[%parallel_loop3A_350] : memref<32768xf32, #tpu.memory_space<vmem>>[vector<16xi32>], vector<16xf32>,
      %parallel_loop3A_394 = tpu.vector_load_idx %arg5[%parallel_loop3A_354] : memref<32768xf32, #tpu.memory_space<vmem>>[vector<16xi32>], vector<16xf32>,
      %parallel_loop3A_395 = tpu.vector_load_idx %arg5[%parallel_loop3A_358] : memref<32768xf32, #tpu.memory_space<vmem>>[vector<16xi32>], vector<16xf32>,
      %parallel_loop3A_396 = tpu.vector_load_idx %arg5[%parallel_loop3A_362] : memref<32768xf32, #tpu.memory_space<vmem>>[vector<16xi32>], vector<16xf32>,
      %parallel_loop3A_397 = tpu.vector_load_idx %arg5[%parallel_loop3A_366] : memref<32768xf32, #tpu.memory_space<vmem>>[vector<16xi32>], vector<16xf32>,
      %parallel_loop3A_398 = tpu.vector_load_idx %arg5[%parallel_loop3A_370] : memref<32768xf32, #tpu.memory_space<vmem>>[vector<16xi32>], vector<16xf32>,
      %parallel_loop3A_399 = tpu.vector_load_idx %arg5[%parallel_loop3A_374] : memref<32768xf32, #tpu.memory_space<vmem>>[vector<16xi32>], vector<16xf32>,
      %parallel_loop3A_400 = tpu.vector_load_idx %arg5[%parallel_loop3A_378] : memref<32768xf32, #tpu.memory_space<vmem>>[vector<16xi32>], vector<16xf32>,
      %parallel_loop3A_401 = tpu.vector_load_idx %arg5[%parallel_loop3A_382] : memref<32768xf32, #tpu.memory_space<vmem>>[vector<16xi32>], vector<16xf32>,
      %parallel_loop3A_402 = tpu.vector_load_idx %arg5[%parallel_loop3A_386] : memref<32768xf32, #tpu.memory_space<vmem>>[vector<16xi32>], vector<16xf32>,
      %parallel_loop3A_403 = arith.cmpf oge, %parallel_loop3A_387, %parallel_loop3A_388 : vector<16xf32>
      %parallel_loop3A_404 = arith.select %parallel_loop3A_403, %parallel_loop3A_387, %parallel_loop3A_388 : vector<16xi1>, vector<16xf32>
      %parallel_loop3A_405 = arith.constant 0 : i32
      %parallel_loop3A_406 = arith.constant 1 : i32
      %parallel_loop3A_407 = vector.broadcast %parallel_loop3A_405 : i32 to vector<16xi32>
      %parallel_loop3A_408 = vector.broadcast %parallel_loop3A_406 : i32 to vector<16xi32>
      %parallel_loop3A_409 = arith.select %parallel_loop3A_403, %parallel_loop3A_407, %parallel_loop3A_408 : vector<16xi1>, vector<16xi32>
      %parallel_loop3A_410 = arith.cmpf oge, %parallel_loop3A_389, %parallel_loop3A_390 : vector<16xf32>
      %parallel_loop3A_411 = arith.select %parallel_loop3A_410, %parallel_loop3A_389, %parallel_loop3A_390 : vector<16xi1>, vector<16xf32>
      %parallel_loop3A_412 = arith.constant 2 : i32
      %parallel_loop3A_413 = arith.constant 3 : i32
      %parallel_loop3A_414 = vector.broadcast %parallel_loop3A_412 : i32 to vector<16xi32>
      %parallel_loop3A_415 = vector.broadcast %parallel_loop3A_413 : i32 to vector<16xi32>
      %parallel_loop3A_416 = arith.select %parallel_loop3A_410, %parallel_loop3A_414, %parallel_loop3A_415 : vector<16xi1>, vector<16xi32>
      %parallel_loop3A_417 = arith.cmpf oge, %parallel_loop3A_391, %parallel_loop3A_392 : vector<16xf32>
      %parallel_loop3A_418 = arith.select %parallel_loop3A_417, %parallel_loop3A_391, %parallel_loop3A_392 : vector<16xi1>, vector<16xf32>
      %parallel_loop3A_419 = arith.constant 4 : i32
      %parallel_loop3A_420 = arith.constant 5 : i32
      %parallel_loop3A_421 = vector.broadcast %parallel_loop3A_419 : i32 to vector<16xi32>
      %parallel_loop3A_422 = vector.broadcast %parallel_loop3A_420 : i32 to vector<16xi32>
      %parallel_loop3A_423 = arith.select %parallel_loop3A_417, %parallel_loop3A_421, %parallel_loop3A_422 : vector<16xi1>, vector<16xi32>
      %parallel_loop3A_424 = arith.cmpf oge, %parallel_loop3A_393, %parallel_loop3A_394 : vector<16xf32>
      %parallel_loop3A_425 = arith.select %parallel_loop3A_424, %parallel_loop3A_393, %parallel_loop3A_394 : vector<16xi1>, vector<16xf32>
      %parallel_loop3A_426 = arith.constant 6 : i32
      %parallel_loop3A_427 = arith.constant 7 : i32
      %parallel_loop3A_428 = vector.broadcast %parallel_loop3A_426 : i32 to vector<16xi32>
      %parallel_loop3A_429 = vector.broadcast %parallel_loop3A_427 : i32 to vector<16xi32>
      %parallel_loop3A_430 = arith.select %parallel_loop3A_424, %parallel_loop3A_428, %parallel_loop3A_429 : vector<16xi1>, vector<16xi32>
      %parallel_loop3A_431 = arith.cmpf oge, %parallel_loop3A_395, %parallel_loop3A_396 : vector<16xf32>
      %parallel_loop3A_432 = arith.select %parallel_loop3A_431, %parallel_loop3A_395, %parallel_loop3A_396 : vector<16xi1>, vector<16xf32>
      %parallel_loop3A_433 = arith.constant 8 : i32
      %parallel_loop3A_434 = arith.constant 9 : i32
      %parallel_loop3A_435 = vector.broadcast %parallel_loop3A_433 : i32 to vector<16xi32>
      %parallel_loop3A_436 = vector.broadcast %parallel_loop3A_434 : i32 to vector<16xi32>
      %parallel_loop3A_437 = arith.select %parallel_loop3A_431, %parallel_loop3A_435, %parallel_loop3A_436 : vector<16xi1>, vector<16xi32>
      %parallel_loop3A_438 = arith.cmpf oge, %parallel_loop3A_397, %parallel_loop3A_398 : vector<16xf32>
      %parallel_loop3A_439 = arith.select %parallel_loop3A_438, %parallel_loop3A_397, %parallel_loop3A_398 : vector<16xi1>, vector<16xf32>
      %parallel_loop3A_440 = arith.constant 10 : i32
      %parallel_loop3A_441 = arith.constant 11 : i32
      %parallel_loop3A_442 = vector.broadcast %parallel_loop3A_440 : i32 to vector<16xi32>
      %parallel_loop3A_443 = vector.broadcast %parallel_loop3A_441 : i32 to vector<16xi32>
      %parallel_loop3A_444 = arith.select %parallel_loop3A_438, %parallel_loop3A_442, %parallel_loop3A_443 : vector<16xi1>, vector<16xi32>
      %parallel_loop3A_445 = arith.cmpf oge, %parallel_loop3A_399, %parallel_loop3A_400 : vector<16xf32>
      %parallel_loop3A_446 = arith.select %parallel_loop3A_445, %parallel_loop3A_399, %parallel_loop3A_400 : vector<16xi1>, vector<16xf32>
      %parallel_loop3A_447 = arith.constant 12 : i32
      %parallel_loop3A_448 = arith.constant 13 : i32
      %parallel_loop3A_449 = vector.broadcast %parallel_loop3A_447 : i32 to vector<16xi32>
      %parallel_loop3A_450 = vector.broadcast %parallel_loop3A_448 : i32 to vector<16xi32>
      %parallel_loop3A_451 = arith.select %parallel_loop3A_445, %parallel_loop3A_449, %parallel_loop3A_450 : vector<16xi1>, vector<16xi32>
      %parallel_loop3A_452 = arith.cmpf oge, %parallel_loop3A_401, %parallel_loop3A_402 : vector<16xf32>
      %parallel_loop3A_453 = arith.select %parallel_loop3A_452, %parallel_loop3A_401, %parallel_loop3A_402 : vector<16xi1>, vector<16xf32>
      %parallel_loop3A_454 = arith.constant 14 : i32
      %parallel_loop3A_455 = arith.constant 15 : i32
      %parallel_loop3A_456 = vector.broadcast %parallel_loop3A_454 : i32 to vector<16xi32>
      %parallel_loop3A_457 = vector.broadcast %parallel_loop3A_455 : i32 to vector<16xi32>
      %parallel_loop3A_458 = arith.select %parallel_loop3A_452, %parallel_loop3A_456, %parallel_loop3A_457 : vector<16xi1>, vector<16xi32>
      %parallel_loop3A_459 = arith.cmpf oge, %parallel_loop3A_404, %parallel_loop3A_411 : vector<16xf32>
      %parallel_loop3A_460 = arith.select %parallel_loop3A_459, %parallel_loop3A_404, %parallel_loop3A_411 : vector<16xi1>, vector<16xf32>
      %parallel_loop3A_461 = arith.select %parallel_loop3A_459, %parallel_loop3A_409, %parallel_loop3A_416 : vector<16xi1>, vector<16xi32>
      %parallel_loop3A_462 = arith.cmpf oge, %parallel_loop3A_418, %parallel_loop3A_425 : vector<16xf32>
      %parallel_loop3A_463 = arith.select %parallel_loop3A_462, %parallel_loop3A_418, %parallel_loop3A_425 : vector<16xi1>, vector<16xf32>
      %parallel_loop3A_464 = arith.select %parallel_loop3A_462, %parallel_loop3A_423, %parallel_loop3A_430 : vector<16xi1>, vector<16xi32>
      %parallel_loop3A_465 = arith.cmpf oge, %parallel_loop3A_432, %parallel_loop3A_439 : vector<16xf32>
      %parallel_loop3A_466 = arith.select %parallel_loop3A_465, %parallel_loop3A_432, %parallel_loop3A_439 : vector<16xi1>, vector<16xf32>
      %parallel_loop3A_467 = arith.select %parallel_loop3A_465, %parallel_loop3A_437, %parallel_loop3A_444 : vector<16xi1>, vector<16xi32>
      %parallel_loop3A_468 = arith.cmpf oge, %parallel_loop3A_446, %parallel_loop3A_453 : vector<16xf32>
      %parallel_loop3A_469 = arith.select %parallel_loop3A_468, %parallel_loop3A_446, %parallel_loop3A_453 : vector<16xi1>, vector<16xf32>
      %parallel_loop3A_470 = arith.select %parallel_loop3A_468, %parallel_loop3A_451, %parallel_loop3A_458 : vector<16xi1>, vector<16xi32>
      %parallel_loop3A_471 = arith.cmpf oge, %parallel_loop3A_460, %parallel_loop3A_463 : vector<16xf32>
      %parallel_loop3A_472 = arith.select %parallel_loop3A_471, %parallel_loop3A_460, %parallel_loop3A_463 : vector<16xi1>, vector<16xf32>
      %parallel_loop3A_473 = arith.select %parallel_loop3A_471, %parallel_loop3A_461, %parallel_loop3A_464 : vector<16xi1>, vector<16xi32>
      %parallel_loop3A_474 = arith.cmpf oge, %parallel_loop3A_466, %parallel_loop3A_469 : vector<16xf32>
      %parallel_loop3A_475 = arith.select %parallel_loop3A_474, %parallel_loop3A_466, %parallel_loop3A_469 : vector<16xi1>, vector<16xf32>
      %parallel_loop3A_476 = arith.select %parallel_loop3A_474, %parallel_loop3A_467, %parallel_loop3A_470 : vector<16xi1>, vector<16xi32>
      %parallel_loop3A_477 = arith.cmpf oge, %parallel_loop3A_472, %parallel_loop3A_475 : vector<16xf32>
      %parallel_loop3A_478 = arith.select %parallel_loop3A_477, %parallel_loop3A_472, %parallel_loop3A_475 : vector<16xi1>, vector<16xf32>
      %parallel_loop3A_479 = arith.select %parallel_loop3A_477, %parallel_loop3A_473, %parallel_loop3A_476 : vector<16xi1>, vector<16xi32>
      %parallel_loop3A_480 = arith.constant 0 : i32
      %parallel_loop3A_481 = vector.broadcast %parallel_loop3A_480 : i32 to vector<16xi32>
      %parallel_loop3A_482 = arith.cmpi ne, %parallel_loop3A_479, %parallel_loop3A_481 : vector<16xi32>
      tpu.vector_store_idx %arg6[%parallel_loop3A_326], %broadcast_in_dim3A_21 masked %parallel_loop3A_482 {add = true} : memref<32768xi32, #tpu.memory_space<vmem>>[vector<16xi32>], vector<16xi32>, vector<16xi1>
      %parallel_loop3A_483 = arith.constant 1 : i32
      %parallel_loop3A_484 = vector.broadcast %parallel_loop3A_483 : i32 to vector<16xi32>
      %parallel_loop3A_485 = arith.cmpi ne, %parallel_loop3A_479, %parallel_loop3A_484 : vector<16xi32>
      tpu.vector_store_idx %arg6[%parallel_loop3A_330], %broadcast_in_dim3A_21 masked %parallel_loop3A_485 {add = true} : memref<32768xi32, #tpu.memory_space<vmem>>[vector<16xi32>], vector<16xi32>, vector<16xi1>
      %parallel_loop3A_486 = arith.constant 2 : i32
      %parallel_loop3A_487 = vector.broadcast %parallel_loop3A_486 : i32 to vector<16xi32>
      %parallel_loop3A_488 = arith.cmpi ne, %parallel_loop3A_479, %parallel_loop3A_487 : vector<16xi32>
      tpu.vector_store_idx %arg6[%parallel_loop3A_334], %broadcast_in_dim3A_21 masked %parallel_loop3A_488 {add = true} : memref<32768xi32, #tpu.memory_space<vmem>>[vector<16xi32>], vector<16xi32>, vector<16xi1>
      %parallel_loop3A_489 = arith.constant 3 : i32
      %parallel_loop3A_490 = vector.broadcast %parallel_loop3A_489 : i32 to vector<16xi32>
      %parallel_loop3A_491 = arith.cmpi ne, %parallel_loop3A_479, %parallel_loop3A_490 : vector<16xi32>
      tpu.vector_store_idx %arg6[%parallel_loop3A_338], %broadcast_in_dim3A_21 masked %parallel_loop3A_491 {add = true} : memref<32768xi32, #tpu.memory_space<vmem>>[vector<16xi32>], vector<16xi32>, vector<16xi1>
      %parallel_loop3A_492 = arith.constant 4 : i32
      %parallel_loop3A_493 = vector.broadcast %parallel_loop3A_492 : i32 to vector<16xi32>
      %parallel_loop3A_494 = arith.cmpi ne, %parallel_loop3A_479, %parallel_loop3A_493 : vector<16xi32>
      tpu.vector_store_idx %arg6[%parallel_loop3A_342], %broadcast_in_dim3A_21 masked %parallel_loop3A_494 {add = true} : memref<32768xi32, #tpu.memory_space<vmem>>[vector<16xi32>], vector<16xi32>, vector<16xi1>
      %parallel_loop3A_495 = arith.constant 5 : i32
      %parallel_loop3A_496 = vector.broadcast %parallel_loop3A_495 : i32 to vector<16xi32>
      %parallel_loop3A_497 = arith.cmpi ne, %parallel_loop3A_479, %parallel_loop3A_496 : vector<16xi32>
      tpu.vector_store_idx %arg6[%parallel_loop3A_346], %broadcast_in_dim3A_21 masked %parallel_loop3A_497 {add = true} : memref<32768xi32, #tpu.memory_space<vmem>>[vector<16xi32>], vector<16xi32>, vector<16xi1>
      %parallel_loop3A_498 = arith.constant 6 : i32
      %parallel_loop3A_499 = vector.broadcast %parallel_loop3A_498 : i32 to vector<16xi32>
      %parallel_loop3A_500 = arith.cmpi ne, %parallel_loop3A_479, %parallel_loop3A_499 : vector<16xi32>
      tpu.vector_store_idx %arg6[%parallel_loop3A_350], %broadcast_in_dim3A_21 masked %parallel_loop3A_500 {add = true} : memref<32768xi32, #tpu.memory_space<vmem>>[vector<16xi32>], vector<16xi32>, vector<16xi1>
      %parallel_loop3A_501 = arith.constant 7 : i32
      %parallel_loop3A_502 = vector.broadcast %parallel_loop3A_501 : i32 to vector<16xi32>
      %parallel_loop3A_503 = arith.cmpi ne, %parallel_loop3A_479, %parallel_loop3A_502 : vector<16xi32>
      tpu.vector_store_idx %arg6[%parallel_loop3A_354], %broadcast_in_dim3A_21 masked %parallel_loop3A_503 {add = true} : memref<32768xi32, #tpu.memory_space<vmem>>[vector<16xi32>], vector<16xi32>, vector<16xi1>
      %parallel_loop3A_504 = arith.constant 8 : i32
      %parallel_loop3A_505 = vector.broadcast %parallel_loop3A_504 : i32 to vector<16xi32>
      %parallel_loop3A_506 = arith.cmpi ne, %parallel_loop3A_479, %parallel_loop3A_505 : vector<16xi32>
      tpu.vector_store_idx %arg6[%parallel_loop3A_358], %broadcast_in_dim3A_21 masked %parallel_loop3A_506 {add = true} : memref<32768xi32, #tpu.memory_space<vmem>>[vector<16xi32>], vector<16xi32>, vector<16xi1>
      %parallel_loop3A_507 = arith.constant 9 : i32
      %parallel_loop3A_508 = vector.broadcast %parallel_loop3A_507 : i32 to vector<16xi32>
      %parallel_loop3A_509 = arith.cmpi ne, %parallel_loop3A_479, %parallel_loop3A_508 : vector<16xi32>
      tpu.vector_store_idx %arg6[%parallel_loop3A_362], %broadcast_in_dim3A_21 masked %parallel_loop3A_509 {add = true} : memref<32768xi32, #tpu.memory_space<vmem>>[vector<16xi32>], vector<16xi32>, vector<16xi1>
      %parallel_loop3A_510 = arith.constant 10 : i32
      %parallel_loop3A_511 = vector.broadcast %parallel_loop3A_510 : i32 to vector<16xi32>
      %parallel_loop3A_512 = arith.cmpi ne, %parallel_loop3A_479, %parallel_loop3A_511 : vector<16xi32>
      tpu.vector_store_idx %arg6[%parallel_loop3A_366], %broadcast_in_dim3A_21 masked %parallel_loop3A_512 {add = true} : memref<32768xi32, #tpu.memory_space<vmem>>[vector<16xi32>], vector<16xi32>, vector<16xi1>
      %parallel_loop3A_513 = arith.constant 11 : i32
      %parallel_loop3A_514 = vector.broadcast %parallel_loop3A_513 : i32 to vector<16xi32>
      %parallel_loop3A_515 = arith.cmpi ne, %parallel_loop3A_479, %parallel_loop3A_514 : vector<16xi32>
      tpu.vector_store_idx %arg6[%parallel_loop3A_370], %broadcast_in_dim3A_21 masked %parallel_loop3A_515 {add = true} : memref<32768xi32, #tpu.memory_space<vmem>>[vector<16xi32>], vector<16xi32>, vector<16xi1>
      %parallel_loop3A_516 = arith.constant 12 : i32
      %parallel_loop3A_517 = vector.broadcast %parallel_loop3A_516 : i32 to vector<16xi32>
      %parallel_loop3A_518 = arith.cmpi ne, %parallel_loop3A_479, %parallel_loop3A_517 : vector<16xi32>
      tpu.vector_store_idx %arg6[%parallel_loop3A_374], %broadcast_in_dim3A_21 masked %parallel_loop3A_518 {add = true} : memref<32768xi32, #tpu.memory_space<vmem>>[vector<16xi32>], vector<16xi32>, vector<16xi1>
      %parallel_loop3A_519 = arith.constant 13 : i32
      %parallel_loop3A_520 = vector.broadcast %parallel_loop3A_519 : i32 to vector<16xi32>
      %parallel_loop3A_521 = arith.cmpi ne, %parallel_loop3A_479, %parallel_loop3A_520 : vector<16xi32>
      tpu.vector_store_idx %arg6[%parallel_loop3A_378], %broadcast_in_dim3A_21 masked %parallel_loop3A_521 {add = true} : memref<32768xi32, #tpu.memory_space<vmem>>[vector<16xi32>], vector<16xi32>, vector<16xi1>
      %parallel_loop3A_522 = arith.constant 14 : i32
      %parallel_loop3A_523 = vector.broadcast %parallel_loop3A_522 : i32 to vector<16xi32>
      %parallel_loop3A_524 = arith.cmpi ne, %parallel_loop3A_479, %parallel_loop3A_523 : vector<16xi32>
      tpu.vector_store_idx %arg6[%parallel_loop3A_382], %broadcast_in_dim3A_21 masked %parallel_loop3A_524 {add = true} : memref<32768xi32, #tpu.memory_space<vmem>>[vector<16xi32>], vector<16xi32>, vector<16xi1>
      %parallel_loop3A_525 = arith.constant 15 : i32
      %parallel_loop3A_526 = vector.broadcast %parallel_loop3A_525 : i32 to vector<16xi32>
      %parallel_loop3A_527 = arith.cmpi ne, %parallel_loop3A_479, %parallel_loop3A_526 : vector<16xi32>
      tpu.vector_store_idx %arg6[%parallel_loop3A_386], %broadcast_in_dim3A_21 masked %parallel_loop3A_527 {add = true} : memref<32768xi32, #tpu.memory_space<vmem>>[vector<16xi32>], vector<16xi32>, vector<16xi1>
    } {sc.loop_unroll_factor = 1 : i64, sc.parallel_access}
    %dma_wait3A_97 = arith.constant 0 : i32
    %dma_wait3A_98 = arith.constant 5120 : i32
    %dma_wait3A_99 = tpu.memref_slice %arg3[%dma_wait3A_97, %dma_wait3A_98] : memref<16x8192xi32, #tpu.memory_space<hbm>> -> memref<16x1024xi32, #tpu.memory_space<hbm>>
    %dma_wait3A_100 = arith.constant 0 : i32
    %dma_wait3A_101 = arith.constant 5120 : i32
    %dma_wait3A_102 = tpu.memref_slice %arg3[%dma_wait3A_100, %dma_wait3A_101] : memref<16x8192xi32, #tpu.memory_space<hbm>> -> memref<16x1024xi32, #tpu.memory_space<hbm>>
    tpu.wait_dma2 semaphore(%arg10 : memref<!tpu.dma_semaphore, #tpu.memory_space<semaphore_mem>>) src(%dma_wait3A_102 : memref<16x1024xi32, #tpu.memory_space<hbm>>) dst(%arg8 : memref<16x1024xi32, #tpu.memory_space<vmem>>)
    %dma_start3A_103 = arith.constant 0 : i32
    %dma_start3A_104 = arith.constant 6144 : i32
    %dma_start3A_105 = tpu.memref_slice %arg3[%dma_start3A_103, %dma_start3A_104] : memref<16x8192xi32, #tpu.memory_space<hbm>> -> memref<16x1024xi32, #tpu.memory_space<hbm>>
    %dma_start3A_106 = arith.constant 0 : i32
    %dma_start3A_107 = arith.constant 6144 : i32
    %dma_start3A_108 = tpu.memref_slice %arg3[%dma_start3A_106, %dma_start3A_107] : memref<16x8192xi32, #tpu.memory_space<hbm>> -> memref<16x1024xi32, #tpu.memory_space<hbm>>
    tpu.enqueue_dma source(%dma_start3A_108 : memref<16x1024xi32, #tpu.memory_space<hbm>>) target(%arg7 : memref<16x1024xi32, #tpu.memory_space<vmem>>) target_semaphore(%arg9 : memref<!tpu.dma_semaphore, #tpu.memory_space<semaphore_mem>>)
    %parallel_loop3A_109 = arith.constant 0 : i32
    %parallel_loop3A_110 = arith.constant 64 : i32
    %parallel_loop3A_111 = arith.constant 1 : i32
    scf.for %parallel_loop3A_320 = %parallel_loop3A_109 to %parallel_loop3A_110 step %parallel_loop3A_111  : i32 {
      %parallel_loop3A_321 = arith.constant 16 : i32
      %parallel_loop3A_322 = arith.muli %parallel_loop3A_320, %parallel_loop3A_321 : i32
      %parallel_loop3A_323 = arith.constant 0 : i32
      %parallel_loop3A_324 = arith.index_cast %parallel_loop3A_323 : i32 to index
      %parallel_loop3A_325 = arith.index_cast %parallel_loop3A_322 : i32 to index
      %parallel_loop3A_326 = tpu.vector_load %arg8[%parallel_loop3A_324, %parallel_loop3A_325] {strides = array<i32>} : memref<16x1024xi32, #tpu.memory_space<vmem>>, vector<16xi32>,
      %parallel_loop3A_327 = arith.constant 1 : i32
      %parallel_loop3A_328 = arith.index_cast %parallel_loop3A_327 : i32 to index
      %parallel_loop3A_329 = arith.index_cast %parallel_loop3A_322 : i32 to index
      %parallel_loop3A_330 = tpu.vector_load %arg8[%parallel_loop3A_328, %parallel_loop3A_329] {strides = array<i32>} : memref<16x1024xi32, #tpu.memory_space<vmem>>, vector<16xi32>,
      %parallel_loop3A_331 = arith.constant 2 : i32
      %parallel_loop3A_332 = arith.index_cast %parallel_loop3A_331 : i32 to index
      %parallel_loop3A_333 = arith.index_cast %parallel_loop3A_322 : i32 to index
      %parallel_loop3A_334 = tpu.vector_load %arg8[%parallel_loop3A_332, %parallel_loop3A_333] {strides = array<i32>} : memref<16x1024xi32, #tpu.memory_space<vmem>>, vector<16xi32>,
      %parallel_loop3A_335 = arith.constant 3 : i32
      %parallel_loop3A_336 = arith.index_cast %parallel_loop3A_335 : i32 to index
      %parallel_loop3A_337 = arith.index_cast %parallel_loop3A_322 : i32 to index
      %parallel_loop3A_338 = tpu.vector_load %arg8[%parallel_loop3A_336, %parallel_loop3A_337] {strides = array<i32>} : memref<16x1024xi32, #tpu.memory_space<vmem>>, vector<16xi32>,
      %parallel_loop3A_339 = arith.constant 4 : i32
      %parallel_loop3A_340 = arith.index_cast %parallel_loop3A_339 : i32 to index
      %parallel_loop3A_341 = arith.index_cast %parallel_loop3A_322 : i32 to index
      %parallel_loop3A_342 = tpu.vector_load %arg8[%parallel_loop3A_340, %parallel_loop3A_341] {strides = array<i32>} : memref<16x1024xi32, #tpu.memory_space<vmem>>, vector<16xi32>,
      %parallel_loop3A_343 = arith.constant 5 : i32
      %parallel_loop3A_344 = arith.index_cast %parallel_loop3A_343 : i32 to index
      %parallel_loop3A_345 = arith.index_cast %parallel_loop3A_322 : i32 to index
      %parallel_loop3A_346 = tpu.vector_load %arg8[%parallel_loop3A_344, %parallel_loop3A_345] {strides = array<i32>} : memref<16x1024xi32, #tpu.memory_space<vmem>>, vector<16xi32>,
      %parallel_loop3A_347 = arith.constant 6 : i32
      %parallel_loop3A_348 = arith.index_cast %parallel_loop3A_347 : i32 to index
      %parallel_loop3A_349 = arith.index_cast %parallel_loop3A_322 : i32 to index
      %parallel_loop3A_350 = tpu.vector_load %arg8[%parallel_loop3A_348, %parallel_loop3A_349] {strides = array<i32>} : memref<16x1024xi32, #tpu.memory_space<vmem>>, vector<16xi32>,
      %parallel_loop3A_351 = arith.constant 7 : i32
      %parallel_loop3A_352 = arith.index_cast %parallel_loop3A_351 : i32 to index
      %parallel_loop3A_353 = arith.index_cast %parallel_loop3A_322 : i32 to index
      %parallel_loop3A_354 = tpu.vector_load %arg8[%parallel_loop3A_352, %parallel_loop3A_353] {strides = array<i32>} : memref<16x1024xi32, #tpu.memory_space<vmem>>, vector<16xi32>,
      %parallel_loop3A_355 = arith.constant 8 : i32
      %parallel_loop3A_356 = arith.index_cast %parallel_loop3A_355 : i32 to index
      %parallel_loop3A_357 = arith.index_cast %parallel_loop3A_322 : i32 to index
      %parallel_loop3A_358 = tpu.vector_load %arg8[%parallel_loop3A_356, %parallel_loop3A_357] {strides = array<i32>} : memref<16x1024xi32, #tpu.memory_space<vmem>>, vector<16xi32>,
      %parallel_loop3A_359 = arith.constant 9 : i32
      %parallel_loop3A_360 = arith.index_cast %parallel_loop3A_359 : i32 to index
      %parallel_loop3A_361 = arith.index_cast %parallel_loop3A_322 : i32 to index
      %parallel_loop3A_362 = tpu.vector_load %arg8[%parallel_loop3A_360, %parallel_loop3A_361] {strides = array<i32>} : memref<16x1024xi32, #tpu.memory_space<vmem>>, vector<16xi32>,
      %parallel_loop3A_363 = arith.constant 10 : i32
      %parallel_loop3A_364 = arith.index_cast %parallel_loop3A_363 : i32 to index
      %parallel_loop3A_365 = arith.index_cast %parallel_loop3A_322 : i32 to index
      %parallel_loop3A_366 = tpu.vector_load %arg8[%parallel_loop3A_364, %parallel_loop3A_365] {strides = array<i32>} : memref<16x1024xi32, #tpu.memory_space<vmem>>, vector<16xi32>,
      %parallel_loop3A_367 = arith.constant 11 : i32
      %parallel_loop3A_368 = arith.index_cast %parallel_loop3A_367 : i32 to index
      %parallel_loop3A_369 = arith.index_cast %parallel_loop3A_322 : i32 to index
      %parallel_loop3A_370 = tpu.vector_load %arg8[%parallel_loop3A_368, %parallel_loop3A_369] {strides = array<i32>} : memref<16x1024xi32, #tpu.memory_space<vmem>>, vector<16xi32>,
      %parallel_loop3A_371 = arith.constant 12 : i32
      %parallel_loop3A_372 = arith.index_cast %parallel_loop3A_371 : i32 to index
      %parallel_loop3A_373 = arith.index_cast %parallel_loop3A_322 : i32 to index
      %parallel_loop3A_374 = tpu.vector_load %arg8[%parallel_loop3A_372, %parallel_loop3A_373] {strides = array<i32>} : memref<16x1024xi32, #tpu.memory_space<vmem>>, vector<16xi32>,
      %parallel_loop3A_375 = arith.constant 13 : i32
      %parallel_loop3A_376 = arith.index_cast %parallel_loop3A_375 : i32 to index
      %parallel_loop3A_377 = arith.index_cast %parallel_loop3A_322 : i32 to index
      %parallel_loop3A_378 = tpu.vector_load %arg8[%parallel_loop3A_376, %parallel_loop3A_377] {strides = array<i32>} : memref<16x1024xi32, #tpu.memory_space<vmem>>, vector<16xi32>,
      %parallel_loop3A_379 = arith.constant 14 : i32
      %parallel_loop3A_380 = arith.index_cast %parallel_loop3A_379 : i32 to index
      %parallel_loop3A_381 = arith.index_cast %parallel_loop3A_322 : i32 to index
      %parallel_loop3A_382 = tpu.vector_load %arg8[%parallel_loop3A_380, %parallel_loop3A_381] {strides = array<i32>} : memref<16x1024xi32, #tpu.memory_space<vmem>>, vector<16xi32>,
      %parallel_loop3A_383 = arith.constant 15 : i32
      %parallel_loop3A_384 = arith.index_cast %parallel_loop3A_383 : i32 to index
      %parallel_loop3A_385 = arith.index_cast %parallel_loop3A_322 : i32 to index
      %parallel_loop3A_386 = tpu.vector_load %arg8[%parallel_loop3A_384, %parallel_loop3A_385] {strides = array<i32>} : memref<16x1024xi32, #tpu.memory_space<vmem>>, vector<16xi32>,
      %parallel_loop3A_387 = tpu.vector_load_idx %arg5[%parallel_loop3A_326] : memref<32768xf32, #tpu.memory_space<vmem>>[vector<16xi32>], vector<16xf32>,
      %parallel_loop3A_388 = tpu.vector_load_idx %arg5[%parallel_loop3A_330] : memref<32768xf32, #tpu.memory_space<vmem>>[vector<16xi32>], vector<16xf32>,
      %parallel_loop3A_389 = tpu.vector_load_idx %arg5[%parallel_loop3A_334] : memref<32768xf32, #tpu.memory_space<vmem>>[vector<16xi32>], vector<16xf32>,
      %parallel_loop3A_390 = tpu.vector_load_idx %arg5[%parallel_loop3A_338] : memref<32768xf32, #tpu.memory_space<vmem>>[vector<16xi32>], vector<16xf32>,
      %parallel_loop3A_391 = tpu.vector_load_idx %arg5[%parallel_loop3A_342] : memref<32768xf32, #tpu.memory_space<vmem>>[vector<16xi32>], vector<16xf32>,
      %parallel_loop3A_392 = tpu.vector_load_idx %arg5[%parallel_loop3A_346] : memref<32768xf32, #tpu.memory_space<vmem>>[vector<16xi32>], vector<16xf32>,
      %parallel_loop3A_393 = tpu.vector_load_idx %arg5[%parallel_loop3A_350] : memref<32768xf32, #tpu.memory_space<vmem>>[vector<16xi32>], vector<16xf32>,
      %parallel_loop3A_394 = tpu.vector_load_idx %arg5[%parallel_loop3A_354] : memref<32768xf32, #tpu.memory_space<vmem>>[vector<16xi32>], vector<16xf32>,
      %parallel_loop3A_395 = tpu.vector_load_idx %arg5[%parallel_loop3A_358] : memref<32768xf32, #tpu.memory_space<vmem>>[vector<16xi32>], vector<16xf32>,
      %parallel_loop3A_396 = tpu.vector_load_idx %arg5[%parallel_loop3A_362] : memref<32768xf32, #tpu.memory_space<vmem>>[vector<16xi32>], vector<16xf32>,
      %parallel_loop3A_397 = tpu.vector_load_idx %arg5[%parallel_loop3A_366] : memref<32768xf32, #tpu.memory_space<vmem>>[vector<16xi32>], vector<16xf32>,
      %parallel_loop3A_398 = tpu.vector_load_idx %arg5[%parallel_loop3A_370] : memref<32768xf32, #tpu.memory_space<vmem>>[vector<16xi32>], vector<16xf32>,
      %parallel_loop3A_399 = tpu.vector_load_idx %arg5[%parallel_loop3A_374] : memref<32768xf32, #tpu.memory_space<vmem>>[vector<16xi32>], vector<16xf32>,
      %parallel_loop3A_400 = tpu.vector_load_idx %arg5[%parallel_loop3A_378] : memref<32768xf32, #tpu.memory_space<vmem>>[vector<16xi32>], vector<16xf32>,
      %parallel_loop3A_401 = tpu.vector_load_idx %arg5[%parallel_loop3A_382] : memref<32768xf32, #tpu.memory_space<vmem>>[vector<16xi32>], vector<16xf32>,
      %parallel_loop3A_402 = tpu.vector_load_idx %arg5[%parallel_loop3A_386] : memref<32768xf32, #tpu.memory_space<vmem>>[vector<16xi32>], vector<16xf32>,
      %parallel_loop3A_403 = arith.cmpf oge, %parallel_loop3A_387, %parallel_loop3A_388 : vector<16xf32>
      %parallel_loop3A_404 = arith.select %parallel_loop3A_403, %parallel_loop3A_387, %parallel_loop3A_388 : vector<16xi1>, vector<16xf32>
      %parallel_loop3A_405 = arith.constant 0 : i32
      %parallel_loop3A_406 = arith.constant 1 : i32
      %parallel_loop3A_407 = vector.broadcast %parallel_loop3A_405 : i32 to vector<16xi32>
      %parallel_loop3A_408 = vector.broadcast %parallel_loop3A_406 : i32 to vector<16xi32>
      %parallel_loop3A_409 = arith.select %parallel_loop3A_403, %parallel_loop3A_407, %parallel_loop3A_408 : vector<16xi1>, vector<16xi32>
      %parallel_loop3A_410 = arith.cmpf oge, %parallel_loop3A_389, %parallel_loop3A_390 : vector<16xf32>
      %parallel_loop3A_411 = arith.select %parallel_loop3A_410, %parallel_loop3A_389, %parallel_loop3A_390 : vector<16xi1>, vector<16xf32>
      %parallel_loop3A_412 = arith.constant 2 : i32
      %parallel_loop3A_413 = arith.constant 3 : i32
      %parallel_loop3A_414 = vector.broadcast %parallel_loop3A_412 : i32 to vector<16xi32>
      %parallel_loop3A_415 = vector.broadcast %parallel_loop3A_413 : i32 to vector<16xi32>
      %parallel_loop3A_416 = arith.select %parallel_loop3A_410, %parallel_loop3A_414, %parallel_loop3A_415 : vector<16xi1>, vector<16xi32>
      %parallel_loop3A_417 = arith.cmpf oge, %parallel_loop3A_391, %parallel_loop3A_392 : vector<16xf32>
      %parallel_loop3A_418 = arith.select %parallel_loop3A_417, %parallel_loop3A_391, %parallel_loop3A_392 : vector<16xi1>, vector<16xf32>
      %parallel_loop3A_419 = arith.constant 4 : i32
      %parallel_loop3A_420 = arith.constant 5 : i32
      %parallel_loop3A_421 = vector.broadcast %parallel_loop3A_419 : i32 to vector<16xi32>
      %parallel_loop3A_422 = vector.broadcast %parallel_loop3A_420 : i32 to vector<16xi32>
      %parallel_loop3A_423 = arith.select %parallel_loop3A_417, %parallel_loop3A_421, %parallel_loop3A_422 : vector<16xi1>, vector<16xi32>
      %parallel_loop3A_424 = arith.cmpf oge, %parallel_loop3A_393, %parallel_loop3A_394 : vector<16xf32>
      %parallel_loop3A_425 = arith.select %parallel_loop3A_424, %parallel_loop3A_393, %parallel_loop3A_394 : vector<16xi1>, vector<16xf32>
      %parallel_loop3A_426 = arith.constant 6 : i32
      %parallel_loop3A_427 = arith.constant 7 : i32
      %parallel_loop3A_428 = vector.broadcast %parallel_loop3A_426 : i32 to vector<16xi32>
      %parallel_loop3A_429 = vector.broadcast %parallel_loop3A_427 : i32 to vector<16xi32>
      %parallel_loop3A_430 = arith.select %parallel_loop3A_424, %parallel_loop3A_428, %parallel_loop3A_429 : vector<16xi1>, vector<16xi32>
      %parallel_loop3A_431 = arith.cmpf oge, %parallel_loop3A_395, %parallel_loop3A_396 : vector<16xf32>
      %parallel_loop3A_432 = arith.select %parallel_loop3A_431, %parallel_loop3A_395, %parallel_loop3A_396 : vector<16xi1>, vector<16xf32>
      %parallel_loop3A_433 = arith.constant 8 : i32
      %parallel_loop3A_434 = arith.constant 9 : i32
      %parallel_loop3A_435 = vector.broadcast %parallel_loop3A_433 : i32 to vector<16xi32>
      %parallel_loop3A_436 = vector.broadcast %parallel_loop3A_434 : i32 to vector<16xi32>
      %parallel_loop3A_437 = arith.select %parallel_loop3A_431, %parallel_loop3A_435, %parallel_loop3A_436 : vector<16xi1>, vector<16xi32>
      %parallel_loop3A_438 = arith.cmpf oge, %parallel_loop3A_397, %parallel_loop3A_398 : vector<16xf32>
      %parallel_loop3A_439 = arith.select %parallel_loop3A_438, %parallel_loop3A_397, %parallel_loop3A_398 : vector<16xi1>, vector<16xf32>
      %parallel_loop3A_440 = arith.constant 10 : i32
      %parallel_loop3A_441 = arith.constant 11 : i32
      %parallel_loop3A_442 = vector.broadcast %parallel_loop3A_440 : i32 to vector<16xi32>
      %parallel_loop3A_443 = vector.broadcast %parallel_loop3A_441 : i32 to vector<16xi32>
      %parallel_loop3A_444 = arith.select %parallel_loop3A_438, %parallel_loop3A_442, %parallel_loop3A_443 : vector<16xi1>, vector<16xi32>
      %parallel_loop3A_445 = arith.cmpf oge, %parallel_loop3A_399, %parallel_loop3A_400 : vector<16xf32>
      %parallel_loop3A_446 = arith.select %parallel_loop3A_445, %parallel_loop3A_399, %parallel_loop3A_400 : vector<16xi1>, vector<16xf32>
      %parallel_loop3A_447 = arith.constant 12 : i32
      %parallel_loop3A_448 = arith.constant 13 : i32
      %parallel_loop3A_449 = vector.broadcast %parallel_loop3A_447 : i32 to vector<16xi32>
      %parallel_loop3A_450 = vector.broadcast %parallel_loop3A_448 : i32 to vector<16xi32>
      %parallel_loop3A_451 = arith.select %parallel_loop3A_445, %parallel_loop3A_449, %parallel_loop3A_450 : vector<16xi1>, vector<16xi32>
      %parallel_loop3A_452 = arith.cmpf oge, %parallel_loop3A_401, %parallel_loop3A_402 : vector<16xf32>
      %parallel_loop3A_453 = arith.select %parallel_loop3A_452, %parallel_loop3A_401, %parallel_loop3A_402 : vector<16xi1>, vector<16xf32>
      %parallel_loop3A_454 = arith.constant 14 : i32
      %parallel_loop3A_455 = arith.constant 15 : i32
      %parallel_loop3A_456 = vector.broadcast %parallel_loop3A_454 : i32 to vector<16xi32>
      %parallel_loop3A_457 = vector.broadcast %parallel_loop3A_455 : i32 to vector<16xi32>
      %parallel_loop3A_458 = arith.select %parallel_loop3A_452, %parallel_loop3A_456, %parallel_loop3A_457 : vector<16xi1>, vector<16xi32>
      %parallel_loop3A_459 = arith.cmpf oge, %parallel_loop3A_404, %parallel_loop3A_411 : vector<16xf32>
      %parallel_loop3A_460 = arith.select %parallel_loop3A_459, %parallel_loop3A_404, %parallel_loop3A_411 : vector<16xi1>, vector<16xf32>
      %parallel_loop3A_461 = arith.select %parallel_loop3A_459, %parallel_loop3A_409, %parallel_loop3A_416 : vector<16xi1>, vector<16xi32>
      %parallel_loop3A_462 = arith.cmpf oge, %parallel_loop3A_418, %parallel_loop3A_425 : vector<16xf32>
      %parallel_loop3A_463 = arith.select %parallel_loop3A_462, %parallel_loop3A_418, %parallel_loop3A_425 : vector<16xi1>, vector<16xf32>
      %parallel_loop3A_464 = arith.select %parallel_loop3A_462, %parallel_loop3A_423, %parallel_loop3A_430 : vector<16xi1>, vector<16xi32>
      %parallel_loop3A_465 = arith.cmpf oge, %parallel_loop3A_432, %parallel_loop3A_439 : vector<16xf32>
      %parallel_loop3A_466 = arith.select %parallel_loop3A_465, %parallel_loop3A_432, %parallel_loop3A_439 : vector<16xi1>, vector<16xf32>
      %parallel_loop3A_467 = arith.select %parallel_loop3A_465, %parallel_loop3A_437, %parallel_loop3A_444 : vector<16xi1>, vector<16xi32>
      %parallel_loop3A_468 = arith.cmpf oge, %parallel_loop3A_446, %parallel_loop3A_453 : vector<16xf32>
      %parallel_loop3A_469 = arith.select %parallel_loop3A_468, %parallel_loop3A_446, %parallel_loop3A_453 : vector<16xi1>, vector<16xf32>
      %parallel_loop3A_470 = arith.select %parallel_loop3A_468, %parallel_loop3A_451, %parallel_loop3A_458 : vector<16xi1>, vector<16xi32>
      %parallel_loop3A_471 = arith.cmpf oge, %parallel_loop3A_460, %parallel_loop3A_463 : vector<16xf32>
      %parallel_loop3A_472 = arith.select %parallel_loop3A_471, %parallel_loop3A_460, %parallel_loop3A_463 : vector<16xi1>, vector<16xf32>
      %parallel_loop3A_473 = arith.select %parallel_loop3A_471, %parallel_loop3A_461, %parallel_loop3A_464 : vector<16xi1>, vector<16xi32>
      %parallel_loop3A_474 = arith.cmpf oge, %parallel_loop3A_466, %parallel_loop3A_469 : vector<16xf32>
      %parallel_loop3A_475 = arith.select %parallel_loop3A_474, %parallel_loop3A_466, %parallel_loop3A_469 : vector<16xi1>, vector<16xf32>
      %parallel_loop3A_476 = arith.select %parallel_loop3A_474, %parallel_loop3A_467, %parallel_loop3A_470 : vector<16xi1>, vector<16xi32>
      %parallel_loop3A_477 = arith.cmpf oge, %parallel_loop3A_472, %parallel_loop3A_475 : vector<16xf32>
      %parallel_loop3A_478 = arith.select %parallel_loop3A_477, %parallel_loop3A_472, %parallel_loop3A_475 : vector<16xi1>, vector<16xf32>
      %parallel_loop3A_479 = arith.select %parallel_loop3A_477, %parallel_loop3A_473, %parallel_loop3A_476 : vector<16xi1>, vector<16xi32>
      %parallel_loop3A_480 = arith.constant 0 : i32
      %parallel_loop3A_481 = vector.broadcast %parallel_loop3A_480 : i32 to vector<16xi32>
      %parallel_loop3A_482 = arith.cmpi ne, %parallel_loop3A_479, %parallel_loop3A_481 : vector<16xi32>
      tpu.vector_store_idx %arg6[%parallel_loop3A_326], %broadcast_in_dim3A_21 masked %parallel_loop3A_482 {add = true} : memref<32768xi32, #tpu.memory_space<vmem>>[vector<16xi32>], vector<16xi32>, vector<16xi1>
      %parallel_loop3A_483 = arith.constant 1 : i32
      %parallel_loop3A_484 = vector.broadcast %parallel_loop3A_483 : i32 to vector<16xi32>
      %parallel_loop3A_485 = arith.cmpi ne, %parallel_loop3A_479, %parallel_loop3A_484 : vector<16xi32>
      tpu.vector_store_idx %arg6[%parallel_loop3A_330], %broadcast_in_dim3A_21 masked %parallel_loop3A_485 {add = true} : memref<32768xi32, #tpu.memory_space<vmem>>[vector<16xi32>], vector<16xi32>, vector<16xi1>
      %parallel_loop3A_486 = arith.constant 2 : i32
      %parallel_loop3A_487 = vector.broadcast %parallel_loop3A_486 : i32 to vector<16xi32>
      %parallel_loop3A_488 = arith.cmpi ne, %parallel_loop3A_479, %parallel_loop3A_487 : vector<16xi32>
      tpu.vector_store_idx %arg6[%parallel_loop3A_334], %broadcast_in_dim3A_21 masked %parallel_loop3A_488 {add = true} : memref<32768xi32, #tpu.memory_space<vmem>>[vector<16xi32>], vector<16xi32>, vector<16xi1>
      %parallel_loop3A_489 = arith.constant 3 : i32
      %parallel_loop3A_490 = vector.broadcast %parallel_loop3A_489 : i32 to vector<16xi32>
      %parallel_loop3A_491 = arith.cmpi ne, %parallel_loop3A_479, %parallel_loop3A_490 : vector<16xi32>
      tpu.vector_store_idx %arg6[%parallel_loop3A_338], %broadcast_in_dim3A_21 masked %parallel_loop3A_491 {add = true} : memref<32768xi32, #tpu.memory_space<vmem>>[vector<16xi32>], vector<16xi32>, vector<16xi1>
      %parallel_loop3A_492 = arith.constant 4 : i32
      %parallel_loop3A_493 = vector.broadcast %parallel_loop3A_492 : i32 to vector<16xi32>
      %parallel_loop3A_494 = arith.cmpi ne, %parallel_loop3A_479, %parallel_loop3A_493 : vector<16xi32>
      tpu.vector_store_idx %arg6[%parallel_loop3A_342], %broadcast_in_dim3A_21 masked %parallel_loop3A_494 {add = true} : memref<32768xi32, #tpu.memory_space<vmem>>[vector<16xi32>], vector<16xi32>, vector<16xi1>
      %parallel_loop3A_495 = arith.constant 5 : i32
      %parallel_loop3A_496 = vector.broadcast %parallel_loop3A_495 : i32 to vector<16xi32>
      %parallel_loop3A_497 = arith.cmpi ne, %parallel_loop3A_479, %parallel_loop3A_496 : vector<16xi32>
      tpu.vector_store_idx %arg6[%parallel_loop3A_346], %broadcast_in_dim3A_21 masked %parallel_loop3A_497 {add = true} : memref<32768xi32, #tpu.memory_space<vmem>>[vector<16xi32>], vector<16xi32>, vector<16xi1>
      %parallel_loop3A_498 = arith.constant 6 : i32
      %parallel_loop3A_499 = vector.broadcast %parallel_loop3A_498 : i32 to vector<16xi32>
      %parallel_loop3A_500 = arith.cmpi ne, %parallel_loop3A_479, %parallel_loop3A_499 : vector<16xi32>
      tpu.vector_store_idx %arg6[%parallel_loop3A_350], %broadcast_in_dim3A_21 masked %parallel_loop3A_500 {add = true} : memref<32768xi32, #tpu.memory_space<vmem>>[vector<16xi32>], vector<16xi32>, vector<16xi1>
      %parallel_loop3A_501 = arith.constant 7 : i32
      %parallel_loop3A_502 = vector.broadcast %parallel_loop3A_501 : i32 to vector<16xi32>
      %parallel_loop3A_503 = arith.cmpi ne, %parallel_loop3A_479, %parallel_loop3A_502 : vector<16xi32>
      tpu.vector_store_idx %arg6[%parallel_loop3A_354], %broadcast_in_dim3A_21 masked %parallel_loop3A_503 {add = true} : memref<32768xi32, #tpu.memory_space<vmem>>[vector<16xi32>], vector<16xi32>, vector<16xi1>
      %parallel_loop3A_504 = arith.constant 8 : i32
      %parallel_loop3A_505 = vector.broadcast %parallel_loop3A_504 : i32 to vector<16xi32>
      %parallel_loop3A_506 = arith.cmpi ne, %parallel_loop3A_479, %parallel_loop3A_505 : vector<16xi32>
      tpu.vector_store_idx %arg6[%parallel_loop3A_358], %broadcast_in_dim3A_21 masked %parallel_loop3A_506 {add = true} : memref<32768xi32, #tpu.memory_space<vmem>>[vector<16xi32>], vector<16xi32>, vector<16xi1>
      %parallel_loop3A_507 = arith.constant 9 : i32
      %parallel_loop3A_508 = vector.broadcast %parallel_loop3A_507 : i32 to vector<16xi32>
      %parallel_loop3A_509 = arith.cmpi ne, %parallel_loop3A_479, %parallel_loop3A_508 : vector<16xi32>
      tpu.vector_store_idx %arg6[%parallel_loop3A_362], %broadcast_in_dim3A_21 masked %parallel_loop3A_509 {add = true} : memref<32768xi32, #tpu.memory_space<vmem>>[vector<16xi32>], vector<16xi32>, vector<16xi1>
      %parallel_loop3A_510 = arith.constant 10 : i32
      %parallel_loop3A_511 = vector.broadcast %parallel_loop3A_510 : i32 to vector<16xi32>
      %parallel_loop3A_512 = arith.cmpi ne, %parallel_loop3A_479, %parallel_loop3A_511 : vector<16xi32>
      tpu.vector_store_idx %arg6[%parallel_loop3A_366], %broadcast_in_dim3A_21 masked %parallel_loop3A_512 {add = true} : memref<32768xi32, #tpu.memory_space<vmem>>[vector<16xi32>], vector<16xi32>, vector<16xi1>
      %parallel_loop3A_513 = arith.constant 11 : i32
      %parallel_loop3A_514 = vector.broadcast %parallel_loop3A_513 : i32 to vector<16xi32>
      %parallel_loop3A_515 = arith.cmpi ne, %parallel_loop3A_479, %parallel_loop3A_514 : vector<16xi32>
      tpu.vector_store_idx %arg6[%parallel_loop3A_370], %broadcast_in_dim3A_21 masked %parallel_loop3A_515 {add = true} : memref<32768xi32, #tpu.memory_space<vmem>>[vector<16xi32>], vector<16xi32>, vector<16xi1>
      %parallel_loop3A_516 = arith.constant 12 : i32
      %parallel_loop3A_517 = vector.broadcast %parallel_loop3A_516 : i32 to vector<16xi32>
      %parallel_loop3A_518 = arith.cmpi ne, %parallel_loop3A_479, %parallel_loop3A_517 : vector<16xi32>
      tpu.vector_store_idx %arg6[%parallel_loop3A_374], %broadcast_in_dim3A_21 masked %parallel_loop3A_518 {add = true} : memref<32768xi32, #tpu.memory_space<vmem>>[vector<16xi32>], vector<16xi32>, vector<16xi1>
      %parallel_loop3A_519 = arith.constant 13 : i32
      %parallel_loop3A_520 = vector.broadcast %parallel_loop3A_519 : i32 to vector<16xi32>
      %parallel_loop3A_521 = arith.cmpi ne, %parallel_loop3A_479, %parallel_loop3A_520 : vector<16xi32>
      tpu.vector_store_idx %arg6[%parallel_loop3A_378], %broadcast_in_dim3A_21 masked %parallel_loop3A_521 {add = true} : memref<32768xi32, #tpu.memory_space<vmem>>[vector<16xi32>], vector<16xi32>, vector<16xi1>
      %parallel_loop3A_522 = arith.constant 14 : i32
      %parallel_loop3A_523 = vector.broadcast %parallel_loop3A_522 : i32 to vector<16xi32>
      %parallel_loop3A_524 = arith.cmpi ne, %parallel_loop3A_479, %parallel_loop3A_523 : vector<16xi32>
      tpu.vector_store_idx %arg6[%parallel_loop3A_382], %broadcast_in_dim3A_21 masked %parallel_loop3A_524 {add = true} : memref<32768xi32, #tpu.memory_space<vmem>>[vector<16xi32>], vector<16xi32>, vector<16xi1>
      %parallel_loop3A_525 = arith.constant 15 : i32
      %parallel_loop3A_526 = vector.broadcast %parallel_loop3A_525 : i32 to vector<16xi32>
      %parallel_loop3A_527 = arith.cmpi ne, %parallel_loop3A_479, %parallel_loop3A_526 : vector<16xi32>
      tpu.vector_store_idx %arg6[%parallel_loop3A_386], %broadcast_in_dim3A_21 masked %parallel_loop3A_527 {add = true} : memref<32768xi32, #tpu.memory_space<vmem>>[vector<16xi32>], vector<16xi32>, vector<16xi1>
    } {sc.loop_unroll_factor = 1 : i64, sc.parallel_access}
    %dma_wait3A_112 = arith.constant 0 : i32
    %dma_wait3A_113 = arith.constant 6144 : i32
    %dma_wait3A_114 = tpu.memref_slice %arg3[%dma_wait3A_112, %dma_wait3A_113] : memref<16x8192xi32, #tpu.memory_space<hbm>> -> memref<16x1024xi32, #tpu.memory_space<hbm>>
    %dma_wait3A_115 = arith.constant 0 : i32
    %dma_wait3A_116 = arith.constant 6144 : i32
    %dma_wait3A_117 = tpu.memref_slice %arg3[%dma_wait3A_115, %dma_wait3A_116] : memref<16x8192xi32, #tpu.memory_space<hbm>> -> memref<16x1024xi32, #tpu.memory_space<hbm>>
    tpu.wait_dma2 semaphore(%arg9 : memref<!tpu.dma_semaphore, #tpu.memory_space<semaphore_mem>>) src(%dma_wait3A_117 : memref<16x1024xi32, #tpu.memory_space<hbm>>) dst(%arg7 : memref<16x1024xi32, #tpu.memory_space<vmem>>)
    %dma_start3A_118 = arith.constant 0 : i32
    %dma_start3A_119 = arith.constant 7168 : i32
    %dma_start3A_120 = tpu.memref_slice %arg3[%dma_start3A_118, %dma_start3A_119] : memref<16x8192xi32, #tpu.memory_space<hbm>> -> memref<16x1024xi32, #tpu.memory_space<hbm>>
    %dma_start3A_121 = arith.constant 0 : i32
    %dma_start3A_122 = arith.constant 7168 : i32
    %dma_start3A_123 = tpu.memref_slice %arg3[%dma_start3A_121, %dma_start3A_122] : memref<16x8192xi32, #tpu.memory_space<hbm>> -> memref<16x1024xi32, #tpu.memory_space<hbm>>
    tpu.enqueue_dma source(%dma_start3A_123 : memref<16x1024xi32, #tpu.memory_space<hbm>>) target(%arg8 : memref<16x1024xi32, #tpu.memory_space<vmem>>) target_semaphore(%arg10 : memref<!tpu.dma_semaphore, #tpu.memory_space<semaphore_mem>>)
    %parallel_loop3A_124 = arith.constant 0 : i32
    %parallel_loop3A_125 = arith.constant 64 : i32
    %parallel_loop3A_126 = arith.constant 1 : i32
    scf.for %parallel_loop3A_320 = %parallel_loop3A_124 to %parallel_loop3A_125 step %parallel_loop3A_126  : i32 {
      %parallel_loop3A_321 = arith.constant 16 : i32
      %parallel_loop3A_322 = arith.muli %parallel_loop3A_320, %parallel_loop3A_321 : i32
      %parallel_loop3A_323 = arith.constant 0 : i32
      %parallel_loop3A_324 = arith.index_cast %parallel_loop3A_323 : i32 to index
      %parallel_loop3A_325 = arith.index_cast %parallel_loop3A_322 : i32 to index
      %parallel_loop3A_326 = tpu.vector_load %arg7[%parallel_loop3A_324, %parallel_loop3A_325] {strides = array<i32>} : memref<16x1024xi32, #tpu.memory_space<vmem>>, vector<16xi32>,
      %parallel_loop3A_327 = arith.constant 1 : i32
      %parallel_loop3A_328 = arith.index_cast %parallel_loop3A_327 : i32 to index
      %parallel_loop3A_329 = arith.index_cast %parallel_loop3A_322 : i32 to index
      %parallel_loop3A_330 = tpu.vector_load %arg7[%parallel_loop3A_328, %parallel_loop3A_329] {strides = array<i32>} : memref<16x1024xi32, #tpu.memory_space<vmem>>, vector<16xi32>,
      %parallel_loop3A_331 = arith.constant 2 : i32
      %parallel_loop3A_332 = arith.index_cast %parallel_loop3A_331 : i32 to index
      %parallel_loop3A_333 = arith.index_cast %parallel_loop3A_322 : i32 to index
      %parallel_loop3A_334 = tpu.vector_load %arg7[%parallel_loop3A_332, %parallel_loop3A_333] {strides = array<i32>} : memref<16x1024xi32, #tpu.memory_space<vmem>>, vector<16xi32>,
      %parallel_loop3A_335 = arith.constant 3 : i32
      %parallel_loop3A_336 = arith.index_cast %parallel_loop3A_335 : i32 to index
      %parallel_loop3A_337 = arith.index_cast %parallel_loop3A_322 : i32 to index
      %parallel_loop3A_338 = tpu.vector_load %arg7[%parallel_loop3A_336, %parallel_loop3A_337] {strides = array<i32>} : memref<16x1024xi32, #tpu.memory_space<vmem>>, vector<16xi32>,
      %parallel_loop3A_339 = arith.constant 4 : i32
      %parallel_loop3A_340 = arith.index_cast %parallel_loop3A_339 : i32 to index
      %parallel_loop3A_341 = arith.index_cast %parallel_loop3A_322 : i32 to index
      %parallel_loop3A_342 = tpu.vector_load %arg7[%parallel_loop3A_340, %parallel_loop3A_341] {strides = array<i32>} : memref<16x1024xi32, #tpu.memory_space<vmem>>, vector<16xi32>,
      %parallel_loop3A_343 = arith.constant 5 : i32
      %parallel_loop3A_344 = arith.index_cast %parallel_loop3A_343 : i32 to index
      %parallel_loop3A_345 = arith.index_cast %parallel_loop3A_322 : i32 to index
      %parallel_loop3A_346 = tpu.vector_load %arg7[%parallel_loop3A_344, %parallel_loop3A_345] {strides = array<i32>} : memref<16x1024xi32, #tpu.memory_space<vmem>>, vector<16xi32>,
      %parallel_loop3A_347 = arith.constant 6 : i32
      %parallel_loop3A_348 = arith.index_cast %parallel_loop3A_347 : i32 to index
      %parallel_loop3A_349 = arith.index_cast %parallel_loop3A_322 : i32 to index
      %parallel_loop3A_350 = tpu.vector_load %arg7[%parallel_loop3A_348, %parallel_loop3A_349] {strides = array<i32>} : memref<16x1024xi32, #tpu.memory_space<vmem>>, vector<16xi32>,
      %parallel_loop3A_351 = arith.constant 7 : i32
      %parallel_loop3A_352 = arith.index_cast %parallel_loop3A_351 : i32 to index
      %parallel_loop3A_353 = arith.index_cast %parallel_loop3A_322 : i32 to index
      %parallel_loop3A_354 = tpu.vector_load %arg7[%parallel_loop3A_352, %parallel_loop3A_353] {strides = array<i32>} : memref<16x1024xi32, #tpu.memory_space<vmem>>, vector<16xi32>,
      %parallel_loop3A_355 = arith.constant 8 : i32
      %parallel_loop3A_356 = arith.index_cast %parallel_loop3A_355 : i32 to index
      %parallel_loop3A_357 = arith.index_cast %parallel_loop3A_322 : i32 to index
      %parallel_loop3A_358 = tpu.vector_load %arg7[%parallel_loop3A_356, %parallel_loop3A_357] {strides = array<i32>} : memref<16x1024xi32, #tpu.memory_space<vmem>>, vector<16xi32>,
      %parallel_loop3A_359 = arith.constant 9 : i32
      %parallel_loop3A_360 = arith.index_cast %parallel_loop3A_359 : i32 to index
      %parallel_loop3A_361 = arith.index_cast %parallel_loop3A_322 : i32 to index
      %parallel_loop3A_362 = tpu.vector_load %arg7[%parallel_loop3A_360, %parallel_loop3A_361] {strides = array<i32>} : memref<16x1024xi32, #tpu.memory_space<vmem>>, vector<16xi32>,
      %parallel_loop3A_363 = arith.constant 10 : i32
      %parallel_loop3A_364 = arith.index_cast %parallel_loop3A_363 : i32 to index
      %parallel_loop3A_365 = arith.index_cast %parallel_loop3A_322 : i32 to index
      %parallel_loop3A_366 = tpu.vector_load %arg7[%parallel_loop3A_364, %parallel_loop3A_365] {strides = array<i32>} : memref<16x1024xi32, #tpu.memory_space<vmem>>, vector<16xi32>,
      %parallel_loop3A_367 = arith.constant 11 : i32
      %parallel_loop3A_368 = arith.index_cast %parallel_loop3A_367 : i32 to index
      %parallel_loop3A_369 = arith.index_cast %parallel_loop3A_322 : i32 to index
      %parallel_loop3A_370 = tpu.vector_load %arg7[%parallel_loop3A_368, %parallel_loop3A_369] {strides = array<i32>} : memref<16x1024xi32, #tpu.memory_space<vmem>>, vector<16xi32>,
      %parallel_loop3A_371 = arith.constant 12 : i32
      %parallel_loop3A_372 = arith.index_cast %parallel_loop3A_371 : i32 to index
      %parallel_loop3A_373 = arith.index_cast %parallel_loop3A_322 : i32 to index
      %parallel_loop3A_374 = tpu.vector_load %arg7[%parallel_loop3A_372, %parallel_loop3A_373] {strides = array<i32>} : memref<16x1024xi32, #tpu.memory_space<vmem>>, vector<16xi32>,
      %parallel_loop3A_375 = arith.constant 13 : i32
      %parallel_loop3A_376 = arith.index_cast %parallel_loop3A_375 : i32 to index
      %parallel_loop3A_377 = arith.index_cast %parallel_loop3A_322 : i32 to index
      %parallel_loop3A_378 = tpu.vector_load %arg7[%parallel_loop3A_376, %parallel_loop3A_377] {strides = array<i32>} : memref<16x1024xi32, #tpu.memory_space<vmem>>, vector<16xi32>,
      %parallel_loop3A_379 = arith.constant 14 : i32
      %parallel_loop3A_380 = arith.index_cast %parallel_loop3A_379 : i32 to index
      %parallel_loop3A_381 = arith.index_cast %parallel_loop3A_322 : i32 to index
      %parallel_loop3A_382 = tpu.vector_load %arg7[%parallel_loop3A_380, %parallel_loop3A_381] {strides = array<i32>} : memref<16x1024xi32, #tpu.memory_space<vmem>>, vector<16xi32>,
      %parallel_loop3A_383 = arith.constant 15 : i32
      %parallel_loop3A_384 = arith.index_cast %parallel_loop3A_383 : i32 to index
      %parallel_loop3A_385 = arith.index_cast %parallel_loop3A_322 : i32 to index
      %parallel_loop3A_386 = tpu.vector_load %arg7[%parallel_loop3A_384, %parallel_loop3A_385] {strides = array<i32>} : memref<16x1024xi32, #tpu.memory_space<vmem>>, vector<16xi32>,
      %parallel_loop3A_387 = tpu.vector_load_idx %arg5[%parallel_loop3A_326] : memref<32768xf32, #tpu.memory_space<vmem>>[vector<16xi32>], vector<16xf32>,
      %parallel_loop3A_388 = tpu.vector_load_idx %arg5[%parallel_loop3A_330] : memref<32768xf32, #tpu.memory_space<vmem>>[vector<16xi32>], vector<16xf32>,
      %parallel_loop3A_389 = tpu.vector_load_idx %arg5[%parallel_loop3A_334] : memref<32768xf32, #tpu.memory_space<vmem>>[vector<16xi32>], vector<16xf32>,
      %parallel_loop3A_390 = tpu.vector_load_idx %arg5[%parallel_loop3A_338] : memref<32768xf32, #tpu.memory_space<vmem>>[vector<16xi32>], vector<16xf32>,
      %parallel_loop3A_391 = tpu.vector_load_idx %arg5[%parallel_loop3A_342] : memref<32768xf32, #tpu.memory_space<vmem>>[vector<16xi32>], vector<16xf32>,
      %parallel_loop3A_392 = tpu.vector_load_idx %arg5[%parallel_loop3A_346] : memref<32768xf32, #tpu.memory_space<vmem>>[vector<16xi32>], vector<16xf32>,
      %parallel_loop3A_393 = tpu.vector_load_idx %arg5[%parallel_loop3A_350] : memref<32768xf32, #tpu.memory_space<vmem>>[vector<16xi32>], vector<16xf32>,
      %parallel_loop3A_394 = tpu.vector_load_idx %arg5[%parallel_loop3A_354] : memref<32768xf32, #tpu.memory_space<vmem>>[vector<16xi32>], vector<16xf32>,
      %parallel_loop3A_395 = tpu.vector_load_idx %arg5[%parallel_loop3A_358] : memref<32768xf32, #tpu.memory_space<vmem>>[vector<16xi32>], vector<16xf32>,
      %parallel_loop3A_396 = tpu.vector_load_idx %arg5[%parallel_loop3A_362] : memref<32768xf32, #tpu.memory_space<vmem>>[vector<16xi32>], vector<16xf32>,
      %parallel_loop3A_397 = tpu.vector_load_idx %arg5[%parallel_loop3A_366] : memref<32768xf32, #tpu.memory_space<vmem>>[vector<16xi32>], vector<16xf32>,
      %parallel_loop3A_398 = tpu.vector_load_idx %arg5[%parallel_loop3A_370] : memref<32768xf32, #tpu.memory_space<vmem>>[vector<16xi32>], vector<16xf32>,
      %parallel_loop3A_399 = tpu.vector_load_idx %arg5[%parallel_loop3A_374] : memref<32768xf32, #tpu.memory_space<vmem>>[vector<16xi32>], vector<16xf32>,
      %parallel_loop3A_400 = tpu.vector_load_idx %arg5[%parallel_loop3A_378] : memref<32768xf32, #tpu.memory_space<vmem>>[vector<16xi32>], vector<16xf32>,
      %parallel_loop3A_401 = tpu.vector_load_idx %arg5[%parallel_loop3A_382] : memref<32768xf32, #tpu.memory_space<vmem>>[vector<16xi32>], vector<16xf32>,
      %parallel_loop3A_402 = tpu.vector_load_idx %arg5[%parallel_loop3A_386] : memref<32768xf32, #tpu.memory_space<vmem>>[vector<16xi32>], vector<16xf32>,
      %parallel_loop3A_403 = arith.cmpf oge, %parallel_loop3A_387, %parallel_loop3A_388 : vector<16xf32>
      %parallel_loop3A_404 = arith.select %parallel_loop3A_403, %parallel_loop3A_387, %parallel_loop3A_388 : vector<16xi1>, vector<16xf32>
      %parallel_loop3A_405 = arith.constant 0 : i32
      %parallel_loop3A_406 = arith.constant 1 : i32
      %parallel_loop3A_407 = vector.broadcast %parallel_loop3A_405 : i32 to vector<16xi32>
      %parallel_loop3A_408 = vector.broadcast %parallel_loop3A_406 : i32 to vector<16xi32>
      %parallel_loop3A_409 = arith.select %parallel_loop3A_403, %parallel_loop3A_407, %parallel_loop3A_408 : vector<16xi1>, vector<16xi32>
      %parallel_loop3A_410 = arith.cmpf oge, %parallel_loop3A_389, %parallel_loop3A_390 : vector<16xf32>
      %parallel_loop3A_411 = arith.select %parallel_loop3A_410, %parallel_loop3A_389, %parallel_loop3A_390 : vector<16xi1>, vector<16xf32>
      %parallel_loop3A_412 = arith.constant 2 : i32
      %parallel_loop3A_413 = arith.constant 3 : i32
      %parallel_loop3A_414 = vector.broadcast %parallel_loop3A_412 : i32 to vector<16xi32>
      %parallel_loop3A_415 = vector.broadcast %parallel_loop3A_413 : i32 to vector<16xi32>
      %parallel_loop3A_416 = arith.select %parallel_loop3A_410, %parallel_loop3A_414, %parallel_loop3A_415 : vector<16xi1>, vector<16xi32>
      %parallel_loop3A_417 = arith.cmpf oge, %parallel_loop3A_391, %parallel_loop3A_392 : vector<16xf32>
      %parallel_loop3A_418 = arith.select %parallel_loop3A_417, %parallel_loop3A_391, %parallel_loop3A_392 : vector<16xi1>, vector<16xf32>
      %parallel_loop3A_419 = arith.constant 4 : i32
      %parallel_loop3A_420 = arith.constant 5 : i32
      %parallel_loop3A_421 = vector.broadcast %parallel_loop3A_419 : i32 to vector<16xi32>
      %parallel_loop3A_422 = vector.broadcast %parallel_loop3A_420 : i32 to vector<16xi32>
      %parallel_loop3A_423 = arith.select %parallel_loop3A_417, %parallel_loop3A_421, %parallel_loop3A_422 : vector<16xi1>, vector<16xi32>
      %parallel_loop3A_424 = arith.cmpf oge, %parallel_loop3A_393, %parallel_loop3A_394 : vector<16xf32>
      %parallel_loop3A_425 = arith.select %parallel_loop3A_424, %parallel_loop3A_393, %parallel_loop3A_394 : vector<16xi1>, vector<16xf32>
      %parallel_loop3A_426 = arith.constant 6 : i32
      %parallel_loop3A_427 = arith.constant 7 : i32
      %parallel_loop3A_428 = vector.broadcast %parallel_loop3A_426 : i32 to vector<16xi32>
      %parallel_loop3A_429 = vector.broadcast %parallel_loop3A_427 : i32 to vector<16xi32>
      %parallel_loop3A_430 = arith.select %parallel_loop3A_424, %parallel_loop3A_428, %parallel_loop3A_429 : vector<16xi1>, vector<16xi32>
      %parallel_loop3A_431 = arith.cmpf oge, %parallel_loop3A_395, %parallel_loop3A_396 : vector<16xf32>
      %parallel_loop3A_432 = arith.select %parallel_loop3A_431, %parallel_loop3A_395, %parallel_loop3A_396 : vector<16xi1>, vector<16xf32>
      %parallel_loop3A_433 = arith.constant 8 : i32
      %parallel_loop3A_434 = arith.constant 9 : i32
      %parallel_loop3A_435 = vector.broadcast %parallel_loop3A_433 : i32 to vector<16xi32>
      %parallel_loop3A_436 = vector.broadcast %parallel_loop3A_434 : i32 to vector<16xi32>
      %parallel_loop3A_437 = arith.select %parallel_loop3A_431, %parallel_loop3A_435, %parallel_loop3A_436 : vector<16xi1>, vector<16xi32>
      %parallel_loop3A_438 = arith.cmpf oge, %parallel_loop3A_397, %parallel_loop3A_398 : vector<16xf32>
      %parallel_loop3A_439 = arith.select %parallel_loop3A_438, %parallel_loop3A_397, %parallel_loop3A_398 : vector<16xi1>, vector<16xf32>
      %parallel_loop3A_440 = arith.constant 10 : i32
      %parallel_loop3A_441 = arith.constant 11 : i32
      %parallel_loop3A_442 = vector.broadcast %parallel_loop3A_440 : i32 to vector<16xi32>
      %parallel_loop3A_443 = vector.broadcast %parallel_loop3A_441 : i32 to vector<16xi32>
      %parallel_loop3A_444 = arith.select %parallel_loop3A_438, %parallel_loop3A_442, %parallel_loop3A_443 : vector<16xi1>, vector<16xi32>
      %parallel_loop3A_445 = arith.cmpf oge, %parallel_loop3A_399, %parallel_loop3A_400 : vector<16xf32>
      %parallel_loop3A_446 = arith.select %parallel_loop3A_445, %parallel_loop3A_399, %parallel_loop3A_400 : vector<16xi1>, vector<16xf32>
      %parallel_loop3A_447 = arith.constant 12 : i32
      %parallel_loop3A_448 = arith.constant 13 : i32
      %parallel_loop3A_449 = vector.broadcast %parallel_loop3A_447 : i32 to vector<16xi32>
      %parallel_loop3A_450 = vector.broadcast %parallel_loop3A_448 : i32 to vector<16xi32>
      %parallel_loop3A_451 = arith.select %parallel_loop3A_445, %parallel_loop3A_449, %parallel_loop3A_450 : vector<16xi1>, vector<16xi32>
      %parallel_loop3A_452 = arith.cmpf oge, %parallel_loop3A_401, %parallel_loop3A_402 : vector<16xf32>
      %parallel_loop3A_453 = arith.select %parallel_loop3A_452, %parallel_loop3A_401, %parallel_loop3A_402 : vector<16xi1>, vector<16xf32>
      %parallel_loop3A_454 = arith.constant 14 : i32
      %parallel_loop3A_455 = arith.constant 15 : i32
      %parallel_loop3A_456 = vector.broadcast %parallel_loop3A_454 : i32 to vector<16xi32>
      %parallel_loop3A_457 = vector.broadcast %parallel_loop3A_455 : i32 to vector<16xi32>
      %parallel_loop3A_458 = arith.select %parallel_loop3A_452, %parallel_loop3A_456, %parallel_loop3A_457 : vector<16xi1>, vector<16xi32>
      %parallel_loop3A_459 = arith.cmpf oge, %parallel_loop3A_404, %parallel_loop3A_411 : vector<16xf32>
      %parallel_loop3A_460 = arith.select %parallel_loop3A_459, %parallel_loop3A_404, %parallel_loop3A_411 : vector<16xi1>, vector<16xf32>
      %parallel_loop3A_461 = arith.select %parallel_loop3A_459, %parallel_loop3A_409, %parallel_loop3A_416 : vector<16xi1>, vector<16xi32>
      %parallel_loop3A_462 = arith.cmpf oge, %parallel_loop3A_418, %parallel_loop3A_425 : vector<16xf32>
      %parallel_loop3A_463 = arith.select %parallel_loop3A_462, %parallel_loop3A_418, %parallel_loop3A_425 : vector<16xi1>, vector<16xf32>
      %parallel_loop3A_464 = arith.select %parallel_loop3A_462, %parallel_loop3A_423, %parallel_loop3A_430 : vector<16xi1>, vector<16xi32>
      %parallel_loop3A_465 = arith.cmpf oge, %parallel_loop3A_432, %parallel_loop3A_439 : vector<16xf32>
      %parallel_loop3A_466 = arith.select %parallel_loop3A_465, %parallel_loop3A_432, %parallel_loop3A_439 : vector<16xi1>, vector<16xf32>
      %parallel_loop3A_467 = arith.select %parallel_loop3A_465, %parallel_loop3A_437, %parallel_loop3A_444 : vector<16xi1>, vector<16xi32>
      %parallel_loop3A_468 = arith.cmpf oge, %parallel_loop3A_446, %parallel_loop3A_453 : vector<16xf32>
      %parallel_loop3A_469 = arith.select %parallel_loop3A_468, %parallel_loop3A_446, %parallel_loop3A_453 : vector<16xi1>, vector<16xf32>
      %parallel_loop3A_470 = arith.select %parallel_loop3A_468, %parallel_loop3A_451, %parallel_loop3A_458 : vector<16xi1>, vector<16xi32>
      %parallel_loop3A_471 = arith.cmpf oge, %parallel_loop3A_460, %parallel_loop3A_463 : vector<16xf32>
      %parallel_loop3A_472 = arith.select %parallel_loop3A_471, %parallel_loop3A_460, %parallel_loop3A_463 : vector<16xi1>, vector<16xf32>
      %parallel_loop3A_473 = arith.select %parallel_loop3A_471, %parallel_loop3A_461, %parallel_loop3A_464 : vector<16xi1>, vector<16xi32>
      %parallel_loop3A_474 = arith.cmpf oge, %parallel_loop3A_466, %parallel_loop3A_469 : vector<16xf32>
      %parallel_loop3A_475 = arith.select %parallel_loop3A_474, %parallel_loop3A_466, %parallel_loop3A_469 : vector<16xi1>, vector<16xf32>
      %parallel_loop3A_476 = arith.select %parallel_loop3A_474, %parallel_loop3A_467, %parallel_loop3A_470 : vector<16xi1>, vector<16xi32>
      %parallel_loop3A_477 = arith.cmpf oge, %parallel_loop3A_472, %parallel_loop3A_475 : vector<16xf32>
      %parallel_loop3A_478 = arith.select %parallel_loop3A_477, %parallel_loop3A_472, %parallel_loop3A_475 : vector<16xi1>, vector<16xf32>
      %parallel_loop3A_479 = arith.select %parallel_loop3A_477, %parallel_loop3A_473, %parallel_loop3A_476 : vector<16xi1>, vector<16xi32>
      %parallel_loop3A_480 = arith.constant 0 : i32
      %parallel_loop3A_481 = vector.broadcast %parallel_loop3A_480 : i32 to vector<16xi32>
      %parallel_loop3A_482 = arith.cmpi ne, %parallel_loop3A_479, %parallel_loop3A_481 : vector<16xi32>
      tpu.vector_store_idx %arg6[%parallel_loop3A_326], %broadcast_in_dim3A_21 masked %parallel_loop3A_482 {add = true} : memref<32768xi32, #tpu.memory_space<vmem>>[vector<16xi32>], vector<16xi32>, vector<16xi1>
      %parallel_loop3A_483 = arith.constant 1 : i32
      %parallel_loop3A_484 = vector.broadcast %parallel_loop3A_483 : i32 to vector<16xi32>
      %parallel_loop3A_485 = arith.cmpi ne, %parallel_loop3A_479, %parallel_loop3A_484 : vector<16xi32>
      tpu.vector_store_idx %arg6[%parallel_loop3A_330], %broadcast_in_dim3A_21 masked %parallel_loop3A_485 {add = true} : memref<32768xi32, #tpu.memory_space<vmem>>[vector<16xi32>], vector<16xi32>, vector<16xi1>
      %parallel_loop3A_486 = arith.constant 2 : i32
      %parallel_loop3A_487 = vector.broadcast %parallel_loop3A_486 : i32 to vector<16xi32>
      %parallel_loop3A_488 = arith.cmpi ne, %parallel_loop3A_479, %parallel_loop3A_487 : vector<16xi32>
      tpu.vector_store_idx %arg6[%parallel_loop3A_334], %broadcast_in_dim3A_21 masked %parallel_loop3A_488 {add = true} : memref<32768xi32, #tpu.memory_space<vmem>>[vector<16xi32>], vector<16xi32>, vector<16xi1>
      %parallel_loop3A_489 = arith.constant 3 : i32
      %parallel_loop3A_490 = vector.broadcast %parallel_loop3A_489 : i32 to vector<16xi32>
      %parallel_loop3A_491 = arith.cmpi ne, %parallel_loop3A_479, %parallel_loop3A_490 : vector<16xi32>
      tpu.vector_store_idx %arg6[%parallel_loop3A_338], %broadcast_in_dim3A_21 masked %parallel_loop3A_491 {add = true} : memref<32768xi32, #tpu.memory_space<vmem>>[vector<16xi32>], vector<16xi32>, vector<16xi1>
      %parallel_loop3A_492 = arith.constant 4 : i32
      %parallel_loop3A_493 = vector.broadcast %parallel_loop3A_492 : i32 to vector<16xi32>
      %parallel_loop3A_494 = arith.cmpi ne, %parallel_loop3A_479, %parallel_loop3A_493 : vector<16xi32>
      tpu.vector_store_idx %arg6[%parallel_loop3A_342], %broadcast_in_dim3A_21 masked %parallel_loop3A_494 {add = true} : memref<32768xi32, #tpu.memory_space<vmem>>[vector<16xi32>], vector<16xi32>, vector<16xi1>
      %parallel_loop3A_495 = arith.constant 5 : i32
      %parallel_loop3A_496 = vector.broadcast %parallel_loop3A_495 : i32 to vector<16xi32>
      %parallel_loop3A_497 = arith.cmpi ne, %parallel_loop3A_479, %parallel_loop3A_496 : vector<16xi32>
      tpu.vector_store_idx %arg6[%parallel_loop3A_346], %broadcast_in_dim3A_21 masked %parallel_loop3A_497 {add = true} : memref<32768xi32, #tpu.memory_space<vmem>>[vector<16xi32>], vector<16xi32>, vector<16xi1>
      %parallel_loop3A_498 = arith.constant 6 : i32
      %parallel_loop3A_499 = vector.broadcast %parallel_loop3A_498 : i32 to vector<16xi32>
      %parallel_loop3A_500 = arith.cmpi ne, %parallel_loop3A_479, %parallel_loop3A_499 : vector<16xi32>
      tpu.vector_store_idx %arg6[%parallel_loop3A_350], %broadcast_in_dim3A_21 masked %parallel_loop3A_500 {add = true} : memref<32768xi32, #tpu.memory_space<vmem>>[vector<16xi32>], vector<16xi32>, vector<16xi1>
      %parallel_loop3A_501 = arith.constant 7 : i32
      %parallel_loop3A_502 = vector.broadcast %parallel_loop3A_501 : i32 to vector<16xi32>
      %parallel_loop3A_503 = arith.cmpi ne, %parallel_loop3A_479, %parallel_loop3A_502 : vector<16xi32>
      tpu.vector_store_idx %arg6[%parallel_loop3A_354], %broadcast_in_dim3A_21 masked %parallel_loop3A_503 {add = true} : memref<32768xi32, #tpu.memory_space<vmem>>[vector<16xi32>], vector<16xi32>, vector<16xi1>
      %parallel_loop3A_504 = arith.constant 8 : i32
      %parallel_loop3A_505 = vector.broadcast %parallel_loop3A_504 : i32 to vector<16xi32>
      %parallel_loop3A_506 = arith.cmpi ne, %parallel_loop3A_479, %parallel_loop3A_505 : vector<16xi32>
      tpu.vector_store_idx %arg6[%parallel_loop3A_358], %broadcast_in_dim3A_21 masked %parallel_loop3A_506 {add = true} : memref<32768xi32, #tpu.memory_space<vmem>>[vector<16xi32>], vector<16xi32>, vector<16xi1>
      %parallel_loop3A_507 = arith.constant 9 : i32
      %parallel_loop3A_508 = vector.broadcast %parallel_loop3A_507 : i32 to vector<16xi32>
      %parallel_loop3A_509 = arith.cmpi ne, %parallel_loop3A_479, %parallel_loop3A_508 : vector<16xi32>
      tpu.vector_store_idx %arg6[%parallel_loop3A_362], %broadcast_in_dim3A_21 masked %parallel_loop3A_509 {add = true} : memref<32768xi32, #tpu.memory_space<vmem>>[vector<16xi32>], vector<16xi32>, vector<16xi1>
      %parallel_loop3A_510 = arith.constant 10 : i32
      %parallel_loop3A_511 = vector.broadcast %parallel_loop3A_510 : i32 to vector<16xi32>
      %parallel_loop3A_512 = arith.cmpi ne, %parallel_loop3A_479, %parallel_loop3A_511 : vector<16xi32>
      tpu.vector_store_idx %arg6[%parallel_loop3A_366], %broadcast_in_dim3A_21 masked %parallel_loop3A_512 {add = true} : memref<32768xi32, #tpu.memory_space<vmem>>[vector<16xi32>], vector<16xi32>, vector<16xi1>
      %parallel_loop3A_513 = arith.constant 11 : i32
      %parallel_loop3A_514 = vector.broadcast %parallel_loop3A_513 : i32 to vector<16xi32>
      %parallel_loop3A_515 = arith.cmpi ne, %parallel_loop3A_479, %parallel_loop3A_514 : vector<16xi32>
      tpu.vector_store_idx %arg6[%parallel_loop3A_370], %broadcast_in_dim3A_21 masked %parallel_loop3A_515 {add = true} : memref<32768xi32, #tpu.memory_space<vmem>>[vector<16xi32>], vector<16xi32>, vector<16xi1>
      %parallel_loop3A_516 = arith.constant 12 : i32
      %parallel_loop3A_517 = vector.broadcast %parallel_loop3A_516 : i32 to vector<16xi32>
      %parallel_loop3A_518 = arith.cmpi ne, %parallel_loop3A_479, %parallel_loop3A_517 : vector<16xi32>
      tpu.vector_store_idx %arg6[%parallel_loop3A_374], %broadcast_in_dim3A_21 masked %parallel_loop3A_518 {add = true} : memref<32768xi32, #tpu.memory_space<vmem>>[vector<16xi32>], vector<16xi32>, vector<16xi1>
      %parallel_loop3A_519 = arith.constant 13 : i32
      %parallel_loop3A_520 = vector.broadcast %parallel_loop3A_519 : i32 to vector<16xi32>
      %parallel_loop3A_521 = arith.cmpi ne, %parallel_loop3A_479, %parallel_loop3A_520 : vector<16xi32>
      tpu.vector_store_idx %arg6[%parallel_loop3A_378], %broadcast_in_dim3A_21 masked %parallel_loop3A_521 {add = true} : memref<32768xi32, #tpu.memory_space<vmem>>[vector<16xi32>], vector<16xi32>, vector<16xi1>
      %parallel_loop3A_522 = arith.constant 14 : i32
      %parallel_loop3A_523 = vector.broadcast %parallel_loop3A_522 : i32 to vector<16xi32>
      %parallel_loop3A_524 = arith.cmpi ne, %parallel_loop3A_479, %parallel_loop3A_523 : vector<16xi32>
      tpu.vector_store_idx %arg6[%parallel_loop3A_382], %broadcast_in_dim3A_21 masked %parallel_loop3A_524 {add = true} : memref<32768xi32, #tpu.memory_space<vmem>>[vector<16xi32>], vector<16xi32>, vector<16xi1>
      %parallel_loop3A_525 = arith.constant 15 : i32
      %parallel_loop3A_526 = vector.broadcast %parallel_loop3A_525 : i32 to vector<16xi32>
      %parallel_loop3A_527 = arith.cmpi ne, %parallel_loop3A_479, %parallel_loop3A_526 : vector<16xi32>
      tpu.vector_store_idx %arg6[%parallel_loop3A_386], %broadcast_in_dim3A_21 masked %parallel_loop3A_527 {add = true} : memref<32768xi32, #tpu.memory_space<vmem>>[vector<16xi32>], vector<16xi32>, vector<16xi1>
    } {sc.loop_unroll_factor = 1 : i64, sc.parallel_access}
    %dma_wait3A_127 = arith.constant 0 : i32
    %dma_wait3A_128 = arith.constant 7168 : i32
    %dma_wait3A_129 = tpu.memref_slice %arg3[%dma_wait3A_127, %dma_wait3A_128] : memref<16x8192xi32, #tpu.memory_space<hbm>> -> memref<16x1024xi32, #tpu.memory_space<hbm>>
    %dma_wait3A_130 = arith.constant 0 : i32
    %dma_wait3A_131 = arith.constant 7168 : i32
    %dma_wait3A_132 = tpu.memref_slice %arg3[%dma_wait3A_130, %dma_wait3A_131] : memref<16x8192xi32, #tpu.memory_space<hbm>> -> memref<16x1024xi32, #tpu.memory_space<hbm>>
    tpu.wait_dma2 semaphore(%arg10 : memref<!tpu.dma_semaphore, #tpu.memory_space<semaphore_mem>>) src(%dma_wait3A_132 : memref<16x1024xi32, #tpu.memory_space<hbm>>) dst(%arg8 : memref<16x1024xi32, #tpu.memory_space<vmem>>)
    %parallel_loop3A_133 = arith.constant 0 : i32
    %parallel_loop3A_134 = arith.constant 64 : i32
    %parallel_loop3A_135 = arith.constant 1 : i32
    scf.for %parallel_loop3A_320 = %parallel_loop3A_133 to %parallel_loop3A_134 step %parallel_loop3A_135  : i32 {
      %parallel_loop3A_321 = arith.constant 16 : i32
      %parallel_loop3A_322 = arith.muli %parallel_loop3A_320, %parallel_loop3A_321 : i32
      %parallel_loop3A_323 = arith.constant 0 : i32
      %parallel_loop3A_324 = arith.index_cast %parallel_loop3A_323 : i32 to index
      %parallel_loop3A_325 = arith.index_cast %parallel_loop3A_322 : i32 to index
      %parallel_loop3A_326 = tpu.vector_load %arg8[%parallel_loop3A_324, %parallel_loop3A_325] {strides = array<i32>} : memref<16x1024xi32, #tpu.memory_space<vmem>>, vector<16xi32>,
      %parallel_loop3A_327 = arith.constant 1 : i32
      %parallel_loop3A_328 = arith.index_cast %parallel_loop3A_327 : i32 to index
      %parallel_loop3A_329 = arith.index_cast %parallel_loop3A_322 : i32 to index
      %parallel_loop3A_330 = tpu.vector_load %arg8[%parallel_loop3A_328, %parallel_loop3A_329] {strides = array<i32>} : memref<16x1024xi32, #tpu.memory_space<vmem>>, vector<16xi32>,
      %parallel_loop3A_331 = arith.constant 2 : i32
      %parallel_loop3A_332 = arith.index_cast %parallel_loop3A_331 : i32 to index
      %parallel_loop3A_333 = arith.index_cast %parallel_loop3A_322 : i32 to index
      %parallel_loop3A_334 = tpu.vector_load %arg8[%parallel_loop3A_332, %parallel_loop3A_333] {strides = array<i32>} : memref<16x1024xi32, #tpu.memory_space<vmem>>, vector<16xi32>,
      %parallel_loop3A_335 = arith.constant 3 : i32
      %parallel_loop3A_336 = arith.index_cast %parallel_loop3A_335 : i32 to index
      %parallel_loop3A_337 = arith.index_cast %parallel_loop3A_322 : i32 to index
      %parallel_loop3A_338 = tpu.vector_load %arg8[%parallel_loop3A_336, %parallel_loop3A_337] {strides = array<i32>} : memref<16x1024xi32, #tpu.memory_space<vmem>>, vector<16xi32>,
      %parallel_loop3A_339 = arith.constant 4 : i32
      %parallel_loop3A_340 = arith.index_cast %parallel_loop3A_339 : i32 to index
      %parallel_loop3A_341 = arith.index_cast %parallel_loop3A_322 : i32 to index
      %parallel_loop3A_342 = tpu.vector_load %arg8[%parallel_loop3A_340, %parallel_loop3A_341] {strides = array<i32>} : memref<16x1024xi32, #tpu.memory_space<vmem>>, vector<16xi32>,
      %parallel_loop3A_343 = arith.constant 5 : i32
      %parallel_loop3A_344 = arith.index_cast %parallel_loop3A_343 : i32 to index
      %parallel_loop3A_345 = arith.index_cast %parallel_loop3A_322 : i32 to index
      %parallel_loop3A_346 = tpu.vector_load %arg8[%parallel_loop3A_344, %parallel_loop3A_345] {strides = array<i32>} : memref<16x1024xi32, #tpu.memory_space<vmem>>, vector<16xi32>,
      %parallel_loop3A_347 = arith.constant 6 : i32
      %parallel_loop3A_348 = arith.index_cast %parallel_loop3A_347 : i32 to index
      %parallel_loop3A_349 = arith.index_cast %parallel_loop3A_322 : i32 to index
      %parallel_loop3A_350 = tpu.vector_load %arg8[%parallel_loop3A_348, %parallel_loop3A_349] {strides = array<i32>} : memref<16x1024xi32, #tpu.memory_space<vmem>>, vector<16xi32>,
      %parallel_loop3A_351 = arith.constant 7 : i32
      %parallel_loop3A_352 = arith.index_cast %parallel_loop3A_351 : i32 to index
      %parallel_loop3A_353 = arith.index_cast %parallel_loop3A_322 : i32 to index
      %parallel_loop3A_354 = tpu.vector_load %arg8[%parallel_loop3A_352, %parallel_loop3A_353] {strides = array<i32>} : memref<16x1024xi32, #tpu.memory_space<vmem>>, vector<16xi32>,
      %parallel_loop3A_355 = arith.constant 8 : i32
      %parallel_loop3A_356 = arith.index_cast %parallel_loop3A_355 : i32 to index
      %parallel_loop3A_357 = arith.index_cast %parallel_loop3A_322 : i32 to index
      %parallel_loop3A_358 = tpu.vector_load %arg8[%parallel_loop3A_356, %parallel_loop3A_357] {strides = array<i32>} : memref<16x1024xi32, #tpu.memory_space<vmem>>, vector<16xi32>,
      %parallel_loop3A_359 = arith.constant 9 : i32
      %parallel_loop3A_360 = arith.index_cast %parallel_loop3A_359 : i32 to index
      %parallel_loop3A_361 = arith.index_cast %parallel_loop3A_322 : i32 to index
      %parallel_loop3A_362 = tpu.vector_load %arg8[%parallel_loop3A_360, %parallel_loop3A_361] {strides = array<i32>} : memref<16x1024xi32, #tpu.memory_space<vmem>>, vector<16xi32>,
      %parallel_loop3A_363 = arith.constant 10 : i32
      %parallel_loop3A_364 = arith.index_cast %parallel_loop3A_363 : i32 to index
      %parallel_loop3A_365 = arith.index_cast %parallel_loop3A_322 : i32 to index
      %parallel_loop3A_366 = tpu.vector_load %arg8[%parallel_loop3A_364, %parallel_loop3A_365] {strides = array<i32>} : memref<16x1024xi32, #tpu.memory_space<vmem>>, vector<16xi32>,
      %parallel_loop3A_367 = arith.constant 11 : i32
      %parallel_loop3A_368 = arith.index_cast %parallel_loop3A_367 : i32 to index
      %parallel_loop3A_369 = arith.index_cast %parallel_loop3A_322 : i32 to index
      %parallel_loop3A_370 = tpu.vector_load %arg8[%parallel_loop3A_368, %parallel_loop3A_369] {strides = array<i32>} : memref<16x1024xi32, #tpu.memory_space<vmem>>, vector<16xi32>,
      %parallel_loop3A_371 = arith.constant 12 : i32
      %parallel_loop3A_372 = arith.index_cast %parallel_loop3A_371 : i32 to index
      %parallel_loop3A_373 = arith.index_cast %parallel_loop3A_322 : i32 to index
      %parallel_loop3A_374 = tpu.vector_load %arg8[%parallel_loop3A_372, %parallel_loop3A_373] {strides = array<i32>} : memref<16x1024xi32, #tpu.memory_space<vmem>>, vector<16xi32>,
      %parallel_loop3A_375 = arith.constant 13 : i32
      %parallel_loop3A_376 = arith.index_cast %parallel_loop3A_375 : i32 to index
      %parallel_loop3A_377 = arith.index_cast %parallel_loop3A_322 : i32 to index
      %parallel_loop3A_378 = tpu.vector_load %arg8[%parallel_loop3A_376, %parallel_loop3A_377] {strides = array<i32>} : memref<16x1024xi32, #tpu.memory_space<vmem>>, vector<16xi32>,
      %parallel_loop3A_379 = arith.constant 14 : i32
      %parallel_loop3A_380 = arith.index_cast %parallel_loop3A_379 : i32 to index
      %parallel_loop3A_381 = arith.index_cast %parallel_loop3A_322 : i32 to index
      %parallel_loop3A_382 = tpu.vector_load %arg8[%parallel_loop3A_380, %parallel_loop3A_381] {strides = array<i32>} : memref<16x1024xi32, #tpu.memory_space<vmem>>, vector<16xi32>,
      %parallel_loop3A_383 = arith.constant 15 : i32
      %parallel_loop3A_384 = arith.index_cast %parallel_loop3A_383 : i32 to index
      %parallel_loop3A_385 = arith.index_cast %parallel_loop3A_322 : i32 to index
      %parallel_loop3A_386 = tpu.vector_load %arg8[%parallel_loop3A_384, %parallel_loop3A_385] {strides = array<i32>} : memref<16x1024xi32, #tpu.memory_space<vmem>>, vector<16xi32>,
      %parallel_loop3A_387 = tpu.vector_load_idx %arg5[%parallel_loop3A_326] : memref<32768xf32, #tpu.memory_space<vmem>>[vector<16xi32>], vector<16xf32>,
      %parallel_loop3A_388 = tpu.vector_load_idx %arg5[%parallel_loop3A_330] : memref<32768xf32, #tpu.memory_space<vmem>>[vector<16xi32>], vector<16xf32>,
      %parallel_loop3A_389 = tpu.vector_load_idx %arg5[%parallel_loop3A_334] : memref<32768xf32, #tpu.memory_space<vmem>>[vector<16xi32>], vector<16xf32>,
      %parallel_loop3A_390 = tpu.vector_load_idx %arg5[%parallel_loop3A_338] : memref<32768xf32, #tpu.memory_space<vmem>>[vector<16xi32>], vector<16xf32>,
      %parallel_loop3A_391 = tpu.vector_load_idx %arg5[%parallel_loop3A_342] : memref<32768xf32, #tpu.memory_space<vmem>>[vector<16xi32>], vector<16xf32>,
      %parallel_loop3A_392 = tpu.vector_load_idx %arg5[%parallel_loop3A_346] : memref<32768xf32, #tpu.memory_space<vmem>>[vector<16xi32>], vector<16xf32>,
      %parallel_loop3A_393 = tpu.vector_load_idx %arg5[%parallel_loop3A_350] : memref<32768xf32, #tpu.memory_space<vmem>>[vector<16xi32>], vector<16xf32>,
      %parallel_loop3A_394 = tpu.vector_load_idx %arg5[%parallel_loop3A_354] : memref<32768xf32, #tpu.memory_space<vmem>>[vector<16xi32>], vector<16xf32>,
      %parallel_loop3A_395 = tpu.vector_load_idx %arg5[%parallel_loop3A_358] : memref<32768xf32, #tpu.memory_space<vmem>>[vector<16xi32>], vector<16xf32>,
      %parallel_loop3A_396 = tpu.vector_load_idx %arg5[%parallel_loop3A_362] : memref<32768xf32, #tpu.memory_space<vmem>>[vector<16xi32>], vector<16xf32>,
      %parallel_loop3A_397 = tpu.vector_load_idx %arg5[%parallel_loop3A_366] : memref<32768xf32, #tpu.memory_space<vmem>>[vector<16xi32>], vector<16xf32>,
      %parallel_loop3A_398 = tpu.vector_load_idx %arg5[%parallel_loop3A_370] : memref<32768xf32, #tpu.memory_space<vmem>>[vector<16xi32>], vector<16xf32>,
      %parallel_loop3A_399 = tpu.vector_load_idx %arg5[%parallel_loop3A_374] : memref<32768xf32, #tpu.memory_space<vmem>>[vector<16xi32>], vector<16xf32>,
      %parallel_loop3A_400 = tpu.vector_load_idx %arg5[%parallel_loop3A_378] : memref<32768xf32, #tpu.memory_space<vmem>>[vector<16xi32>], vector<16xf32>,
      %parallel_loop3A_401 = tpu.vector_load_idx %arg5[%parallel_loop3A_382] : memref<32768xf32, #tpu.memory_space<vmem>>[vector<16xi32>], vector<16xf32>,
      %parallel_loop3A_402 = tpu.vector_load_idx %arg5[%parallel_loop3A_386] : memref<32768xf32, #tpu.memory_space<vmem>>[vector<16xi32>], vector<16xf32>,
      %parallel_loop3A_403 = arith.cmpf oge, %parallel_loop3A_387, %parallel_loop3A_388 : vector<16xf32>
      %parallel_loop3A_404 = arith.select %parallel_loop3A_403, %parallel_loop3A_387, %parallel_loop3A_388 : vector<16xi1>, vector<16xf32>
      %parallel_loop3A_405 = arith.constant 0 : i32
      %parallel_loop3A_406 = arith.constant 1 : i32
      %parallel_loop3A_407 = vector.broadcast %parallel_loop3A_405 : i32 to vector<16xi32>
      %parallel_loop3A_408 = vector.broadcast %parallel_loop3A_406 : i32 to vector<16xi32>
      %parallel_loop3A_409 = arith.select %parallel_loop3A_403, %parallel_loop3A_407, %parallel_loop3A_408 : vector<16xi1>, vector<16xi32>
      %parallel_loop3A_410 = arith.cmpf oge, %parallel_loop3A_389, %parallel_loop3A_390 : vector<16xf32>
      %parallel_loop3A_411 = arith.select %parallel_loop3A_410, %parallel_loop3A_389, %parallel_loop3A_390 : vector<16xi1>, vector<16xf32>
      %parallel_loop3A_412 = arith.constant 2 : i32
      %parallel_loop3A_413 = arith.constant 3 : i32
      %parallel_loop3A_414 = vector.broadcast %parallel_loop3A_412 : i32 to vector<16xi32>
      %parallel_loop3A_415 = vector.broadcast %parallel_loop3A_413 : i32 to vector<16xi32>
      %parallel_loop3A_416 = arith.select %parallel_loop3A_410, %parallel_loop3A_414, %parallel_loop3A_415 : vector<16xi1>, vector<16xi32>
      %parallel_loop3A_417 = arith.cmpf oge, %parallel_loop3A_391, %parallel_loop3A_392 : vector<16xf32>
      %parallel_loop3A_418 = arith.select %parallel_loop3A_417, %parallel_loop3A_391, %parallel_loop3A_392 : vector<16xi1>, vector<16xf32>
      %parallel_loop3A_419 = arith.constant 4 : i32
      %parallel_loop3A_420 = arith.constant 5 : i32
      %parallel_loop3A_421 = vector.broadcast %parallel_loop3A_419 : i32 to vector<16xi32>
      %parallel_loop3A_422 = vector.broadcast %parallel_loop3A_420 : i32 to vector<16xi32>
      %parallel_loop3A_423 = arith.select %parallel_loop3A_417, %parallel_loop3A_421, %parallel_loop3A_422 : vector<16xi1>, vector<16xi32>
      %parallel_loop3A_424 = arith.cmpf oge, %parallel_loop3A_393, %parallel_loop3A_394 : vector<16xf32>
      %parallel_loop3A_425 = arith.select %parallel_loop3A_424, %parallel_loop3A_393, %parallel_loop3A_394 : vector<16xi1>, vector<16xf32>
      %parallel_loop3A_426 = arith.constant 6 : i32
      %parallel_loop3A_427 = arith.constant 7 : i32
      %parallel_loop3A_428 = vector.broadcast %parallel_loop3A_426 : i32 to vector<16xi32>
      %parallel_loop3A_429 = vector.broadcast %parallel_loop3A_427 : i32 to vector<16xi32>
      %parallel_loop3A_430 = arith.select %parallel_loop3A_424, %parallel_loop3A_428, %parallel_loop3A_429 : vector<16xi1>, vector<16xi32>
      %parallel_loop3A_431 = arith.cmpf oge, %parallel_loop3A_395, %parallel_loop3A_396 : vector<16xf32>
      %parallel_loop3A_432 = arith.select %parallel_loop3A_431, %parallel_loop3A_395, %parallel_loop3A_396 : vector<16xi1>, vector<16xf32>
      %parallel_loop3A_433 = arith.constant 8 : i32
      %parallel_loop3A_434 = arith.constant 9 : i32
      %parallel_loop3A_435 = vector.broadcast %parallel_loop3A_433 : i32 to vector<16xi32>
      %parallel_loop3A_436 = vector.broadcast %parallel_loop3A_434 : i32 to vector<16xi32>
      %parallel_loop3A_437 = arith.select %parallel_loop3A_431, %parallel_loop3A_435, %parallel_loop3A_436 : vector<16xi1>, vector<16xi32>
      %parallel_loop3A_438 = arith.cmpf oge, %parallel_loop3A_397, %parallel_loop3A_398 : vector<16xf32>
      %parallel_loop3A_439 = arith.select %parallel_loop3A_438, %parallel_loop3A_397, %parallel_loop3A_398 : vector<16xi1>, vector<16xf32>
      %parallel_loop3A_440 = arith.constant 10 : i32
      %parallel_loop3A_441 = arith.constant 11 : i32
      %parallel_loop3A_442 = vector.broadcast %parallel_loop3A_440 : i32 to vector<16xi32>
      %parallel_loop3A_443 = vector.broadcast %parallel_loop3A_441 : i32 to vector<16xi32>
      %parallel_loop3A_444 = arith.select %parallel_loop3A_438, %parallel_loop3A_442, %parallel_loop3A_443 : vector<16xi1>, vector<16xi32>
      %parallel_loop3A_445 = arith.cmpf oge, %parallel_loop3A_399, %parallel_loop3A_400 : vector<16xf32>
      %parallel_loop3A_446 = arith.select %parallel_loop3A_445, %parallel_loop3A_399, %parallel_loop3A_400 : vector<16xi1>, vector<16xf32>
      %parallel_loop3A_447 = arith.constant 12 : i32
      %parallel_loop3A_448 = arith.constant 13 : i32
      %parallel_loop3A_449 = vector.broadcast %parallel_loop3A_447 : i32 to vector<16xi32>
      %parallel_loop3A_450 = vector.broadcast %parallel_loop3A_448 : i32 to vector<16xi32>
      %parallel_loop3A_451 = arith.select %parallel_loop3A_445, %parallel_loop3A_449, %parallel_loop3A_450 : vector<16xi1>, vector<16xi32>
      %parallel_loop3A_452 = arith.cmpf oge, %parallel_loop3A_401, %parallel_loop3A_402 : vector<16xf32>
      %parallel_loop3A_453 = arith.select %parallel_loop3A_452, %parallel_loop3A_401, %parallel_loop3A_402 : vector<16xi1>, vector<16xf32>
      %parallel_loop3A_454 = arith.constant 14 : i32
      %parallel_loop3A_455 = arith.constant 15 : i32
      %parallel_loop3A_456 = vector.broadcast %parallel_loop3A_454 : i32 to vector<16xi32>
      %parallel_loop3A_457 = vector.broadcast %parallel_loop3A_455 : i32 to vector<16xi32>
      %parallel_loop3A_458 = arith.select %parallel_loop3A_452, %parallel_loop3A_456, %parallel_loop3A_457 : vector<16xi1>, vector<16xi32>
      %parallel_loop3A_459 = arith.cmpf oge, %parallel_loop3A_404, %parallel_loop3A_411 : vector<16xf32>
      %parallel_loop3A_460 = arith.select %parallel_loop3A_459, %parallel_loop3A_404, %parallel_loop3A_411 : vector<16xi1>, vector<16xf32>
      %parallel_loop3A_461 = arith.select %parallel_loop3A_459, %parallel_loop3A_409, %parallel_loop3A_416 : vector<16xi1>, vector<16xi32>
      %parallel_loop3A_462 = arith.cmpf oge, %parallel_loop3A_418, %parallel_loop3A_425 : vector<16xf32>
      %parallel_loop3A_463 = arith.select %parallel_loop3A_462, %parallel_loop3A_418, %parallel_loop3A_425 : vector<16xi1>, vector<16xf32>
      %parallel_loop3A_464 = arith.select %parallel_loop3A_462, %parallel_loop3A_423, %parallel_loop3A_430 : vector<16xi1>, vector<16xi32>
      %parallel_loop3A_465 = arith.cmpf oge, %parallel_loop3A_432, %parallel_loop3A_439 : vector<16xf32>
      %parallel_loop3A_466 = arith.select %parallel_loop3A_465, %parallel_loop3A_432, %parallel_loop3A_439 : vector<16xi1>, vector<16xf32>
      %parallel_loop3A_467 = arith.select %parallel_loop3A_465, %parallel_loop3A_437, %parallel_loop3A_444 : vector<16xi1>, vector<16xi32>
      %parallel_loop3A_468 = arith.cmpf oge, %parallel_loop3A_446, %parallel_loop3A_453 : vector<16xf32>
      %parallel_loop3A_469 = arith.select %parallel_loop3A_468, %parallel_loop3A_446, %parallel_loop3A_453 : vector<16xi1>, vector<16xf32>
      %parallel_loop3A_470 = arith.select %parallel_loop3A_468, %parallel_loop3A_451, %parallel_loop3A_458 : vector<16xi1>, vector<16xi32>
      %parallel_loop3A_471 = arith.cmpf oge, %parallel_loop3A_460, %parallel_loop3A_463 : vector<16xf32>
      %parallel_loop3A_472 = arith.select %parallel_loop3A_471, %parallel_loop3A_460, %parallel_loop3A_463 : vector<16xi1>, vector<16xf32>
      %parallel_loop3A_473 = arith.select %parallel_loop3A_471, %parallel_loop3A_461, %parallel_loop3A_464 : vector<16xi1>, vector<16xi32>
      %parallel_loop3A_474 = arith.cmpf oge, %parallel_loop3A_466, %parallel_loop3A_469 : vector<16xf32>
      %parallel_loop3A_475 = arith.select %parallel_loop3A_474, %parallel_loop3A_466, %parallel_loop3A_469 : vector<16xi1>, vector<16xf32>
      %parallel_loop3A_476 = arith.select %parallel_loop3A_474, %parallel_loop3A_467, %parallel_loop3A_470 : vector<16xi1>, vector<16xi32>
      %parallel_loop3A_477 = arith.cmpf oge, %parallel_loop3A_472, %parallel_loop3A_475 : vector<16xf32>
      %parallel_loop3A_478 = arith.select %parallel_loop3A_477, %parallel_loop3A_472, %parallel_loop3A_475 : vector<16xi1>, vector<16xf32>
      %parallel_loop3A_479 = arith.select %parallel_loop3A_477, %parallel_loop3A_473, %parallel_loop3A_476 : vector<16xi1>, vector<16xi32>
      %parallel_loop3A_480 = arith.constant 0 : i32
      %parallel_loop3A_481 = vector.broadcast %parallel_loop3A_480 : i32 to vector<16xi32>
      %parallel_loop3A_482 = arith.cmpi ne, %parallel_loop3A_479, %parallel_loop3A_481 : vector<16xi32>
      tpu.vector_store_idx %arg6[%parallel_loop3A_326], %broadcast_in_dim3A_21 masked %parallel_loop3A_482 {add = true} : memref<32768xi32, #tpu.memory_space<vmem>>[vector<16xi32>], vector<16xi32>, vector<16xi1>
      %parallel_loop3A_483 = arith.constant 1 : i32
      %parallel_loop3A_484 = vector.broadcast %parallel_loop3A_483 : i32 to vector<16xi32>
      %parallel_loop3A_485 = arith.cmpi ne, %parallel_loop3A_479, %parallel_loop3A_484 : vector<16xi32>
      tpu.vector_store_idx %arg6[%parallel_loop3A_330], %broadcast_in_dim3A_21 masked %parallel_loop3A_485 {add = true} : memref<32768xi32, #tpu.memory_space<vmem>>[vector<16xi32>], vector<16xi32>, vector<16xi1>
      %parallel_loop3A_486 = arith.constant 2 : i32
      %parallel_loop3A_487 = vector.broadcast %parallel_loop3A_486 : i32 to vector<16xi32>
      %parallel_loop3A_488 = arith.cmpi ne, %parallel_loop3A_479, %parallel_loop3A_487 : vector<16xi32>
      tpu.vector_store_idx %arg6[%parallel_loop3A_334], %broadcast_in_dim3A_21 masked %parallel_loop3A_488 {add = true} : memref<32768xi32, #tpu.memory_space<vmem>>[vector<16xi32>], vector<16xi32>, vector<16xi1>
      %parallel_loop3A_489 = arith.constant 3 : i32
      %parallel_loop3A_490 = vector.broadcast %parallel_loop3A_489 : i32 to vector<16xi32>
      %parallel_loop3A_491 = arith.cmpi ne, %parallel_loop3A_479, %parallel_loop3A_490 : vector<16xi32>
      tpu.vector_store_idx %arg6[%parallel_loop3A_338], %broadcast_in_dim3A_21 masked %parallel_loop3A_491 {add = true} : memref<32768xi32, #tpu.memory_space<vmem>>[vector<16xi32>], vector<16xi32>, vector<16xi1>
      %parallel_loop3A_492 = arith.constant 4 : i32
      %parallel_loop3A_493 = vector.broadcast %parallel_loop3A_492 : i32 to vector<16xi32>
      %parallel_loop3A_494 = arith.cmpi ne, %parallel_loop3A_479, %parallel_loop3A_493 : vector<16xi32>
      tpu.vector_store_idx %arg6[%parallel_loop3A_342], %broadcast_in_dim3A_21 masked %parallel_loop3A_494 {add = true} : memref<32768xi32, #tpu.memory_space<vmem>>[vector<16xi32>], vector<16xi32>, vector<16xi1>
      %parallel_loop3A_495 = arith.constant 5 : i32
      %parallel_loop3A_496 = vector.broadcast %parallel_loop3A_495 : i32 to vector<16xi32>
      %parallel_loop3A_497 = arith.cmpi ne, %parallel_loop3A_479, %parallel_loop3A_496 : vector<16xi32>
      tpu.vector_store_idx %arg6[%parallel_loop3A_346], %broadcast_in_dim3A_21 masked %parallel_loop3A_497 {add = true} : memref<32768xi32, #tpu.memory_space<vmem>>[vector<16xi32>], vector<16xi32>, vector<16xi1>
      %parallel_loop3A_498 = arith.constant 6 : i32
      %parallel_loop3A_499 = vector.broadcast %parallel_loop3A_498 : i32 to vector<16xi32>
      %parallel_loop3A_500 = arith.cmpi ne, %parallel_loop3A_479, %parallel_loop3A_499 : vector<16xi32>
      tpu.vector_store_idx %arg6[%parallel_loop3A_350], %broadcast_in_dim3A_21 masked %parallel_loop3A_500 {add = true} : memref<32768xi32, #tpu.memory_space<vmem>>[vector<16xi32>], vector<16xi32>, vector<16xi1>
      %parallel_loop3A_501 = arith.constant 7 : i32
      %parallel_loop3A_502 = vector.broadcast %parallel_loop3A_501 : i32 to vector<16xi32>
      %parallel_loop3A_503 = arith.cmpi ne, %parallel_loop3A_479, %parallel_loop3A_502 : vector<16xi32>
      tpu.vector_store_idx %arg6[%parallel_loop3A_354], %broadcast_in_dim3A_21 masked %parallel_loop3A_503 {add = true} : memref<32768xi32, #tpu.memory_space<vmem>>[vector<16xi32>], vector<16xi32>, vector<16xi1>
      %parallel_loop3A_504 = arith.constant 8 : i32
      %parallel_loop3A_505 = vector.broadcast %parallel_loop3A_504 : i32 to vector<16xi32>
      %parallel_loop3A_506 = arith.cmpi ne, %parallel_loop3A_479, %parallel_loop3A_505 : vector<16xi32>
      tpu.vector_store_idx %arg6[%parallel_loop3A_358], %broadcast_in_dim3A_21 masked %parallel_loop3A_506 {add = true} : memref<32768xi32, #tpu.memory_space<vmem>>[vector<16xi32>], vector<16xi32>, vector<16xi1>
      %parallel_loop3A_507 = arith.constant 9 : i32
      %parallel_loop3A_508 = vector.broadcast %parallel_loop3A_507 : i32 to vector<16xi32>
      %parallel_loop3A_509 = arith.cmpi ne, %parallel_loop3A_479, %parallel_loop3A_508 : vector<16xi32>
      tpu.vector_store_idx %arg6[%parallel_loop3A_362], %broadcast_in_dim3A_21 masked %parallel_loop3A_509 {add = true} : memref<32768xi32, #tpu.memory_space<vmem>>[vector<16xi32>], vector<16xi32>, vector<16xi1>
      %parallel_loop3A_510 = arith.constant 10 : i32
      %parallel_loop3A_511 = vector.broadcast %parallel_loop3A_510 : i32 to vector<16xi32>
      %parallel_loop3A_512 = arith.cmpi ne, %parallel_loop3A_479, %parallel_loop3A_511 : vector<16xi32>
      tpu.vector_store_idx %arg6[%parallel_loop3A_366], %broadcast_in_dim3A_21 masked %parallel_loop3A_512 {add = true} : memref<32768xi32, #tpu.memory_space<vmem>>[vector<16xi32>], vector<16xi32>, vector<16xi1>
      %parallel_loop3A_513 = arith.constant 11 : i32
      %parallel_loop3A_514 = vector.broadcast %parallel_loop3A_513 : i32 to vector<16xi32>
      %parallel_loop3A_515 = arith.cmpi ne, %parallel_loop3A_479, %parallel_loop3A_514 : vector<16xi32>
      tpu.vector_store_idx %arg6[%parallel_loop3A_370], %broadcast_in_dim3A_21 masked %parallel_loop3A_515 {add = true} : memref<32768xi32, #tpu.memory_space<vmem>>[vector<16xi32>], vector<16xi32>, vector<16xi1>
      %parallel_loop3A_516 = arith.constant 12 : i32
      %parallel_loop3A_517 = vector.broadcast %parallel_loop3A_516 : i32 to vector<16xi32>
      %parallel_loop3A_518 = arith.cmpi ne, %parallel_loop3A_479, %parallel_loop3A_517 : vector<16xi32>
      tpu.vector_store_idx %arg6[%parallel_loop3A_374], %broadcast_in_dim3A_21 masked %parallel_loop3A_518 {add = true} : memref<32768xi32, #tpu.memory_space<vmem>>[vector<16xi32>], vector<16xi32>, vector<16xi1>
      %parallel_loop3A_519 = arith.constant 13 : i32
      %parallel_loop3A_520 = vector.broadcast %parallel_loop3A_519 : i32 to vector<16xi32>
      %parallel_loop3A_521 = arith.cmpi ne, %parallel_loop3A_479, %parallel_loop3A_520 : vector<16xi32>
      tpu.vector_store_idx %arg6[%parallel_loop3A_378], %broadcast_in_dim3A_21 masked %parallel_loop3A_521 {add = true} : memref<32768xi32, #tpu.memory_space<vmem>>[vector<16xi32>], vector<16xi32>, vector<16xi1>
      %parallel_loop3A_522 = arith.constant 14 : i32
      %parallel_loop3A_523 = vector.broadcast %parallel_loop3A_522 : i32 to vector<16xi32>
      %parallel_loop3A_524 = arith.cmpi ne, %parallel_loop3A_479, %parallel_loop3A_523 : vector<16xi32>
      tpu.vector_store_idx %arg6[%parallel_loop3A_382], %broadcast_in_dim3A_21 masked %parallel_loop3A_524 {add = true} : memref<32768xi32, #tpu.memory_space<vmem>>[vector<16xi32>], vector<16xi32>, vector<16xi1>
      %parallel_loop3A_525 = arith.constant 15 : i32
      %parallel_loop3A_526 = vector.broadcast %parallel_loop3A_525 : i32 to vector<16xi32>
      %parallel_loop3A_527 = arith.cmpi ne, %parallel_loop3A_479, %parallel_loop3A_526 : vector<16xi32>
      tpu.vector_store_idx %arg6[%parallel_loop3A_386], %broadcast_in_dim3A_21 masked %parallel_loop3A_527 {add = true} : memref<32768xi32, #tpu.memory_space<vmem>>[vector<16xi32>], vector<16xi32>, vector<16xi1>
    } {sc.loop_unroll_factor = 1 : i64, sc.parallel_access}
    %parallel_loop3A_136 = arith.constant 0 : i32
    %parallel_loop3A_137 = arith.constant 256 : i32
    %parallel_loop3A_138 = arith.constant 1 : i32
    scf.for %parallel_loop3A_320 = %parallel_loop3A_136 to %parallel_loop3A_137 step %parallel_loop3A_138  : i32 {
      %parallel_loop3A_321 = arith.constant 16 : i32
      %parallel_loop3A_322 = arith.muli %parallel_loop3A_320, %parallel_loop3A_321 : i32
      %parallel_loop3A_323 = arith.index_cast %parallel_loop3A_322 : i32 to index
      %parallel_loop3A_324 = tpu.vector_load %arg6[%parallel_loop3A_323] {strides = array<i32>} : memref<32768xi32, #tpu.memory_space<vmem>>, vector<16xi32>,
      %parallel_loop3A_325 = arith.constant 0 : i32
      %parallel_loop3A_326 = vector.broadcast %parallel_loop3A_325 : i32 to vector<16xi32>
      %parallel_loop3A_327 = arith.cmpi eq, %parallel_loop3A_324, %parallel_loop3A_326 : vector<16xi32>
      %parallel_loop3A_328 = arith.constant 1.000000e+00 : f32
      %parallel_loop3A_329 = arith.constant 0.000000e+00 : f32
      %parallel_loop3A_330 = vector.broadcast %parallel_loop3A_328 : f32 to vector<16xf32>
      %parallel_loop3A_331 = vector.broadcast %parallel_loop3A_329 : f32 to vector<16xf32>
      %parallel_loop3A_332 = arith.select %parallel_loop3A_327, %parallel_loop3A_330, %parallel_loop3A_331 : vector<16xi1>, vector<16xf32>
      %parallel_loop3A_333 = arith.constant 16 : i32
      %parallel_loop3A_334 = arith.muli %parallel_loop3A_320, %parallel_loop3A_333 : i32
      %parallel_loop3A_335 = arith.index_cast %parallel_loop3A_334 : i32 to index
      %parallel_loop3A_336 = tpu.vector_load %arg5[%parallel_loop3A_335] {strides = array<i32>} : memref<32768xf32, #tpu.memory_space<vmem>>, vector<16xf32>,
      tpu.vector_store %arg5[%parallel_loop3A_335], %parallel_loop3A_332 {strides = array<i32>} : memref<32768xf32, #tpu.memory_space<vmem>>, vector<16xf32>,
    } {sc.loop_unroll_factor = 8 : i64, sc.parallel_access}
    %dma_start3A_139 = arith.constant 0 : i32
    %dma_start3A_140 = tpu.memref_slice %arg5[%dma_start3A_139] : memref<32768xf32, #tpu.memory_space<vmem>> -> memref<4096xf32, #tpu.memory_space<vmem>>
    %dma_start3A_141 = arith.constant 0 : i32
    %dma_start3A_142 = tpu.memref_slice %arg4[%add3A, %dma_start3A_141] : memref<32x32768xf32, #tpu.memory_space<hbm>> -> memref<1x4096xf32, #tpu.memory_space<hbm>>
    %dma_start3A_143 = tpu.memref_squeeze %dma_start3A_142 : memref<1x4096xf32, #tpu.memory_space<hbm>> -> memref<4096xf32, #tpu.memory_space<hbm>>
    %dma_start3A_144 = arith.constant 0 : i32
    %dma_start3A_145 = tpu.memref_slice %arg4[%add3A, %dma_start3A_144] : memref<32x32768xf32, #tpu.memory_space<hbm>> -> memref<1x4096xf32, #tpu.memory_space<hbm>>
    %dma_start3A_146 = tpu.memref_squeeze %dma_start3A_145 : memref<1x4096xf32, #tpu.memory_space<hbm>> -> memref<4096xf32, #tpu.memory_space<hbm>>
    %dma_start3A_147 = arith.constant 0 : i32
    %dma_start3A_148 = tpu.memref_slice %arg5[%dma_start3A_147] : memref<32768xf32, #tpu.memory_space<vmem>> -> memref<4096xf32, #tpu.memory_space<vmem>>
    tpu.enqueue_dma source(%dma_start3A_148 : memref<4096xf32, #tpu.memory_space<vmem>>) target(%dma_start3A_146 : memref<4096xf32, #tpu.memory_space<hbm>>) target_semaphore(%arg11 : memref<!tpu.dma_semaphore, #tpu.memory_space<semaphore_mem>>)
    %parallel_loop3A_149 = arith.constant 256 : i32
    %parallel_loop3A_150 = arith.constant 512 : i32
    %parallel_loop3A_151 = arith.constant 1 : i32
    scf.for %parallel_loop3A_320 = %parallel_loop3A_149 to %parallel_loop3A_150 step %parallel_loop3A_151  : i32 {
      %parallel_loop3A_321 = arith.constant 16 : i32
      %parallel_loop3A_322 = arith.muli %parallel_loop3A_320, %parallel_loop3A_321 : i32
      %parallel_loop3A_323 = arith.index_cast %parallel_loop3A_322 : i32 to index
      %parallel_loop3A_324 = tpu.vector_load %arg6[%parallel_loop3A_323] {strides = array<i32>} : memref<32768xi32, #tpu.memory_space<vmem>>, vector<16xi32>,
      %parallel_loop3A_325 = arith.constant 0 : i32
      %parallel_loop3A_326 = vector.broadcast %parallel_loop3A_325 : i32 to vector<16xi32>
      %parallel_loop3A_327 = arith.cmpi eq, %parallel_loop3A_324, %parallel_loop3A_326 : vector<16xi32>
      %parallel_loop3A_328 = arith.constant 1.000000e+00 : f32
      %parallel_loop3A_329 = arith.constant 0.000000e+00 : f32
      %parallel_loop3A_330 = vector.broadcast %parallel_loop3A_328 : f32 to vector<16xf32>
      %parallel_loop3A_331 = vector.broadcast %parallel_loop3A_329 : f32 to vector<16xf32>
      %parallel_loop3A_332 = arith.select %parallel_loop3A_327, %parallel_loop3A_330, %parallel_loop3A_331 : vector<16xi1>, vector<16xf32>
      %parallel_loop3A_333 = arith.constant 16 : i32
      %parallel_loop3A_334 = arith.muli %parallel_loop3A_320, %parallel_loop3A_333 : i32
      %parallel_loop3A_335 = arith.index_cast %parallel_loop3A_334 : i32 to index
      %parallel_loop3A_336 = tpu.vector_load %arg5[%parallel_loop3A_335] {strides = array<i32>} : memref<32768xf32, #tpu.memory_space<vmem>>, vector<16xf32>,
      tpu.vector_store %arg5[%parallel_loop3A_335], %parallel_loop3A_332 {strides = array<i32>} : memref<32768xf32, #tpu.memory_space<vmem>>, vector<16xf32>,
    } {sc.loop_unroll_factor = 8 : i64, sc.parallel_access}
    %dma_start3A_152 = arith.constant 4096 : i32
    %dma_start3A_153 = tpu.memref_slice %arg5[%dma_start3A_152] : memref<32768xf32, #tpu.memory_space<vmem>> -> memref<4096xf32, #tpu.memory_space<vmem>>
    %dma_start3A_154 = arith.constant 4096 : i32
    %dma_start3A_155 = tpu.memref_slice %arg4[%add3A, %dma_start3A_154] : memref<32x32768xf32, #tpu.memory_space<hbm>> -> memref<1x4096xf32, #tpu.memory_space<hbm>>
    %dma_start3A_156 = tpu.memref_squeeze %dma_start3A_155 : memref<1x4096xf32, #tpu.memory_space<hbm>> -> memref<4096xf32, #tpu.memory_space<hbm>>
    %dma_start3A_157 = arith.constant 4096 : i32
    %dma_start3A_158 = tpu.memref_slice %arg4[%add3A, %dma_start3A_157] : memref<32x32768xf32, #tpu.memory_space<hbm>> -> memref<1x4096xf32, #tpu.memory_space<hbm>>
    %dma_start3A_159 = tpu.memref_squeeze %dma_start3A_158 : memref<1x4096xf32, #tpu.memory_space<hbm>> -> memref<4096xf32, #tpu.memory_space<hbm>>
    %dma_start3A_160 = arith.constant 4096 : i32
    %dma_start3A_161 = tpu.memref_slice %arg5[%dma_start3A_160] : memref<32768xf32, #tpu.memory_space<vmem>> -> memref<4096xf32, #tpu.memory_space<vmem>>
    tpu.enqueue_dma source(%dma_start3A_161 : memref<4096xf32, #tpu.memory_space<vmem>>) target(%dma_start3A_159 : memref<4096xf32, #tpu.memory_space<hbm>>) target_semaphore(%arg11 : memref<!tpu.dma_semaphore, #tpu.memory_space<semaphore_mem>>)
    %parallel_loop3A_162 = arith.constant 512 : i32
    %parallel_loop3A_163 = arith.constant 768 : i32
    %parallel_loop3A_164 = arith.constant 1 : i32
    scf.for %parallel_loop3A_320 = %parallel_loop3A_162 to %parallel_loop3A_163 step %parallel_loop3A_164  : i32 {
      %parallel_loop3A_321 = arith.constant 16 : i32
      %parallel_loop3A_322 = arith.muli %parallel_loop3A_320, %parallel_loop3A_321 : i32
      %parallel_loop3A_323 = arith.index_cast %parallel_loop3A_322 : i32 to index
      %parallel_loop3A_324 = tpu.vector_load %arg6[%parallel_loop3A_323] {strides = array<i32>} : memref<32768xi32, #tpu.memory_space<vmem>>, vector<16xi32>,
      %parallel_loop3A_325 = arith.constant 0 : i32
      %parallel_loop3A_326 = vector.broadcast %parallel_loop3A_325 : i32 to vector<16xi32>
      %parallel_loop3A_327 = arith.cmpi eq, %parallel_loop3A_324, %parallel_loop3A_326 : vector<16xi32>
      %parallel_loop3A_328 = arith.constant 1.000000e+00 : f32
      %parallel_loop3A_329 = arith.constant 0.000000e+00 : f32
      %parallel_loop3A_330 = vector.broadcast %parallel_loop3A_328 : f32 to vector<16xf32>
      %parallel_loop3A_331 = vector.broadcast %parallel_loop3A_329 : f32 to vector<16xf32>
      %parallel_loop3A_332 = arith.select %parallel_loop3A_327, %parallel_loop3A_330, %parallel_loop3A_331 : vector<16xi1>, vector<16xf32>
      %parallel_loop3A_333 = arith.constant 16 : i32
      %parallel_loop3A_334 = arith.muli %parallel_loop3A_320, %parallel_loop3A_333 : i32
      %parallel_loop3A_335 = arith.index_cast %parallel_loop3A_334 : i32 to index
      %parallel_loop3A_336 = tpu.vector_load %arg5[%parallel_loop3A_335] {strides = array<i32>} : memref<32768xf32, #tpu.memory_space<vmem>>, vector<16xf32>,
      tpu.vector_store %arg5[%parallel_loop3A_335], %parallel_loop3A_332 {strides = array<i32>} : memref<32768xf32, #tpu.memory_space<vmem>>, vector<16xf32>,
    } {sc.loop_unroll_factor = 8 : i64, sc.parallel_access}
    %dma_start3A_165 = arith.constant 8192 : i32
    %dma_start3A_166 = tpu.memref_slice %arg5[%dma_start3A_165] : memref<32768xf32, #tpu.memory_space<vmem>> -> memref<4096xf32, #tpu.memory_space<vmem>>
    %dma_start3A_167 = arith.constant 8192 : i32
    %dma_start3A_168 = tpu.memref_slice %arg4[%add3A, %dma_start3A_167] : memref<32x32768xf32, #tpu.memory_space<hbm>> -> memref<1x4096xf32, #tpu.memory_space<hbm>>
    %dma_start3A_169 = tpu.memref_squeeze %dma_start3A_168 : memref<1x4096xf32, #tpu.memory_space<hbm>> -> memref<4096xf32, #tpu.memory_space<hbm>>
    %dma_start3A_170 = arith.constant 8192 : i32
    %dma_start3A_171 = tpu.memref_slice %arg4[%add3A, %dma_start3A_170] : memref<32x32768xf32, #tpu.memory_space<hbm>> -> memref<1x4096xf32, #tpu.memory_space<hbm>>
    %dma_start3A_172 = tpu.memref_squeeze %dma_start3A_171 : memref<1x4096xf32, #tpu.memory_space<hbm>> -> memref<4096xf32, #tpu.memory_space<hbm>>
    %dma_start3A_173 = arith.constant 8192 : i32
    %dma_start3A_174 = tpu.memref_slice %arg5[%dma_start3A_173] : memref<32768xf32, #tpu.memory_space<vmem>> -> memref<4096xf32, #tpu.memory_space<vmem>>
    tpu.enqueue_dma source(%dma_start3A_174 : memref<4096xf32, #tpu.memory_space<vmem>>) target(%dma_start3A_172 : memref<4096xf32, #tpu.memory_space<hbm>>) target_semaphore(%arg11 : memref<!tpu.dma_semaphore, #tpu.memory_space<semaphore_mem>>)
    %parallel_loop3A_175 = arith.constant 768 : i32
    %parallel_loop3A_176 = arith.constant 1024 : i32
    %parallel_loop3A_177 = arith.constant 1 : i32
    scf.for %parallel_loop3A_320 = %parallel_loop3A_175 to %parallel_loop3A_176 step %parallel_loop3A_177  : i32 {
      %parallel_loop3A_321 = arith.constant 16 : i32
      %parallel_loop3A_322 = arith.muli %parallel_loop3A_320, %parallel_loop3A_321 : i32
      %parallel_loop3A_323 = arith.index_cast %parallel_loop3A_322 : i32 to index
      %parallel_loop3A_324 = tpu.vector_load %arg6[%parallel_loop3A_323] {strides = array<i32>} : memref<32768xi32, #tpu.memory_space<vmem>>, vector<16xi32>,
      %parallel_loop3A_325 = arith.constant 0 : i32
      %parallel_loop3A_326 = vector.broadcast %parallel_loop3A_325 : i32 to vector<16xi32>
      %parallel_loop3A_327 = arith.cmpi eq, %parallel_loop3A_324, %parallel_loop3A_326 : vector<16xi32>
      %parallel_loop3A_328 = arith.constant 1.000000e+00 : f32
      %parallel_loop3A_329 = arith.constant 0.000000e+00 : f32
      %parallel_loop3A_330 = vector.broadcast %parallel_loop3A_328 : f32 to vector<16xf32>
      %parallel_loop3A_331 = vector.broadcast %parallel_loop3A_329 : f32 to vector<16xf32>
      %parallel_loop3A_332 = arith.select %parallel_loop3A_327, %parallel_loop3A_330, %parallel_loop3A_331 : vector<16xi1>, vector<16xf32>
      %parallel_loop3A_333 = arith.constant 16 : i32
      %parallel_loop3A_334 = arith.muli %parallel_loop3A_320, %parallel_loop3A_333 : i32
      %parallel_loop3A_335 = arith.index_cast %parallel_loop3A_334 : i32 to index
      %parallel_loop3A_336 = tpu.vector_load %arg5[%parallel_loop3A_335] {strides = array<i32>} : memref<32768xf32, #tpu.memory_space<vmem>>, vector<16xf32>,
      tpu.vector_store %arg5[%parallel_loop3A_335], %parallel_loop3A_332 {strides = array<i32>} : memref<32768xf32, #tpu.memory_space<vmem>>, vector<16xf32>,
    } {sc.loop_unroll_factor = 8 : i64, sc.parallel_access}
    %dma_start3A_178 = arith.constant 12288 : i32
    %dma_start3A_179 = tpu.memref_slice %arg5[%dma_start3A_178] : memref<32768xf32, #tpu.memory_space<vmem>> -> memref<4096xf32, #tpu.memory_space<vmem>>
    %dma_start3A_180 = arith.constant 12288 : i32
    %dma_start3A_181 = tpu.memref_slice %arg4[%add3A, %dma_start3A_180] : memref<32x32768xf32, #tpu.memory_space<hbm>> -> memref<1x4096xf32, #tpu.memory_space<hbm>>
    %dma_start3A_182 = tpu.memref_squeeze %dma_start3A_181 : memref<1x4096xf32, #tpu.memory_space<hbm>> -> memref<4096xf32, #tpu.memory_space<hbm>>
    %dma_start3A_183 = arith.constant 12288 : i32
    %dma_start3A_184 = tpu.memref_slice %arg4[%add3A, %dma_start3A_183] : memref<32x32768xf32, #tpu.memory_space<hbm>> -> memref<1x4096xf32, #tpu.memory_space<hbm>>
    %dma_start3A_185 = tpu.memref_squeeze %dma_start3A_184 : memref<1x4096xf32, #tpu.memory_space<hbm>> -> memref<4096xf32, #tpu.memory_space<hbm>>
    %dma_start3A_186 = arith.constant 12288 : i32
    %dma_start3A_187 = tpu.memref_slice %arg5[%dma_start3A_186] : memref<32768xf32, #tpu.memory_space<vmem>> -> memref<4096xf32, #tpu.memory_space<vmem>>
    tpu.enqueue_dma source(%dma_start3A_187 : memref<4096xf32, #tpu.memory_space<vmem>>) target(%dma_start3A_185 : memref<4096xf32, #tpu.memory_space<hbm>>) target_semaphore(%arg11 : memref<!tpu.dma_semaphore, #tpu.memory_space<semaphore_mem>>)
    %parallel_loop3A_188 = arith.constant 1024 : i32
    %parallel_loop3A_189 = arith.constant 1280 : i32
    %parallel_loop3A_190 = arith.constant 1 : i32
    scf.for %parallel_loop3A_320 = %parallel_loop3A_188 to %parallel_loop3A_189 step %parallel_loop3A_190  : i32 {
      %parallel_loop3A_321 = arith.constant 16 : i32
      %parallel_loop3A_322 = arith.muli %parallel_loop3A_320, %parallel_loop3A_321 : i32
      %parallel_loop3A_323 = arith.index_cast %parallel_loop3A_322 : i32 to index
      %parallel_loop3A_324 = tpu.vector_load %arg6[%parallel_loop3A_323] {strides = array<i32>} : memref<32768xi32, #tpu.memory_space<vmem>>, vector<16xi32>,
      %parallel_loop3A_325 = arith.constant 0 : i32
      %parallel_loop3A_326 = vector.broadcast %parallel_loop3A_325 : i32 to vector<16xi32>
      %parallel_loop3A_327 = arith.cmpi eq, %parallel_loop3A_324, %parallel_loop3A_326 : vector<16xi32>
      %parallel_loop3A_328 = arith.constant 1.000000e+00 : f32
      %parallel_loop3A_329 = arith.constant 0.000000e+00 : f32
      %parallel_loop3A_330 = vector.broadcast %parallel_loop3A_328 : f32 to vector<16xf32>
      %parallel_loop3A_331 = vector.broadcast %parallel_loop3A_329 : f32 to vector<16xf32>
      %parallel_loop3A_332 = arith.select %parallel_loop3A_327, %parallel_loop3A_330, %parallel_loop3A_331 : vector<16xi1>, vector<16xf32>
      %parallel_loop3A_333 = arith.constant 16 : i32
      %parallel_loop3A_334 = arith.muli %parallel_loop3A_320, %parallel_loop3A_333 : i32
      %parallel_loop3A_335 = arith.index_cast %parallel_loop3A_334 : i32 to index
      %parallel_loop3A_336 = tpu.vector_load %arg5[%parallel_loop3A_335] {strides = array<i32>} : memref<32768xf32, #tpu.memory_space<vmem>>, vector<16xf32>,
      tpu.vector_store %arg5[%parallel_loop3A_335], %parallel_loop3A_332 {strides = array<i32>} : memref<32768xf32, #tpu.memory_space<vmem>>, vector<16xf32>,
    } {sc.loop_unroll_factor = 8 : i64, sc.parallel_access}
    %dma_start3A_191 = arith.constant 16384 : i32
    %dma_start3A_192 = tpu.memref_slice %arg5[%dma_start3A_191] : memref<32768xf32, #tpu.memory_space<vmem>> -> memref<4096xf32, #tpu.memory_space<vmem>>
    %dma_start3A_193 = arith.constant 16384 : i32
    %dma_start3A_194 = tpu.memref_slice %arg4[%add3A, %dma_start3A_193] : memref<32x32768xf32, #tpu.memory_space<hbm>> -> memref<1x4096xf32, #tpu.memory_space<hbm>>
    %dma_start3A_195 = tpu.memref_squeeze %dma_start3A_194 : memref<1x4096xf32, #tpu.memory_space<hbm>> -> memref<4096xf32, #tpu.memory_space<hbm>>
    %dma_start3A_196 = arith.constant 16384 : i32
    %dma_start3A_197 = tpu.memref_slice %arg4[%add3A, %dma_start3A_196] : memref<32x32768xf32, #tpu.memory_space<hbm>> -> memref<1x4096xf32, #tpu.memory_space<hbm>>
    %dma_start3A_198 = tpu.memref_squeeze %dma_start3A_197 : memref<1x4096xf32, #tpu.memory_space<hbm>> -> memref<4096xf32, #tpu.memory_space<hbm>>
    %dma_start3A_199 = arith.constant 16384 : i32
    %dma_start3A_200 = tpu.memref_slice %arg5[%dma_start3A_199] : memref<32768xf32, #tpu.memory_space<vmem>> -> memref<4096xf32, #tpu.memory_space<vmem>>
    tpu.enqueue_dma source(%dma_start3A_200 : memref<4096xf32, #tpu.memory_space<vmem>>) target(%dma_start3A_198 : memref<4096xf32, #tpu.memory_space<hbm>>) target_semaphore(%arg11 : memref<!tpu.dma_semaphore, #tpu.memory_space<semaphore_mem>>)
    %parallel_loop3A_201 = arith.constant 1280 : i32
    %parallel_loop3A_202 = arith.constant 1536 : i32
    %parallel_loop3A_203 = arith.constant 1 : i32
    scf.for %parallel_loop3A_320 = %parallel_loop3A_201 to %parallel_loop3A_202 step %parallel_loop3A_203  : i32 {
      %parallel_loop3A_321 = arith.constant 16 : i32
      %parallel_loop3A_322 = arith.muli %parallel_loop3A_320, %parallel_loop3A_321 : i32
      %parallel_loop3A_323 = arith.index_cast %parallel_loop3A_322 : i32 to index
      %parallel_loop3A_324 = tpu.vector_load %arg6[%parallel_loop3A_323] {strides = array<i32>} : memref<32768xi32, #tpu.memory_space<vmem>>, vector<16xi32>,
      %parallel_loop3A_325 = arith.constant 0 : i32
      %parallel_loop3A_326 = vector.broadcast %parallel_loop3A_325 : i32 to vector<16xi32>
      %parallel_loop3A_327 = arith.cmpi eq, %parallel_loop3A_324, %parallel_loop3A_326 : vector<16xi32>
      %parallel_loop3A_328 = arith.constant 1.000000e+00 : f32
      %parallel_loop3A_329 = arith.constant 0.000000e+00 : f32
      %parallel_loop3A_330 = vector.broadcast %parallel_loop3A_328 : f32 to vector<16xf32>
      %parallel_loop3A_331 = vector.broadcast %parallel_loop3A_329 : f32 to vector<16xf32>
      %parallel_loop3A_332 = arith.select %parallel_loop3A_327, %parallel_loop3A_330, %parallel_loop3A_331 : vector<16xi1>, vector<16xf32>
      %parallel_loop3A_333 = arith.constant 16 : i32
      %parallel_loop3A_334 = arith.muli %parallel_loop3A_320, %parallel_loop3A_333 : i32
      %parallel_loop3A_335 = arith.index_cast %parallel_loop3A_334 : i32 to index
      %parallel_loop3A_336 = tpu.vector_load %arg5[%parallel_loop3A_335] {strides = array<i32>} : memref<32768xf32, #tpu.memory_space<vmem>>, vector<16xf32>,
      tpu.vector_store %arg5[%parallel_loop3A_335], %parallel_loop3A_332 {strides = array<i32>} : memref<32768xf32, #tpu.memory_space<vmem>>, vector<16xf32>,
    } {sc.loop_unroll_factor = 8 : i64, sc.parallel_access}
    %dma_start3A_204 = arith.constant 20480 : i32
    %dma_start3A_205 = tpu.memref_slice %arg5[%dma_start3A_204] : memref<32768xf32, #tpu.memory_space<vmem>> -> memref<4096xf32, #tpu.memory_space<vmem>>
    %dma_start3A_206 = arith.constant 20480 : i32
    %dma_start3A_207 = tpu.memref_slice %arg4[%add3A, %dma_start3A_206] : memref<32x32768xf32, #tpu.memory_space<hbm>> -> memref<1x4096xf32, #tpu.memory_space<hbm>>
    %dma_start3A_208 = tpu.memref_squeeze %dma_start3A_207 : memref<1x4096xf32, #tpu.memory_space<hbm>> -> memref<4096xf32, #tpu.memory_space<hbm>>
    %dma_start3A_209 = arith.constant 20480 : i32
    %dma_start3A_210 = tpu.memref_slice %arg4[%add3A, %dma_start3A_209] : memref<32x32768xf32, #tpu.memory_space<hbm>> -> memref<1x4096xf32, #tpu.memory_space<hbm>>
    %dma_start3A_211 = tpu.memref_squeeze %dma_start3A_210 : memref<1x4096xf32, #tpu.memory_space<hbm>> -> memref<4096xf32, #tpu.memory_space<hbm>>
    %dma_start3A_212 = arith.constant 20480 : i32
    %dma_start3A_213 = tpu.memref_slice %arg5[%dma_start3A_212] : memref<32768xf32, #tpu.memory_space<vmem>> -> memref<4096xf32, #tpu.memory_space<vmem>>
    tpu.enqueue_dma source(%dma_start3A_213 : memref<4096xf32, #tpu.memory_space<vmem>>) target(%dma_start3A_211 : memref<4096xf32, #tpu.memory_space<hbm>>) target_semaphore(%arg11 : memref<!tpu.dma_semaphore, #tpu.memory_space<semaphore_mem>>)
    %parallel_loop3A_214 = arith.constant 1536 : i32
    %parallel_loop3A_215 = arith.constant 1792 : i32
    %parallel_loop3A_216 = arith.constant 1 : i32
    scf.for %parallel_loop3A_320 = %parallel_loop3A_214 to %parallel_loop3A_215 step %parallel_loop3A_216  : i32 {
      %parallel_loop3A_321 = arith.constant 16 : i32
      %parallel_loop3A_322 = arith.muli %parallel_loop3A_320, %parallel_loop3A_321 : i32
      %parallel_loop3A_323 = arith.index_cast %parallel_loop3A_322 : i32 to index
      %parallel_loop3A_324 = tpu.vector_load %arg6[%parallel_loop3A_323] {strides = array<i32>} : memref<32768xi32, #tpu.memory_space<vmem>>, vector<16xi32>,
      %parallel_loop3A_325 = arith.constant 0 : i32
      %parallel_loop3A_326 = vector.broadcast %parallel_loop3A_325 : i32 to vector<16xi32>
      %parallel_loop3A_327 = arith.cmpi eq, %parallel_loop3A_324, %parallel_loop3A_326 : vector<16xi32>
      %parallel_loop3A_328 = arith.constant 1.000000e+00 : f32
      %parallel_loop3A_329 = arith.constant 0.000000e+00 : f32
      %parallel_loop3A_330 = vector.broadcast %parallel_loop3A_328 : f32 to vector<16xf32>
      %parallel_loop3A_331 = vector.broadcast %parallel_loop3A_329 : f32 to vector<16xf32>
      %parallel_loop3A_332 = arith.select %parallel_loop3A_327, %parallel_loop3A_330, %parallel_loop3A_331 : vector<16xi1>, vector<16xf32>
      %parallel_loop3A_333 = arith.constant 16 : i32
      %parallel_loop3A_334 = arith.muli %parallel_loop3A_320, %parallel_loop3A_333 : i32
      %parallel_loop3A_335 = arith.index_cast %parallel_loop3A_334 : i32 to index
      %parallel_loop3A_336 = tpu.vector_load %arg5[%parallel_loop3A_335] {strides = array<i32>} : memref<32768xf32, #tpu.memory_space<vmem>>, vector<16xf32>,
      tpu.vector_store %arg5[%parallel_loop3A_335], %parallel_loop3A_332 {strides = array<i32>} : memref<32768xf32, #tpu.memory_space<vmem>>, vector<16xf32>,
    } {sc.loop_unroll_factor = 8 : i64, sc.parallel_access}
    %dma_start3A_217 = arith.constant 24576 : i32
    %dma_start3A_218 = tpu.memref_slice %arg5[%dma_start3A_217] : memref<32768xf32, #tpu.memory_space<vmem>> -> memref<4096xf32, #tpu.memory_space<vmem>>
    %dma_start3A_219 = arith.constant 24576 : i32
    %dma_start3A_220 = tpu.memref_slice %arg4[%add3A, %dma_start3A_219] : memref<32x32768xf32, #tpu.memory_space<hbm>> -> memref<1x4096xf32, #tpu.memory_space<hbm>>
    %dma_start3A_221 = tpu.memref_squeeze %dma_start3A_220 : memref<1x4096xf32, #tpu.memory_space<hbm>> -> memref<4096xf32, #tpu.memory_space<hbm>>
    %dma_start3A_222 = arith.constant 24576 : i32
    %dma_start3A_223 = tpu.memref_slice %arg4[%add3A, %dma_start3A_222] : memref<32x32768xf32, #tpu.memory_space<hbm>> -> memref<1x4096xf32, #tpu.memory_space<hbm>>
    %dma_start3A_224 = tpu.memref_squeeze %dma_start3A_223 : memref<1x4096xf32, #tpu.memory_space<hbm>> -> memref<4096xf32, #tpu.memory_space<hbm>>
    %dma_start3A_225 = arith.constant 24576 : i32
    %dma_start3A_226 = tpu.memref_slice %arg5[%dma_start3A_225] : memref<32768xf32, #tpu.memory_space<vmem>> -> memref<4096xf32, #tpu.memory_space<vmem>>
    tpu.enqueue_dma source(%dma_start3A_226 : memref<4096xf32, #tpu.memory_space<vmem>>) target(%dma_start3A_224 : memref<4096xf32, #tpu.memory_space<hbm>>) target_semaphore(%arg11 : memref<!tpu.dma_semaphore, #tpu.memory_space<semaphore_mem>>)
    %parallel_loop3A_227 = arith.constant 1792 : i32
    %parallel_loop3A_228 = arith.constant 2048 : i32
    %parallel_loop3A_229 = arith.constant 1 : i32
    scf.for %parallel_loop3A_320 = %parallel_loop3A_227 to %parallel_loop3A_228 step %parallel_loop3A_229  : i32 {
      %parallel_loop3A_321 = arith.constant 16 : i32
      %parallel_loop3A_322 = arith.muli %parallel_loop3A_320, %parallel_loop3A_321 : i32
      %parallel_loop3A_323 = arith.index_cast %parallel_loop3A_322 : i32 to index
      %parallel_loop3A_324 = tpu.vector_load %arg6[%parallel_loop3A_323] {strides = array<i32>} : memref<32768xi32, #tpu.memory_space<vmem>>, vector<16xi32>,
      %parallel_loop3A_325 = arith.constant 0 : i32
      %parallel_loop3A_326 = vector.broadcast %parallel_loop3A_325 : i32 to vector<16xi32>
      %parallel_loop3A_327 = arith.cmpi eq, %parallel_loop3A_324, %parallel_loop3A_326 : vector<16xi32>
      %parallel_loop3A_328 = arith.constant 1.000000e+00 : f32
      %parallel_loop3A_329 = arith.constant 0.000000e+00 : f32
      %parallel_loop3A_330 = vector.broadcast %parallel_loop3A_328 : f32 to vector<16xf32>
      %parallel_loop3A_331 = vector.broadcast %parallel_loop3A_329 : f32 to vector<16xf32>
      %parallel_loop3A_332 = arith.select %parallel_loop3A_327, %parallel_loop3A_330, %parallel_loop3A_331 : vector<16xi1>, vector<16xf32>
      %parallel_loop3A_333 = arith.constant 16 : i32
      %parallel_loop3A_334 = arith.muli %parallel_loop3A_320, %parallel_loop3A_333 : i32
      %parallel_loop3A_335 = arith.index_cast %parallel_loop3A_334 : i32 to index
      %parallel_loop3A_336 = tpu.vector_load %arg5[%parallel_loop3A_335] {strides = array<i32>} : memref<32768xf32, #tpu.memory_space<vmem>>, vector<16xf32>,
      tpu.vector_store %arg5[%parallel_loop3A_335], %parallel_loop3A_332 {strides = array<i32>} : memref<32768xf32, #tpu.memory_space<vmem>>, vector<16xf32>,
    } {sc.loop_unroll_factor = 8 : i64, sc.parallel_access}
    %dma_start3A_230 = arith.constant 28672 : i32
    %dma_start3A_231 = tpu.memref_slice %arg5[%dma_start3A_230] : memref<32768xf32, #tpu.memory_space<vmem>> -> memref<4096xf32, #tpu.memory_space<vmem>>
    %dma_start3A_232 = arith.constant 28672 : i32
    %dma_start3A_233 = tpu.memref_slice %arg4[%add3A, %dma_start3A_232] : memref<32x32768xf32, #tpu.memory_space<hbm>> -> memref<1x4096xf32, #tpu.memory_space<hbm>>
    %dma_start3A_234 = tpu.memref_squeeze %dma_start3A_233 : memref<1x4096xf32, #tpu.memory_space<hbm>> -> memref<4096xf32, #tpu.memory_space<hbm>>
    %dma_start3A_235 = arith.constant 28672 : i32
    %dma_start3A_236 = tpu.memref_slice %arg4[%add3A, %dma_start3A_235] : memref<32x32768xf32, #tpu.memory_space<hbm>> -> memref<1x4096xf32, #tpu.memory_space<hbm>>
    %dma_start3A_237 = tpu.memref_squeeze %dma_start3A_236 : memref<1x4096xf32, #tpu.memory_space<hbm>> -> memref<4096xf32, #tpu.memory_space<hbm>>
    %dma_start3A_238 = arith.constant 28672 : i32
    %dma_start3A_239 = tpu.memref_slice %arg5[%dma_start3A_238] : memref<32768xf32, #tpu.memory_space<vmem>> -> memref<4096xf32, #tpu.memory_space<vmem>>
    tpu.enqueue_dma source(%dma_start3A_239 : memref<4096xf32, #tpu.memory_space<vmem>>) target(%dma_start3A_237 : memref<4096xf32, #tpu.memory_space<hbm>>) target_semaphore(%arg11 : memref<!tpu.dma_semaphore, #tpu.memory_space<semaphore_mem>>)
    %dma_wait3A_240 = arith.constant 0 : i32
    %dma_wait3A_241 = tpu.memref_slice %arg5[%dma_wait3A_240] : memref<32768xf32, #tpu.memory_space<vmem>> -> memref<4096xf32, #tpu.memory_space<vmem>>
    %dma_wait3A_242 = arith.constant 0 : i32
    %dma_wait3A_243 = tpu.memref_slice %arg4[%add3A, %dma_wait3A_242] : memref<32x32768xf32, #tpu.memory_space<hbm>> -> memref<1x4096xf32, #tpu.memory_space<hbm>>
    %dma_wait3A_244 = tpu.memref_squeeze %dma_wait3A_243 : memref<1x4096xf32, #tpu.memory_space<hbm>> -> memref<4096xf32, #tpu.memory_space<hbm>>
    %dma_wait3A_245 = arith.constant 0 : i32
    %dma_wait3A_246 = tpu.memref_slice %arg4[%add3A, %dma_wait3A_245] : memref<32x32768xf32, #tpu.memory_space<hbm>> -> memref<1x4096xf32, #tpu.memory_space<hbm>>
    %dma_wait3A_247 = tpu.memref_squeeze %dma_wait3A_246 : memref<1x4096xf32, #tpu.memory_space<hbm>> -> memref<4096xf32, #tpu.memory_space<hbm>>
    %dma_wait3A_248 = arith.constant 0 : i32
    %dma_wait3A_249 = tpu.memref_slice %arg5[%dma_wait3A_248] : memref<32768xf32, #tpu.memory_space<vmem>> -> memref<4096xf32, #tpu.memory_space<vmem>>
    tpu.wait_dma2 semaphore(%arg11 : memref<!tpu.dma_semaphore, #tpu.memory_space<semaphore_mem>>) src(%dma_wait3A_249 : memref<4096xf32, #tpu.memory_space<vmem>>) dst(%dma_wait3A_247 : memref<4096xf32, #tpu.memory_space<hbm>>)
    %dma_wait3A_250 = arith.constant 4096 : i32
    %dma_wait3A_251 = tpu.memref_slice %arg5[%dma_wait3A_250] : memref<32768xf32, #tpu.memory_space<vmem>> -> memref<4096xf32, #tpu.memory_space<vmem>>
    %dma_wait3A_252 = arith.constant 4096 : i32
    %dma_wait3A_253 = tpu.memref_slice %arg4[%add3A, %dma_wait3A_252] : memref<32x32768xf32, #tpu.memory_space<hbm>> -> memref<1x4096xf32, #tpu.memory_space<hbm>>
    %dma_wait3A_254 = tpu.memref_squeeze %dma_wait3A_253 : memref<1x4096xf32, #tpu.memory_space<hbm>> -> memref<4096xf32, #tpu.memory_space<hbm>>
    %dma_wait3A_255 = arith.constant 4096 : i32
    %dma_wait3A_256 = tpu.memref_slice %arg4[%add3A, %dma_wait3A_255] : memref<32x32768xf32, #tpu.memory_space<hbm>> -> memref<1x4096xf32, #tpu.memory_space<hbm>>
    %dma_wait3A_257 = tpu.memref_squeeze %dma_wait3A_256 : memref<1x4096xf32, #tpu.memory_space<hbm>> -> memref<4096xf32, #tpu.memory_space<hbm>>
    %dma_wait3A_258 = arith.constant 4096 : i32
    %dma_wait3A_259 = tpu.memref_slice %arg5[%dma_wait3A_258] : memref<32768xf32, #tpu.memory_space<vmem>> -> memref<4096xf32, #tpu.memory_space<vmem>>
    tpu.wait_dma2 semaphore(%arg11 : memref<!tpu.dma_semaphore, #tpu.memory_space<semaphore_mem>>) src(%dma_wait3A_259 : memref<4096xf32, #tpu.memory_space<vmem>>) dst(%dma_wait3A_257 : memref<4096xf32, #tpu.memory_space<hbm>>)
    %dma_wait3A_260 = arith.constant 8192 : i32
    %dma_wait3A_261 = tpu.memref_slice %arg5[%dma_wait3A_260] : memref<32768xf32, #tpu.memory_space<vmem>> -> memref<4096xf32, #tpu.memory_space<vmem>>
    %dma_wait3A_262 = arith.constant 8192 : i32
    %dma_wait3A_263 = tpu.memref_slice %arg4[%add3A, %dma_wait3A_262] : memref<32x32768xf32, #tpu.memory_space<hbm>> -> memref<1x4096xf32, #tpu.memory_space<hbm>>
    %dma_wait3A_264 = tpu.memref_squeeze %dma_wait3A_263 : memref<1x4096xf32, #tpu.memory_space<hbm>> -> memref<4096xf32, #tpu.memory_space<hbm>>
    %dma_wait3A_265 = arith.constant 8192 : i32
    %dma_wait3A_266 = tpu.memref_slice %arg4[%add3A, %dma_wait3A_265] : memref<32x32768xf32, #tpu.memory_space<hbm>> -> memref<1x4096xf32, #tpu.memory_space<hbm>>
    %dma_wait3A_267 = tpu.memref_squeeze %dma_wait3A_266 : memref<1x4096xf32, #tpu.memory_space<hbm>> -> memref<4096xf32, #tpu.memory_space<hbm>>
    %dma_wait3A_268 = arith.constant 8192 : i32
    %dma_wait3A_269 = tpu.memref_slice %arg5[%dma_wait3A_268] : memref<32768xf32, #tpu.memory_space<vmem>> -> memref<4096xf32, #tpu.memory_space<vmem>>
    tpu.wait_dma2 semaphore(%arg11 : memref<!tpu.dma_semaphore, #tpu.memory_space<semaphore_mem>>) src(%dma_wait3A_269 : memref<4096xf32, #tpu.memory_space<vmem>>) dst(%dma_wait3A_267 : memref<4096xf32, #tpu.memory_space<hbm>>)
    %dma_wait3A_270 = arith.constant 12288 : i32
    %dma_wait3A_271 = tpu.memref_slice %arg5[%dma_wait3A_270] : memref<32768xf32, #tpu.memory_space<vmem>> -> memref<4096xf32, #tpu.memory_space<vmem>>
    %dma_wait3A_272 = arith.constant 12288 : i32
    %dma_wait3A_273 = tpu.memref_slice %arg4[%add3A, %dma_wait3A_272] : memref<32x32768xf32, #tpu.memory_space<hbm>> -> memref<1x4096xf32, #tpu.memory_space<hbm>>
    %dma_wait3A_274 = tpu.memref_squeeze %dma_wait3A_273 : memref<1x4096xf32, #tpu.memory_space<hbm>> -> memref<4096xf32, #tpu.memory_space<hbm>>
    %dma_wait3A_275 = arith.constant 12288 : i32
    %dma_wait3A_276 = tpu.memref_slice %arg4[%add3A, %dma_wait3A_275] : memref<32x32768xf32, #tpu.memory_space<hbm>> -> memref<1x4096xf32, #tpu.memory_space<hbm>>
    %dma_wait3A_277 = tpu.memref_squeeze %dma_wait3A_276 : memref<1x4096xf32, #tpu.memory_space<hbm>> -> memref<4096xf32, #tpu.memory_space<hbm>>
    %dma_wait3A_278 = arith.constant 12288 : i32
    %dma_wait3A_279 = tpu.memref_slice %arg5[%dma_wait3A_278] : memref<32768xf32, #tpu.memory_space<vmem>> -> memref<4096xf32, #tpu.memory_space<vmem>>
    tpu.wait_dma2 semaphore(%arg11 : memref<!tpu.dma_semaphore, #tpu.memory_space<semaphore_mem>>) src(%dma_wait3A_279 : memref<4096xf32, #tpu.memory_space<vmem>>) dst(%dma_wait3A_277 : memref<4096xf32, #tpu.memory_space<hbm>>)
    %dma_wait3A_280 = arith.constant 16384 : i32
    %dma_wait3A_281 = tpu.memref_slice %arg5[%dma_wait3A_280] : memref<32768xf32, #tpu.memory_space<vmem>> -> memref<4096xf32, #tpu.memory_space<vmem>>
    %dma_wait3A_282 = arith.constant 16384 : i32
    %dma_wait3A_283 = tpu.memref_slice %arg4[%add3A, %dma_wait3A_282] : memref<32x32768xf32, #tpu.memory_space<hbm>> -> memref<1x4096xf32, #tpu.memory_space<hbm>>
    %dma_wait3A_284 = tpu.memref_squeeze %dma_wait3A_283 : memref<1x4096xf32, #tpu.memory_space<hbm>> -> memref<4096xf32, #tpu.memory_space<hbm>>
    %dma_wait3A_285 = arith.constant 16384 : i32
    %dma_wait3A_286 = tpu.memref_slice %arg4[%add3A, %dma_wait3A_285] : memref<32x32768xf32, #tpu.memory_space<hbm>> -> memref<1x4096xf32, #tpu.memory_space<hbm>>
    %dma_wait3A_287 = tpu.memref_squeeze %dma_wait3A_286 : memref<1x4096xf32, #tpu.memory_space<hbm>> -> memref<4096xf32, #tpu.memory_space<hbm>>
    %dma_wait3A_288 = arith.constant 16384 : i32
    %dma_wait3A_289 = tpu.memref_slice %arg5[%dma_wait3A_288] : memref<32768xf32, #tpu.memory_space<vmem>> -> memref<4096xf32, #tpu.memory_space<vmem>>
    tpu.wait_dma2 semaphore(%arg11 : memref<!tpu.dma_semaphore, #tpu.memory_space<semaphore_mem>>) src(%dma_wait3A_289 : memref<4096xf32, #tpu.memory_space<vmem>>) dst(%dma_wait3A_287 : memref<4096xf32, #tpu.memory_space<hbm>>)
    %dma_wait3A_290 = arith.constant 20480 : i32
    %dma_wait3A_291 = tpu.memref_slice %arg5[%dma_wait3A_290] : memref<32768xf32, #tpu.memory_space<vmem>> -> memref<4096xf32, #tpu.memory_space<vmem>>
    %dma_wait3A_292 = arith.constant 20480 : i32
    %dma_wait3A_293 = tpu.memref_slice %arg4[%add3A, %dma_wait3A_292] : memref<32x32768xf32, #tpu.memory_space<hbm>> -> memref<1x4096xf32, #tpu.memory_space<hbm>>
    %dma_wait3A_294 = tpu.memref_squeeze %dma_wait3A_293 : memref<1x4096xf32, #tpu.memory_space<hbm>> -> memref<4096xf32, #tpu.memory_space<hbm>>
    %dma_wait3A_295 = arith.constant 20480 : i32
    %dma_wait3A_296 = tpu.memref_slice %arg4[%add3A, %dma_wait3A_295] : memref<32x32768xf32, #tpu.memory_space<hbm>> -> memref<1x4096xf32, #tpu.memory_space<hbm>>
    %dma_wait3A_297 = tpu.memref_squeeze %dma_wait3A_296 : memref<1x4096xf32, #tpu.memory_space<hbm>> -> memref<4096xf32, #tpu.memory_space<hbm>>
    %dma_wait3A_298 = arith.constant 20480 : i32
    %dma_wait3A_299 = tpu.memref_slice %arg5[%dma_wait3A_298] : memref<32768xf32, #tpu.memory_space<vmem>> -> memref<4096xf32, #tpu.memory_space<vmem>>
    tpu.wait_dma2 semaphore(%arg11 : memref<!tpu.dma_semaphore, #tpu.memory_space<semaphore_mem>>) src(%dma_wait3A_299 : memref<4096xf32, #tpu.memory_space<vmem>>) dst(%dma_wait3A_297 : memref<4096xf32, #tpu.memory_space<hbm>>)
    %dma_wait3A_300 = arith.constant 24576 : i32
    %dma_wait3A_301 = tpu.memref_slice %arg5[%dma_wait3A_300] : memref<32768xf32, #tpu.memory_space<vmem>> -> memref<4096xf32, #tpu.memory_space<vmem>>
    %dma_wait3A_302 = arith.constant 24576 : i32
    %dma_wait3A_303 = tpu.memref_slice %arg4[%add3A, %dma_wait3A_302] : memref<32x32768xf32, #tpu.memory_space<hbm>> -> memref<1x4096xf32, #tpu.memory_space<hbm>>
    %dma_wait3A_304 = tpu.memref_squeeze %dma_wait3A_303 : memref<1x4096xf32, #tpu.memory_space<hbm>> -> memref<4096xf32, #tpu.memory_space<hbm>>
    %dma_wait3A_305 = arith.constant 24576 : i32
    %dma_wait3A_306 = tpu.memref_slice %arg4[%add3A, %dma_wait3A_305] : memref<32x32768xf32, #tpu.memory_space<hbm>> -> memref<1x4096xf32, #tpu.memory_space<hbm>>
    %dma_wait3A_307 = tpu.memref_squeeze %dma_wait3A_306 : memref<1x4096xf32, #tpu.memory_space<hbm>> -> memref<4096xf32, #tpu.memory_space<hbm>>
    %dma_wait3A_308 = arith.constant 24576 : i32
    %dma_wait3A_309 = tpu.memref_slice %arg5[%dma_wait3A_308] : memref<32768xf32, #tpu.memory_space<vmem>> -> memref<4096xf32, #tpu.memory_space<vmem>>
    tpu.wait_dma2 semaphore(%arg11 : memref<!tpu.dma_semaphore, #tpu.memory_space<semaphore_mem>>) src(%dma_wait3A_309 : memref<4096xf32, #tpu.memory_space<vmem>>) dst(%dma_wait3A_307 : memref<4096xf32, #tpu.memory_space<hbm>>)
    %dma_wait3A_310 = arith.constant 28672 : i32
    %dma_wait3A_311 = tpu.memref_slice %arg5[%dma_wait3A_310] : memref<32768xf32, #tpu.memory_space<vmem>> -> memref<4096xf32, #tpu.memory_space<vmem>>
    %dma_wait3A_312 = arith.constant 28672 : i32
    %dma_wait3A_313 = tpu.memref_slice %arg4[%add3A, %dma_wait3A_312] : memref<32x32768xf32, #tpu.memory_space<hbm>> -> memref<1x4096xf32, #tpu.memory_space<hbm>>
    %dma_wait3A_314 = tpu.memref_squeeze %dma_wait3A_313 : memref<1x4096xf32, #tpu.memory_space<hbm>> -> memref<4096xf32, #tpu.memory_space<hbm>>
    %dma_wait3A_315 = arith.constant 28672 : i32
    %dma_wait3A_316 = tpu.memref_slice %arg4[%add3A, %dma_wait3A_315] : memref<32x32768xf32, #tpu.memory_space<hbm>> -> memref<1x4096xf32, #tpu.memory_space<hbm>>
    %dma_wait3A_317 = tpu.memref_squeeze %dma_wait3A_316 : memref<1x4096xf32, #tpu.memory_space<hbm>> -> memref<4096xf32, #tpu.memory_space<hbm>>
    %dma_wait3A_318 = arith.constant 28672 : i32
    %dma_wait3A_319 = tpu.memref_slice %arg5[%dma_wait3A_318] : memref<32768xf32, #tpu.memory_space<vmem>> -> memref<4096xf32, #tpu.memory_space<vmem>>
    tpu.wait_dma2 semaphore(%arg11 : memref<!tpu.dma_semaphore, #tpu.memory_space<semaphore_mem>>) src(%dma_wait3A_319 : memref<4096xf32, #tpu.memory_space<vmem>>) dst(%dma_wait3A_317 : memref<4096xf32, #tpu.memory_space<hbm>>)
    return
  }
}

</mosaic_0001>

<sc_bundles>
// kernel: kernel.3.cloned.1.call-start
scs
__scs_entry_jumppad:
0x0: {  	(pc) =	sbr.rel $0x88, $3  }
0x1: {  	(tag) =	ssettag $0x0;
	lr =	simm.s32 $0x1  }
0x2: {  	[smem:$0x3F9F] =	sst lr;
	_ =	strace $0xD0000000  }
0x3: {  	_ = 	snop  }
0x4: {  	_ = 	snop  }
0x5: {  	_ = 	snop  }
0x6: {  	_ = 	snop  }
0x7: {  	_ = 	snop  }
__scs_overlays_trampoline_lowered:
0x8: {  	[smem:$0x3FAE] =	sst s0  }
0x9: {  	[smem:$0x3FAF] =	sst s1  }
0xa: {  	[smem:$0x3FB0] =	sst s2  }
0xb: {  	[smem:$0x3FB1] =	sst s3  }
0xc: {  	[smem:$0x3FB2] =	sst s4  }
0xd: {  	[smem:$0x3FB3] =	sst s5  }
0xe: {  	[smem:$0x3FB4] =	sst s6  }
0xf: {  	[smem:$0x3FB5] =	sst s7  }
0x10: {  	[smem:$0x3FB6] =	sst s8  }
0x11: {  	[smem:$0x3FB7] =	sst s9;
	s0 =	simm.s32 @!p0 $0x0  }
0x12: {  	s1 =	sld [smem:$0x3F9D];
	s0 =	simm.s32 @p0 $0x1  }
0x13: {  	[smem:$0x3FB8] =	sst s0;
	s0 =	simm.s32 @!p1 $0x0  }
0x14: {  	s2 =	sld [smem:$0x3F9C];
	s0 =	simm.s32 @p1 $0x1  }
0x15: {  	[smem:$0x3FB9] =	sst s0;
	s0 =	simm.s32 @!p2 $0x0  }
0x16: {  	s3 =	sld [smem:$0x3FDB];
	s0 =	simm.s32 @p2 $0x1  }
0x17: {  	s4 =	simm.s32 $0x1BF5;
	[smem:$0x3FBB] =	sst s0  }
0x18: {  	s0 =	sld [smem:$0x3F9E];
	_ =	swait.ge [sflag:s4], $0x0  }
0x19: {  	s7 =	sld [smem:$0x3F9F]  }
0x1a: {  	s8 =	sadd.s32 $0xFFFFE003, lr  }
0x1b: {  	s9 =	sadd.s32 $0xFFFFFEF7, lr;
	s5 =	simm.s32 $0xFFFFFFFF;
	p2 =	slt.u32 s8, $0xFFFFF086  }
0x1c: {  	p1 =	slt.u32 s9, $0xF7A;
	s5 =	simm.s32 @!p2 $0x0  }
0x1d: {  	s5 =	simm.s32 @p1 $0x1;
	p0 =	seq.s32 s7, s2  }
0x1e: {  	s7 =	smul.u32 @!p0 $0xF7A, s2;
	p2 =	seq.s32 @!p0 s5, $0x0  }
0x1f: {  	s9 =	smul.u32 $0xF7A, s1;
	s8 =	simm.s32 @!p0 $0x1BF5;
	p2 =	por !p2, p0  }
0x20: {  	[sflag:s8] =	ssyncset.s32 @!p0 $0xFFFFF086;
	s6 =	sadd.s32 @!p0 s3, s7;
	s7 =	simm.s32 @!p0 $0x108  }
0x21: {  	s3 =	sadd.s32 s3, s9;
	s6 =	sadd.s32 @!p0 $0x88, s6;
	s7 =	simm.s32 @p2 $0x1082  }
0x22: {  	[simem:s7], [sflag:s8] =	dma.local @!p0 [hbm:s6], $0xF7A  }
0x23: {  	s9 =	sor.u32 $0xD0000000, s2;
	s6 =	simm.s32 $0x108;
	_ =	swait.ge @!p0 [sflag:s8], $0x0  }
0x24: {  	s3 =	sadd.s32 $0x88, s3;
	s6 =	simm.s32 @!p1 $0x1082;
	[sflag:s4] =	ssyncset.s32 $0xFFFFF086  }
0x25: {  	[simem:s6], [sflag:s4] =	dma.local [hbm:s3], $0xF7A  }
0x26: {  	[smem:$0x3F9F] =	sst s1;
	(tag) =	ssettag s2;
	_ =	strace s9  }
0x27: {  	s1 =	sld [smem:$0x3FAF]  }
0x28: {  	s2 =	sld [smem:$0x3FB0]  }
0x29: {  	s4 =	sld [smem:$0x3FB2]  }
0x2a: {  	p0 =	seq.s32 s5, $0x0;
	s5 =	sld [smem:$0x3FB3]  }
0x2b: {  	s6 =	sld [smem:$0x3FB4]  }
0x2c: {  	s7 =	sld [smem:$0x3FB5]  }
0x2d: {  	s3 =	simm.s32 $0x108;
	s8 =	sld [smem:$0x3FB6]  }
0x2e: {  	s3 =	simm.s32 @!p0 $0x1082;
	s9 =	sld [smem:$0x3FB7]  }
0x2f: {  	lr =	sadd.s32 s0, s3;
	s0 =	sld [smem:$0x3FAE]  }
0x30: {  	s3 =	sld [smem:$0x3FB1]  }
0x31: {  	[smem:$0x3FBA] =	sst s10  }
0x32: {  	s10 =	sld [smem:$0x3FB8];
	_ =	sdelay $0x3  }
0x33: {  	p0 =	seq.s32 s10, $0x1;
	s10 =	sld [smem:$0x3FBA];
	_ =	sdelay $0x3  }
0x34: {  	[smem:$0x3FBA] =	sst s10  }
0x35: {  	s10 =	sld [smem:$0x3FB9];
	_ =	sdelay $0x3  }
0x36: {  	p1 =	seq.s32 s10, $0x1;
	s10 =	sld [smem:$0x3FBA];
	_ =	sdelay $0x3  }
0x37: {  	[smem:$0x3FBA] =	sst s10  }
0x38: {  	s10 =	sld [smem:$0x3FBB]  }
0x39: {  	_ = 	snop;
	(pc) =	sbr.ind lr, $3  }
0x3a: {  	_ = 	snop  }
0x3b: {  	_ = 	snop  }
0x3c: {  	p2 =	seq.s32 s10, $0x1;
	s10 =	sld [smem:$0x3FBA]  }
0x3d: {  	_ =	shalt  }
0x3e: {  	_ =	shalt  }
0x3f: {  	_ =	shalt  }
0x40: {  	_ =	shalt  }
0x41: {  	_ =	shalt  }
0x42: {  	_ =	shalt  }
0x43: {  	_ =	shalt  }
0x44: {  	_ =	shalt  }
0x45: {  	_ =	shalt  }
0x46: {  	_ =	shalt  }
0x47: {  	_ =	shalt  }
0x48: {  	_ =	shalt  }
0x49: {  	_ =	shalt  }
0x4a: {  	_ =	shalt  }
0x4b: {  	_ =	shalt  }
0x4c: {  	_ =	shalt  }
0x4d: {  	_ =	shalt  }
0x4e: {  	_ =	shalt  }
0x4f: {  	_ =	shalt  }
0x50: {  	_ =	shalt  }
0x51: {  	_ =	shalt  }
0x52: {  	_ =	shalt  }
0x53: {  	_ =	shalt  }
0x54: {  	_ =	shalt  }
0x55: {  	_ =	shalt  }
0x56: {  	_ =	shalt  }
0x57: {  	_ =	shalt  }
0x58: {  	_ =	shalt  }
0x59: {  	_ =	shalt  }
0x5a: {  	_ =	shalt  }
0x5b: {  	_ =	shalt  }
0x5c: {  	_ =	shalt  }
0x5d: {  	_ =	shalt  }
0x5e: {  	_ =	shalt  }
0x5f: {  	_ =	shalt  }
0x60: {  	_ =	shalt  }
0x61: {  	_ =	shalt  }
0x62: {  	_ =	shalt  }
0x63: {  	_ =	shalt  }
0x64: {  	_ =	shalt  }
0x65: {  	_ =	shalt  }
0x66: {  	_ =	shalt  }
0x67: {  	_ =	shalt  }
0x68: {  	_ =	shalt  }
0x69: {  	_ =	shalt  }
0x6a: {  	_ =	shalt  }
0x6b: {  	_ =	shalt  }
0x6c: {  	_ =	shalt  }
0x6d: {  	_ =	shalt  }
0x6e: {  	_ =	shalt  }
0x6f: {  	_ =	shalt  }
0x70: {  	_ =	shalt  }
0x71: {  	_ =	shalt  }
0x72: {  	_ =	shalt  }
0x73: {  	_ =	shalt  }
0x74: {  	_ =	shalt  }
0x75: {  	_ =	shalt  }
0x76: {  	_ =	shalt  }
0x77: {  	_ =	shalt  }
0x78: {  	_ =	shalt  }
0x79: {  	_ =	shalt  }
0x7a: {  	_ =	shalt  }
0x7b: {  	_ =	shalt  }
0x7c: {  	_ =	shalt  }
0x7d: {  	_ =	shalt  }
0x7e: {  	_ =	shalt  }
0x7f: {  	_ =	shalt  }
0x80: {  	_ =	shalt  }
0x81: {  	_ =	shalt  }
0x82: {  	_ =	shalt  }
0x83: {  	_ =	shalt  }
0x84: {  	_ =	shalt  }
0x85: {  	_ =	shalt  }
0x86: {  	_ =	shalt  }
0x87: {  	_ =	shalt  }
.Lfunc_end0:
.L_simem_size_0:
called_computation_lowered:
.L_overlay_start_0:
0x88: {  	s2 =	sld [smem:$0x3FD9]  }
0x89: {  	s3 =	sld [smem:$0x3FFE];
	_ =	sdelay $0x1  }
0x8a: {  	s1 =	srdreg.scid  }
0x8b: {  	s0 =	sand.u32 $0x1, s1  }
0x8c: {  	s18 =	sshll.u32 s0, $0xA;
	s2 =	sadd.s32 s3, s2  }
0x8d: {  	s2 =	sadd.s32 s2, s18  }
0x8e: {  	[smem:$0x3FC6] =	sst s2  }
0x8f: {  	_ = 	snop  }
0x90: {  	s2 =	sld [smem:$0x3FC9]  }
0x91: {  	s19 =	sld [smem:$0x3FC8]  }
0x92: {  	s4 =	sld [smem:$0x3FD0];
	(tm) =	ssettm $0x1  }
0x93: {  	s5 =	sld [smem:$0x3FFB];
	_ =	sdelay $0x3  }
0x94: {  	_ =	strace s5  }
0x95: {  	s5 =	sld [smem:$0x3FFC];
	_ =	sdelay $0x3  }
0x96: {  	_ =	strace s5  }
0x97: {  	s5 =	sld [smem:$0x3FFD];
	_ =	sdelay $0x3  }
0x98: {  	_ =	strace s5  }
0x99: {  	_ =	strace $0x8FFFFFFF  }
0x9a: {  	s20 =	sld [smem:$0x3FDB];
	_ =	sdelay $0x1  }
0x9b: {  	s6 =	simm.s32 $_scs_section_size  }
0x9c: {  	s7 =	simm.s32 $_size__tile_overlayer_lowered;
	s8 =	simm.s32 $_tile_overlayer_lowered  }
0x9d: {  	s23 =	simm.s32 $0x1BFF;
	s22 =	sshll.u32 s8, $0x1;
	s5 =	sadd.s32 s6, s20  }
0x9e: {  	s9 =	simm.s32 $0x0;
	s21 =	sshll.u32 s7, $0x1;
	s7 =	sadd.s32 s22, s5  }
0x9f: {  	[timem:s9], [sflag:s23] =	dma.local [hbm:s7], s21  }
0xa0: {  	_ =	swait.ge [sflag:s23], s21  }
0xa1: {  	s6 =	ssub.s32 $0x0, s21;
	[sflag:s23] =	ssyncset.done $0x0  }
0xa2: {  	[sflag:s23] =	ssyncadd.s32 s6;
	_ =	sdelay $0x1  }
0xa3: {  	s24 =	simm.s32 $0x1B8B  }
0xa4: {  	_ =	swait.ge [sflag:s24], $0x1  }
0xa5: {  	[sflag:s24] =	ssyncset.done $0x0  }
0xa6: {  	s25 =	simm.s32 $0x1B8E;
	[sflag:s24] =	ssyncadd.s32 $0xFFFFFFFF  }
0xa7: {  	s26 =	simm.s32 $execute0_lowered;
	[smem:$0x3FD2] =	sst s25  }
0xa8: {  	s6 =	sshll.u32 s26, $0x1;
	_ =	strace $0x80000046;
	[dreg:$0x1] =	wrdreg $0xFFFFFFFF  }
0xa9: {  	s28 =	simm.s32 $_size_execute0_lowered;
	s5 =	sadd.s32 s5, s6;
	[dreg:$0x0] =	wrdreg $0x0  }
0xaa: {  	s6 =	sshll.u32 s28, $0x1;
	[dreg:$0x2] =	wrdreg s5  }
0xab: {  	[dreg:$0x3] =	wrdreg s6  }
0xac: {  	[dreg:$0x4] =	wrdreg $0xC0  }
0xad: {  	_ =	task [dreg:s9], $0x5FFFF  }
0xae: {  	[dreg:$0x1] =	wrdreg $0xFFFFFFFF  }
0xaf: {  	[dreg:$0x0] =	wrdreg $0x60  }
0xb0: {  	[dreg:$0x2] =	wrdreg s2  }
0xb1: {  	[dreg:$0x3] =	wrdreg s19  }
0xb2: {  	[dreg:$0x4] =	wrdreg s4  }
0xb3: {  	[dreg:$0x5] =	wrdreg $0x9  }
0xb4: {  	_ =	task.clear_ibuf [dreg:s9], $0x6FFFF;
	_ =	strace $0x90000046  }
0xb5: {  	s29 =	simm.s32 $0x9;
	_ =	strace $0x80000048  }
0xb6: {  	_ =	swait.ge [sflag:s29], $0x1  }
0xb7: {  	[sflag:s29] =	ssyncadd.s32 $0xFFFFFFFF  }
0xb8: {  	_ =	strace $0x90000048  }
0xb9: {  	_ =	sfence  }
0xba: {  	s30 =	sld [smem:$0x0];
	_ =	sdelay $0x2  }
0xbb: {  	s31 =	sshll.u32 s1, $0xD;
	s1 =	sshrl.u32 s1, $0x2  }
0xbc: {  	s3 =	sand.u32 $0x4000, s31;
	s1 =	sadd.s32 s1, s30  }
0xbd: {  	s0 =	sor.u32 s3, s0;
	s1 =	sshll.u32 s1, $0x11  }
0xbe: {  	s0 =	sor.u32 s1, s0  }
0xbf: {  	s0 =	sadd.s32 $0x8F2B, s0  }
0xc0: {  	[sflag:s0] =	ssyncadd.remote.s32 $0x1  }
0xc1: {  	_ =	sfence.sel $0xFFFF  }
0xc2: {  	[dreg:$0x0] =	wrdreg $0xFFFFFFFF;
	(pc) =	sbr.abs _section_cstart, $3  }
0xc3: {  	[dreg:$0x1] =	wrdreg $0xFFFFFFFF  }
0xc4: {  	_ =	task.clear_ibuf [dreg:s9], $0x2FFFF;
	_ =	strace $0x9FFFFFFF  }
0xc5: {  	(tm) =	ssettm $0x7FFFFFFF  }
tec
execute0_lowered:
.L_overlay_start_1:
0x0: {  	(tag) =	ssettag $0x1  }
0x1: {  	s0 =	rddreg [dreg:$0x0]  }
0x2: {  	s11 =	rddreg [dreg:$0x1];
	s1 =	srdreg.scid  }
0x3: {  	s3 =	stileid.u32;
	s2 =	rddreg [dreg:$0x2]  }
0x4: {  	s21 =	simm.s32 $0x80;
	s22 =	simm.s32 $0x400;
	s23 =	simm.s32 $0x2000  }
0x5: {  	s28 =	simm.s32 $0x14000;
	s29 =	simm.s32 $0x8000;
	s30 =	simm.s32 $0x2  }
0x6: {  	s31 =	simm.s32 $0x0;
	s1 =	sand.u32 $0x1, s1;
	s3 =	sshll.u32 s3, $0x1  }
0x7: {  	s24 =	sadd.s32 $0x400, s11;
	s25 =	sadd.s32 $0x800, s11;
	s8 =	sadd.s32 $0x1000, s11  }
0x8: {  	s9 =	sadd.s32 $0x1400, s11;
	s10 =	sadd.s32 $0x1800, s11;
	s4 =	sor.u32 s1, s3  }
0x9: {  	s3 =	simm.s32 $0x0;
	s1 =	ssub.s32 $0x2, s1;
	s5 =	sshll.u32 s4, $0xF  }
0xa: {  	s4 =	sshll.u32 s4, $0x7;
	[smem:$0x7FF] =	sst s3;
	s7 =	sshrl.u32 s1, $0x1  }
0xb: {  	s6 =	sor.u32 s4, s5;
	_ =	strace $0x80000047;
	[dreg:$0x5] =	wrdreg s24  }
0xc: {  	s1 =	ssub.s32 s1, s7;
	s4 =	sand.u32 $0x380, s4;
	[dreg:$0x6] =	wrdreg s25  }
0xd: {  	s7 =	sadd.s32 $0xC00, s11;
	s11 =	sadd.s32 $0x1C00, s11;
	s6 =	sand.u32 $0xC0380, s6  }
0xe: {  	s24 =	simm.s32 $0x10000;
	s25 =	simm.s32 $0x3;
	s12 =	sshrl.u32 s6, $0x3  }
0xf: {  	s26 =	sor.u32 s5, s4;
	s0 =	sadd.s32 s0, s12;
	s12 =	sadd.s32 s2, s12  }
0x10: {  	v0 =	vimm.s32 $0x0;
	s20 =	smax.u32 s1, $0x1;
	[dreg:$0x4] =	wrdreg s0;
	s13 =	sadd.s32 $0x1000, s12  }
0x11: {  	v1 =	vimm.s32 $0x3;
	v2 =	vimm.s32 $0x5;
	v3 =	vimm.s32 $0x7;
	s14 =	sadd.s32 $0x2000, s12;
	s15 =	sadd.s32 $0x3000, s12;
	s0 =	sshrl.u32 s26, $0x3  }
0x12: {  	v4 =	vimm.s32 $0x9;
	v5 =	vimm.s32 $0xB;
	v6 =	vimm.s32 $0xD;
	s16 =	sadd.s32 $0x4000, s12;
	s17 =	sadd.s32 $0x5000, s12;
	s0 =	sor.u32 $0x7000, s0  }
0x13: {  	v7 =	vimm.s32 $0xF;
	v8 =	vimm.s32 $0x1;
	v9 =	vimm.f32 $0.0e+00;
	s18 =	sadd.s32 $0x6000, s12;
	s26 =	simm.s32 $0x1;
	s19 =	sadd.s32 s2, s0  }
.LBB2_1:
0x14: {  	s0 =	rddreg [dreg:$0x4]  }
0x15: {  	[tilespmem:s3], [sflag:$0x3] =	stream.strided.gather [hbm4b:s0+s21], $0x8000, s22, s21, $0x38;
	[tilespmem:$0x18000] =	vst v63  }
0x16: {  	s6 =	rddreg [dreg:$0x1];
	s0 =	simm.s32 $0x8080  }
0x17: {  	[tilespmem:s24], [sflag:$0x1] =	stream.strided.gather [hbm4b:s6+s23], $0x4000, s24, s23, $0x38;
	[tilespmem:$0x18000] =	vst v63  }
0x18: {  	[tilespmem:s0+$0xFFFFFF80] =	vst v0  }
0x19: {  	[tilespmem:s0+$0x70] =	vst v0  }
0x1a: {  	[tilespmem:s0+$0x60] =	vst v0  }
0x1b: {  	[tilespmem:s0+$0x50] =	vst v0  }
0x1c: {  	[tilespmem:s0+$0x40] =	vst v0  }
0x1d: {  	[tilespmem:s0+$0x30] =	vst v0  }
0x1e: {  	[tilespmem:s0+$0x20] =	vst v0  }
0x1f: {  	[tilespmem:s0+$0x10] =	vst v0  }
0x20: {  	[tilespmem:s0+$0x0] =	vst v0  }
0x21: {  	[tilespmem:s0+$0xFFFFFFF0] =	vst v0  }
0x22: {  	[tilespmem:s0+$0xFFFFFFE0] =	vst v0  }
0x23: {  	[tilespmem:s0+$0xFFFFFFD0] =	vst v0  }
0x24: {  	[tilespmem:s0+$0xFFFFFFC0] =	vst v0  }
0x25: {  	[tilespmem:s0+$0xFFFFFFB0] =	vst v0  }
0x26: {  	s1 =	simm.s32 $0x0;
	[tilespmem:s0+$0xFFFFFFA0] =	vst v0  }
.LBB2_2:
0x27: {  	s1 =	sadd.s32 $0x10, s1;
	[tilespmem:s0+$0xFFFFFF90] =	vst v0;
	s0 =	sadd.s32 $0x100, s0  }
0x28: {  	[tilespmem:s0+$0xFFFFFF80] =	vst v0;
	p0 =	slt.u32 s1, $0x7F0  }
0x29: {  	[tilespmem:s0+$0x70] =	vst v0  }
0x2a: {  	[tilespmem:s0+$0x60] =	vst v0  }
0x2b: {  	[tilespmem:s0+$0x50] =	vst v0  }
0x2c: {  	[tilespmem:s0+$0x40] =	vst v0  }
0x2d: {  	[tilespmem:s0+$0x30] =	vst v0  }
0x2e: {  	[tilespmem:s0+$0x20] =	vst v0  }
0x2f: {  	[tilespmem:s0+$0x10] =	vst v0  }
0x30: {  	[tilespmem:s0+$0x0] =	vst v0  }
0x31: {  	[tilespmem:s0+$0xFFFFFFF0] =	vst v0  }
.Ltmp0:
0x32: {  	[tilespmem:s0+$0xFFFFFFE0] =	vst v0;
	(pc) =	sbr.rel @p0 .LBB2_2-.Ltmp0, $4  }
0x33: {  	[tilespmem:s0+$0xFFFFFFD0] =	vst v0  }
0x34: {  	[tilespmem:s0+$0xFFFFFFC0] =	vst v0  }
0x35: {  	[tilespmem:s0+$0xFFFFFFB0] =	vst v0  }
0x36: {  	[tilespmem:s0+$0xFFFFFFA0] =	vst v0  }
0x37: {  	[tilespmem:s0+$0xFFFFFF90] =	vst v0  }
0x38: {  	_ =	swait.ge [sflag:s25], $0x8000  }
0x39: {  	[sflag:s25] =	ssyncset.done $0x0  }
0x3a: {  	[sflag:s25] =	ssyncadd.s32 $0xFFFF8000  }
0x3b: {  	s6 =	simm.s32 $0x0;
	_ =	swait.ge [sflag:s26], $0x4000  }
0x3c: {  	s1 =	sand.u32 $0x70, s6;
	s2 =	sand.u32 $0x1C00, s6;
	[sflag:s26] =	ssyncset.done $0x0  }
0x3d: {  	s1 =	sor.u32 s1, s2;
	s5 =	rddreg [dreg:$0x5];
	[sflag:s26] =	ssyncadd.s32 $0xFFFFC000  }
0x3e: {  	[tilespmem:s28], [sflag:$0x2] =	stream.strided.gather [hbm4b:s5+s23], $0x4000, s24, s23, $0x38;
	[tilespmem:$0x18000] =	vst v63  }
0x3f: {  	v10 =	vld [tilespmem:s1+$0x12380]  }
0x40: {  	v12 =	vld [tilespmem:s1+$0x12200]  }
0x41: {  	v13 =	vld [tilespmem:s1+$0x12280]  }
0x42: {  	v11 =	vld [tilespmem:s1+$0x12300]  }
0x43: {  	v15 =	vld [tilespmem:s1+$0x12080]  }
0x44: {  	v14 =	vld [tilespmem:s1+$0x12180]  }
0x45: {  	v17 =	vld [tilespmem:s1+$0x12000]  }
0x46: {  	v22 =	vld [tilespmem:s1+$0x10080]  }
0x47: {  	v16 =	vld [tilespmem:s1+$0x12100]  }
0x48: {  	v18 =	vld [tilespmem:s1+$0x10300]  }
0x49: {  	v24 =	vld [tilespmem:s1+$0x10000]  }
0x4a: {  	v19 =	vld [tilespmem:s1+$0x10200]  }
0x4b: {  	v23 =	vld [tilespmem:s1+$0x10100]  }
0x4c: {  	s0 =	sor.u32 s6, s6;
	v20 =	vld [tilespmem:s1+$0x10280]  }
0x4d: {  	s0 =	sor.u32 $0x380, s0;
	v25 =	vld [tilespmem:s1+$0x10180]  }
0x4e: {  	v21 =	vld [tilespmem:s0+$0x10000]  }
0x4f: {  	v29 =	vld.idx.msk [tilespmem:v13+s3+$0x0], $0xffff  }
0x50: {  	v26 =	vld.idx.msk [tilespmem:v17+s3+$0x0], $0xffff  }
0x51: {  	v30 =	vld.idx.msk [tilespmem:v12+s3+$0x0], $0xffff  }
0x52: {  	v28 =	vld.idx.msk [tilespmem:v10+s3+$0x0], $0xffff  }
0x53: {  	v27 =	vld.idx.msk [tilespmem:v16+s3+$0x0], $0xffff  }
0x54: {  	v34 =	vld.idx.msk [tilespmem:v23+s3+$0x0], $0xffff  }
0x55: {  	v35 =	vld.idx.msk [tilespmem:v20+s3+$0x0], $0xffff  }
0x56: {  	v37 =	vld.idx.msk [tilespmem:v25+s3+$0x0], $0xffff  }
0x57: {  	v38 =	vld.idx.msk [tilespmem:v24+s3+$0x0], $0xffff  }
0x58: {  	v32 =	vld.idx.msk [tilespmem:v21+s3+$0x0], $0xffff  }
0x59: {  	v33 =	vld.idx.msk [tilespmem:v18+s3+$0x0], $0xffff  }
0x5a: {  	v39 =	vld.idx.msk [tilespmem:v22+s3+$0x0], $0xffff  }
0x5b: {  	v40 =	vld.idx.msk [tilespmem:v19+s3+$0x0], $0xffff;
	vm0 =	vge.f32 v30, v29  }
0x5c: {  	s0 =	simm.s32 $0x10;
	s1 =	simm.s32 $0x80;
	v36 =	vld.idx.msk [tilespmem:v14+s3+$0x0], $0xffff;
	vm1 =	vge.f32 v34, v37;
	v29 =	vsel vm0, v30, v29  }
.LBB2_4:
0x5d: {  	s2 =	sand.u32 $0x70, s0  }
0x5e: {  	s4 =	sand.u32 $0x1C00, s1;
	s5 =	sor.u32 s1, s0;
	v41 =	vld.idx.msk [tilespmem:v11+s3+$0x0], $0xffff;
	s6 =	smov.u32 s0  }
0x5f: {  	v34 =	vsel vm1, v34, v37;
	v37 =	vsel vm1, $0x2, v1;
	s4 =	sor.u32 s2, s4;
	s2 =	sor.u32 $0x380, s5;
	s5 =	sadd.s32 $0x10, s0;
	v42 =	vld.idx.msk [tilespmem:v15+s3+$0x0], $0xffff  }
0x60: {  	p0 =	sne.s32 s0, $0x3F0;
	vm1 =	vge.f32 v33, v32;
	v30 =	vld [tilespmem:s4+$0x12380]  }
0x61: {  	vm2 =	vge.f32 v38, v39;
	v43 =	vsel vm1, v33, v32;
	v44 =	vsel vm1, $0x6, v3;
	v31 =	vld [tilespmem:s4+$0x12200]  }
0x62: {  	v45 =	vsel vm0, $0xC, v6;
	vm1 =	vmneg vm2;
	vm2 =	vge.f32 v40, v35;
	v32 =	vld [tilespmem:s4+$0x12280]  }
0x63: {  	v38 =	vsel vm1, v39, v38;
	v35 =	vsel vm2, v40, v35;
	vm0 =	vge.f32 v27, v36;
	v33 =	vld [tilespmem:s4+$0x12300]  }
0x64: {  	v40 =	vsel vm1, $0x1, v0;
	v46 =	vsel vm2, $0x4, v2;
	vm1 =	vge.f32 v41, v28;
	v39 =	vld [tilespmem:s4+$0x12080]  }
0x65: {  	vm3 =	vge.f32 v38, v34;
	vm4 =	vge.f32 v35, v43;
	vm2 =	vge.f32 v26, v42;
	v47 =	vld [tilespmem:s4+$0x12180]  }
0x66: {  	v49 =	vsel vm0, $0xA, v5;
	v35 =	vsel vm4, v35, v43;
	v43 =	vsel vm4, v46, v44;
	v48 =	vld [tilespmem:s4+$0x12000]  }
0x67: {  	v28 =	vsel vm1, v41, v28;
	v41 =	vsel vm1, $0xE, v7;
	v34 =	vsel vm3, v38, v34;
	v44 =	vld [tilespmem:s4+$0x10080]  }
0x68: {  	v27 =	vsel vm0, v27, v36;
	v46 =	vsel vm2, $0x8, v4;
	vm0 =	vge.f32 v34, v35;
	v38 =	vld [tilespmem:s4+$0x12100]  }
0x69: {  	v26 =	vsel vm2, v26, v42;
	vm1 =	vge.f32 v29, v28;
	v34 =	vsel vm0, v34, v35;
	v36 =	vld [tilespmem:s4+$0x10300]  }
0x6a: {  	v37 =	vsel vm3, v40, v37;
	vm2 =	vge.f32 v26, v27;
	v28 =	vsel vm1, v29, v28;
	v35 =	vld.idx.msk [tilespmem:v32+s3+$0x0], $0xffff  }
0x6b: {  	v37 =	vsel vm0, v37, v43;
	v26 =	vsel vm2, v26, v27;
	v27 =	vsel vm2, v46, v49;
	v29 =	vld [tilespmem:s4+$0x10000]  }
0x6c: {  	v41 =	vsel vm1, v45, v41;
	vm0 =	vge.f32 v26, v28;
	v40 =	vld [tilespmem:s4+$0x10200]  }
0x6d: {  	v28 =	vsel vm0, v26, v28;
	v27 =	vsel vm0, v27, v41;
	v42 =	vld [tilespmem:s4+$0x10100]  }
0x6e: {  	vm0 =	vge.f32 v34, v28;
	v26 =	vld.idx.msk [tilespmem:v48+s3+$0x0], $0xffff  }
0x6f: {  	v43 =	vsel vm0, v37, v27;
	v41 =	vld [tilespmem:s4+$0x10180]  }
0x70: {  	vm0 =	vne.s32 v43, $0x0;
	v37 =	vld [tilespmem:s4+$0x10280]  }
0x71: {  	vm1 =	vne.s32 v43, $0x1;
	v45 =	vld.idx.msk [tilespmem:v31+s3+$0x0], $0xffff  }
0x72: {  	vm2 =	vne.s32 v43, $0x2;
	v28 =	vld.idx.msk [tilespmem:v30+s3+$0x0], $0xffff  }
0x73: {  	vm3 =	vne.s32 v43, $0x3;
	v46 =	vld [tilespmem:s2+$0x10000]  }
0x74: {  	vm4 =	vne.s32 v43, $0x4;
	v27 =	vld.idx.msk [tilespmem:v38+s3+$0x0], $0xffff  }
0x75: {  	vm5 =	vne.s32 v43, $0x5;
	v34 =	vld.idx.msk [tilespmem:v42+s3+$0x0], $0xffff  }
0x76: {  	[tilespmem:v24+s29+$0x0] =	vst.idx.add.s32.msk vm0, v8;
	v24 =	vmov v29  }
0x77: {  	vm0 =	vge.f32 v45, v35;
	[tilespmem:v22+s29+$0x0] =	vst.idx.add.s32.msk vm1, v8;
	vm1 =	vne.s32 v43, $0x6;
	v22 =	vmov v44  }
0x78: {  	v29 =	vsel vm0, v45, v35;
	[tilespmem:v23+s29+$0x0] =	vst.idx.add.s32.msk vm2, v8;
	vm2 =	vne.s32 v43, $0x7;
	v23 =	vmov v42  }
0x79: {  	[tilespmem:v25+s29+$0x0] =	vst.idx.add.s32.msk vm3, v8;
	vm3 =	vne.s32 v43, $0x8;
	v25 =	vmov v41  }
0x7a: {  	[tilespmem:v19+s29+$0x0] =	vst.idx.add.s32.msk vm4, v8;
	vm4 =	vne.s32 v43, $0x9;
	v19 =	vmov v40  }
0x7b: {  	[tilespmem:v20+s29+$0x0] =	vst.idx.add.s32.msk vm5, v8;
	vm5 =	vne.s32 v43, $0xA;
	v20 =	vmov v37  }
0x7c: {  	vm6 =	vne.s32 v43, $0xB;
	v35 =	vld.idx.msk [tilespmem:v37+s3+$0x0], $0xffff  }
0x7d: {  	vm7 =	vne.s32 v43, $0xC;
	v37 =	vld.idx.msk [tilespmem:v41+s3+$0x0], $0xffff  }
0x7e: {  	[tilespmem:v18+s29+$0x0] =	vst.idx.add.s32.msk vm1, v8;
	vm1 =	vne.s32 v43, $0xD;
	v18 =	vmov v36  }
0x7f: {  	[tilespmem:v21+s29+$0x0] =	vst.idx.add.s32.msk vm2, v8;
	vm2 =	vne.s32 v43, $0xE;
	v21 =	vmov v46  }
0x80: {  	[tilespmem:v17+s29+$0x0] =	vst.idx.add.s32.msk vm3, v8;
	vm3 =	vne.s32 v43, $0xF;
	v17 =	vmov v48  }
0x81: {  	[tilespmem:v15+s29+$0x0] =	vst.idx.add.s32.msk vm4, v8;
	v15 =	vmov v39  }
0x82: {  	[tilespmem:v16+s29+$0x0] =	vst.idx.add.s32.msk vm5, v8;
	v16 =	vmov v38  }
0x83: {  	[tilespmem:v14+s29+$0x0] =	vst.idx.add.s32.msk vm6, v8;
	v14 =	vmov v47  }
0x84: {  	[tilespmem:v12+s29+$0x0] =	vst.idx.add.s32.msk vm7, v8;
	v12 =	vmov v31  }
0x85: {  	[tilespmem:v13+s29+$0x0] =	vst.idx.add.s32.msk vm1, v8;
	v13 =	vmov v32  }
0x86: {  	[tilespmem:v11+s29+$0x0] =	vst.idx.add.s32.msk vm2, v8;
	v11 =	vmov v33  }
0x87: {  	[tilespmem:v10+s29+$0x0] =	vst.idx.add.s32.msk vm3, v8;
	v10 =	vmov v30  }
0x88: {  	v38 =	vld.idx.msk [tilespmem:v24+s3+$0x0], $0xffff  }
.Ltmp1:
0x89: {  	v32 =	vld.idx.msk [tilespmem:v46+s3+$0x0], $0xffff;
	(pc) =	sbr.rel @p0 .LBB2_4-.Ltmp1, $4  }
0x8a: {  	v33 =	vld.idx.msk [tilespmem:v36+s3+$0x0], $0xffff  }
0x8b: {  	v39 =	vld.idx.msk [tilespmem:v22+s3+$0x0], $0xffff  }
0x8c: {  	v40 =	vld.idx.msk [tilespmem:v19+s3+$0x0], $0xffff  }
0x8d: {  	s1 =	sadd.s32 $0x80, s1;
	s0 =	smov.u32 s5;
	vm1 =	vge.f32 v34, v37;
	v36 =	vld.idx.msk [tilespmem:v47+s3+$0x0], $0xffff  }
0x8e: {  	_ =	sdelay $0x3  }
0x8f: {  	v30 =	vld.idx.msk [tilespmem:v11+s3+$0x0], $0xffff  }
0x90: {  	v31 =	vld.idx.msk [tilespmem:v15+s3+$0x0], $0xffff;
	v34 =	vsel vm1, v34, v37;
	vm2 =	vge.f32 v33, v32  }
0x91: {  	v59 =	vsel vm1, $0x2, v1;
	vm1 =	vge.f32 v38, v39;
	v32 =	vsel vm2, v33, v32  }
0x92: {  	v60 =	vsel vm2, $0x6, v3;
	vm1 =	vmneg vm1;
	vm2 =	vge.f32 v40, v35  }
0x93: {  	v41 =	vsel vm0, $0xC, v6;
	v61 =	vsel vm1, v39, v38;
	v35 =	vsel vm2, v40, v35  }
0x94: {  	vm0 =	vge.f32 v27, v36;
	v62 =	vsel vm1, $0x1, v0;
	v63 =	vsel vm2, $0x4, v2  }
0x95: {  	vm1 =	vge.f32 v30, v28;
	vm2 =	vge.f32 v26, v31;
	vm3 =	vge.f32 v35, v32  }
0x96: {  	vm4 =	vge.f32 v61, v34;
	v42 =	vsel vm0, $0xA, v5;
	v27 =	vsel vm0, v27, v36  }
0x97: {  	v32 =	vsel vm3, v35, v32;
	v33 =	vsel vm3, v63, v60;
	v28 =	vsel vm1, v30, v28  }
0x98: {  	v30 =	vsel vm1, $0xE, v7;
	v34 =	vsel vm4, v61, v34;
	v26 =	vsel vm2, v26, v31  }
0x99: {  	v31 =	vsel vm2, $0x8, v4;
	vm0 =	vge.f32 v29, v28;
	vm1 =	vge.f32 v26, v27  }
0x9a: {  	vm2 =	vge.f32 v34, v32;
	v28 =	vsel vm0, v29, v28;
	v26 =	vsel vm1, v26, v27  }
0x9b: {  	v27 =	vsel vm2, v34, v32;
	v29 =	vsel vm4, v62, v59;
	vm3 =	vge.f32 v26, v28  }
0x9c: {  	v31 =	vsel vm1, v31, v42;
	v30 =	vsel vm0, v41, v30;
	v26 =	vsel vm3, v26, v28  }
0x9d: {  	v28 =	vsel vm2, v29, v33;
	v29 =	vsel vm3, v31, v30;
	vm0 =	vge.f32 v27, v26  }
0x9e: {  	v26 =	vsel vm0, v28, v29  }
0x9f: {  	vm0 =	vne.s32 v26, $0x0  }
0xa0: {  	vm1 =	vne.s32 v26, $0x1  }
0xa1: {  	vm2 =	vne.s32 v26, $0x2  }
0xa2: {  	vm3 =	vne.s32 v26, $0x3  }
0xa3: {  	vm13 =	vne.s32 v26, $0x4  }
0xa4: {  	vm5 =	vne.s32 v26, $0x5  }
0xa5: {  	[tilespmem:v24+s29+$0x0] =	vst.idx.add.s32.msk vm0, v8;
	vm0 =	vne.s32 v26, $0x6  }
0xa6: {  	[tilespmem:v22+s29+$0x0] =	vst.idx.add.s32.msk vm1, v8;
	vm1 =	vne.s32 v26, $0x7  }
0xa7: {  	[tilespmem:v23+s29+$0x0] =	vst.idx.add.s32.msk vm2, v8;
	vm2 =	vne.s32 v26, $0x8  }
0xa8: {  	[tilespmem:v25+s29+$0x0] =	vst.idx.add.s32.msk vm3, v8;
	vm3 =	vne.s32 v26, $0x9  }
0xa9: {  	vm14 =	vne.s32 v26, $0xA;
	[tilespmem:v19+s29+$0x0] =	vst.idx.add.s32.msk vm13, v8  }
0xaa: {  	vm15 =	vne.s32 v26, $0xB;
	[tilespmem:v20+s29+$0x0] =	vst.idx.add.s32.msk vm5, v8  }
0xab: {  	vm6 =	vne.s32 v26, $0xC;
	[tilespmem:v18+s29+$0x0] =	vst.idx.add.s32.msk vm0, v8  }
0xac: {  	vm0 =	vne.s32 v26, $0xD;
	[tilespmem:v21+s29+$0x0] =	vst.idx.add.s32.msk vm1, v8  }
0xad: {  	vm1 =	vne.s32 v26, $0xE;
	[tilespmem:v17+s29+$0x0] =	vst.idx.add.s32.msk vm2, v8  }
0xae: {  	vm2 =	vne.s32 v26, $0xF;
	[tilespmem:v15+s29+$0x0] =	vst.idx.add.s32.msk vm3, v8  }
0xaf: {  	[tilespmem:v16+s29+$0x0] =	vst.idx.add.s32.msk vm14, v8  }
0xb0: {  	[tilespmem:v14+s29+$0x0] =	vst.idx.add.s32.msk vm15, v8  }
0xb1: {  	[tilespmem:v12+s29+$0x0] =	vst.idx.add.s32.msk vm6, v8  }
0xb2: {  	[tilespmem:v13+s29+$0x0] =	vst.idx.add.s32.msk vm0, v8  }
0xb3: {  	[tilespmem:v11+s29+$0x0] =	vst.idx.add.s32.msk vm1, v8  }
0xb4: {  	[tilespmem:v10+s29+$0x0] =	vst.idx.add.s32.msk vm2, v8  }
0xb5: {  	s6 =	simm.s32 $0x0;
	_ =	swait.ge [sflag:s30], $0x4000  }
0xb6: {  	s1 =	sand.u32 $0x70, s6;
	s2 =	sand.u32 $0x1C00, s6;
	[sflag:s30] =	ssyncset.done $0x0  }
0xb7: {  	s1 =	sor.u32 s1, s2;
	s0 =	rddreg [dreg:$0x6];
	[sflag:s30] =	ssyncadd.s32 $0xFFFFC000  }
0xb8: {  	[tilespmem:s24], [sflag:$0x1] =	stream.strided.gather [hbm4b:s0+s23], $0x4000, s24, s23, $0x38;
	[tilespmem:$0x18000] =	vst v63  }
0xb9: {  	v10 =	vld [tilespmem:s1+$0x16380]  }
0xba: {  	v12 =	vld [tilespmem:s1+$0x16200]  }
0xbb: {  	v13 =	vld [tilespmem:s1+$0x16280]  }
0xbc: {  	v11 =	vld [tilespmem:s1+$0x16300]  }
0xbd: {  	v15 =	vld [tilespmem:s1+$0x16080]  }
0xbe: {  	v14 =	vld [tilespmem:s1+$0x16180]  }
0xbf: {  	v17 =	vld [tilespmem:s1+$0x16000]  }
0xc0: {  	v22 =	vld [tilespmem:s1+$0x14080]  }
0xc1: {  	v16 =	vld [tilespmem:s1+$0x16100]  }
0xc2: {  	v18 =	vld [tilespmem:s1+$0x14300]  }
0xc3: {  	v24 =	vld [tilespmem:s1+$0x14000]  }
0xc4: {  	v19 =	vld [tilespmem:s1+$0x14200]  }
0xc5: {  	v23 =	vld [tilespmem:s1+$0x14100]  }
0xc6: {  	s0 =	sor.u32 s6, s6;
	v20 =	vld [tilespmem:s1+$0x14280]  }
0xc7: {  	v25 =	vld [tilespmem:s1+$0x14180];
	s0 =	sor.u32 $0x380, s0  }
0xc8: {  	v21 =	vld [tilespmem:s0+$0x14000]  }
0xc9: {  	v29 =	vld.idx.msk [tilespmem:v13+s3+$0x0], $0xffff  }
0xca: {  	v26 =	vld.idx.msk [tilespmem:v17+s3+$0x0], $0xffff  }
0xcb: {  	v30 =	vld.idx.msk [tilespmem:v12+s3+$0x0], $0xffff  }
0xcc: {  	v28 =	vld.idx.msk [tilespmem:v10+s3+$0x0], $0xffff  }
0xcd: {  	v27 =	vld.idx.msk [tilespmem:v16+s3+$0x0], $0xffff  }
0xce: {  	v34 =	vld.idx.msk [tilespmem:v23+s3+$0x0], $0xffff  }
0xcf: {  	v35 =	vld.idx.msk [tilespmem:v20+s3+$0x0], $0xffff  }
0xd0: {  	v37 =	vld.idx.msk [tilespmem:v25+s3+$0x0], $0xffff  }
0xd1: {  	v38 =	vld.idx.msk [tilespmem:v24+s3+$0x0], $0xffff  }
0xd2: {  	v33 =	vld.idx.msk [tilespmem:v18+s3+$0x0], $0xffff  }
0xd3: {  	v39 =	vld.idx.msk [tilespmem:v22+s3+$0x0], $0xffff  }
0xd4: {  	v40 =	vld.idx.msk [tilespmem:v19+s3+$0x0], $0xffff  }
0xd5: {  	v32 =	vld.idx.msk [tilespmem:v21+s3+$0x0], $0xffff;
	vm0 =	vge.f32 v30, v29  }
0xd6: {  	s5 =	simm.s32 $0x10;
	s1 =	simm.s32 $0x80;
	v36 =	vld.idx.msk [tilespmem:v14+s3+$0x0], $0xffff;
	vm1 =	vge.f32 v34, v37;
	v29 =	vsel vm0, v30, v29  }
.LBB2_6:
0xd7: {  	s0 =	sand.u32 $0x70, s5  }
0xd8: {  	s2 =	sand.u32 $0x1C00, s1;
	s6 =	sor.u32 s1, s5;
	v41 =	vld.idx.msk [tilespmem:v11+s3+$0x0], $0xffff;
	s4 =	smov.u32 s5  }
0xd9: {  	v34 =	vsel vm1, v34, v37;
	v37 =	vsel vm1, $0x2, v1;
	s4 =	sor.u32 s0, s2;
	s2 =	sor.u32 $0x380, s6;
	s0 =	sadd.s32 $0x10, s5;
	v42 =	vld.idx.msk [tilespmem:v15+s3+$0x0], $0xffff  }
0xda: {  	p0 =	sne.s32 s5, $0x3F0;
	vm1 =	vge.f32 v33, v32;
	v30 =	vld [tilespmem:s4+$0x16380]  }
0xdb: {  	vm2 =	vge.f32 v38, v39;
	v43 =	vsel vm1, v33, v32;
	v44 =	vsel vm1, $0x6, v3;
	v31 =	vld [tilespmem:s4+$0x16200]  }
0xdc: {  	v45 =	vsel vm0, $0xC, v6;
	vm1 =	vmneg vm2;
	vm2 =	vge.f32 v40, v35;
	v32 =	vld [tilespmem:s4+$0x16280]  }
0xdd: {  	v38 =	vsel vm1, v39, v38;
	v35 =	vsel vm2, v40, v35;
	vm0 =	vge.f32 v27, v36;
	v33 =	vld [tilespmem:s4+$0x16300]  }
0xde: {  	v40 =	vsel vm1, $0x1, v0;
	v46 =	vsel vm2, $0x4, v2;
	vm1 =	vge.f32 v41, v28;
	v39 =	vld [tilespmem:s4+$0x16080]  }
0xdf: {  	vm3 =	vge.f32 v38, v34;
	vm4 =	vge.f32 v35, v43;
	vm2 =	vge.f32 v26, v42;
	v47 =	vld [tilespmem:s4+$0x16180]  }
0xe0: {  	v49 =	vsel vm0, $0xA, v5;
	v35 =	vsel vm4, v35, v43;
	v43 =	vsel vm4, v46, v44;
	v48 =	vld [tilespmem:s4+$0x16000]  }
0xe1: {  	v28 =	vsel vm1, v41, v28;
	v41 =	vsel vm1, $0xE, v7;
	v34 =	vsel vm3, v38, v34;
	v44 =	vld [tilespmem:s4+$0x14080]  }
0xe2: {  	v27 =	vsel vm0, v27, v36;
	v46 =	vsel vm2, $0x8, v4;
	vm0 =	vge.f32 v34, v35;
	v38 =	vld [tilespmem:s4+$0x16100]  }
0xe3: {  	v26 =	vsel vm2, v26, v42;
	vm1 =	vge.f32 v29, v28;
	v34 =	vsel vm0, v34, v35;
	v36 =	vld [tilespmem:s4+$0x14300]  }
0xe4: {  	v37 =	vsel vm3, v40, v37;
	vm2 =	vge.f32 v26, v27;
	v28 =	vsel vm1, v29, v28;
	v35 =	vld.idx.msk [tilespmem:v32+s3+$0x0], $0xffff  }
0xe5: {  	v37 =	vsel vm0, v37, v43;
	v26 =	vsel vm2, v26, v27;
	v27 =	vsel vm2, v46, v49;
	v29 =	vld [tilespmem:s4+$0x14000]  }
0xe6: {  	v41 =	vsel vm1, v45, v41;
	vm0 =	vge.f32 v26, v28;
	v40 =	vld [tilespmem:s4+$0x14200]  }
0xe7: {  	v28 =	vsel vm0, v26, v28;
	v27 =	vsel vm0, v27, v41;
	v42 =	vld [tilespmem:s4+$0x14100]  }
0xe8: {  	vm0 =	vge.f32 v34, v28;
	v26 =	vld.idx.msk [tilespmem:v48+s3+$0x0], $0xffff  }
0xe9: {  	v43 =	vsel vm0, v37, v27;
	v41 =	vld [tilespmem:s4+$0x14180]  }
0xea: {  	vm0 =	vne.s32 v43, $0x0;
	v37 =	vld [tilespmem:s4+$0x14280]  }
0xeb: {  	vm1 =	vne.s32 v43, $0x1;
	v45 =	vld.idx.msk [tilespmem:v31+s3+$0x0], $0xffff  }
0xec: {  	vm2 =	vne.s32 v43, $0x2;
	v28 =	vld.idx.msk [tilespmem:v30+s3+$0x0], $0xffff  }
0xed: {  	vm3 =	vne.s32 v43, $0x3;
	v46 =	vld [tilespmem:s2+$0x14000]  }
0xee: {  	vm4 =	vne.s32 v43, $0x4;
	v27 =	vld.idx.msk [tilespmem:v38+s3+$0x0], $0xffff  }
0xef: {  	vm5 =	vne.s32 v43, $0x5;
	v34 =	vld.idx.msk [tilespmem:v42+s3+$0x0], $0xffff  }
0xf0: {  	[tilespmem:v24+s29+$0x0] =	vst.idx.add.s32.msk vm0, v8;
	v24 =	vmov v29  }
0xf1: {  	vm0 =	vge.f32 v45, v35;
	[tilespmem:v22+s29+$0x0] =	vst.idx.add.s32.msk vm1, v8;
	vm1 =	vne.s32 v43, $0x6;
	v22 =	vmov v44  }
0xf2: {  	v29 =	vsel vm0, v45, v35;
	[tilespmem:v23+s29+$0x0] =	vst.idx.add.s32.msk vm2, v8;
	vm2 =	vne.s32 v43, $0x7;
	v23 =	vmov v42  }
0xf3: {  	[tilespmem:v25+s29+$0x0] =	vst.idx.add.s32.msk vm3, v8;
	vm3 =	vne.s32 v43, $0x8;
	v25 =	vmov v41  }
0xf4: {  	[tilespmem:v19+s29+$0x0] =	vst.idx.add.s32.msk vm4, v8;
	vm4 =	vne.s32 v43, $0x9;
	v19 =	vmov v40  }
0xf5: {  	[tilespmem:v20+s29+$0x0] =	vst.idx.add.s32.msk vm5, v8;
	vm5 =	vne.s32 v43, $0xA;
	v20 =	vmov v37  }
0xf6: {  	vm6 =	vne.s32 v43, $0xB;
	v35 =	vld.idx.msk [tilespmem:v37+s3+$0x0], $0xffff  }
0xf7: {  	vm7 =	vne.s32 v43, $0xC;
	v37 =	vld.idx.msk [tilespmem:v41+s3+$0x0], $0xffff  }
0xf8: {  	[tilespmem:v18+s29+$0x0] =	vst.idx.add.s32.msk vm1, v8;
	vm1 =	vne.s32 v43, $0xD;
	v18 =	vmov v36  }
0xf9: {  	[tilespmem:v21+s29+$0x0] =	vst.idx.add.s32.msk vm2, v8;
	vm2 =	vne.s32 v43, $0xE;
	v21 =	vmov v46  }
0xfa: {  	[tilespmem:v17+s29+$0x0] =	vst.idx.add.s32.msk vm3, v8;
	vm3 =	vne.s32 v43, $0xF;
	v17 =	vmov v48  }
0xfb: {  	[tilespmem:v15+s29+$0x0] =	vst.idx.add.s32.msk vm4, v8;
	v15 =	vmov v39  }
0xfc: {  	[tilespmem:v16+s29+$0x0] =	vst.idx.add.s32.msk vm5, v8;
	v16 =	vmov v38  }
0xfd: {  	[tilespmem:v14+s29+$0x0] =	vst.idx.add.s32.msk vm6, v8;
	v14 =	vmov v47  }
0xfe: {  	[tilespmem:v12+s29+$0x0] =	vst.idx.add.s32.msk vm7, v8;
	v12 =	vmov v31  }
0xff: {  	[tilespmem:v13+s29+$0x0] =	vst.idx.add.s32.msk vm1, v8;
	v13 =	vmov v32  }
0x100: {  	[tilespmem:v11+s29+$0x0] =	vst.idx.add.s32.msk vm2, v8;
	v11 =	vmov v33  }
0x101: {  	[tilespmem:v10+s29+$0x0] =	vst.idx.add.s32.msk vm3, v8;
	v10 =	vmov v30  }
0x102: {  	v38 =	vld.idx.msk [tilespmem:v24+s3+$0x0], $0xffff  }
.Ltmp2:
0x103: {  	v32 =	vld.idx.msk [tilespmem:v46+s3+$0x0], $0xffff;
	(pc) =	sbr.rel @p0 .LBB2_6-.Ltmp2, $4  }
0x104: {  	v33 =	vld.idx.msk [tilespmem:v36+s3+$0x0], $0xffff  }
0x105: {  	v39 =	vld.idx.msk [tilespmem:v22+s3+$0x0], $0xffff  }
0x106: {  	v40 =	vld.idx.msk [tilespmem:v19+s3+$0x0], $0xffff  }
0x107: {  	s1 =	sadd.s32 $0x80, s1;
	s5 =	smov.u32 s0;
	vm1 =	vge.f32 v34, v37;
	v36 =	vld.idx.msk [tilespmem:v47+s3+$0x0], $0xffff  }
0x108: {  	_ =	sdelay $0x3  }
0x109: {  	v30 =	vld.idx.msk [tilespmem:v11+s3+$0x0], $0xffff  }
0x10a: {  	v31 =	vld.idx.msk [tilespmem:v15+s3+$0x0], $0xffff;
	v34 =	vsel vm1, v34, v37;
	vm2 =	vge.f32 v33, v32  }
0x10b: {  	v59 =	vsel vm1, $0x2, v1;
	vm1 =	vge.f32 v38, v39;
	v32 =	vsel vm2, v33, v32  }
0x10c: {  	v60 =	vsel vm2, $0x6, v3;
	vm1 =	vmneg vm1;
	vm2 =	vge.f32 v40, v35  }
0x10d: {  	v41 =	vsel vm0, $0xC, v6;
	v61 =	vsel vm1, v39, v38;
	v35 =	vsel vm2, v40, v35  }
0x10e: {  	vm0 =	vge.f32 v27, v36;
	v62 =	vsel vm1, $0x1, v0;
	v63 =	vsel vm2, $0x4, v2  }
0x10f: {  	vm1 =	vge.f32 v30, v28;
	vm2 =	vge.f32 v26, v31;
	vm3 =	vge.f32 v35, v32  }
0x110: {  	vm4 =	vge.f32 v61, v34;
	v42 =	vsel vm0, $0xA, v5;
	v27 =	vsel vm0, v27, v36  }
0x111: {  	v32 =	vsel vm3, v35, v32;
	v33 =	vsel vm3, v63, v60;
	v28 =	vsel vm1, v30, v28  }
0x112: {  	v30 =	vsel vm1, $0xE, v7;
	v34 =	vsel vm4, v61, v34;
	v26 =	vsel vm2, v26, v31  }
0x113: {  	v31 =	vsel vm2, $0x8, v4;
	vm0 =	vge.f32 v29, v28;
	vm1 =	vge.f32 v26, v27  }
0x114: {  	vm2 =	vge.f32 v34, v32;
	v28 =	vsel vm0, v29, v28;
	v26 =	vsel vm1, v26, v27  }
0x115: {  	v27 =	vsel vm2, v34, v32;
	v29 =	vsel vm4, v62, v59;
	vm3 =	vge.f32 v26, v28  }
0x116: {  	v31 =	vsel vm1, v31, v42;
	v30 =	vsel vm0, v41, v30;
	v26 =	vsel vm3, v26, v28  }
0x117: {  	v28 =	vsel vm2, v29, v33;
	v29 =	vsel vm3, v31, v30;
	vm0 =	vge.f32 v27, v26  }
0x118: {  	v26 =	vsel vm0, v28, v29  }
0x119: {  	vm0 =	vne.s32 v26, $0x0  }
0x11a: {  	vm1 =	vne.s32 v26, $0x1  }
0x11b: {  	vm2 =	vne.s32 v26, $0x2  }
0x11c: {  	vm3 =	vne.s32 v26, $0x3  }
0x11d: {  	vm13 =	vne.s32 v26, $0x4  }
0x11e: {  	vm5 =	vne.s32 v26, $0x5  }
0x11f: {  	[tilespmem:v24+s29+$0x0] =	vst.idx.add.s32.msk vm0, v8;
	vm0 =	vne.s32 v26, $0x6  }
0x120: {  	[tilespmem:v22+s29+$0x0] =	vst.idx.add.s32.msk vm1, v8;
	vm1 =	vne.s32 v26, $0x7  }
0x121: {  	[tilespmem:v23+s29+$0x0] =	vst.idx.add.s32.msk vm2, v8;
	vm2 =	vne.s32 v26, $0x8  }
0x122: {  	[tilespmem:v25+s29+$0x0] =	vst.idx.add.s32.msk vm3, v8;
	vm3 =	vne.s32 v26, $0x9  }
0x123: {  	vm14 =	vne.s32 v26, $0xA;
	[tilespmem:v19+s29+$0x0] =	vst.idx.add.s32.msk vm13, v8  }
0x124: {  	vm15 =	vne.s32 v26, $0xB;
	[tilespmem:v20+s29+$0x0] =	vst.idx.add.s32.msk vm5, v8  }
0x125: {  	vm6 =	vne.s32 v26, $0xC;
	[tilespmem:v18+s29+$0x0] =	vst.idx.add.s32.msk vm0, v8  }
0x126: {  	vm0 =	vne.s32 v26, $0xD;
	[tilespmem:v21+s29+$0x0] =	vst.idx.add.s32.msk vm1, v8  }
0x127: {  	vm1 =	vne.s32 v26, $0xE;
	[tilespmem:v17+s29+$0x0] =	vst.idx.add.s32.msk vm2, v8  }
0x128: {  	vm2 =	vne.s32 v26, $0xF;
	[tilespmem:v15+s29+$0x0] =	vst.idx.add.s32.msk vm3, v8  }
0x129: {  	[tilespmem:v16+s29+$0x0] =	vst.idx.add.s32.msk vm14, v8  }
0x12a: {  	[tilespmem:v14+s29+$0x0] =	vst.idx.add.s32.msk vm15, v8  }
0x12b: {  	[tilespmem:v12+s29+$0x0] =	vst.idx.add.s32.msk vm6, v8  }
0x12c: {  	[tilespmem:v13+s29+$0x0] =	vst.idx.add.s32.msk vm0, v8  }
0x12d: {  	[tilespmem:v11+s29+$0x0] =	vst.idx.add.s32.msk vm1, v8  }
0x12e: {  	[tilespmem:v10+s29+$0x0] =	vst.idx.add.s32.msk vm2, v8  }
0x12f: {  	s0 =	simm.s32 $0x0;
	_ =	swait.ge [sflag:s26], $0x4000  }
0x130: {  	s1 =	sand.u32 $0x70, s0;
	s2 =	sand.u32 $0x1C00, s0;
	[sflag:s26] =	ssyncset.done $0x0  }
0x131: {  	s1 =	sor.u32 s1, s2;
	[sflag:s26] =	ssyncadd.s32 $0xFFFFC000  }
0x132: {  	[tilespmem:s28], [sflag:$0x2] =	stream.strided.gather [hbm4b:s7+s23], $0x4000, s24, s23, $0x38;
	[tilespmem:$0x18000] =	vst v63  }
0x133: {  	v10 =	vld [tilespmem:s1+$0x12380]  }
0x134: {  	v12 =	vld [tilespmem:s1+$0x12200]  }
0x135: {  	v13 =	vld [tilespmem:s1+$0x12280]  }
0x136: {  	v11 =	vld [tilespmem:s1+$0x12300]  }
0x137: {  	v15 =	vld [tilespmem:s1+$0x12080]  }
0x138: {  	v14 =	vld [tilespmem:s1+$0x12180]  }
0x139: {  	v17 =	vld [tilespmem:s1+$0x12000]  }
0x13a: {  	v22 =	vld [tilespmem:s1+$0x10080]  }
0x13b: {  	v16 =	vld [tilespmem:s1+$0x12100]  }
0x13c: {  	v18 =	vld [tilespmem:s1+$0x10300]  }
0x13d: {  	v24 =	vld [tilespmem:s1+$0x10000]  }
0x13e: {  	v19 =	vld [tilespmem:s1+$0x10200]  }
0x13f: {  	v23 =	vld [tilespmem:s1+$0x10100]  }
0x140: {  	s0 =	sor.u32 s0, s0;
	v20 =	vld [tilespmem:s1+$0x10280]  }
0x141: {  	s0 =	sor.u32 $0x380, s0;
	v25 =	vld [tilespmem:s1+$0x10180]  }
0x142: {  	v21 =	vld [tilespmem:s0+$0x10000]  }
0x143: {  	v29 =	vld.idx.msk [tilespmem:v13+s3+$0x0], $0xffff  }
0x144: {  	v26 =	vld.idx.msk [tilespmem:v17+s3+$0x0], $0xffff  }
0x145: {  	v30 =	vld.idx.msk [tilespmem:v12+s3+$0x0], $0xffff  }
0x146: {  	v28 =	vld.idx.msk [tilespmem:v10+s3+$0x0], $0xffff  }
0x147: {  	v27 =	vld.idx.msk [tilespmem:v16+s3+$0x0], $0xffff  }
0x148: {  	v34 =	vld.idx.msk [tilespmem:v23+s3+$0x0], $0xffff  }
0x149: {  	v35 =	vld.idx.msk [tilespmem:v20+s3+$0x0], $0xffff  }
0x14a: {  	v37 =	vld.idx.msk [tilespmem:v25+s3+$0x0], $0xffff  }
0x14b: {  	v38 =	vld.idx.msk [tilespmem:v24+s3+$0x0], $0xffff  }
0x14c: {  	v32 =	vld.idx.msk [tilespmem:v21+s3+$0x0], $0xffff  }
0x14d: {  	v33 =	vld.idx.msk [tilespmem:v18+s3+$0x0], $0xffff  }
0x14e: {  	v39 =	vld.idx.msk [tilespmem:v22+s3+$0x0], $0xffff  }
0x14f: {  	v40 =	vld.idx.msk [tilespmem:v19+s3+$0x0], $0xffff;
	vm0 =	vge.f32 v30, v29  }
0x150: {  	s5 =	simm.s32 $0x10;
	s1 =	simm.s32 $0x80;
	v36 =	vld.idx.msk [tilespmem:v14+s3+$0x0], $0xffff;
	vm1 =	vge.f32 v34, v37;
	v29 =	vsel vm0, v30, v29  }
.LBB2_8:
0x151: {  	s0 =	sand.u32 $0x70, s5  }
0x152: {  	s2 =	sand.u32 $0x1C00, s1;
	s6 =	sor.u32 s1, s5;
	v41 =	vld.idx.msk [tilespmem:v11+s3+$0x0], $0xffff;
	s4 =	smov.u32 s5  }
0x153: {  	v34 =	vsel vm1, v34, v37;
	v37 =	vsel vm1, $0x2, v1;
	s4 =	sor.u32 s0, s2;
	s2 =	sor.u32 $0x380, s6;
	s0 =	sadd.s32 $0x10, s5;
	v42 =	vld.idx.msk [tilespmem:v15+s3+$0x0], $0xffff  }
0x154: {  	p0 =	sne.s32 s5, $0x3F0;
	vm1 =	vge.f32 v33, v32;
	v30 =	vld [tilespmem:s4+$0x12380]  }
0x155: {  	vm2 =	vge.f32 v38, v39;
	v43 =	vsel vm1, v33, v32;
	v44 =	vsel vm1, $0x6, v3;
	v31 =	vld [tilespmem:s4+$0x12200]  }
0x156: {  	v45 =	vsel vm0, $0xC, v6;
	vm1 =	vmneg vm2;
	vm2 =	vge.f32 v40, v35;
	v32 =	vld [tilespmem:s4+$0x12280]  }
0x157: {  	v38 =	vsel vm1, v39, v38;
	v35 =	vsel vm2, v40, v35;
	vm0 =	vge.f32 v27, v36;
	v33 =	vld [tilespmem:s4+$0x12300]  }
0x158: {  	v40 =	vsel vm1, $0x1, v0;
	v46 =	vsel vm2, $0x4, v2;
	vm1 =	vge.f32 v41, v28;
	v39 =	vld [tilespmem:s4+$0x12080]  }
0x159: {  	vm3 =	vge.f32 v38, v34;
	vm4 =	vge.f32 v35, v43;
	vm2 =	vge.f32 v26, v42;
	v47 =	vld [tilespmem:s4+$0x12180]  }
0x15a: {  	v49 =	vsel vm0, $0xA, v5;
	v35 =	vsel vm4, v35, v43;
	v43 =	vsel vm4, v46, v44;
	v48 =	vld [tilespmem:s4+$0x12000]  }
0x15b: {  	v28 =	vsel vm1, v41, v28;
	v41 =	vsel vm1, $0xE, v7;
	v34 =	vsel vm3, v38, v34;
	v44 =	vld [tilespmem:s4+$0x10080]  }
0x15c: {  	v27 =	vsel vm0, v27, v36;
	v46 =	vsel vm2, $0x8, v4;
	vm0 =	vge.f32 v34, v35;
	v38 =	vld [tilespmem:s4+$0x12100]  }
0x15d: {  	v26 =	vsel vm2, v26, v42;
	vm1 =	vge.f32 v29, v28;
	v34 =	vsel vm0, v34, v35;
	v36 =	vld [tilespmem:s4+$0x10300]  }
0x15e: {  	v37 =	vsel vm3, v40, v37;
	vm2 =	vge.f32 v26, v27;
	v28 =	vsel vm1, v29, v28;
	v35 =	vld.idx.msk [tilespmem:v32+s3+$0x0], $0xffff  }
0x15f: {  	v37 =	vsel vm0, v37, v43;
	v26 =	vsel vm2, v26, v27;
	v27 =	vsel vm2, v46, v49;
	v29 =	vld [tilespmem:s4+$0x10000]  }
0x160: {  	v41 =	vsel vm1, v45, v41;
	vm0 =	vge.f32 v26, v28;
	v40 =	vld [tilespmem:s4+$0x10200]  }
0x161: {  	v28 =	vsel vm0, v26, v28;
	v27 =	vsel vm0, v27, v41;
	v42 =	vld [tilespmem:s4+$0x10100]  }
0x162: {  	vm0 =	vge.f32 v34, v28;
	v26 =	vld.idx.msk [tilespmem:v48+s3+$0x0], $0xffff  }
0x163: {  	v43 =	vsel vm0, v37, v27;
	v41 =	vld [tilespmem:s4+$0x10180]  }
0x164: {  	vm0 =	vne.s32 v43, $0x0;
	v37 =	vld [tilespmem:s4+$0x10280]  }
0x165: {  	vm1 =	vne.s32 v43, $0x1;
	v45 =	vld.idx.msk [tilespmem:v31+s3+$0x0], $0xffff  }
0x166: {  	vm2 =	vne.s32 v43, $0x2;
	v28 =	vld.idx.msk [tilespmem:v30+s3+$0x0], $0xffff  }
0x167: {  	vm3 =	vne.s32 v43, $0x3;
	v46 =	vld [tilespmem:s2+$0x10000]  }
0x168: {  	vm4 =	vne.s32 v43, $0x4;
	v27 =	vld.idx.msk [tilespmem:v38+s3+$0x0], $0xffff  }
0x169: {  	vm5 =	vne.s32 v43, $0x5;
	v34 =	vld.idx.msk [tilespmem:v42+s3+$0x0], $0xffff  }
0x16a: {  	[tilespmem:v24+s29+$0x0] =	vst.idx.add.s32.msk vm0, v8;
	v24 =	vmov v29  }
0x16b: {  	vm0 =	vge.f32 v45, v35;
	[tilespmem:v22+s29+$0x0] =	vst.idx.add.s32.msk vm1, v8;
	vm1 =	vne.s32 v43, $0x6;
	v22 =	vmov v44  }
0x16c: {  	v29 =	vsel vm0, v45, v35;
	[tilespmem:v23+s29+$0x0] =	vst.idx.add.s32.msk vm2, v8;
	vm2 =	vne.s32 v43, $0x7;
	v23 =	vmov v42  }
0x16d: {  	[tilespmem:v25+s29+$0x0] =	vst.idx.add.s32.msk vm3, v8;
	vm3 =	vne.s32 v43, $0x8;
	v25 =	vmov v41  }
0x16e: {  	[tilespmem:v19+s29+$0x0] =	vst.idx.add.s32.msk vm4, v8;
	vm4 =	vne.s32 v43, $0x9;
	v19 =	vmov v40  }
0x16f: {  	[tilespmem:v20+s29+$0x0] =	vst.idx.add.s32.msk vm5, v8;
	vm5 =	vne.s32 v43, $0xA;
	v20 =	vmov v37  }
0x170: {  	vm6 =	vne.s32 v43, $0xB;
	v35 =	vld.idx.msk [tilespmem:v37+s3+$0x0], $0xffff  }
0x171: {  	vm7 =	vne.s32 v43, $0xC;
	v37 =	vld.idx.msk [tilespmem:v41+s3+$0x0], $0xffff  }
0x172: {  	[tilespmem:v18+s29+$0x0] =	vst.idx.add.s32.msk vm1, v8;
	vm1 =	vne.s32 v43, $0xD;
	v18 =	vmov v36  }
0x173: {  	[tilespmem:v21+s29+$0x0] =	vst.idx.add.s32.msk vm2, v8;
	vm2 =	vne.s32 v43, $0xE;
	v21 =	vmov v46  }
0x174: {  	[tilespmem:v17+s29+$0x0] =	vst.idx.add.s32.msk vm3, v8;
	vm3 =	vne.s32 v43, $0xF;
	v17 =	vmov v48  }
0x175: {  	[tilespmem:v15+s29+$0x0] =	vst.idx.add.s32.msk vm4, v8;
	v15 =	vmov v39  }
0x176: {  	[tilespmem:v16+s29+$0x0] =	vst.idx.add.s32.msk vm5, v8;
	v16 =	vmov v38  }
0x177: {  	[tilespmem:v14+s29+$0x0] =	vst.idx.add.s32.msk vm6, v8;
	v14 =	vmov v47  }
0x178: {  	[tilespmem:v12+s29+$0x0] =	vst.idx.add.s32.msk vm7, v8;
	v12 =	vmov v31  }
0x179: {  	[tilespmem:v13+s29+$0x0] =	vst.idx.add.s32.msk vm1, v8;
	v13 =	vmov v32  }
0x17a: {  	[tilespmem:v11+s29+$0x0] =	vst.idx.add.s32.msk vm2, v8;
	v11 =	vmov v33  }
0x17b: {  	[tilespmem:v10+s29+$0x0] =	vst.idx.add.s32.msk vm3, v8;
	v10 =	vmov v30  }
0x17c: {  	v38 =	vld.idx.msk [tilespmem:v24+s3+$0x0], $0xffff  }
.Ltmp3:
0x17d: {  	v32 =	vld.idx.msk [tilespmem:v46+s3+$0x0], $0xffff;
	(pc) =	sbr.rel @p0 .LBB2_8-.Ltmp3, $4  }
0x17e: {  	v33 =	vld.idx.msk [tilespmem:v36+s3+$0x0], $0xffff  }
0x17f: {  	v39 =	vld.idx.msk [tilespmem:v22+s3+$0x0], $0xffff  }
0x180: {  	v40 =	vld.idx.msk [tilespmem:v19+s3+$0x0], $0xffff  }
0x181: {  	s1 =	sadd.s32 $0x80, s1;
	s5 =	smov.u32 s0;
	vm1 =	vge.f32 v34, v37;
	v36 =	vld.idx.msk [tilespmem:v47+s3+$0x0], $0xffff  }
0x182: {  	_ =	sdelay $0x3  }
0x183: {  	v30 =	vld.idx.msk [tilespmem:v11+s3+$0x0], $0xffff  }
0x184: {  	v31 =	vld.idx.msk [tilespmem:v15+s3+$0x0], $0xffff;
	v34 =	vsel vm1, v34, v37;
	vm2 =	vge.f32 v33, v32  }
0x185: {  	v59 =	vsel vm1, $0x2, v1;
	vm1 =	vge.f32 v38, v39;
	v32 =	vsel vm2, v33, v32  }
0x186: {  	v60 =	vsel vm2, $0x6, v3;
	vm1 =	vmneg vm1;
	vm2 =	vge.f32 v40, v35  }
0x187: {  	v41 =	vsel vm0, $0xC, v6;
	v61 =	vsel vm1, v39, v38;
	v35 =	vsel vm2, v40, v35  }
0x188: {  	vm0 =	vge.f32 v27, v36;
	v62 =	vsel vm1, $0x1, v0;
	v63 =	vsel vm2, $0x4, v2  }
0x189: {  	vm1 =	vge.f32 v30, v28;
	vm2 =	vge.f32 v26, v31;
	vm3 =	vge.f32 v35, v32  }
0x18a: {  	vm4 =	vge.f32 v61, v34;
	v42 =	vsel vm0, $0xA, v5;
	v27 =	vsel vm0, v27, v36  }
0x18b: {  	v32 =	vsel vm3, v35, v32;
	v33 =	vsel vm3, v63, v60;
	v28 =	vsel vm1, v30, v28  }
0x18c: {  	v30 =	vsel vm1, $0xE, v7;
	v34 =	vsel vm4, v61, v34;
	v26 =	vsel vm2, v26, v31  }
0x18d: {  	v31 =	vsel vm2, $0x8, v4;
	vm0 =	vge.f32 v29, v28;
	vm1 =	vge.f32 v26, v27  }
0x18e: {  	vm2 =	vge.f32 v34, v32;
	v28 =	vsel vm0, v29, v28;
	v26 =	vsel vm1, v26, v27  }
0x18f: {  	v27 =	vsel vm2, v34, v32;
	v29 =	vsel vm4, v62, v59;
	vm3 =	vge.f32 v26, v28  }
0x190: {  	v31 =	vsel vm1, v31, v42;
	v30 =	vsel vm0, v41, v30;
	v26 =	vsel vm3, v26, v28  }
0x191: {  	v28 =	vsel vm2, v29, v33;
	v29 =	vsel vm3, v31, v30;
	vm0 =	vge.f32 v27, v26  }
0x192: {  	v26 =	vsel vm0, v28, v29  }
0x193: {  	vm0 =	vne.s32 v26, $0x0  }
0x194: {  	vm1 =	vne.s32 v26, $0x1  }
0x195: {  	vm2 =	vne.s32 v26, $0x2  }
0x196: {  	vm3 =	vne.s32 v26, $0x3  }
0x197: {  	vm13 =	vne.s32 v26, $0x4  }
0x198: {  	vm5 =	vne.s32 v26, $0x5  }
0x199: {  	[tilespmem:v24+s29+$0x0] =	vst.idx.add.s32.msk vm0, v8;
	vm0 =	vne.s32 v26, $0x6  }
0x19a: {  	[tilespmem:v22+s29+$0x0] =	vst.idx.add.s32.msk vm1, v8;
	vm1 =	vne.s32 v26, $0x7  }
0x19b: {  	[tilespmem:v23+s29+$0x0] =	vst.idx.add.s32.msk vm2, v8;
	vm2 =	vne.s32 v26, $0x8  }
0x19c: {  	[tilespmem:v25+s29+$0x0] =	vst.idx.add.s32.msk vm3, v8;
	vm3 =	vne.s32 v26, $0x9  }
0x19d: {  	vm14 =	vne.s32 v26, $0xA;
	[tilespmem:v19+s29+$0x0] =	vst.idx.add.s32.msk vm13, v8  }
0x19e: {  	vm15 =	vne.s32 v26, $0xB;
	[tilespmem:v20+s29+$0x0] =	vst.idx.add.s32.msk vm5, v8  }
0x19f: {  	vm6 =	vne.s32 v26, $0xC;
	[tilespmem:v18+s29+$0x0] =	vst.idx.add.s32.msk vm0, v8  }
0x1a0: {  	vm0 =	vne.s32 v26, $0xD;
	[tilespmem:v21+s29+$0x0] =	vst.idx.add.s32.msk vm1, v8  }
0x1a1: {  	vm1 =	vne.s32 v26, $0xE;
	[tilespmem:v17+s29+$0x0] =	vst.idx.add.s32.msk vm2, v8  }
0x1a2: {  	vm2 =	vne.s32 v26, $0xF;
	[tilespmem:v15+s29+$0x0] =	vst.idx.add.s32.msk vm3, v8  }
0x1a3: {  	[tilespmem:v16+s29+$0x0] =	vst.idx.add.s32.msk vm14, v8  }
0x1a4: {  	[tilespmem:v14+s29+$0x0] =	vst.idx.add.s32.msk vm15, v8  }
0x1a5: {  	[tilespmem:v12+s29+$0x0] =	vst.idx.add.s32.msk vm6, v8  }
0x1a6: {  	[tilespmem:v13+s29+$0x0] =	vst.idx.add.s32.msk vm0, v8  }
0x1a7: {  	[tilespmem:v11+s29+$0x0] =	vst.idx.add.s32.msk vm1, v8  }
0x1a8: {  	[tilespmem:v10+s29+$0x0] =	vst.idx.add.s32.msk vm2, v8  }
0x1a9: {  	s0 =	simm.s32 $0x0;
	_ =	swait.ge [sflag:s30], $0x4000  }
0x1aa: {  	s1 =	sand.u32 $0x70, s0;
	s2 =	sand.u32 $0x1C00, s0;
	[sflag:s30] =	ssyncset.done $0x0  }
0x1ab: {  	s1 =	sor.u32 s1, s2;
	[sflag:s30] =	ssyncadd.s32 $0xFFFFC000  }
0x1ac: {  	[tilespmem:s24], [sflag:$0x1] =	stream.strided.gather [hbm4b:s8+s23], $0x4000, s24, s23, $0x38;
	[tilespmem:$0x18000] =	vst v63  }
0x1ad: {  	v10 =	vld [tilespmem:s1+$0x16380]  }
0x1ae: {  	v12 =	vld [tilespmem:s1+$0x16200]  }
0x1af: {  	v13 =	vld [tilespmem:s1+$0x16280]  }
0x1b0: {  	v11 =	vld [tilespmem:s1+$0x16300]  }
0x1b1: {  	v15 =	vld [tilespmem:s1+$0x16080]  }
0x1b2: {  	v14 =	vld [tilespmem:s1+$0x16180]  }
0x1b3: {  	v17 =	vld [tilespmem:s1+$0x16000]  }
0x1b4: {  	v22 =	vld [tilespmem:s1+$0x14080]  }
0x1b5: {  	v16 =	vld [tilespmem:s1+$0x16100]  }
0x1b6: {  	v18 =	vld [tilespmem:s1+$0x14300]  }
0x1b7: {  	v24 =	vld [tilespmem:s1+$0x14000]  }
0x1b8: {  	v19 =	vld [tilespmem:s1+$0x14200]  }
0x1b9: {  	v23 =	vld [tilespmem:s1+$0x14100]  }
0x1ba: {  	s0 =	sor.u32 s0, s0;
	v20 =	vld [tilespmem:s1+$0x14280]  }
0x1bb: {  	s0 =	sor.u32 $0x380, s0;
	v25 =	vld [tilespmem:s1+$0x14180]  }
0x1bc: {  	v21 =	vld [tilespmem:s0+$0x14000]  }
0x1bd: {  	v29 =	vld.idx.msk [tilespmem:v13+s3+$0x0], $0xffff  }
0x1be: {  	v26 =	vld.idx.msk [tilespmem:v17+s3+$0x0], $0xffff  }
0x1bf: {  	v30 =	vld.idx.msk [tilespmem:v12+s3+$0x0], $0xffff  }
0x1c0: {  	v28 =	vld.idx.msk [tilespmem:v10+s3+$0x0], $0xffff  }
0x1c1: {  	v27 =	vld.idx.msk [tilespmem:v16+s3+$0x0], $0xffff  }
0x1c2: {  	v34 =	vld.idx.msk [tilespmem:v23+s3+$0x0], $0xffff  }
0x1c3: {  	v35 =	vld.idx.msk [tilespmem:v20+s3+$0x0], $0xffff  }
0x1c4: {  	v37 =	vld.idx.msk [tilespmem:v25+s3+$0x0], $0xffff  }
0x1c5: {  	v38 =	vld.idx.msk [tilespmem:v24+s3+$0x0], $0xffff  }
0x1c6: {  	v32 =	vld.idx.msk [tilespmem:v21+s3+$0x0], $0xffff  }
0x1c7: {  	v33 =	vld.idx.msk [tilespmem:v18+s3+$0x0], $0xffff  }
0x1c8: {  	v39 =	vld.idx.msk [tilespmem:v22+s3+$0x0], $0xffff  }
0x1c9: {  	v40 =	vld.idx.msk [tilespmem:v19+s3+$0x0], $0xffff;
	vm0 =	vge.f32 v30, v29  }
0x1ca: {  	s5 =	simm.s32 $0x10;
	s1 =	simm.s32 $0x80;
	v36 =	vld.idx.msk [tilespmem:v14+s3+$0x0], $0xffff;
	vm1 =	vge.f32 v34, v37;
	v29 =	vsel vm0, v30, v29  }
.LBB2_10:
0x1cb: {  	s0 =	sand.u32 $0x70, s5  }
0x1cc: {  	s2 =	sand.u32 $0x1C00, s1;
	s6 =	sor.u32 s1, s5;
	v41 =	vld.idx.msk [tilespmem:v11+s3+$0x0], $0xffff;
	s4 =	smov.u32 s5  }
0x1cd: {  	v34 =	vsel vm1, v34, v37;
	v37 =	vsel vm1, $0x2, v1;
	s4 =	sor.u32 s0, s2;
	s2 =	sor.u32 $0x380, s6;
	s0 =	sadd.s32 $0x10, s5;
	v42 =	vld.idx.msk [tilespmem:v15+s3+$0x0], $0xffff  }
0x1ce: {  	p0 =	sne.s32 s5, $0x3F0;
	vm1 =	vge.f32 v33, v32;
	v30 =	vld [tilespmem:s4+$0x16380]  }
0x1cf: {  	vm2 =	vge.f32 v38, v39;
	v43 =	vsel vm1, v33, v32;
	v44 =	vsel vm1, $0x6, v3;
	v31 =	vld [tilespmem:s4+$0x16200]  }
0x1d0: {  	v45 =	vsel vm0, $0xC, v6;
	vm1 =	vmneg vm2;
	vm2 =	vge.f32 v40, v35;
	v32 =	vld [tilespmem:s4+$0x16280]  }
0x1d1: {  	v38 =	vsel vm1, v39, v38;
	v35 =	vsel vm2, v40, v35;
	vm0 =	vge.f32 v27, v36;
	v33 =	vld [tilespmem:s4+$0x16300]  }
0x1d2: {  	v40 =	vsel vm1, $0x1, v0;
	v46 =	vsel vm2, $0x4, v2;
	vm1 =	vge.f32 v41, v28;
	v39 =	vld [tilespmem:s4+$0x16080]  }
0x1d3: {  	vm3 =	vge.f32 v38, v34;
	vm4 =	vge.f32 v35, v43;
	vm2 =	vge.f32 v26, v42;
	v47 =	vld [tilespmem:s4+$0x16180]  }
0x1d4: {  	v49 =	vsel vm0, $0xA, v5;
	v35 =	vsel vm4, v35, v43;
	v43 =	vsel vm4, v46, v44;
	v48 =	vld [tilespmem:s4+$0x16000]  }
0x1d5: {  	v28 =	vsel vm1, v41, v28;
	v41 =	vsel vm1, $0xE, v7;
	v34 =	vsel vm3, v38, v34;
	v44 =	vld [tilespmem:s4+$0x14080]  }
0x1d6: {  	v27 =	vsel vm0, v27, v36;
	v46 =	vsel vm2, $0x8, v4;
	vm0 =	vge.f32 v34, v35;
	v38 =	vld [tilespmem:s4+$0x16100]  }
0x1d7: {  	v26 =	vsel vm2, v26, v42;
	vm1 =	vge.f32 v29, v28;
	v34 =	vsel vm0, v34, v35;
	v36 =	vld [tilespmem:s4+$0x14300]  }
0x1d8: {  	v37 =	vsel vm3, v40, v37;
	vm2 =	vge.f32 v26, v27;
	v28 =	vsel vm1, v29, v28;
	v35 =	vld.idx.msk [tilespmem:v32+s3+$0x0], $0xffff  }
0x1d9: {  	v37 =	vsel vm0, v37, v43;
	v26 =	vsel vm2, v26, v27;
	v27 =	vsel vm2, v46, v49;
	v29 =	vld [tilespmem:s4+$0x14000]  }
0x1da: {  	v41 =	vsel vm1, v45, v41;
	vm0 =	vge.f32 v26, v28;
	v40 =	vld [tilespmem:s4+$0x14200]  }
0x1db: {  	v28 =	vsel vm0, v26, v28;
	v27 =	vsel vm0, v27, v41;
	v42 =	vld [tilespmem:s4+$0x14100]  }
0x1dc: {  	vm0 =	vge.f32 v34, v28;
	v26 =	vld.idx.msk [tilespmem:v48+s3+$0x0], $0xffff  }
0x1dd: {  	v43 =	vsel vm0, v37, v27;
	v41 =	vld [tilespmem:s4+$0x14180]  }
0x1de: {  	vm0 =	vne.s32 v43, $0x0;
	v37 =	vld [tilespmem:s4+$0x14280]  }
0x1df: {  	vm1 =	vne.s32 v43, $0x1;
	v45 =	vld.idx.msk [tilespmem:v31+s3+$0x0], $0xffff  }
0x1e0: {  	vm2 =	vne.s32 v43, $0x2;
	v28 =	vld.idx.msk [tilespmem:v30+s3+$0x0], $0xffff  }
0x1e1: {  	vm3 =	vne.s32 v43, $0x3;
	v46 =	vld [tilespmem:s2+$0x14000]  }
0x1e2: {  	vm4 =	vne.s32 v43, $0x4;
	v27 =	vld.idx.msk [tilespmem:v38+s3+$0x0], $0xffff  }
0x1e3: {  	vm5 =	vne.s32 v43, $0x5;
	v34 =	vld.idx.msk [tilespmem:v42+s3+$0x0], $0xffff  }
0x1e4: {  	[tilespmem:v24+s29+$0x0] =	vst.idx.add.s32.msk vm0, v8;
	v24 =	vmov v29  }
0x1e5: {  	vm0 =	vge.f32 v45, v35;
	[tilespmem:v22+s29+$0x0] =	vst.idx.add.s32.msk vm1, v8;
	vm1 =	vne.s32 v43, $0x6;
	v22 =	vmov v44  }
0x1e6: {  	v29 =	vsel vm0, v45, v35;
	[tilespmem:v23+s29+$0x0] =	vst.idx.add.s32.msk vm2, v8;
	vm2 =	vne.s32 v43, $0x7;
	v23 =	vmov v42  }
0x1e7: {  	[tilespmem:v25+s29+$0x0] =	vst.idx.add.s32.msk vm3, v8;
	vm3 =	vne.s32 v43, $0x8;
	v25 =	vmov v41  }
0x1e8: {  	[tilespmem:v19+s29+$0x0] =	vst.idx.add.s32.msk vm4, v8;
	vm4 =	vne.s32 v43, $0x9;
	v19 =	vmov v40  }
0x1e9: {  	[tilespmem:v20+s29+$0x0] =	vst.idx.add.s32.msk vm5, v8;
	vm5 =	vne.s32 v43, $0xA;
	v20 =	vmov v37  }
0x1ea: {  	vm6 =	vne.s32 v43, $0xB;
	v35 =	vld.idx.msk [tilespmem:v37+s3+$0x0], $0xffff  }
0x1eb: {  	vm7 =	vne.s32 v43, $0xC;
	v37 =	vld.idx.msk [tilespmem:v41+s3+$0x0], $0xffff  }
0x1ec: {  	[tilespmem:v18+s29+$0x0] =	vst.idx.add.s32.msk vm1, v8;
	vm1 =	vne.s32 v43, $0xD;
	v18 =	vmov v36  }
0x1ed: {  	[tilespmem:v21+s29+$0x0] =	vst.idx.add.s32.msk vm2, v8;
	vm2 =	vne.s32 v43, $0xE;
	v21 =	vmov v46  }
0x1ee: {  	[tilespmem:v17+s29+$0x0] =	vst.idx.add.s32.msk vm3, v8;
	vm3 =	vne.s32 v43, $0xF;
	v17 =	vmov v48  }
0x1ef: {  	[tilespmem:v15+s29+$0x0] =	vst.idx.add.s32.msk vm4, v8;
	v15 =	vmov v39  }
0x1f0: {  	[tilespmem:v16+s29+$0x0] =	vst.idx.add.s32.msk vm5, v8;
	v16 =	vmov v38  }
0x1f1: {  	[tilespmem:v14+s29+$0x0] =	vst.idx.add.s32.msk vm6, v8;
	v14 =	vmov v47  }
0x1f2: {  	[tilespmem:v12+s29+$0x0] =	vst.idx.add.s32.msk vm7, v8;
	v12 =	vmov v31  }
0x1f3: {  	[tilespmem:v13+s29+$0x0] =	vst.idx.add.s32.msk vm1, v8;
	v13 =	vmov v32  }
0x1f4: {  	[tilespmem:v11+s29+$0x0] =	vst.idx.add.s32.msk vm2, v8;
	v11 =	vmov v33  }
0x1f5: {  	[tilespmem:v10+s29+$0x0] =	vst.idx.add.s32.msk vm3, v8;
	v10 =	vmov v30  }
0x1f6: {  	v38 =	vld.idx.msk [tilespmem:v24+s3+$0x0], $0xffff  }
.Ltmp4:
0x1f7: {  	v32 =	vld.idx.msk [tilespmem:v46+s3+$0x0], $0xffff;
	(pc) =	sbr.rel @p0 .LBB2_10-.Ltmp4, $4  }
0x1f8: {  	v33 =	vld.idx.msk [tilespmem:v36+s3+$0x0], $0xffff  }
0x1f9: {  	v39 =	vld.idx.msk [tilespmem:v22+s3+$0x0], $0xffff  }
0x1fa: {  	v40 =	vld.idx.msk [tilespmem:v19+s3+$0x0], $0xffff  }
0x1fb: {  	s1 =	sadd.s32 $0x80, s1;
	s5 =	smov.u32 s0;
	vm1 =	vge.f32 v34, v37;
	v36 =	vld.idx.msk [tilespmem:v47+s3+$0x0], $0xffff  }
0x1fc: {  	_ =	sdelay $0x3  }
0x1fd: {  	v30 =	vld.idx.msk [tilespmem:v11+s3+$0x0], $0xffff  }
0x1fe: {  	v31 =	vld.idx.msk [tilespmem:v15+s3+$0x0], $0xffff;
	v34 =	vsel vm1, v34, v37;
	vm2 =	vge.f32 v33, v32  }
0x1ff: {  	v59 =	vsel vm1, $0x2, v1;
	vm1 =	vge.f32 v38, v39;
	v32 =	vsel vm2, v33, v32  }
0x200: {  	v60 =	vsel vm2, $0x6, v3;
	vm1 =	vmneg vm1;
	vm2 =	vge.f32 v40, v35  }
0x201: {  	v41 =	vsel vm0, $0xC, v6;
	v61 =	vsel vm1, v39, v38;
	v35 =	vsel vm2, v40, v35  }
0x202: {  	vm0 =	vge.f32 v27, v36;
	v62 =	vsel vm1, $0x1, v0;
	v63 =	vsel vm2, $0x4, v2  }
0x203: {  	vm1 =	vge.f32 v30, v28;
	vm2 =	vge.f32 v26, v31;
	vm3 =	vge.f32 v35, v32  }
0x204: {  	vm4 =	vge.f32 v61, v34;
	v42 =	vsel vm0, $0xA, v5;
	v27 =	vsel vm0, v27, v36  }
0x205: {  	v32 =	vsel vm3, v35, v32;
	v33 =	vsel vm3, v63, v60;
	v28 =	vsel vm1, v30, v28  }
0x206: {  	v30 =	vsel vm1, $0xE, v7;
	v34 =	vsel vm4, v61, v34;
	v26 =	vsel vm2, v26, v31  }
0x207: {  	v31 =	vsel vm2, $0x8, v4;
	vm0 =	vge.f32 v29, v28;
	vm1 =	vge.f32 v26, v27  }
0x208: {  	vm2 =	vge.f32 v34, v32;
	v28 =	vsel vm0, v29, v28;
	v26 =	vsel vm1, v26, v27  }
0x209: {  	v27 =	vsel vm2, v34, v32;
	v29 =	vsel vm4, v62, v59;
	vm3 =	vge.f32 v26, v28  }
0x20a: {  	v31 =	vsel vm1, v31, v42;
	v30 =	vsel vm0, v41, v30;
	v26 =	vsel vm3, v26, v28  }
0x20b: {  	v28 =	vsel vm2, v29, v33;
	v29 =	vsel vm3, v31, v30;
	vm0 =	vge.f32 v27, v26  }
0x20c: {  	v26 =	vsel vm0, v28, v29  }
0x20d: {  	vm0 =	vne.s32 v26, $0x0  }
0x20e: {  	vm1 =	vne.s32 v26, $0x1  }
0x20f: {  	vm2 =	vne.s32 v26, $0x2  }
0x210: {  	vm3 =	vne.s32 v26, $0x3  }
0x211: {  	vm13 =	vne.s32 v26, $0x4  }
0x212: {  	vm5 =	vne.s32 v26, $0x5  }
0x213: {  	[tilespmem:v24+s29+$0x0] =	vst.idx.add.s32.msk vm0, v8;
	vm0 =	vne.s32 v26, $0x6  }
0x214: {  	[tilespmem:v22+s29+$0x0] =	vst.idx.add.s32.msk vm1, v8;
	vm1 =	vne.s32 v26, $0x7  }
0x215: {  	[tilespmem:v23+s29+$0x0] =	vst.idx.add.s32.msk vm2, v8;
	vm2 =	vne.s32 v26, $0x8  }
0x216: {  	[tilespmem:v25+s29+$0x0] =	vst.idx.add.s32.msk vm3, v8;
	vm3 =	vne.s32 v26, $0x9  }
0x217: {  	vm14 =	vne.s32 v26, $0xA;
	[tilespmem:v19+s29+$0x0] =	vst.idx.add.s32.msk vm13, v8  }
0x218: {  	vm15 =	vne.s32 v26, $0xB;
	[tilespmem:v20+s29+$0x0] =	vst.idx.add.s32.msk vm5, v8  }
0x219: {  	vm6 =	vne.s32 v26, $0xC;
	[tilespmem:v18+s29+$0x0] =	vst.idx.add.s32.msk vm0, v8  }
0x21a: {  	vm0 =	vne.s32 v26, $0xD;
	[tilespmem:v21+s29+$0x0] =	vst.idx.add.s32.msk vm1, v8  }
0x21b: {  	vm1 =	vne.s32 v26, $0xE;
	[tilespmem:v17+s29+$0x0] =	vst.idx.add.s32.msk vm2, v8  }
0x21c: {  	vm2 =	vne.s32 v26, $0xF;
	[tilespmem:v15+s29+$0x0] =	vst.idx.add.s32.msk vm3, v8  }
0x21d: {  	[tilespmem:v16+s29+$0x0] =	vst.idx.add.s32.msk vm14, v8  }
0x21e: {  	[tilespmem:v14+s29+$0x0] =	vst.idx.add.s32.msk vm15, v8  }
0x21f: {  	[tilespmem:v12+s29+$0x0] =	vst.idx.add.s32.msk vm6, v8  }
0x220: {  	[tilespmem:v13+s29+$0x0] =	vst.idx.add.s32.msk vm0, v8  }
0x221: {  	[tilespmem:v11+s29+$0x0] =	vst.idx.add.s32.msk vm1, v8  }
0x222: {  	[tilespmem:v10+s29+$0x0] =	vst.idx.add.s32.msk vm2, v8  }
0x223: {  	s0 =	simm.s32 $0x0;
	_ =	swait.ge [sflag:s26], $0x4000  }
0x224: {  	s1 =	sand.u32 $0x70, s0;
	s2 =	sand.u32 $0x1C00, s0;
	[sflag:s26] =	ssyncset.done $0x0  }
0x225: {  	s1 =	sor.u32 s1, s2;
	[sflag:s26] =	ssyncadd.s32 $0xFFFFC000  }
0x226: {  	[tilespmem:s28], [sflag:$0x2] =	stream.strided.gather [hbm4b:s9+s23], $0x4000, s24, s23, $0x38;
	[tilespmem:$0x18000] =	vst v63  }
0x227: {  	v10 =	vld [tilespmem:s1+$0x12380]  }
0x228: {  	v12 =	vld [tilespmem:s1+$0x12200]  }
0x229: {  	v13 =	vld [tilespmem:s1+$0x12280]  }
0x22a: {  	v11 =	vld [tilespmem:s1+$0x12300]  }
0x22b: {  	v15 =	vld [tilespmem:s1+$0x12080]  }
0x22c: {  	v14 =	vld [tilespmem:s1+$0x12180]  }
0x22d: {  	v17 =	vld [tilespmem:s1+$0x12000]  }
0x22e: {  	v22 =	vld [tilespmem:s1+$0x10080]  }
0x22f: {  	v16 =	vld [tilespmem:s1+$0x12100]  }
0x230: {  	v18 =	vld [tilespmem:s1+$0x10300]  }
0x231: {  	v24 =	vld [tilespmem:s1+$0x10000]  }
0x232: {  	v19 =	vld [tilespmem:s1+$0x10200]  }
0x233: {  	v23 =	vld [tilespmem:s1+$0x10100]  }
0x234: {  	s0 =	sor.u32 s0, s0;
	v20 =	vld [tilespmem:s1+$0x10280]  }
0x235: {  	s0 =	sor.u32 $0x380, s0;
	v25 =	vld [tilespmem:s1+$0x10180]  }
0x236: {  	v21 =	vld [tilespmem:s0+$0x10000]  }
0x237: {  	v29 =	vld.idx.msk [tilespmem:v13+s3+$0x0], $0xffff  }
0x238: {  	v26 =	vld.idx.msk [tilespmem:v17+s3+$0x0], $0xffff  }
0x239: {  	v30 =	vld.idx.msk [tilespmem:v12+s3+$0x0], $0xffff  }
0x23a: {  	v28 =	vld.idx.msk [tilespmem:v10+s3+$0x0], $0xffff  }
0x23b: {  	v27 =	vld.idx.msk [tilespmem:v16+s3+$0x0], $0xffff  }
0x23c: {  	v34 =	vld.idx.msk [tilespmem:v23+s3+$0x0], $0xffff  }
0x23d: {  	v35 =	vld.idx.msk [tilespmem:v20+s3+$0x0], $0xffff  }
0x23e: {  	v37 =	vld.idx.msk [tilespmem:v25+s3+$0x0], $0xffff  }
0x23f: {  	v38 =	vld.idx.msk [tilespmem:v24+s3+$0x0], $0xffff  }
0x240: {  	v32 =	vld.idx.msk [tilespmem:v21+s3+$0x0], $0xffff  }
0x241: {  	v33 =	vld.idx.msk [tilespmem:v18+s3+$0x0], $0xffff  }
0x242: {  	v39 =	vld.idx.msk [tilespmem:v22+s3+$0x0], $0xffff  }
0x243: {  	v40 =	vld.idx.msk [tilespmem:v19+s3+$0x0], $0xffff;
	vm0 =	vge.f32 v30, v29  }
0x244: {  	s5 =	simm.s32 $0x10;
	s1 =	simm.s32 $0x80;
	v36 =	vld.idx.msk [tilespmem:v14+s3+$0x0], $0xffff;
	vm1 =	vge.f32 v34, v37;
	v29 =	vsel vm0, v30, v29  }
.LBB2_12:
0x245: {  	s0 =	sand.u32 $0x70, s5  }
0x246: {  	s2 =	sand.u32 $0x1C00, s1;
	s6 =	sor.u32 s1, s5;
	v41 =	vld.idx.msk [tilespmem:v11+s3+$0x0], $0xffff;
	s4 =	smov.u32 s5  }
0x247: {  	v34 =	vsel vm1, v34, v37;
	v37 =	vsel vm1, $0x2, v1;
	s4 =	sor.u32 s0, s2;
	s2 =	sor.u32 $0x380, s6;
	s0 =	sadd.s32 $0x10, s5;
	v42 =	vld.idx.msk [tilespmem:v15+s3+$0x0], $0xffff  }
0x248: {  	p0 =	sne.s32 s5, $0x3F0;
	vm1 =	vge.f32 v33, v32;
	v30 =	vld [tilespmem:s4+$0x12380]  }
0x249: {  	vm2 =	vge.f32 v38, v39;
	v43 =	vsel vm1, v33, v32;
	v44 =	vsel vm1, $0x6, v3;
	v31 =	vld [tilespmem:s4+$0x12200]  }
0x24a: {  	v45 =	vsel vm0, $0xC, v6;
	vm1 =	vmneg vm2;
	vm2 =	vge.f32 v40, v35;
	v32 =	vld [tilespmem:s4+$0x12280]  }
0x24b: {  	v38 =	vsel vm1, v39, v38;
	v35 =	vsel vm2, v40, v35;
	vm0 =	vge.f32 v27, v36;
	v33 =	vld [tilespmem:s4+$0x12300]  }
0x24c: {  	v40 =	vsel vm1, $0x1, v0;
	v46 =	vsel vm2, $0x4, v2;
	vm1 =	vge.f32 v41, v28;
	v39 =	vld [tilespmem:s4+$0x12080]  }
0x24d: {  	vm3 =	vge.f32 v38, v34;
	vm4 =	vge.f32 v35, v43;
	vm2 =	vge.f32 v26, v42;
	v47 =	vld [tilespmem:s4+$0x12180]  }
0x24e: {  	v49 =	vsel vm0, $0xA, v5;
	v35 =	vsel vm4, v35, v43;
	v43 =	vsel vm4, v46, v44;
	v48 =	vld [tilespmem:s4+$0x12000]  }
0x24f: {  	v28 =	vsel vm1, v41, v28;
	v41 =	vsel vm1, $0xE, v7;
	v34 =	vsel vm3, v38, v34;
	v44 =	vld [tilespmem:s4+$0x10080]  }
0x250: {  	v27 =	vsel vm0, v27, v36;
	v46 =	vsel vm2, $0x8, v4;
	vm0 =	vge.f32 v34, v35;
	v38 =	vld [tilespmem:s4+$0x12100]  }
0x251: {  	v26 =	vsel vm2, v26, v42;
	vm1 =	vge.f32 v29, v28;
	v34 =	vsel vm0, v34, v35;
	v36 =	vld [tilespmem:s4+$0x10300]  }
0x252: {  	v37 =	vsel vm3, v40, v37;
	vm2 =	vge.f32 v26, v27;
	v28 =	vsel vm1, v29, v28;
	v35 =	vld.idx.msk [tilespmem:v32+s3+$0x0], $0xffff  }
0x253: {  	v37 =	vsel vm0, v37, v43;
	v26 =	vsel vm2, v26, v27;
	v27 =	vsel vm2, v46, v49;
	v29 =	vld [tilespmem:s4+$0x10000]  }
0x254: {  	v41 =	vsel vm1, v45, v41;
	vm0 =	vge.f32 v26, v28;
	v40 =	vld [tilespmem:s4+$0x10200]  }
0x255: {  	v28 =	vsel vm0, v26, v28;
	v27 =	vsel vm0, v27, v41;
	v42 =	vld [tilespmem:s4+$0x10100]  }
0x256: {  	vm0 =	vge.f32 v34, v28;
	v26 =	vld.idx.msk [tilespmem:v48+s3+$0x0], $0xffff  }
0x257: {  	v43 =	vsel vm0, v37, v27;
	v41 =	vld [tilespmem:s4+$0x10180]  }
0x258: {  	vm0 =	vne.s32 v43, $0x0;
	v37 =	vld [tilespmem:s4+$0x10280]  }
0x259: {  	vm1 =	vne.s32 v43, $0x1;
	v45 =	vld.idx.msk [tilespmem:v31+s3+$0x0], $0xffff  }
0x25a: {  	vm2 =	vne.s32 v43, $0x2;
	v28 =	vld.idx.msk [tilespmem:v30+s3+$0x0], $0xffff  }
0x25b: {  	vm3 =	vne.s32 v43, $0x3;
	v46 =	vld [tilespmem:s2+$0x10000]  }
0x25c: {  	vm4 =	vne.s32 v43, $0x4;
	v27 =	vld.idx.msk [tilespmem:v38+s3+$0x0], $0xffff  }
0x25d: {  	vm5 =	vne.s32 v43, $0x5;
	v34 =	vld.idx.msk [tilespmem:v42+s3+$0x0], $0xffff  }
0x25e: {  	[tilespmem:v24+s29+$0x0] =	vst.idx.add.s32.msk vm0, v8;
	v24 =	vmov v29  }
0x25f: {  	vm0 =	vge.f32 v45, v35;
	[tilespmem:v22+s29+$0x0] =	vst.idx.add.s32.msk vm1, v8;
	vm1 =	vne.s32 v43, $0x6;
	v22 =	vmov v44  }
0x260: {  	v29 =	vsel vm0, v45, v35;
	[tilespmem:v23+s29+$0x0] =	vst.idx.add.s32.msk vm2, v8;
	vm2 =	vne.s32 v43, $0x7;
	v23 =	vmov v42  }
0x261: {  	[tilespmem:v25+s29+$0x0] =	vst.idx.add.s32.msk vm3, v8;
	vm3 =	vne.s32 v43, $0x8;
	v25 =	vmov v41  }
0x262: {  	[tilespmem:v19+s29+$0x0] =	vst.idx.add.s32.msk vm4, v8;
	vm4 =	vne.s32 v43, $0x9;
	v19 =	vmov v40  }
0x263: {  	[tilespmem:v20+s29+$0x0] =	vst.idx.add.s32.msk vm5, v8;
	vm5 =	vne.s32 v43, $0xA;
	v20 =	vmov v37  }
0x264: {  	vm6 =	vne.s32 v43, $0xB;
	v35 =	vld.idx.msk [tilespmem:v37+s3+$0x0], $0xffff  }
0x265: {  	vm7 =	vne.s32 v43, $0xC;
	v37 =	vld.idx.msk [tilespmem:v41+s3+$0x0], $0xffff  }
0x266: {  	[tilespmem:v18+s29+$0x0] =	vst.idx.add.s32.msk vm1, v8;
	vm1 =	vne.s32 v43, $0xD;
	v18 =	vmov v36  }
0x267: {  	[tilespmem:v21+s29+$0x0] =	vst.idx.add.s32.msk vm2, v8;
	vm2 =	vne.s32 v43, $0xE;
	v21 =	vmov v46  }
0x268: {  	[tilespmem:v17+s29+$0x0] =	vst.idx.add.s32.msk vm3, v8;
	vm3 =	vne.s32 v43, $0xF;
	v17 =	vmov v48  }
0x269: {  	[tilespmem:v15+s29+$0x0] =	vst.idx.add.s32.msk vm4, v8;
	v15 =	vmov v39  }
0x26a: {  	[tilespmem:v16+s29+$0x0] =	vst.idx.add.s32.msk vm5, v8;
	v16 =	vmov v38  }
0x26b: {  	[tilespmem:v14+s29+$0x0] =	vst.idx.add.s32.msk vm6, v8;
	v14 =	vmov v47  }
0x26c: {  	[tilespmem:v12+s29+$0x0] =	vst.idx.add.s32.msk vm7, v8;
	v12 =	vmov v31  }
0x26d: {  	[tilespmem:v13+s29+$0x0] =	vst.idx.add.s32.msk vm1, v8;
	v13 =	vmov v32  }
0x26e: {  	[tilespmem:v11+s29+$0x0] =	vst.idx.add.s32.msk vm2, v8;
	v11 =	vmov v33  }
0x26f: {  	[tilespmem:v10+s29+$0x0] =	vst.idx.add.s32.msk vm3, v8;
	v10 =	vmov v30  }
0x270: {  	v38 =	vld.idx.msk [tilespmem:v24+s3+$0x0], $0xffff  }
.Ltmp5:
0x271: {  	v32 =	vld.idx.msk [tilespmem:v46+s3+$0x0], $0xffff;
	(pc) =	sbr.rel @p0 .LBB2_12-.Ltmp5, $4  }
0x272: {  	v33 =	vld.idx.msk [tilespmem:v36+s3+$0x0], $0xffff  }
0x273: {  	v39 =	vld.idx.msk [tilespmem:v22+s3+$0x0], $0xffff  }
0x274: {  	v40 =	vld.idx.msk [tilespmem:v19+s3+$0x0], $0xffff  }
0x275: {  	s1 =	sadd.s32 $0x80, s1;
	s5 =	smov.u32 s0;
	vm1 =	vge.f32 v34, v37;
	v36 =	vld.idx.msk [tilespmem:v47+s3+$0x0], $0xffff  }
0x276: {  	_ =	sdelay $0x3  }
0x277: {  	v30 =	vld.idx.msk [tilespmem:v11+s3+$0x0], $0xffff  }
0x278: {  	v31 =	vld.idx.msk [tilespmem:v15+s3+$0x0], $0xffff;
	v34 =	vsel vm1, v34, v37;
	vm2 =	vge.f32 v33, v32  }
0x279: {  	v59 =	vsel vm1, $0x2, v1;
	vm1 =	vge.f32 v38, v39;
	v32 =	vsel vm2, v33, v32  }
0x27a: {  	v60 =	vsel vm2, $0x6, v3;
	vm1 =	vmneg vm1;
	vm2 =	vge.f32 v40, v35  }
0x27b: {  	v41 =	vsel vm0, $0xC, v6;
	v61 =	vsel vm1, v39, v38;
	v35 =	vsel vm2, v40, v35  }
0x27c: {  	vm0 =	vge.f32 v27, v36;
	v62 =	vsel vm1, $0x1, v0;
	v63 =	vsel vm2, $0x4, v2  }
0x27d: {  	vm1 =	vge.f32 v30, v28;
	vm2 =	vge.f32 v26, v31;
	vm3 =	vge.f32 v35, v32  }
0x27e: {  	vm4 =	vge.f32 v61, v34;
	v42 =	vsel vm0, $0xA, v5;
	v27 =	vsel vm0, v27, v36  }
0x27f: {  	v32 =	vsel vm3, v35, v32;
	v33 =	vsel vm3, v63, v60;
	v28 =	vsel vm1, v30, v28  }
0x280: {  	v30 =	vsel vm1, $0xE, v7;
	v34 =	vsel vm4, v61, v34;
	v26 =	vsel vm2, v26, v31  }
0x281: {  	v31 =	vsel vm2, $0x8, v4;
	vm0 =	vge.f32 v29, v28;
	vm1 =	vge.f32 v26, v27  }
0x282: {  	vm2 =	vge.f32 v34, v32;
	v28 =	vsel vm0, v29, v28;
	v26 =	vsel vm1, v26, v27  }
0x283: {  	v27 =	vsel vm2, v34, v32;
	v29 =	vsel vm4, v62, v59;
	vm3 =	vge.f32 v26, v28  }
0x284: {  	v31 =	vsel vm1, v31, v42;
	v30 =	vsel vm0, v41, v30;
	v26 =	vsel vm3, v26, v28  }
0x285: {  	v28 =	vsel vm2, v29, v33;
	v29 =	vsel vm3, v31, v30;
	vm0 =	vge.f32 v27, v26  }
0x286: {  	v26 =	vsel vm0, v28, v29  }
0x287: {  	vm0 =	vne.s32 v26, $0x0  }
0x288: {  	vm1 =	vne.s32 v26, $0x1  }
0x289: {  	vm2 =	vne.s32 v26, $0x2  }
0x28a: {  	vm3 =	vne.s32 v26, $0x3  }
0x28b: {  	vm13 =	vne.s32 v26, $0x4  }
0x28c: {  	vm5 =	vne.s32 v26, $0x5  }
0x28d: {  	[tilespmem:v24+s29+$0x0] =	vst.idx.add.s32.msk vm0, v8;
	vm0 =	vne.s32 v26, $0x6  }
0x28e: {  	[tilespmem:v22+s29+$0x0] =	vst.idx.add.s32.msk vm1, v8;
	vm1 =	vne.s32 v26, $0x7  }
0x28f: {  	[tilespmem:v23+s29+$0x0] =	vst.idx.add.s32.msk vm2, v8;
	vm2 =	vne.s32 v26, $0x8  }
0x290: {  	[tilespmem:v25+s29+$0x0] =	vst.idx.add.s32.msk vm3, v8;
	vm3 =	vne.s32 v26, $0x9  }
0x291: {  	vm14 =	vne.s32 v26, $0xA;
	[tilespmem:v19+s29+$0x0] =	vst.idx.add.s32.msk vm13, v8  }
0x292: {  	vm15 =	vne.s32 v26, $0xB;
	[tilespmem:v20+s29+$0x0] =	vst.idx.add.s32.msk vm5, v8  }
0x293: {  	vm6 =	vne.s32 v26, $0xC;
	[tilespmem:v18+s29+$0x0] =	vst.idx.add.s32.msk vm0, v8  }
0x294: {  	vm0 =	vne.s32 v26, $0xD;
	[tilespmem:v21+s29+$0x0] =	vst.idx.add.s32.msk vm1, v8  }
0x295: {  	vm1 =	vne.s32 v26, $0xE;
	[tilespmem:v17+s29+$0x0] =	vst.idx.add.s32.msk vm2, v8  }
0x296: {  	vm2 =	vne.s32 v26, $0xF;
	[tilespmem:v15+s29+$0x0] =	vst.idx.add.s32.msk vm3, v8  }
0x297: {  	[tilespmem:v16+s29+$0x0] =	vst.idx.add.s32.msk vm14, v8  }
0x298: {  	[tilespmem:v14+s29+$0x0] =	vst.idx.add.s32.msk vm15, v8  }
0x299: {  	[tilespmem:v12+s29+$0x0] =	vst.idx.add.s32.msk vm6, v8  }
0x29a: {  	[tilespmem:v13+s29+$0x0] =	vst.idx.add.s32.msk vm0, v8  }
0x29b: {  	[tilespmem:v11+s29+$0x0] =	vst.idx.add.s32.msk vm1, v8  }
0x29c: {  	[tilespmem:v10+s29+$0x0] =	vst.idx.add.s32.msk vm2, v8  }
0x29d: {  	s0 =	simm.s32 $0x0;
	_ =	swait.ge [sflag:s30], $0x4000  }
0x29e: {  	s1 =	sand.u32 $0x70, s0;
	s2 =	sand.u32 $0x1C00, s0;
	[sflag:s30] =	ssyncset.done $0x0  }
0x29f: {  	s1 =	sor.u32 s1, s2;
	[sflag:s30] =	ssyncadd.s32 $0xFFFFC000  }
0x2a0: {  	[tilespmem:s24], [sflag:$0x1] =	stream.strided.gather [hbm4b:s10+s23], $0x4000, s24, s23, $0x38;
	[tilespmem:$0x18000] =	vst v63  }
0x2a1: {  	v10 =	vld [tilespmem:s1+$0x16380]  }
0x2a2: {  	v12 =	vld [tilespmem:s1+$0x16200]  }
0x2a3: {  	v13 =	vld [tilespmem:s1+$0x16280]  }
0x2a4: {  	v11 =	vld [tilespmem:s1+$0x16300]  }
0x2a5: {  	v15 =	vld [tilespmem:s1+$0x16080]  }
0x2a6: {  	v14 =	vld [tilespmem:s1+$0x16180]  }
0x2a7: {  	v17 =	vld [tilespmem:s1+$0x16000]  }
0x2a8: {  	v22 =	vld [tilespmem:s1+$0x14080]  }
0x2a9: {  	v16 =	vld [tilespmem:s1+$0x16100]  }
0x2aa: {  	v18 =	vld [tilespmem:s1+$0x14300]  }
0x2ab: {  	v24 =	vld [tilespmem:s1+$0x14000]  }
0x2ac: {  	v19 =	vld [tilespmem:s1+$0x14200]  }
0x2ad: {  	v23 =	vld [tilespmem:s1+$0x14100]  }
0x2ae: {  	s0 =	sor.u32 s0, s0;
	v20 =	vld [tilespmem:s1+$0x14280]  }
0x2af: {  	s0 =	sor.u32 $0x380, s0;
	v25 =	vld [tilespmem:s1+$0x14180]  }
0x2b0: {  	v21 =	vld [tilespmem:s0+$0x14000]  }
0x2b1: {  	v29 =	vld.idx.msk [tilespmem:v13+s3+$0x0], $0xffff  }
0x2b2: {  	v26 =	vld.idx.msk [tilespmem:v17+s3+$0x0], $0xffff  }
0x2b3: {  	v30 =	vld.idx.msk [tilespmem:v12+s3+$0x0], $0xffff  }
0x2b4: {  	v28 =	vld.idx.msk [tilespmem:v10+s3+$0x0], $0xffff  }
0x2b5: {  	v27 =	vld.idx.msk [tilespmem:v16+s3+$0x0], $0xffff  }
0x2b6: {  	v34 =	vld.idx.msk [tilespmem:v23+s3+$0x0], $0xffff  }
0x2b7: {  	v35 =	vld.idx.msk [tilespmem:v20+s3+$0x0], $0xffff  }
0x2b8: {  	v37 =	vld.idx.msk [tilespmem:v25+s3+$0x0], $0xffff  }
0x2b9: {  	v38 =	vld.idx.msk [tilespmem:v24+s3+$0x0], $0xffff  }
0x2ba: {  	v32 =	vld.idx.msk [tilespmem:v21+s3+$0x0], $0xffff  }
0x2bb: {  	v33 =	vld.idx.msk [tilespmem:v18+s3+$0x0], $0xffff  }
0x2bc: {  	v39 =	vld.idx.msk [tilespmem:v22+s3+$0x0], $0xffff  }
0x2bd: {  	v40 =	vld.idx.msk [tilespmem:v19+s3+$0x0], $0xffff;
	vm0 =	vge.f32 v30, v29  }
0x2be: {  	s5 =	simm.s32 $0x10;
	s1 =	simm.s32 $0x80;
	v36 =	vld.idx.msk [tilespmem:v14+s3+$0x0], $0xffff;
	vm1 =	vge.f32 v34, v37;
	v29 =	vsel vm0, v30, v29  }
.LBB2_14:
0x2bf: {  	s0 =	sand.u32 $0x70, s5  }
0x2c0: {  	s2 =	sand.u32 $0x1C00, s1;
	s6 =	sor.u32 s1, s5;
	v41 =	vld.idx.msk [tilespmem:v11+s3+$0x0], $0xffff;
	s4 =	smov.u32 s5  }
0x2c1: {  	v34 =	vsel vm1, v34, v37;
	v37 =	vsel vm1, $0x2, v1;
	s4 =	sor.u32 s0, s2;
	s2 =	sor.u32 $0x380, s6;
	s0 =	sadd.s32 $0x10, s5;
	v42 =	vld.idx.msk [tilespmem:v15+s3+$0x0], $0xffff  }
0x2c2: {  	p0 =	sne.s32 s5, $0x3F0;
	vm1 =	vge.f32 v33, v32;
	v30 =	vld [tilespmem:s4+$0x16380]  }
0x2c3: {  	vm2 =	vge.f32 v38, v39;
	v43 =	vsel vm1, v33, v32;
	v44 =	vsel vm1, $0x6, v3;
	v31 =	vld [tilespmem:s4+$0x16200]  }
0x2c4: {  	v45 =	vsel vm0, $0xC, v6;
	vm1 =	vmneg vm2;
	vm2 =	vge.f32 v40, v35;
	v32 =	vld [tilespmem:s4+$0x16280]  }
0x2c5: {  	v38 =	vsel vm1, v39, v38;
	v35 =	vsel vm2, v40, v35;
	vm0 =	vge.f32 v27, v36;
	v33 =	vld [tilespmem:s4+$0x16300]  }
0x2c6: {  	v40 =	vsel vm1, $0x1, v0;
	v46 =	vsel vm2, $0x4, v2;
	vm1 =	vge.f32 v41, v28;
	v39 =	vld [tilespmem:s4+$0x16080]  }
0x2c7: {  	vm3 =	vge.f32 v38, v34;
	vm4 =	vge.f32 v35, v43;
	vm2 =	vge.f32 v26, v42;
	v47 =	vld [tilespmem:s4+$0x16180]  }
0x2c8: {  	v49 =	vsel vm0, $0xA, v5;
	v35 =	vsel vm4, v35, v43;
	v43 =	vsel vm4, v46, v44;
	v48 =	vld [tilespmem:s4+$0x16000]  }
0x2c9: {  	v28 =	vsel vm1, v41, v28;
	v41 =	vsel vm1, $0xE, v7;
	v34 =	vsel vm3, v38, v34;
	v44 =	vld [tilespmem:s4+$0x14080]  }
0x2ca: {  	v27 =	vsel vm0, v27, v36;
	v46 =	vsel vm2, $0x8, v4;
	vm0 =	vge.f32 v34, v35;
	v38 =	vld [tilespmem:s4+$0x16100]  }
0x2cb: {  	v26 =	vsel vm2, v26, v42;
	vm1 =	vge.f32 v29, v28;
	v34 =	vsel vm0, v34, v35;
	v36 =	vld [tilespmem:s4+$0x14300]  }
0x2cc: {  	v37 =	vsel vm3, v40, v37;
	vm2 =	vge.f32 v26, v27;
	v28 =	vsel vm1, v29, v28;
	v35 =	vld.idx.msk [tilespmem:v32+s3+$0x0], $0xffff  }
0x2cd: {  	v37 =	vsel vm0, v37, v43;
	v26 =	vsel vm2, v26, v27;
	v27 =	vsel vm2, v46, v49;
	v29 =	vld [tilespmem:s4+$0x14000]  }
0x2ce: {  	v41 =	vsel vm1, v45, v41;
	vm0 =	vge.f32 v26, v28;
	v40 =	vld [tilespmem:s4+$0x14200]  }
0x2cf: {  	v28 =	vsel vm0, v26, v28;
	v27 =	vsel vm0, v27, v41;
	v42 =	vld [tilespmem:s4+$0x14100]  }
0x2d0: {  	vm0 =	vge.f32 v34, v28;
	v26 =	vld.idx.msk [tilespmem:v48+s3+$0x0], $0xffff  }
0x2d1: {  	v43 =	vsel vm0, v37, v27;
	v41 =	vld [tilespmem:s4+$0x14180]  }
0x2d2: {  	vm0 =	vne.s32 v43, $0x0;
	v37 =	vld [tilespmem:s4+$0x14280]  }
0x2d3: {  	vm1 =	vne.s32 v43, $0x1;
	v45 =	vld.idx.msk [tilespmem:v31+s3+$0x0], $0xffff  }
0x2d4: {  	vm2 =	vne.s32 v43, $0x2;
	v28 =	vld.idx.msk [tilespmem:v30+s3+$0x0], $0xffff  }
0x2d5: {  	vm3 =	vne.s32 v43, $0x3;
	v46 =	vld [tilespmem:s2+$0x14000]  }
0x2d6: {  	vm4 =	vne.s32 v43, $0x4;
	v27 =	vld.idx.msk [tilespmem:v38+s3+$0x0], $0xffff  }
0x2d7: {  	vm5 =	vne.s32 v43, $0x5;
	v34 =	vld.idx.msk [tilespmem:v42+s3+$0x0], $0xffff  }
0x2d8: {  	[tilespmem:v24+s29+$0x0] =	vst.idx.add.s32.msk vm0, v8;
	v24 =	vmov v29  }
0x2d9: {  	vm0 =	vge.f32 v45, v35;
	[tilespmem:v22+s29+$0x0] =	vst.idx.add.s32.msk vm1, v8;
	vm1 =	vne.s32 v43, $0x6;
	v22 =	vmov v44  }
0x2da: {  	v29 =	vsel vm0, v45, v35;
	[tilespmem:v23+s29+$0x0] =	vst.idx.add.s32.msk vm2, v8;
	vm2 =	vne.s32 v43, $0x7;
	v23 =	vmov v42  }
0x2db: {  	[tilespmem:v25+s29+$0x0] =	vst.idx.add.s32.msk vm3, v8;
	vm3 =	vne.s32 v43, $0x8;
	v25 =	vmov v41  }
0x2dc: {  	[tilespmem:v19+s29+$0x0] =	vst.idx.add.s32.msk vm4, v8;
	vm4 =	vne.s32 v43, $0x9;
	v19 =	vmov v40  }
0x2dd: {  	[tilespmem:v20+s29+$0x0] =	vst.idx.add.s32.msk vm5, v8;
	vm5 =	vne.s32 v43, $0xA;
	v20 =	vmov v37  }
0x2de: {  	vm6 =	vne.s32 v43, $0xB;
	v35 =	vld.idx.msk [tilespmem:v37+s3+$0x0], $0xffff  }
0x2df: {  	vm7 =	vne.s32 v43, $0xC;
	v37 =	vld.idx.msk [tilespmem:v41+s3+$0x0], $0xffff  }
0x2e0: {  	[tilespmem:v18+s29+$0x0] =	vst.idx.add.s32.msk vm1, v8;
	vm1 =	vne.s32 v43, $0xD;
	v18 =	vmov v36  }
0x2e1: {  	[tilespmem:v21+s29+$0x0] =	vst.idx.add.s32.msk vm2, v8;
	vm2 =	vne.s32 v43, $0xE;
	v21 =	vmov v46  }
0x2e2: {  	[tilespmem:v17+s29+$0x0] =	vst.idx.add.s32.msk vm3, v8;
	vm3 =	vne.s32 v43, $0xF;
	v17 =	vmov v48  }
0x2e3: {  	[tilespmem:v15+s29+$0x0] =	vst.idx.add.s32.msk vm4, v8;
	v15 =	vmov v39  }
0x2e4: {  	[tilespmem:v16+s29+$0x0] =	vst.idx.add.s32.msk vm5, v8;
	v16 =	vmov v38  }
0x2e5: {  	[tilespmem:v14+s29+$0x0] =	vst.idx.add.s32.msk vm6, v8;
	v14 =	vmov v47  }
0x2e6: {  	[tilespmem:v12+s29+$0x0] =	vst.idx.add.s32.msk vm7, v8;
	v12 =	vmov v31  }
0x2e7: {  	[tilespmem:v13+s29+$0x0] =	vst.idx.add.s32.msk vm1, v8;
	v13 =	vmov v32  }
0x2e8: {  	[tilespmem:v11+s29+$0x0] =	vst.idx.add.s32.msk vm2, v8;
	v11 =	vmov v33  }
0x2e9: {  	[tilespmem:v10+s29+$0x0] =	vst.idx.add.s32.msk vm3, v8;
	v10 =	vmov v30  }
0x2ea: {  	v38 =	vld.idx.msk [tilespmem:v24+s3+$0x0], $0xffff  }
.Ltmp6:
0x2eb: {  	v32 =	vld.idx.msk [tilespmem:v46+s3+$0x0], $0xffff;
	(pc) =	sbr.rel @p0 .LBB2_14-.Ltmp6, $4  }
0x2ec: {  	v33 =	vld.idx.msk [tilespmem:v36+s3+$0x0], $0xffff  }
0x2ed: {  	v39 =	vld.idx.msk [tilespmem:v22+s3+$0x0], $0xffff  }
0x2ee: {  	v40 =	vld.idx.msk [tilespmem:v19+s3+$0x0], $0xffff  }
0x2ef: {  	s1 =	sadd.s32 $0x80, s1;
	s5 =	smov.u32 s0;
	vm1 =	vge.f32 v34, v37;
	v36 =	vld.idx.msk [tilespmem:v47+s3+$0x0], $0xffff  }
0x2f0: {  	_ =	sdelay $0x3  }
0x2f1: {  	v30 =	vld.idx.msk [tilespmem:v11+s3+$0x0], $0xffff  }
0x2f2: {  	v31 =	vld.idx.msk [tilespmem:v15+s3+$0x0], $0xffff;
	v34 =	vsel vm1, v34, v37;
	vm2 =	vge.f32 v33, v32  }
0x2f3: {  	v59 =	vsel vm1, $0x2, v1;
	vm1 =	vge.f32 v38, v39;
	v32 =	vsel vm2, v33, v32  }
0x2f4: {  	v60 =	vsel vm2, $0x6, v3;
	vm1 =	vmneg vm1;
	vm2 =	vge.f32 v40, v35  }
0x2f5: {  	v41 =	vsel vm0, $0xC, v6;
	v61 =	vsel vm1, v39, v38;
	v35 =	vsel vm2, v40, v35  }
0x2f6: {  	vm0 =	vge.f32 v27, v36;
	v62 =	vsel vm1, $0x1, v0;
	v63 =	vsel vm2, $0x4, v2  }
0x2f7: {  	vm1 =	vge.f32 v30, v28;
	vm2 =	vge.f32 v26, v31;
	vm3 =	vge.f32 v35, v32  }
0x2f8: {  	vm4 =	vge.f32 v61, v34;
	v42 =	vsel vm0, $0xA, v5;
	v27 =	vsel vm0, v27, v36  }
0x2f9: {  	v32 =	vsel vm3, v35, v32;
	v33 =	vsel vm3, v63, v60;
	v28 =	vsel vm1, v30, v28  }
0x2fa: {  	v30 =	vsel vm1, $0xE, v7;
	v34 =	vsel vm4, v61, v34;
	v26 =	vsel vm2, v26, v31  }
0x2fb: {  	v31 =	vsel vm2, $0x8, v4;
	vm0 =	vge.f32 v29, v28;
	vm1 =	vge.f32 v26, v27  }
0x2fc: {  	vm2 =	vge.f32 v34, v32;
	v28 =	vsel vm0, v29, v28;
	v26 =	vsel vm1, v26, v27  }
0x2fd: {  	v27 =	vsel vm2, v34, v32;
	v29 =	vsel vm4, v62, v59;
	vm3 =	vge.f32 v26, v28  }
0x2fe: {  	v31 =	vsel vm1, v31, v42;
	v30 =	vsel vm0, v41, v30;
	v26 =	vsel vm3, v26, v28  }
0x2ff: {  	v28 =	vsel vm2, v29, v33;
	v29 =	vsel vm3, v31, v30;
	vm0 =	vge.f32 v27, v26  }
0x300: {  	v26 =	vsel vm0, v28, v29  }
0x301: {  	vm0 =	vne.s32 v26, $0x0  }
0x302: {  	vm1 =	vne.s32 v26, $0x1  }
0x303: {  	vm2 =	vne.s32 v26, $0x2  }
0x304: {  	vm3 =	vne.s32 v26, $0x3  }
0x305: {  	vm13 =	vne.s32 v26, $0x4  }
0x306: {  	vm5 =	vne.s32 v26, $0x5  }
0x307: {  	[tilespmem:v24+s29+$0x0] =	vst.idx.add.s32.msk vm0, v8;
	vm0 =	vne.s32 v26, $0x6  }
0x308: {  	[tilespmem:v22+s29+$0x0] =	vst.idx.add.s32.msk vm1, v8;
	vm1 =	vne.s32 v26, $0x7  }
0x309: {  	[tilespmem:v23+s29+$0x0] =	vst.idx.add.s32.msk vm2, v8;
	vm2 =	vne.s32 v26, $0x8  }
0x30a: {  	[tilespmem:v25+s29+$0x0] =	vst.idx.add.s32.msk vm3, v8;
	vm3 =	vne.s32 v26, $0x9  }
0x30b: {  	vm14 =	vne.s32 v26, $0xA;
	[tilespmem:v19+s29+$0x0] =	vst.idx.add.s32.msk vm13, v8  }
0x30c: {  	vm15 =	vne.s32 v26, $0xB;
	[tilespmem:v20+s29+$0x0] =	vst.idx.add.s32.msk vm5, v8  }
0x30d: {  	vm6 =	vne.s32 v26, $0xC;
	[tilespmem:v18+s29+$0x0] =	vst.idx.add.s32.msk vm0, v8  }
0x30e: {  	vm0 =	vne.s32 v26, $0xD;
	[tilespmem:v21+s29+$0x0] =	vst.idx.add.s32.msk vm1, v8  }
0x30f: {  	vm1 =	vne.s32 v26, $0xE;
	[tilespmem:v17+s29+$0x0] =	vst.idx.add.s32.msk vm2, v8  }
0x310: {  	vm2 =	vne.s32 v26, $0xF;
	[tilespmem:v15+s29+$0x0] =	vst.idx.add.s32.msk vm3, v8  }
0x311: {  	[tilespmem:v16+s29+$0x0] =	vst.idx.add.s32.msk vm14, v8  }
0x312: {  	[tilespmem:v14+s29+$0x0] =	vst.idx.add.s32.msk vm15, v8  }
0x313: {  	[tilespmem:v12+s29+$0x0] =	vst.idx.add.s32.msk vm6, v8  }
0x314: {  	[tilespmem:v13+s29+$0x0] =	vst.idx.add.s32.msk vm0, v8  }
0x315: {  	[tilespmem:v11+s29+$0x0] =	vst.idx.add.s32.msk vm1, v8  }
0x316: {  	[tilespmem:v10+s29+$0x0] =	vst.idx.add.s32.msk vm2, v8  }
0x317: {  	s0 =	simm.s32 $0x0;
	_ =	swait.ge [sflag:s26], $0x4000  }
0x318: {  	s1 =	sand.u32 $0x70, s0;
	s2 =	sand.u32 $0x1C00, s0;
	[sflag:s26] =	ssyncset.done $0x0  }
0x319: {  	s1 =	sor.u32 s1, s2;
	[sflag:s26] =	ssyncadd.s32 $0xFFFFC000  }
0x31a: {  	[tilespmem:s28], [sflag:$0x2] =	stream.strided.gather [hbm4b:s11+s23], $0x4000, s24, s23, $0x38;
	[tilespmem:$0x18000] =	vst v63  }
0x31b: {  	v10 =	vld [tilespmem:s1+$0x12380]  }
0x31c: {  	v12 =	vld [tilespmem:s1+$0x12200]  }
0x31d: {  	v13 =	vld [tilespmem:s1+$0x12280]  }
0x31e: {  	v11 =	vld [tilespmem:s1+$0x12300]  }
0x31f: {  	v15 =	vld [tilespmem:s1+$0x12080]  }
0x320: {  	v14 =	vld [tilespmem:s1+$0x12180]  }
0x321: {  	v17 =	vld [tilespmem:s1+$0x12000]  }
0x322: {  	v22 =	vld [tilespmem:s1+$0x10080]  }
0x323: {  	v16 =	vld [tilespmem:s1+$0x12100]  }
0x324: {  	v18 =	vld [tilespmem:s1+$0x10300]  }
0x325: {  	v24 =	vld [tilespmem:s1+$0x10000]  }
0x326: {  	v19 =	vld [tilespmem:s1+$0x10200]  }
0x327: {  	v23 =	vld [tilespmem:s1+$0x10100]  }
0x328: {  	s0 =	sor.u32 s0, s0;
	v20 =	vld [tilespmem:s1+$0x10280]  }
0x329: {  	s0 =	sor.u32 $0x380, s0;
	v25 =	vld [tilespmem:s1+$0x10180]  }
0x32a: {  	v21 =	vld [tilespmem:s0+$0x10000]  }
0x32b: {  	v29 =	vld.idx.msk [tilespmem:v13+s3+$0x0], $0xffff  }
0x32c: {  	v26 =	vld.idx.msk [tilespmem:v17+s3+$0x0], $0xffff  }
0x32d: {  	v30 =	vld.idx.msk [tilespmem:v12+s3+$0x0], $0xffff  }
0x32e: {  	v28 =	vld.idx.msk [tilespmem:v10+s3+$0x0], $0xffff  }
0x32f: {  	v27 =	vld.idx.msk [tilespmem:v16+s3+$0x0], $0xffff  }
0x330: {  	v34 =	vld.idx.msk [tilespmem:v23+s3+$0x0], $0xffff  }
0x331: {  	v35 =	vld.idx.msk [tilespmem:v20+s3+$0x0], $0xffff  }
0x332: {  	v37 =	vld.idx.msk [tilespmem:v25+s3+$0x0], $0xffff  }
0x333: {  	v38 =	vld.idx.msk [tilespmem:v24+s3+$0x0], $0xffff  }
0x334: {  	v32 =	vld.idx.msk [tilespmem:v21+s3+$0x0], $0xffff  }
0x335: {  	v33 =	vld.idx.msk [tilespmem:v18+s3+$0x0], $0xffff  }
0x336: {  	v39 =	vld.idx.msk [tilespmem:v22+s3+$0x0], $0xffff  }
0x337: {  	v40 =	vld.idx.msk [tilespmem:v19+s3+$0x0], $0xffff;
	vm0 =	vge.f32 v30, v29  }
0x338: {  	s5 =	simm.s32 $0x10;
	s1 =	simm.s32 $0x80;
	v36 =	vld.idx.msk [tilespmem:v14+s3+$0x0], $0xffff;
	vm1 =	vge.f32 v34, v37;
	v29 =	vsel vm0, v30, v29  }
.LBB2_16:
0x339: {  	s0 =	sand.u32 $0x70, s5  }
0x33a: {  	s2 =	sand.u32 $0x1C00, s1;
	s6 =	sor.u32 s1, s5;
	v41 =	vld.idx.msk [tilespmem:v11+s3+$0x0], $0xffff;
	s4 =	smov.u32 s5  }
0x33b: {  	v34 =	vsel vm1, v34, v37;
	v37 =	vsel vm1, $0x2, v1;
	s4 =	sor.u32 s0, s2;
	s2 =	sor.u32 $0x380, s6;
	s0 =	sadd.s32 $0x10, s5;
	v42 =	vld.idx.msk [tilespmem:v15+s3+$0x0], $0xffff  }
0x33c: {  	p0 =	sne.s32 s5, $0x3F0;
	vm1 =	vge.f32 v33, v32;
	v30 =	vld [tilespmem:s4+$0x12380]  }
0x33d: {  	vm2 =	vge.f32 v38, v39;
	v43 =	vsel vm1, v33, v32;
	v44 =	vsel vm1, $0x6, v3;
	v31 =	vld [tilespmem:s4+$0x12200]  }
0x33e: {  	v45 =	vsel vm0, $0xC, v6;
	vm1 =	vmneg vm2;
	vm2 =	vge.f32 v40, v35;
	v32 =	vld [tilespmem:s4+$0x12280]  }
0x33f: {  	v38 =	vsel vm1, v39, v38;
	v35 =	vsel vm2, v40, v35;
	vm0 =	vge.f32 v27, v36;
	v33 =	vld [tilespmem:s4+$0x12300]  }
0x340: {  	v40 =	vsel vm1, $0x1, v0;
	v46 =	vsel vm2, $0x4, v2;
	vm1 =	vge.f32 v41, v28;
	v39 =	vld [tilespmem:s4+$0x12080]  }
0x341: {  	vm3 =	vge.f32 v38, v34;
	vm4 =	vge.f32 v35, v43;
	vm2 =	vge.f32 v26, v42;
	v47 =	vld [tilespmem:s4+$0x12180]  }
0x342: {  	v49 =	vsel vm0, $0xA, v5;
	v35 =	vsel vm4, v35, v43;
	v43 =	vsel vm4, v46, v44;
	v48 =	vld [tilespmem:s4+$0x12000]  }
0x343: {  	v28 =	vsel vm1, v41, v28;
	v41 =	vsel vm1, $0xE, v7;
	v34 =	vsel vm3, v38, v34;
	v44 =	vld [tilespmem:s4+$0x10080]  }
0x344: {  	v27 =	vsel vm0, v27, v36;
	v46 =	vsel vm2, $0x8, v4;
	vm0 =	vge.f32 v34, v35;
	v38 =	vld [tilespmem:s4+$0x12100]  }
0x345: {  	v26 =	vsel vm2, v26, v42;
	vm1 =	vge.f32 v29, v28;
	v34 =	vsel vm0, v34, v35;
	v36 =	vld [tilespmem:s4+$0x10300]  }
0x346: {  	v37 =	vsel vm3, v40, v37;
	vm2 =	vge.f32 v26, v27;
	v28 =	vsel vm1, v29, v28;
	v35 =	vld.idx.msk [tilespmem:v32+s3+$0x0], $0xffff  }
0x347: {  	v37 =	vsel vm0, v37, v43;
	v26 =	vsel vm2, v26, v27;
	v27 =	vsel vm2, v46, v49;
	v29 =	vld [tilespmem:s4+$0x10000]  }
0x348: {  	v41 =	vsel vm1, v45, v41;
	vm0 =	vge.f32 v26, v28;
	v40 =	vld [tilespmem:s4+$0x10200]  }
0x349: {  	v28 =	vsel vm0, v26, v28;
	v27 =	vsel vm0, v27, v41;
	v42 =	vld [tilespmem:s4+$0x10100]  }
0x34a: {  	vm0 =	vge.f32 v34, v28;
	v26 =	vld.idx.msk [tilespmem:v48+s3+$0x0], $0xffff  }
0x34b: {  	v43 =	vsel vm0, v37, v27;
	v41 =	vld [tilespmem:s4+$0x10180]  }
0x34c: {  	vm0 =	vne.s32 v43, $0x0;
	v37 =	vld [tilespmem:s4+$0x10280]  }
0x34d: {  	vm1 =	vne.s32 v43, $0x1;
	v45 =	vld.idx.msk [tilespmem:v31+s3+$0x0], $0xffff  }
0x34e: {  	vm2 =	vne.s32 v43, $0x2;
	v28 =	vld.idx.msk [tilespmem:v30+s3+$0x0], $0xffff  }
0x34f: {  	vm3 =	vne.s32 v43, $0x3;
	v46 =	vld [tilespmem:s2+$0x10000]  }
0x350: {  	vm4 =	vne.s32 v43, $0x4;
	v27 =	vld.idx.msk [tilespmem:v38+s3+$0x0], $0xffff  }
0x351: {  	vm5 =	vne.s32 v43, $0x5;
	v34 =	vld.idx.msk [tilespmem:v42+s3+$0x0], $0xffff  }
0x352: {  	[tilespmem:v24+s29+$0x0] =	vst.idx.add.s32.msk vm0, v8;
	v24 =	vmov v29  }
0x353: {  	vm0 =	vge.f32 v45, v35;
	[tilespmem:v22+s29+$0x0] =	vst.idx.add.s32.msk vm1, v8;
	vm1 =	vne.s32 v43, $0x6;
	v22 =	vmov v44  }
0x354: {  	v29 =	vsel vm0, v45, v35;
	[tilespmem:v23+s29+$0x0] =	vst.idx.add.s32.msk vm2, v8;
	vm2 =	vne.s32 v43, $0x7;
	v23 =	vmov v42  }
0x355: {  	[tilespmem:v25+s29+$0x0] =	vst.idx.add.s32.msk vm3, v8;
	vm3 =	vne.s32 v43, $0x8;
	v25 =	vmov v41  }
0x356: {  	[tilespmem:v19+s29+$0x0] =	vst.idx.add.s32.msk vm4, v8;
	vm4 =	vne.s32 v43, $0x9;
	v19 =	vmov v40  }
0x357: {  	[tilespmem:v20+s29+$0x0] =	vst.idx.add.s32.msk vm5, v8;
	vm5 =	vne.s32 v43, $0xA;
	v20 =	vmov v37  }
0x358: {  	vm6 =	vne.s32 v43, $0xB;
	v35 =	vld.idx.msk [tilespmem:v37+s3+$0x0], $0xffff  }
0x359: {  	vm7 =	vne.s32 v43, $0xC;
	v37 =	vld.idx.msk [tilespmem:v41+s3+$0x0], $0xffff  }
0x35a: {  	[tilespmem:v18+s29+$0x0] =	vst.idx.add.s32.msk vm1, v8;
	vm1 =	vne.s32 v43, $0xD;
	v18 =	vmov v36  }
0x35b: {  	[tilespmem:v21+s29+$0x0] =	vst.idx.add.s32.msk vm2, v8;
	vm2 =	vne.s32 v43, $0xE;
	v21 =	vmov v46  }
0x35c: {  	[tilespmem:v17+s29+$0x0] =	vst.idx.add.s32.msk vm3, v8;
	vm3 =	vne.s32 v43, $0xF;
	v17 =	vmov v48  }
0x35d: {  	[tilespmem:v15+s29+$0x0] =	vst.idx.add.s32.msk vm4, v8;
	v15 =	vmov v39  }
0x35e: {  	[tilespmem:v16+s29+$0x0] =	vst.idx.add.s32.msk vm5, v8;
	v16 =	vmov v38  }
0x35f: {  	[tilespmem:v14+s29+$0x0] =	vst.idx.add.s32.msk vm6, v8;
	v14 =	vmov v47  }
0x360: {  	[tilespmem:v12+s29+$0x0] =	vst.idx.add.s32.msk vm7, v8;
	v12 =	vmov v31  }
0x361: {  	[tilespmem:v13+s29+$0x0] =	vst.idx.add.s32.msk vm1, v8;
	v13 =	vmov v32  }
0x362: {  	[tilespmem:v11+s29+$0x0] =	vst.idx.add.s32.msk vm2, v8;
	v11 =	vmov v33  }
0x363: {  	[tilespmem:v10+s29+$0x0] =	vst.idx.add.s32.msk vm3, v8;
	v10 =	vmov v30  }
0x364: {  	v38 =	vld.idx.msk [tilespmem:v24+s3+$0x0], $0xffff  }
.Ltmp7:
0x365: {  	v32 =	vld.idx.msk [tilespmem:v46+s3+$0x0], $0xffff;
	(pc) =	sbr.rel @p0 .LBB2_16-.Ltmp7, $4  }
0x366: {  	v33 =	vld.idx.msk [tilespmem:v36+s3+$0x0], $0xffff  }
0x367: {  	v39 =	vld.idx.msk [tilespmem:v22+s3+$0x0], $0xffff  }
0x368: {  	v40 =	vld.idx.msk [tilespmem:v19+s3+$0x0], $0xffff  }
0x369: {  	s1 =	sadd.s32 $0x80, s1;
	s5 =	smov.u32 s0;
	vm1 =	vge.f32 v34, v37;
	v36 =	vld.idx.msk [tilespmem:v47+s3+$0x0], $0xffff  }
0x36a: {  	_ =	sdelay $0x3  }
0x36b: {  	v30 =	vld.idx.msk [tilespmem:v11+s3+$0x0], $0xffff  }
0x36c: {  	v31 =	vld.idx.msk [tilespmem:v15+s3+$0x0], $0xffff;
	v34 =	vsel vm1, v34, v37;
	vm2 =	vge.f32 v33, v32  }
0x36d: {  	v59 =	vsel vm1, $0x2, v1;
	vm1 =	vge.f32 v38, v39;
	v32 =	vsel vm2, v33, v32  }
0x36e: {  	v60 =	vsel vm2, $0x6, v3;
	vm1 =	vmneg vm1;
	vm2 =	vge.f32 v40, v35  }
0x36f: {  	v41 =	vsel vm0, $0xC, v6;
	v61 =	vsel vm1, v39, v38;
	v35 =	vsel vm2, v40, v35  }
0x370: {  	vm0 =	vge.f32 v27, v36;
	v62 =	vsel vm1, $0x1, v0;
	v63 =	vsel vm2, $0x4, v2  }
0x371: {  	vm1 =	vge.f32 v30, v28;
	vm2 =	vge.f32 v26, v31;
	vm3 =	vge.f32 v35, v32  }
0x372: {  	vm4 =	vge.f32 v61, v34;
	v42 =	vsel vm0, $0xA, v5;
	v27 =	vsel vm0, v27, v36  }
0x373: {  	v32 =	vsel vm3, v35, v32;
	v33 =	vsel vm3, v63, v60;
	v28 =	vsel vm1, v30, v28  }
0x374: {  	v30 =	vsel vm1, $0xE, v7;
	v34 =	vsel vm4, v61, v34;
	v26 =	vsel vm2, v26, v31  }
0x375: {  	v31 =	vsel vm2, $0x8, v4;
	vm0 =	vge.f32 v29, v28;
	vm1 =	vge.f32 v26, v27  }
0x376: {  	vm2 =	vge.f32 v34, v32;
	v28 =	vsel vm0, v29, v28;
	v26 =	vsel vm1, v26, v27  }
0x377: {  	v27 =	vsel vm2, v34, v32;
	v29 =	vsel vm4, v62, v59;
	vm3 =	vge.f32 v26, v28  }
0x378: {  	v31 =	vsel vm1, v31, v42;
	v30 =	vsel vm0, v41, v30;
	v26 =	vsel vm3, v26, v28  }
0x379: {  	v28 =	vsel vm2, v29, v33;
	v29 =	vsel vm3, v31, v30;
	vm0 =	vge.f32 v27, v26  }
0x37a: {  	v26 =	vsel vm0, v28, v29  }
0x37b: {  	vm0 =	vne.s32 v26, $0x0  }
0x37c: {  	vm1 =	vne.s32 v26, $0x1  }
0x37d: {  	vm2 =	vne.s32 v26, $0x2  }
0x37e: {  	vm3 =	vne.s32 v26, $0x3  }
0x37f: {  	vm13 =	vne.s32 v26, $0x4  }
0x380: {  	vm5 =	vne.s32 v26, $0x5  }
0x381: {  	[tilespmem:v24+s29+$0x0] =	vst.idx.add.s32.msk vm0, v8;
	vm0 =	vne.s32 v26, $0x6  }
0x382: {  	[tilespmem:v22+s29+$0x0] =	vst.idx.add.s32.msk vm1, v8;
	vm1 =	vne.s32 v26, $0x7  }
0x383: {  	[tilespmem:v23+s29+$0x0] =	vst.idx.add.s32.msk vm2, v8;
	vm2 =	vne.s32 v26, $0x8  }
0x384: {  	[tilespmem:v25+s29+$0x0] =	vst.idx.add.s32.msk vm3, v8;
	vm3 =	vne.s32 v26, $0x9  }
0x385: {  	vm14 =	vne.s32 v26, $0xA;
	[tilespmem:v19+s29+$0x0] =	vst.idx.add.s32.msk vm13, v8  }
0x386: {  	vm15 =	vne.s32 v26, $0xB;
	[tilespmem:v20+s29+$0x0] =	vst.idx.add.s32.msk vm5, v8  }
0x387: {  	vm6 =	vne.s32 v26, $0xC;
	[tilespmem:v18+s29+$0x0] =	vst.idx.add.s32.msk vm0, v8  }
0x388: {  	vm0 =	vne.s32 v26, $0xD;
	[tilespmem:v21+s29+$0x0] =	vst.idx.add.s32.msk vm1, v8  }
0x389: {  	vm1 =	vne.s32 v26, $0xE;
	[tilespmem:v17+s29+$0x0] =	vst.idx.add.s32.msk vm2, v8  }
0x38a: {  	vm2 =	vne.s32 v26, $0xF;
	[tilespmem:v15+s29+$0x0] =	vst.idx.add.s32.msk vm3, v8  }
0x38b: {  	[tilespmem:v16+s29+$0x0] =	vst.idx.add.s32.msk vm14, v8  }
0x38c: {  	[tilespmem:v14+s29+$0x0] =	vst.idx.add.s32.msk vm15, v8  }
0x38d: {  	[tilespmem:v12+s29+$0x0] =	vst.idx.add.s32.msk vm6, v8  }
0x38e: {  	[tilespmem:v13+s29+$0x0] =	vst.idx.add.s32.msk vm0, v8  }
0x38f: {  	[tilespmem:v11+s29+$0x0] =	vst.idx.add.s32.msk vm1, v8  }
0x390: {  	[tilespmem:v10+s29+$0x0] =	vst.idx.add.s32.msk vm2, v8  }
0x391: {  	s0 =	simm.s32 $0x0;
	_ =	swait.ge [sflag:s30], $0x4000  }
0x392: {  	s1 =	sand.u32 $0x70, s0;
	s2 =	sand.u32 $0x1C00, s0;
	[sflag:s30] =	ssyncset.done $0x0  }
0x393: {  	s1 =	sor.u32 s1, s2;
	[sflag:s30] =	ssyncadd.s32 $0xFFFFC000  }
0x394: {  	v10 =	vld [tilespmem:s1+$0x16380]  }
0x395: {  	v12 =	vld [tilespmem:s1+$0x16200]  }
0x396: {  	v13 =	vld [tilespmem:s1+$0x16280]  }
0x397: {  	v11 =	vld [tilespmem:s1+$0x16300]  }
0x398: {  	v15 =	vld [tilespmem:s1+$0x16080]  }
0x399: {  	v14 =	vld [tilespmem:s1+$0x16180]  }
0x39a: {  	v17 =	vld [tilespmem:s1+$0x16000]  }
0x39b: {  	v22 =	vld [tilespmem:s1+$0x14080]  }
0x39c: {  	v16 =	vld [tilespmem:s1+$0x16100]  }
0x39d: {  	v18 =	vld [tilespmem:s1+$0x14300]  }
0x39e: {  	v24 =	vld [tilespmem:s1+$0x14000]  }
0x39f: {  	v19 =	vld [tilespmem:s1+$0x14200]  }
0x3a0: {  	v23 =	vld [tilespmem:s1+$0x14100]  }
0x3a1: {  	s0 =	sor.u32 s0, s0;
	v20 =	vld [tilespmem:s1+$0x14280]  }
0x3a2: {  	s0 =	sor.u32 $0x380, s0;
	v25 =	vld [tilespmem:s1+$0x14180]  }
0x3a3: {  	v21 =	vld [tilespmem:s0+$0x14000]  }
0x3a4: {  	v29 =	vld.idx.msk [tilespmem:v13+s3+$0x0], $0xffff  }
0x3a5: {  	v26 =	vld.idx.msk [tilespmem:v17+s3+$0x0], $0xffff  }
0x3a6: {  	v30 =	vld.idx.msk [tilespmem:v12+s3+$0x0], $0xffff  }
0x3a7: {  	v28 =	vld.idx.msk [tilespmem:v10+s3+$0x0], $0xffff  }
0x3a8: {  	v27 =	vld.idx.msk [tilespmem:v16+s3+$0x0], $0xffff  }
0x3a9: {  	v34 =	vld.idx.msk [tilespmem:v23+s3+$0x0], $0xffff  }
0x3aa: {  	v35 =	vld.idx.msk [tilespmem:v20+s3+$0x0], $0xffff  }
0x3ab: {  	v37 =	vld.idx.msk [tilespmem:v25+s3+$0x0], $0xffff  }
0x3ac: {  	v38 =	vld.idx.msk [tilespmem:v24+s3+$0x0], $0xffff  }
0x3ad: {  	v32 =	vld.idx.msk [tilespmem:v21+s3+$0x0], $0xffff  }
0x3ae: {  	v33 =	vld.idx.msk [tilespmem:v18+s3+$0x0], $0xffff  }
0x3af: {  	v39 =	vld.idx.msk [tilespmem:v22+s3+$0x0], $0xffff  }
0x3b0: {  	v40 =	vld.idx.msk [tilespmem:v19+s3+$0x0], $0xffff;
	vm0 =	vge.f32 v30, v29  }
0x3b1: {  	s5 =	simm.s32 $0x10;
	s1 =	simm.s32 $0x80;
	v36 =	vld.idx.msk [tilespmem:v14+s3+$0x0], $0xffff;
	vm1 =	vge.f32 v34, v37;
	v29 =	vsel vm0, v30, v29  }
.LBB2_18:
0x3b2: {  	s0 =	sand.u32 $0x70, s5  }
0x3b3: {  	s2 =	sand.u32 $0x1C00, s1;
	s6 =	sor.u32 s1, s5;
	v41 =	vld.idx.msk [tilespmem:v11+s3+$0x0], $0xffff;
	s4 =	smov.u32 s5  }
0x3b4: {  	v34 =	vsel vm1, v34, v37;
	v37 =	vsel vm1, $0x2, v1;
	s4 =	sor.u32 s0, s2;
	s2 =	sor.u32 $0x380, s6;
	s0 =	sadd.s32 $0x10, s5;
	v42 =	vld.idx.msk [tilespmem:v15+s3+$0x0], $0xffff  }
0x3b5: {  	p0 =	sne.s32 s5, $0x3F0;
	vm1 =	vge.f32 v33, v32;
	v30 =	vld [tilespmem:s4+$0x16380]  }
0x3b6: {  	vm2 =	vge.f32 v38, v39;
	v43 =	vsel vm1, v33, v32;
	v44 =	vsel vm1, $0x6, v3;
	v31 =	vld [tilespmem:s4+$0x16200]  }
0x3b7: {  	v45 =	vsel vm0, $0xC, v6;
	vm1 =	vmneg vm2;
	vm2 =	vge.f32 v40, v35;
	v32 =	vld [tilespmem:s4+$0x16280]  }
0x3b8: {  	v38 =	vsel vm1, v39, v38;
	v35 =	vsel vm2, v40, v35;
	vm0 =	vge.f32 v27, v36;
	v33 =	vld [tilespmem:s4+$0x16300]  }
0x3b9: {  	v40 =	vsel vm1, $0x1, v0;
	v46 =	vsel vm2, $0x4, v2;
	vm1 =	vge.f32 v41, v28;
	v39 =	vld [tilespmem:s4+$0x16080]  }
0x3ba: {  	vm3 =	vge.f32 v38, v34;
	vm4 =	vge.f32 v35, v43;
	vm2 =	vge.f32 v26, v42;
	v47 =	vld [tilespmem:s4+$0x16180]  }
0x3bb: {  	v49 =	vsel vm0, $0xA, v5;
	v35 =	vsel vm4, v35, v43;
	v43 =	vsel vm4, v46, v44;
	v48 =	vld [tilespmem:s4+$0x16000]  }
0x3bc: {  	v28 =	vsel vm1, v41, v28;
	v41 =	vsel vm1, $0xE, v7;
	v34 =	vsel vm3, v38, v34;
	v44 =	vld [tilespmem:s4+$0x14080]  }
0x3bd: {  	v27 =	vsel vm0, v27, v36;
	v46 =	vsel vm2, $0x8, v4;
	vm0 =	vge.f32 v34, v35;
	v38 =	vld [tilespmem:s4+$0x16100]  }
0x3be: {  	v26 =	vsel vm2, v26, v42;
	vm1 =	vge.f32 v29, v28;
	v34 =	vsel vm0, v34, v35;
	v36 =	vld [tilespmem:s4+$0x14300]  }
0x3bf: {  	v37 =	vsel vm3, v40, v37;
	vm2 =	vge.f32 v26, v27;
	v28 =	vsel vm1, v29, v28;
	v35 =	vld.idx.msk [tilespmem:v32+s3+$0x0], $0xffff  }
0x3c0: {  	v37 =	vsel vm0, v37, v43;
	v26 =	vsel vm2, v26, v27;
	v27 =	vsel vm2, v46, v49;
	v29 =	vld [tilespmem:s4+$0x14000]  }
0x3c1: {  	v41 =	vsel vm1, v45, v41;
	vm0 =	vge.f32 v26, v28;
	v40 =	vld [tilespmem:s4+$0x14200]  }
0x3c2: {  	v28 =	vsel vm0, v26, v28;
	v27 =	vsel vm0, v27, v41;
	v42 =	vld [tilespmem:s4+$0x14100]  }
0x3c3: {  	vm0 =	vge.f32 v34, v28;
	v26 =	vld.idx.msk [tilespmem:v48+s3+$0x0], $0xffff  }
0x3c4: {  	v43 =	vsel vm0, v37, v27;
	v41 =	vld [tilespmem:s4+$0x14180]  }
0x3c5: {  	vm0 =	vne.s32 v43, $0x0;
	v37 =	vld [tilespmem:s4+$0x14280]  }
0x3c6: {  	vm1 =	vne.s32 v43, $0x1;
	v45 =	vld.idx.msk [tilespmem:v31+s3+$0x0], $0xffff  }
0x3c7: {  	vm2 =	vne.s32 v43, $0x2;
	v28 =	vld.idx.msk [tilespmem:v30+s3+$0x0], $0xffff  }
0x3c8: {  	vm3 =	vne.s32 v43, $0x3;
	v46 =	vld [tilespmem:s2+$0x14000]  }
0x3c9: {  	vm4 =	vne.s32 v43, $0x4;
	v27 =	vld.idx.msk [tilespmem:v38+s3+$0x0], $0xffff  }
0x3ca: {  	vm5 =	vne.s32 v43, $0x5;
	v34 =	vld.idx.msk [tilespmem:v42+s3+$0x0], $0xffff  }
0x3cb: {  	[tilespmem:v24+s29+$0x0] =	vst.idx.add.s32.msk vm0, v8;
	v24 =	vmov v29  }
0x3cc: {  	vm0 =	vge.f32 v45, v35;
	[tilespmem:v22+s29+$0x0] =	vst.idx.add.s32.msk vm1, v8;
	vm1 =	vne.s32 v43, $0x6;
	v22 =	vmov v44  }
0x3cd: {  	v29 =	vsel vm0, v45, v35;
	[tilespmem:v23+s29+$0x0] =	vst.idx.add.s32.msk vm2, v8;
	vm2 =	vne.s32 v43, $0x7;
	v23 =	vmov v42  }
0x3ce: {  	[tilespmem:v25+s29+$0x0] =	vst.idx.add.s32.msk vm3, v8;
	vm3 =	vne.s32 v43, $0x8;
	v25 =	vmov v41  }
0x3cf: {  	[tilespmem:v19+s29+$0x0] =	vst.idx.add.s32.msk vm4, v8;
	vm4 =	vne.s32 v43, $0x9;
	v19 =	vmov v40  }
0x3d0: {  	[tilespmem:v20+s29+$0x0] =	vst.idx.add.s32.msk vm5, v8;
	vm5 =	vne.s32 v43, $0xA;
	v20 =	vmov v37  }
0x3d1: {  	vm6 =	vne.s32 v43, $0xB;
	v35 =	vld.idx.msk [tilespmem:v37+s3+$0x0], $0xffff  }
0x3d2: {  	vm7 =	vne.s32 v43, $0xC;
	v37 =	vld.idx.msk [tilespmem:v41+s3+$0x0], $0xffff  }
0x3d3: {  	[tilespmem:v18+s29+$0x0] =	vst.idx.add.s32.msk vm1, v8;
	vm1 =	vne.s32 v43, $0xD;
	v18 =	vmov v36  }
0x3d4: {  	[tilespmem:v21+s29+$0x0] =	vst.idx.add.s32.msk vm2, v8;
	vm2 =	vne.s32 v43, $0xE;
	v21 =	vmov v46  }
0x3d5: {  	[tilespmem:v17+s29+$0x0] =	vst.idx.add.s32.msk vm3, v8;
	vm3 =	vne.s32 v43, $0xF;
	v17 =	vmov v48  }
0x3d6: {  	[tilespmem:v15+s29+$0x0] =	vst.idx.add.s32.msk vm4, v8;
	v15 =	vmov v39  }
0x3d7: {  	[tilespmem:v16+s29+$0x0] =	vst.idx.add.s32.msk vm5, v8;
	v16 =	vmov v38  }
0x3d8: {  	[tilespmem:v14+s29+$0x0] =	vst.idx.add.s32.msk vm6, v8;
	v14 =	vmov v47  }
0x3d9: {  	[tilespmem:v12+s29+$0x0] =	vst.idx.add.s32.msk vm7, v8;
	v12 =	vmov v31  }
0x3da: {  	[tilespmem:v13+s29+$0x0] =	vst.idx.add.s32.msk vm1, v8;
	v13 =	vmov v32  }
0x3db: {  	[tilespmem:v11+s29+$0x0] =	vst.idx.add.s32.msk vm2, v8;
	v11 =	vmov v33  }
0x3dc: {  	[tilespmem:v10+s29+$0x0] =	vst.idx.add.s32.msk vm3, v8;
	v10 =	vmov v30  }
0x3dd: {  	v38 =	vld.idx.msk [tilespmem:v24+s3+$0x0], $0xffff  }
.Ltmp8:
0x3de: {  	v32 =	vld.idx.msk [tilespmem:v46+s3+$0x0], $0xffff;
	(pc) =	sbr.rel @p0 .LBB2_18-.Ltmp8, $4  }
0x3df: {  	v33 =	vld.idx.msk [tilespmem:v36+s3+$0x0], $0xffff  }
0x3e0: {  	v39 =	vld.idx.msk [tilespmem:v22+s3+$0x0], $0xffff  }
0x3e1: {  	v40 =	vld.idx.msk [tilespmem:v19+s3+$0x0], $0xffff  }
0x3e2: {  	s1 =	sadd.s32 $0x80, s1;
	s5 =	smov.u32 s0;
	vm1 =	vge.f32 v34, v37;
	v36 =	vld.idx.msk [tilespmem:v47+s3+$0x0], $0xffff  }
0x3e3: {  	_ =	sdelay $0x3  }
0x3e4: {  	v30 =	vld.idx.msk [tilespmem:v11+s3+$0x0], $0xffff  }
0x3e5: {  	v31 =	vld.idx.msk [tilespmem:v15+s3+$0x0], $0xffff;
	v34 =	vsel vm1, v34, v37;
	vm2 =	vge.f32 v33, v32  }
0x3e6: {  	v53 =	vsel vm1, $0x2, v1;
	vm1 =	vge.f32 v38, v39;
	v32 =	vsel vm2, v33, v32  }
0x3e7: {  	v54 =	vsel vm2, $0x6, v3;
	vm1 =	vmneg vm1;
	vm2 =	vge.f32 v40, v35  }
0x3e8: {  	v41 =	vsel vm0, $0xC, v6;
	v55 =	vsel vm1, v39, v38;
	v35 =	vsel vm2, v40, v35  }
0x3e9: {  	vm0 =	vge.f32 v27, v36;
	v56 =	vsel vm1, $0x1, v0;
	v57 =	vsel vm2, $0x4, v2  }
0x3ea: {  	vm1 =	vge.f32 v30, v28;
	vm2 =	vge.f32 v26, v31;
	vm3 =	vge.f32 v35, v32  }
0x3eb: {  	vm4 =	vge.f32 v55, v34;
	v42 =	vsel vm0, $0xA, v5;
	v27 =	vsel vm0, v27, v36  }
0x3ec: {  	v32 =	vsel vm3, v35, v32;
	v33 =	vsel vm3, v57, v54;
	v28 =	vsel vm1, v30, v28  }
0x3ed: {  	v58 =	vsel vm1, $0xE, v7;
	v34 =	vsel vm4, v55, v34;
	v26 =	vsel vm2, v26, v31  }
0x3ee: {  	v59 =	vsel vm2, $0x8, v4;
	vm0 =	vge.f32 v29, v28;
	vm1 =	vge.f32 v26, v27  }
0x3ef: {  	vm2 =	vge.f32 v34, v32;
	v28 =	vsel vm0, v29, v28;
	v26 =	vsel vm1, v26, v27  }
0x3f0: {  	v61 =	vsel vm4, v56, v53;
	v60 =	vsel vm2, v34, v32;
	vm3 =	vge.f32 v26, v28  }
0x3f1: {  	v31 =	vsel vm1, v59, v42;
	v30 =	vsel vm0, v41, v58;
	v26 =	vsel vm3, v26, v28  }
0x3f2: {  	v62 =	vsel vm2, v61, v33;
	v63 =	vsel vm3, v31, v30;
	vm0 =	vge.f32 v60, v26  }
0x3f3: {  	v26 =	vsel vm0, v62, v63  }
0x3f4: {  	vm0 =	vne.s32 v26, $0x0  }
0x3f5: {  	vm1 =	vne.s32 v26, $0x1  }
0x3f6: {  	vm2 =	vne.s32 v26, $0x2  }
0x3f7: {  	vm3 =	vne.s32 v26, $0x3  }
0x3f8: {  	vm13 =	vne.s32 v26, $0x4  }
0x3f9: {  	vm5 =	vne.s32 v26, $0x5  }
0x3fa: {  	[tilespmem:v24+s29+$0x0] =	vst.idx.add.s32.msk vm0, v8;
	vm0 =	vne.s32 v26, $0x6  }
0x3fb: {  	[tilespmem:v22+s29+$0x0] =	vst.idx.add.s32.msk vm1, v8;
	vm1 =	vne.s32 v26, $0x7  }
0x3fc: {  	[tilespmem:v23+s29+$0x0] =	vst.idx.add.s32.msk vm2, v8;
	vm2 =	vne.s32 v26, $0x8  }
0x3fd: {  	[tilespmem:v25+s29+$0x0] =	vst.idx.add.s32.msk vm3, v8;
	vm3 =	vne.s32 v26, $0x9  }
0x3fe: {  	vm14 =	vne.s32 v26, $0xA;
	[tilespmem:v19+s29+$0x0] =	vst.idx.add.s32.msk vm13, v8  }
0x3ff: {  	vm15 =	vne.s32 v26, $0xB;
	[tilespmem:v20+s29+$0x0] =	vst.idx.add.s32.msk vm5, v8  }
0x400: {  	vm6 =	vne.s32 v26, $0xC;
	[tilespmem:v18+s29+$0x0] =	vst.idx.add.s32.msk vm0, v8  }
0x401: {  	vm0 =	vne.s32 v26, $0xD;
	[tilespmem:v21+s29+$0x0] =	vst.idx.add.s32.msk vm1, v8  }
0x402: {  	vm1 =	vne.s32 v26, $0xE;
	[tilespmem:v17+s29+$0x0] =	vst.idx.add.s32.msk vm2, v8  }
0x403: {  	vm2 =	vne.s32 v26, $0xF;
	[tilespmem:v15+s29+$0x0] =	vst.idx.add.s32.msk vm3, v8  }
0x404: {  	[tilespmem:v16+s29+$0x0] =	vst.idx.add.s32.msk vm14, v8  }
0x405: {  	[tilespmem:v14+s29+$0x0] =	vst.idx.add.s32.msk vm15, v8  }
0x406: {  	[tilespmem:v12+s29+$0x0] =	vst.idx.add.s32.msk vm6, v8  }
0x407: {  	[tilespmem:v13+s29+$0x0] =	vst.idx.add.s32.msk vm0, v8  }
0x408: {  	[tilespmem:v11+s29+$0x0] =	vst.idx.add.s32.msk vm1, v8  }
0x409: {  	s2 =	simm.s32 $0x8040;
	[tilespmem:v10+s29+$0x0] =	vst.idx.add.s32.msk vm2, v8  }
0x40a: {  	v12 =	vld [tilespmem:s2+$0x30]  }
0x40b: {  	v14 =	vld [tilespmem:s2+$0xFFFFFFD0]  }
0x40c: {  	v16 =	vld [tilespmem:s2+$0xFFFFFFE0]  }
0x40d: {  	v13 =	vld [tilespmem:s2+$0xFFFFFFF0]  }
0x40e: {  	v11 =	vld [tilespmem:s2+$0x0]  }
0x40f: {  	v10 =	vld [tilespmem:s2+$0x10];
	vm0 =	veq.s32 v12, $0x0  }
0x410: {  	s0 =	simm.s32 $0x40;
	vm1 =	veq.s32 v14, $0x0;
	v12 =	vld [tilespmem:s2+$0x20];
	v17 =	vsel vm0, $0x3F800000, v9  }
0x411: {  	s1 =	simm.s32 $0x0;
	v14 =	vld [tilespmem:s2+$0xFFFFFFC0];
	s2 =	simm.s32 $0x80C0;
	v15 =	vsel vm1, $0x3F800000, v9;
	vm0 =	veq.s32 v16, $0x0;
	[tilespmem:s0+$0x30] =	vst v17  }
.LBB2_20:
0x412: {  	v16 =	vld [tilespmem:s2+$0x30];
	s1 =	sadd.s32 $0x8, s1;
	[tilespmem:s0+$0xFFFFFFD0] =	vst v15;
	v15 =	vsel vm0, $0x3F800000, v9;
	vm0 =	veq.s32 v13, $0x0  }
0x413: {  	v17 =	vld [tilespmem:s2+$0xFFFFFFD0];
	p0 =	slt.u32 s1, $0xF8;
	[tilespmem:s0+$0xFFFFFFE0] =	vst v15;
	v13 =	vsel vm0, $0x3F800000, v9;
	vm0 =	veq.s32 v11, $0x0  }
0x414: {  	v18 =	vld [tilespmem:s2+$0xFFFFFFE0];
	[tilespmem:s0+$0xFFFFFFF0] =	vst v13;
	v11 =	vsel vm0, $0x3F800000, v9;
	vm0 =	veq.s32 v10, $0x0  }
.Ltmp9:
0x415: {  	v13 =	vld [tilespmem:s2+$0xFFFFFFF0];
	[tilespmem:s0+$0x0] =	vst v11;
	v10 =	vsel vm0, $0x3F800000, v9;
	vm0 =	veq.s32 v12, $0x0;
	(pc) =	sbr.rel @p0 .LBB2_20-.Ltmp9, $4  }
0x416: {  	v11 =	vld [tilespmem:s2+$0x0];
	vm1 =	veq.s32 v14, $0x0;
	[tilespmem:s0+$0x10] =	vst v10;
	v12 =	vsel vm0, $0x3F800000, v9  }
0x417: {  	v10 =	vld [tilespmem:s2+$0x10];
	vm0 =	veq.s32 v16, $0x0;
	v14 =	vsel vm1, $0x3F800000, v9;
	[tilespmem:s0+$0x20] =	vst v12  }
0x418: {  	vm1 =	veq.s32 v17, $0x0;
	v12 =	vld [tilespmem:s2+$0x20];
	v16 =	vsel vm0, $0x3F800000, v9;
	[tilespmem:s0+$0xFFFFFFC0] =	vst v14;
	s0 =	sadd.s32 $0x80, s0  }
0x419: {  	v14 =	vld [tilespmem:s2+$0xFFFFFFC0];
	v15 =	vsel vm1, $0x3F800000, v9;
	vm0 =	veq.s32 v18, $0x0;
	[tilespmem:s0+$0x30] =	vst v16;
	s2 =	sadd.s32 $0x80, s2  }
0x41a: {  	[tilespmem:s0+$0xFFFFFFD0] =	vst v15;
	v15 =	vsel vm0, $0x3F800000, v9;
	vm0 =	veq.s32 v13, $0x0  }
0x41b: {  	[tilespmem:s0+$0xFFFFFFE0] =	vst v15;
	v13 =	vsel vm0, $0x3F800000, v9;
	vm0 =	veq.s32 v11, $0x0  }
0x41c: {  	[tilespmem:s0+$0xFFFFFFF0] =	vst v13;
	v11 =	vsel vm0, $0x3F800000, v9;
	vm0 =	veq.s32 v10, $0x0  }
0x41d: {  	[tilespmem:s0+$0x0] =	vst v11;
	v10 =	vsel vm0, $0x3F800000, v9;
	vm0 =	veq.s32 v12, $0x0  }
0x41e: {  	vm1 =	veq.s32 v14, $0x0;
	[tilespmem:s0+$0x10] =	vst v10;
	v10 =	vsel vm0, $0x3F800000, v9  }
0x41f: {  	v11 =	vsel vm1, $0x3F800000, v9;
	[tilespmem:s0+$0x20] =	vst v10  }
0x420: {  	s2 =	simm.s32 $0x9070;
	[tilespmem:s0+$0xFFFFFFC0] =	vst v11  }
0x421: {  	[hbm4b:s12+s21] =	stream.strided.scatter [tilespmem:s3], [sflag:$0x3], $0x1000, s22, s21, $0x38;
	[tilespmem:$0x18000] =	vst v63  }
0x422: {  	v12 =	vld [tilespmem:s2+$0x0]  }
0x423: {  	v14 =	vld [tilespmem:s2+$0xFFFFFFA0]  }
0x424: {  	v16 =	vld [tilespmem:s2+$0xFFFFFFB0]  }
0x425: {  	v13 =	vld [tilespmem:s2+$0xFFFFFFC0]  }
0x426: {  	v11 =	vld [tilespmem:s2+$0xFFFFFFD0]  }
0x427: {  	v10 =	vld [tilespmem:s2+$0xFFFFFFE0];
	vm0 =	veq.s32 v12, $0x0  }
0x428: {  	s0 =	simm.s32 $0x1070;
	vm1 =	veq.s32 v14, $0x0;
	v12 =	vld [tilespmem:s2+$0xFFFFFFF0];
	v17 =	vsel vm0, $0x3F800000, v9  }
0x429: {  	s1 =	simm.s32 $0x100;
	v14 =	vld [tilespmem:s2+$0xFFFFFF90];
	s2 =	simm.s32 $0x90F0;
	v15 =	vsel vm1, $0x3F800000, v9;
	vm0 =	veq.s32 v16, $0x0;
	[tilespmem:s0+$0x0] =	vst v17  }
.LBB2_22:
0x42a: {  	v16 =	vld [tilespmem:s2+$0x0];
	s1 =	sadd.s32 $0x8, s1;
	[tilespmem:s0+$0xFFFFFFA0] =	vst v15;
	v15 =	vsel vm0, $0x3F800000, v9;
	vm0 =	veq.s32 v13, $0x0  }
0x42b: {  	v17 =	vld [tilespmem:s2+$0xFFFFFFA0];
	p0 =	slt.u32 s1, $0x1F8;
	[tilespmem:s0+$0xFFFFFFB0] =	vst v15;
	v13 =	vsel vm0, $0x3F800000, v9;
	vm0 =	veq.s32 v11, $0x0  }
0x42c: {  	v18 =	vld [tilespmem:s2+$0xFFFFFFB0];
	[tilespmem:s0+$0xFFFFFFC0] =	vst v13;
	v11 =	vsel vm0, $0x3F800000, v9;
	vm0 =	veq.s32 v10, $0x0  }
.Ltmp10:
0x42d: {  	v13 =	vld [tilespmem:s2+$0xFFFFFFC0];
	[tilespmem:s0+$0xFFFFFFD0] =	vst v11;
	v10 =	vsel vm0, $0x3F800000, v9;
	vm0 =	veq.s32 v12, $0x0;
	(pc) =	sbr.rel @p0 .LBB2_22-.Ltmp10, $4  }
0x42e: {  	v11 =	vld [tilespmem:s2+$0xFFFFFFD0];
	vm1 =	veq.s32 v14, $0x0;
	[tilespmem:s0+$0xFFFFFFE0] =	vst v10;
	v12 =	vsel vm0, $0x3F800000, v9  }
0x42f: {  	v10 =	vld [tilespmem:s2+$0xFFFFFFE0];
	vm0 =	veq.s32 v16, $0x0;
	v14 =	vsel vm1, $0x3F800000, v9;
	[tilespmem:s0+$0xFFFFFFF0] =	vst v12  }
0x430: {  	vm1 =	veq.s32 v17, $0x0;
	v12 =	vld [tilespmem:s2+$0xFFFFFFF0];
	v16 =	vsel vm0, $0x3F800000, v9;
	[tilespmem:s0+$0xFFFFFF90] =	vst v14;
	s0 =	sadd.s32 $0x80, s0  }
0x431: {  	v14 =	vld [tilespmem:s2+$0xFFFFFF90];
	v15 =	vsel vm1, $0x3F800000, v9;
	vm0 =	veq.s32 v18, $0x0;
	[tilespmem:s0+$0x0] =	vst v16;
	s2 =	sadd.s32 $0x80, s2  }
0x432: {  	[tilespmem:s0+$0xFFFFFFA0] =	vst v15;
	v15 =	vsel vm0, $0x3F800000, v9;
	vm0 =	veq.s32 v13, $0x0  }
0x433: {  	[tilespmem:s0+$0xFFFFFFB0] =	vst v15;
	v13 =	vsel vm0, $0x3F800000, v9;
	vm0 =	veq.s32 v11, $0x0  }
0x434: {  	[tilespmem:s0+$0xFFFFFFC0] =	vst v13;
	v11 =	vsel vm0, $0x3F800000, v9;
	vm0 =	veq.s32 v10, $0x0  }
0x435: {  	[tilespmem:s0+$0xFFFFFFD0] =	vst v11;
	v10 =	vsel vm0, $0x3F800000, v9;
	vm0 =	veq.s32 v12, $0x0  }
0x436: {  	vm1 =	veq.s32 v14, $0x0;
	[tilespmem:s0+$0xFFFFFFE0] =	vst v10;
	v10 =	vsel vm0, $0x3F800000, v9  }
0x437: {  	v11 =	vsel vm1, $0x3F800000, v9;
	[tilespmem:s0+$0xFFFFFFF0] =	vst v10  }
0x438: {  	s6 =	simm.s32 $0x1000;
	s2 =	simm.s32 $0xA070;
	[tilespmem:s0+$0xFFFFFF90] =	vst v11  }
0x439: {  	[hbm4b:s13+s21] =	stream.strided.scatter [tilespmem:s6], [sflag:$0x3], $0x1000, s22, s21, $0x38;
	[tilespmem:$0x18000] =	vst v63  }
0x43a: {  	v12 =	vld [tilespmem:s2+$0x0]  }
0x43b: {  	v14 =	vld [tilespmem:s2+$0xFFFFFFA0]  }
0x43c: {  	v16 =	vld [tilespmem:s2+$0xFFFFFFB0]  }
0x43d: {  	v13 =	vld [tilespmem:s2+$0xFFFFFFC0]  }
0x43e: {  	v11 =	vld [tilespmem:s2+$0xFFFFFFD0]  }
0x43f: {  	v10 =	vld [tilespmem:s2+$0xFFFFFFE0];
	vm0 =	veq.s32 v12, $0x0  }
0x440: {  	s0 =	simm.s32 $0x2070;
	vm1 =	veq.s32 v14, $0x0;
	v12 =	vld [tilespmem:s2+$0xFFFFFFF0];
	v17 =	vsel vm0, $0x3F800000, v9  }
0x441: {  	s1 =	simm.s32 $0x200;
	v14 =	vld [tilespmem:s2+$0xFFFFFF90];
	s2 =	simm.s32 $0xA0F0;
	v15 =	vsel vm1, $0x3F800000, v9;
	vm0 =	veq.s32 v16, $0x0;
	[tilespmem:s0+$0x0] =	vst v17  }
.LBB2_24:
0x442: {  	v16 =	vld [tilespmem:s2+$0x0];
	s1 =	sadd.s32 $0x8, s1;
	[tilespmem:s0+$0xFFFFFFA0] =	vst v15;
	v15 =	vsel vm0, $0x3F800000, v9;
	vm0 =	veq.s32 v13, $0x0  }
0x443: {  	v17 =	vld [tilespmem:s2+$0xFFFFFFA0];
	p0 =	slt.u32 s1, $0x2F8;
	[tilespmem:s0+$0xFFFFFFB0] =	vst v15;
	v13 =	vsel vm0, $0x3F800000, v9;
	vm0 =	veq.s32 v11, $0x0  }
0x444: {  	v18 =	vld [tilespmem:s2+$0xFFFFFFB0];
	[tilespmem:s0+$0xFFFFFFC0] =	vst v13;
	v11 =	vsel vm0, $0x3F800000, v9;
	vm0 =	veq.s32 v10, $0x0  }
.Ltmp11:
0x445: {  	v13 =	vld [tilespmem:s2+$0xFFFFFFC0];
	[tilespmem:s0+$0xFFFFFFD0] =	vst v11;
	v10 =	vsel vm0, $0x3F800000, v9;
	vm0 =	veq.s32 v12, $0x0;
	(pc) =	sbr.rel @p0 .LBB2_24-.Ltmp11, $4  }
0x446: {  	v11 =	vld [tilespmem:s2+$0xFFFFFFD0];
	vm1 =	veq.s32 v14, $0x0;
	[tilespmem:s0+$0xFFFFFFE0] =	vst v10;
	v12 =	vsel vm0, $0x3F800000, v9  }
0x447: {  	v10 =	vld [tilespmem:s2+$0xFFFFFFE0];
	vm0 =	veq.s32 v16, $0x0;
	v14 =	vsel vm1, $0x3F800000, v9;
	[tilespmem:s0+$0xFFFFFFF0] =	vst v12  }
0x448: {  	vm1 =	veq.s32 v17, $0x0;
	v12 =	vld [tilespmem:s2+$0xFFFFFFF0];
	v16 =	vsel vm0, $0x3F800000, v9;
	[tilespmem:s0+$0xFFFFFF90] =	vst v14;
	s0 =	sadd.s32 $0x80, s0  }
0x449: {  	v14 =	vld [tilespmem:s2+$0xFFFFFF90];
	v15 =	vsel vm1, $0x3F800000, v9;
	vm0 =	veq.s32 v18, $0x0;
	[tilespmem:s0+$0x0] =	vst v16;
	s2 =	sadd.s32 $0x80, s2  }
0x44a: {  	[tilespmem:s0+$0xFFFFFFA0] =	vst v15;
	v15 =	vsel vm0, $0x3F800000, v9;
	vm0 =	veq.s32 v13, $0x0  }
0x44b: {  	[tilespmem:s0+$0xFFFFFFB0] =	vst v15;
	v13 =	vsel vm0, $0x3F800000, v9;
	vm0 =	veq.s32 v11, $0x0  }
0x44c: {  	[tilespmem:s0+$0xFFFFFFC0] =	vst v13;
	v11 =	vsel vm0, $0x3F800000, v9;
	vm0 =	veq.s32 v10, $0x0  }
0x44d: {  	[tilespmem:s0+$0xFFFFFFD0] =	vst v11;
	v10 =	vsel vm0, $0x3F800000, v9;
	vm0 =	veq.s32 v12, $0x0  }
0x44e: {  	vm1 =	veq.s32 v14, $0x0;
	[tilespmem:s0+$0xFFFFFFE0] =	vst v10;
	v10 =	vsel vm0, $0x3F800000, v9  }
0x44f: {  	v11 =	vsel vm1, $0x3F800000, v9;
	[tilespmem:s0+$0xFFFFFFF0] =	vst v10  }
0x450: {  	s2 =	simm.s32 $0xB070;
	[tilespmem:s0+$0xFFFFFF90] =	vst v11  }
0x451: {  	[hbm4b:s14+s21] =	stream.strided.scatter [tilespmem:s23], [sflag:$0x3], $0x1000, s22, s21, $0x38;
	[tilespmem:$0x18000] =	vst v63  }
0x452: {  	v12 =	vld [tilespmem:s2+$0x0]  }
0x453: {  	v14 =	vld [tilespmem:s2+$0xFFFFFFA0]  }
0x454: {  	v16 =	vld [tilespmem:s2+$0xFFFFFFB0]  }
0x455: {  	v13 =	vld [tilespmem:s2+$0xFFFFFFC0]  }
0x456: {  	v11 =	vld [tilespmem:s2+$0xFFFFFFD0]  }
0x457: {  	v10 =	vld [tilespmem:s2+$0xFFFFFFE0];
	vm0 =	veq.s32 v12, $0x0  }
0x458: {  	s0 =	simm.s32 $0x3070;
	vm1 =	veq.s32 v14, $0x0;
	v12 =	vld [tilespmem:s2+$0xFFFFFFF0];
	v17 =	vsel vm0, $0x3F800000, v9  }
0x459: {  	s1 =	simm.s32 $0x300;
	v14 =	vld [tilespmem:s2+$0xFFFFFF90];
	s2 =	simm.s32 $0xB0F0;
	v15 =	vsel vm1, $0x3F800000, v9;
	vm0 =	veq.s32 v16, $0x0;
	[tilespmem:s0+$0x0] =	vst v17  }
.LBB2_26:
0x45a: {  	v16 =	vld [tilespmem:s2+$0x0];
	s1 =	sadd.s32 $0x8, s1;
	[tilespmem:s0+$0xFFFFFFA0] =	vst v15;
	v15 =	vsel vm0, $0x3F800000, v9;
	vm0 =	veq.s32 v13, $0x0  }
0x45b: {  	v17 =	vld [tilespmem:s2+$0xFFFFFFA0];
	p0 =	slt.u32 s1, $0x3F8;
	[tilespmem:s0+$0xFFFFFFB0] =	vst v15;
	v13 =	vsel vm0, $0x3F800000, v9;
	vm0 =	veq.s32 v11, $0x0  }
0x45c: {  	v18 =	vld [tilespmem:s2+$0xFFFFFFB0];
	[tilespmem:s0+$0xFFFFFFC0] =	vst v13;
	v11 =	vsel vm0, $0x3F800000, v9;
	vm0 =	veq.s32 v10, $0x0  }
.Ltmp12:
0x45d: {  	v13 =	vld [tilespmem:s2+$0xFFFFFFC0];
	[tilespmem:s0+$0xFFFFFFD0] =	vst v11;
	v10 =	vsel vm0, $0x3F800000, v9;
	vm0 =	veq.s32 v12, $0x0;
	(pc) =	sbr.rel @p0 .LBB2_26-.Ltmp12, $4  }
0x45e: {  	v11 =	vld [tilespmem:s2+$0xFFFFFFD0];
	vm1 =	veq.s32 v14, $0x0;
	[tilespmem:s0+$0xFFFFFFE0] =	vst v10;
	v12 =	vsel vm0, $0x3F800000, v9  }
0x45f: {  	v10 =	vld [tilespmem:s2+$0xFFFFFFE0];
	vm0 =	veq.s32 v16, $0x0;
	v14 =	vsel vm1, $0x3F800000, v9;
	[tilespmem:s0+$0xFFFFFFF0] =	vst v12  }
0x460: {  	vm1 =	veq.s32 v17, $0x0;
	v12 =	vld [tilespmem:s2+$0xFFFFFFF0];
	v16 =	vsel vm0, $0x3F800000, v9;
	[tilespmem:s0+$0xFFFFFF90] =	vst v14;
	s0 =	sadd.s32 $0x80, s0  }
0x461: {  	v14 =	vld [tilespmem:s2+$0xFFFFFF90];
	v15 =	vsel vm1, $0x3F800000, v9;
	vm0 =	veq.s32 v18, $0x0;
	[tilespmem:s0+$0x0] =	vst v16;
	s2 =	sadd.s32 $0x80, s2  }
0x462: {  	[tilespmem:s0+$0xFFFFFFA0] =	vst v15;
	v15 =	vsel vm0, $0x3F800000, v9;
	vm0 =	veq.s32 v13, $0x0  }
0x463: {  	[tilespmem:s0+$0xFFFFFFB0] =	vst v15;
	v13 =	vsel vm0, $0x3F800000, v9;
	vm0 =	veq.s32 v11, $0x0  }
0x464: {  	[tilespmem:s0+$0xFFFFFFC0] =	vst v13;
	v11 =	vsel vm0, $0x3F800000, v9;
	vm0 =	veq.s32 v10, $0x0  }
0x465: {  	[tilespmem:s0+$0xFFFFFFD0] =	vst v11;
	v10 =	vsel vm0, $0x3F800000, v9;
	vm0 =	veq.s32 v12, $0x0  }
0x466: {  	vm1 =	veq.s32 v14, $0x0;
	[tilespmem:s0+$0xFFFFFFE0] =	vst v10;
	v10 =	vsel vm0, $0x3F800000, v9  }
0x467: {  	v11 =	vsel vm1, $0x3F800000, v9;
	[tilespmem:s0+$0xFFFFFFF0] =	vst v10  }
0x468: {  	s6 =	simm.s32 $0x3000;
	[tilespmem:s0+$0xFFFFFF90] =	vst v11;
	s0 =	simm.s32 $0x0  }
0x469: {  	[hbm4b:s15+s21] =	stream.strided.scatter [tilespmem:s6], [sflag:$0x3], $0x1000, s22, s21, $0x38;
	[tilespmem:$0x18000] =	vst v63  }
0x46a: {  	v12 =	vld [tilespmem:s0+$0xC070]  }
0x46b: {  	v15 =	vld [tilespmem:s0+$0xC000]  }
0x46c: {  	v14 =	vld [tilespmem:s0+$0xC010]  }
0x46d: {  	v13 =	vld [tilespmem:s0+$0xC020]  }
0x46e: {  	v11 =	vld [tilespmem:s0+$0xC030]  }
0x46f: {  	v10 =	vld [tilespmem:s0+$0xC040];
	vm1 =	veq.s32 v12, $0x0  }
0x470: {  	s1 =	simm.s32 $0x400;
	s2 =	simm.s32 $0x200;
	vm0 =	veq.s32 v15, $0x0;
	v12 =	vld [tilespmem:s0+$0xC050];
	v15 =	vsel vm1, $0x3F800000, v9  }
.LBB2_28:
0x471: {  	s4 =	sshra.s32 s2, $0x2;
	s1 =	sadd.s32 $0x8, s1;
	v16 =	vsel vm0, $0x3F800000, v9;
	vm0 =	veq.s32 v14, $0x0;
	v17 =	vld [tilespmem:s0+$0xC060];
	[tilespmem:s0+$0x4070] =	vst v15  }
0x472: {  	v15 =	vld [tilespmem:s4+$0xC070];
	p0 =	slt.u32 s1, $0x4F8;
	[tilespmem:s0+$0x4000] =	vst v16;
	v14 =	vsel vm0, $0x3F800000, v9;
	vm0 =	veq.s32 v13, $0x0  }
0x473: {  	v16 =	vld [tilespmem:s4+$0xC000];
	[tilespmem:s0+$0x4010] =	vst v14;
	v13 =	vsel vm0, $0x3F800000, v9;
	vm0 =	veq.s32 v11, $0x0  }
.Ltmp13:
0x474: {  	v14 =	vld [tilespmem:s4+$0xC010];
	[tilespmem:s0+$0x4020] =	vst v13;
	v11 =	vsel vm0, $0x3F800000, v9;
	vm0 =	veq.s32 v10, $0x0;
	(pc) =	sbr.rel @p0 .LBB2_28-.Ltmp13, $4  }
0x475: {  	v13 =	vld [tilespmem:s4+$0xC020];
	[tilespmem:s0+$0x4030] =	vst v11;
	v10 =	vsel vm0, $0x3F800000, v9;
	vm0 =	veq.s32 v12, $0x0  }
0x476: {  	v11 =	vld [tilespmem:s4+$0xC030];
	[tilespmem:s0+$0x4040] =	vst v10;
	v12 =	vsel vm0, $0x3F800000, v9;
	vm0 =	veq.s32 v17, $0x0  }
0x477: {  	v10 =	vld [tilespmem:s4+$0xC040];
	vm1 =	veq.s32 v15, $0x0;
	[tilespmem:s0+$0x4050] =	vst v12;
	v17 =	vsel vm0, $0x3F800000, v9  }
0x478: {  	s2 =	sadd.s32 $0x200, s2;
	vm0 =	veq.s32 v16, $0x0;
	v12 =	vld [tilespmem:s4+$0xC050];
	v15 =	vsel vm1, $0x3F800000, v9;
	[tilespmem:s0+$0x4060] =	vst v17;
	s0 =	smov.u32 s4  }
0x479: {  	v16 =	vsel vm0, $0x3F800000, v9;
	vm0 =	veq.s32 v14, $0x0;
	v14 =	vld [tilespmem:s0+$0xC060];
	[tilespmem:s0+$0x4070] =	vst v15  }
0x47a: {  	[tilespmem:s0+$0x4000] =	vst v16;
	v15 =	vsel vm0, $0x3F800000, v9;
	vm0 =	veq.s32 v13, $0x0  }
0x47b: {  	[tilespmem:s0+$0x4010] =	vst v15;
	v13 =	vsel vm0, $0x3F800000, v9;
	vm0 =	veq.s32 v11, $0x0  }
0x47c: {  	[tilespmem:s0+$0x4020] =	vst v13;
	v11 =	vsel vm0, $0x3F800000, v9;
	vm0 =	veq.s32 v10, $0x0  }
0x47d: {  	[tilespmem:s0+$0x4030] =	vst v11;
	v10 =	vsel vm0, $0x3F800000, v9;
	vm0 =	veq.s32 v12, $0x0  }
0x47e: {  	[tilespmem:s0+$0x4040] =	vst v10;
	v10 =	vsel vm0, $0x3F800000, v9;
	vm0 =	veq.s32 v14, $0x0  }
0x47f: {  	[tilespmem:s0+$0x4050] =	vst v10;
	v10 =	vsel vm0, $0x3F800000, v9  }
0x480: {  	s6 =	simm.s32 $0x4000;
	[tilespmem:s0+$0x4060] =	vst v10;
	s0 =	simm.s32 $0x0  }
0x481: {  	[hbm4b:s16+s21] =	stream.strided.scatter [tilespmem:s6], [sflag:$0x3], $0x1000, s22, s21, $0x38;
	[tilespmem:$0x18000] =	vst v63  }
0x482: {  	v12 =	vld [tilespmem:s0+$0xD070]  }
0x483: {  	v15 =	vld [tilespmem:s0+$0xD000]  }
0x484: {  	v14 =	vld [tilespmem:s0+$0xD010]  }
0x485: {  	v13 =	vld [tilespmem:s0+$0xD020]  }
0x486: {  	v11 =	vld [tilespmem:s0+$0xD030]  }
0x487: {  	v10 =	vld [tilespmem:s0+$0xD040];
	vm1 =	veq.s32 v12, $0x0  }
0x488: {  	s1 =	simm.s32 $0x500;
	s2 =	simm.s32 $0x200;
	vm0 =	veq.s32 v15, $0x0;
	v12 =	vld [tilespmem:s0+$0xD050];
	v15 =	vsel vm1, $0x3F800000, v9  }
.LBB2_30:
0x489: {  	s4 =	sshra.s32 s2, $0x2;
	s1 =	sadd.s32 $0x8, s1;
	v16 =	vsel vm0, $0x3F800000, v9;
	vm0 =	veq.s32 v14, $0x0;
	v17 =	vld [tilespmem:s0+$0xD060];
	[tilespmem:s0+$0x5070] =	vst v15  }
0x48a: {  	v15 =	vld [tilespmem:s4+$0xD070];
	p0 =	slt.u32 s1, $0x5F8;
	[tilespmem:s0+$0x5000] =	vst v16;
	v14 =	vsel vm0, $0x3F800000, v9;
	vm0 =	veq.s32 v13, $0x0  }
0x48b: {  	v16 =	vld [tilespmem:s4+$0xD000];
	[tilespmem:s0+$0x5010] =	vst v14;
	v13 =	vsel vm0, $0x3F800000, v9;
	vm0 =	veq.s32 v11, $0x0  }
.Ltmp14:
0x48c: {  	v14 =	vld [tilespmem:s4+$0xD010];
	[tilespmem:s0+$0x5020] =	vst v13;
	v11 =	vsel vm0, $0x3F800000, v9;
	vm0 =	veq.s32 v10, $0x0;
	(pc) =	sbr.rel @p0 .LBB2_30-.Ltmp14, $4  }
0x48d: {  	v13 =	vld [tilespmem:s4+$0xD020];
	[tilespmem:s0+$0x5030] =	vst v11;
	v10 =	vsel vm0, $0x3F800000, v9;
	vm0 =	veq.s32 v12, $0x0  }
0x48e: {  	v11 =	vld [tilespmem:s4+$0xD030];
	[tilespmem:s0+$0x5040] =	vst v10;
	v12 =	vsel vm0, $0x3F800000, v9;
	vm0 =	veq.s32 v17, $0x0  }
0x48f: {  	v10 =	vld [tilespmem:s4+$0xD040];
	vm1 =	veq.s32 v15, $0x0;
	[tilespmem:s0+$0x5050] =	vst v12;
	v17 =	vsel vm0, $0x3F800000, v9  }
0x490: {  	s2 =	sadd.s32 $0x200, s2;
	vm0 =	veq.s32 v16, $0x0;
	v12 =	vld [tilespmem:s4+$0xD050];
	v15 =	vsel vm1, $0x3F800000, v9;
	[tilespmem:s0+$0x5060] =	vst v17;
	s0 =	smov.u32 s4  }
0x491: {  	v16 =	vsel vm0, $0x3F800000, v9;
	vm0 =	veq.s32 v14, $0x0;
	v14 =	vld [tilespmem:s0+$0xD060];
	[tilespmem:s0+$0x5070] =	vst v15  }
0x492: {  	[tilespmem:s0+$0x5000] =	vst v16;
	v15 =	vsel vm0, $0x3F800000, v9;
	vm0 =	veq.s32 v13, $0x0  }
0x493: {  	[tilespmem:s0+$0x5010] =	vst v15;
	v13 =	vsel vm0, $0x3F800000, v9;
	vm0 =	veq.s32 v11, $0x0  }
0x494: {  	[tilespmem:s0+$0x5020] =	vst v13;
	v11 =	vsel vm0, $0x3F800000, v9;
	vm0 =	veq.s32 v10, $0x0  }
0x495: {  	[tilespmem:s0+$0x5030] =	vst v11;
	v10 =	vsel vm0, $0x3F800000, v9;
	vm0 =	veq.s32 v12, $0x0  }
0x496: {  	[tilespmem:s0+$0x5040] =	vst v10;
	v10 =	vsel vm0, $0x3F800000, v9;
	vm0 =	veq.s32 v14, $0x0  }
0x497: {  	[tilespmem:s0+$0x5050] =	vst v10;
	v10 =	vsel vm0, $0x3F800000, v9  }
0x498: {  	s6 =	simm.s32 $0x5000;
	[tilespmem:s0+$0x5060] =	vst v10;
	s0 =	simm.s32 $0x0  }
0x499: {  	[hbm4b:s17+s21] =	stream.strided.scatter [tilespmem:s6], [sflag:$0x3], $0x1000, s22, s21, $0x38;
	[tilespmem:$0x18000] =	vst v63  }
0x49a: {  	v12 =	vld [tilespmem:s0+$0xE070]  }
0x49b: {  	v15 =	vld [tilespmem:s0+$0xE000]  }
0x49c: {  	v14 =	vld [tilespmem:s0+$0xE010]  }
0x49d: {  	v13 =	vld [tilespmem:s0+$0xE020]  }
0x49e: {  	v11 =	vld [tilespmem:s0+$0xE030]  }
0x49f: {  	v10 =	vld [tilespmem:s0+$0xE040];
	vm1 =	veq.s32 v12, $0x0  }
0x4a0: {  	s1 =	simm.s32 $0x600;
	s2 =	simm.s32 $0x200;
	vm0 =	veq.s32 v15, $0x0;
	v12 =	vld [tilespmem:s0+$0xE050];
	v15 =	vsel vm1, $0x3F800000, v9  }
.LBB2_32:
0x4a1: {  	s4 =	sshra.s32 s2, $0x2;
	s1 =	sadd.s32 $0x8, s1;
	v16 =	vsel vm0, $0x3F800000, v9;
	vm0 =	veq.s32 v14, $0x0;
	v17 =	vld [tilespmem:s0+$0xE060];
	[tilespmem:s0+$0x6070] =	vst v15  }
0x4a2: {  	v15 =	vld [tilespmem:s4+$0xE070];
	p0 =	slt.u32 s1, $0x6F8;
	[tilespmem:s0+$0x6000] =	vst v16;
	v14 =	vsel vm0, $0x3F800000, v9;
	vm0 =	veq.s32 v13, $0x0  }
0x4a3: {  	v16 =	vld [tilespmem:s4+$0xE000];
	[tilespmem:s0+$0x6010] =	vst v14;
	v13 =	vsel vm0, $0x3F800000, v9;
	vm0 =	veq.s32 v11, $0x0  }
.Ltmp15:
0x4a4: {  	v14 =	vld [tilespmem:s4+$0xE010];
	[tilespmem:s0+$0x6020] =	vst v13;
	v11 =	vsel vm0, $0x3F800000, v9;
	vm0 =	veq.s32 v10, $0x0;
	(pc) =	sbr.rel @p0 .LBB2_32-.Ltmp15, $4  }
0x4a5: {  	v13 =	vld [tilespmem:s4+$0xE020];
	[tilespmem:s0+$0x6030] =	vst v11;
	v10 =	vsel vm0, $0x3F800000, v9;
	vm0 =	veq.s32 v12, $0x0  }
0x4a6: {  	v11 =	vld [tilespmem:s4+$0xE030];
	[tilespmem:s0+$0x6040] =	vst v10;
	v12 =	vsel vm0, $0x3F800000, v9;
	vm0 =	veq.s32 v17, $0x0  }
0x4a7: {  	v10 =	vld [tilespmem:s4+$0xE040];
	vm1 =	veq.s32 v15, $0x0;
	[tilespmem:s0+$0x6050] =	vst v12;
	v17 =	vsel vm0, $0x3F800000, v9  }
0x4a8: {  	s2 =	sadd.s32 $0x200, s2;
	vm0 =	veq.s32 v16, $0x0;
	v12 =	vld [tilespmem:s4+$0xE050];
	v15 =	vsel vm1, $0x3F800000, v9;
	[tilespmem:s0+$0x6060] =	vst v17;
	s0 =	smov.u32 s4  }
0x4a9: {  	v16 =	vsel vm0, $0x3F800000, v9;
	vm0 =	veq.s32 v14, $0x0;
	v14 =	vld [tilespmem:s0+$0xE060];
	[tilespmem:s0+$0x6070] =	vst v15  }
0x4aa: {  	[tilespmem:s0+$0x6000] =	vst v16;
	v15 =	vsel vm0, $0x3F800000, v9;
	vm0 =	veq.s32 v13, $0x0  }
0x4ab: {  	[tilespmem:s0+$0x6010] =	vst v15;
	v13 =	vsel vm0, $0x3F800000, v9;
	vm0 =	veq.s32 v11, $0x0  }
0x4ac: {  	[tilespmem:s0+$0x6020] =	vst v13;
	v11 =	vsel vm0, $0x3F800000, v9;
	vm0 =	veq.s32 v10, $0x0  }
0x4ad: {  	[tilespmem:s0+$0x6030] =	vst v11;
	v10 =	vsel vm0, $0x3F800000, v9;
	vm0 =	veq.s32 v12, $0x0  }
0x4ae: {  	[tilespmem:s0+$0x6040] =	vst v10;
	v10 =	vsel vm0, $0x3F800000, v9;
	vm0 =	veq.s32 v14, $0x0  }
0x4af: {  	[tilespmem:s0+$0x6050] =	vst v10;
	v10 =	vsel vm0, $0x3F800000, v9  }
0x4b0: {  	s6 =	simm.s32 $0x6000;
	[tilespmem:s0+$0x6060] =	vst v10;
	s0 =	simm.s32 $0x0  }
0x4b1: {  	[hbm4b:s18+s21] =	stream.strided.scatter [tilespmem:s6], [sflag:$0x3], $0x1000, s22, s21, $0x38;
	[tilespmem:$0x18000] =	vst v63  }
0x4b2: {  	v12 =	vld [tilespmem:s0+$0xF070]  }
0x4b3: {  	v15 =	vld [tilespmem:s0+$0xF000]  }
0x4b4: {  	v14 =	vld [tilespmem:s0+$0xF010]  }
0x4b5: {  	v13 =	vld [tilespmem:s0+$0xF020]  }
0x4b6: {  	v11 =	vld [tilespmem:s0+$0xF030]  }
0x4b7: {  	v10 =	vld [tilespmem:s0+$0xF040];
	vm1 =	veq.s32 v12, $0x0  }
0x4b8: {  	s1 =	simm.s32 $0x700;
	s2 =	simm.s32 $0x200;
	vm0 =	veq.s32 v15, $0x0;
	v12 =	vld [tilespmem:s0+$0xF050];
	v15 =	vsel vm1, $0x3F800000, v9  }
.LBB2_34:
0x4b9: {  	s4 =	sshra.s32 s2, $0x2;
	s1 =	sadd.s32 $0x8, s1;
	v16 =	vsel vm0, $0x3F800000, v9;
	vm0 =	veq.s32 v14, $0x0;
	v17 =	vld [tilespmem:s0+$0xF060];
	[tilespmem:s0+$0x7070] =	vst v15  }
0x4ba: {  	v15 =	vld [tilespmem:s4+$0xF070];
	p0 =	slt.u32 s1, $0x7F8;
	[tilespmem:s0+$0x7000] =	vst v16;
	v14 =	vsel vm0, $0x3F800000, v9;
	vm0 =	veq.s32 v13, $0x0  }
0x4bb: {  	v16 =	vld [tilespmem:s4+$0xF000];
	[tilespmem:s0+$0x7010] =	vst v14;
	v13 =	vsel vm0, $0x3F800000, v9;
	vm0 =	veq.s32 v11, $0x0  }
.Ltmp16:
0x4bc: {  	v14 =	vld [tilespmem:s4+$0xF010];
	[tilespmem:s0+$0x7020] =	vst v13;
	v11 =	vsel vm0, $0x3F800000, v9;
	vm0 =	veq.s32 v10, $0x0;
	(pc) =	sbr.rel @p0 .LBB2_34-.Ltmp16, $4  }
0x4bd: {  	v13 =	vld [tilespmem:s4+$0xF020];
	[tilespmem:s0+$0x7030] =	vst v11;
	v10 =	vsel vm0, $0x3F800000, v9;
	vm0 =	veq.s32 v12, $0x0  }
0x4be: {  	v11 =	vld [tilespmem:s4+$0xF030];
	[tilespmem:s0+$0x7040] =	vst v10;
	v12 =	vsel vm0, $0x3F800000, v9;
	vm0 =	veq.s32 v17, $0x0  }
0x4bf: {  	v10 =	vld [tilespmem:s4+$0xF040];
	vm1 =	veq.s32 v15, $0x0;
	[tilespmem:s0+$0x7050] =	vst v12;
	v17 =	vsel vm0, $0x3F800000, v9  }
0x4c0: {  	s2 =	sadd.s32 $0x200, s2;
	vm0 =	veq.s32 v16, $0x0;
	v12 =	vld [tilespmem:s4+$0xF050];
	v15 =	vsel vm1, $0x3F800000, v9;
	[tilespmem:s0+$0x7060] =	vst v17;
	s0 =	smov.u32 s4  }
0x4c1: {  	v16 =	vsel vm0, $0x3F800000, v9;
	vm10 =	veq.s32 v14, $0x0;
	v62 =	vld [tilespmem:s0+$0xF060];
	[tilespmem:s0+$0x7070] =	vst v15  }
0x4c2: {  	[tilespmem:s0+$0x7000] =	vst v16;
	v63 =	vsel vm10, $0x3F800000, v9;
	vm11 =	veq.s32 v13, $0x0  }
0x4c3: {  	[tilespmem:s0+$0x7010] =	vst v63;
	v13 =	vsel vm11, $0x3F800000, v9;
	vm12 =	veq.s32 v11, $0x0  }
0x4c4: {  	[tilespmem:s0+$0x7020] =	vst v13;
	v11 =	vsel vm12, $0x3F800000, v9;
	vm13 =	veq.s32 v10, $0x0  }
0x4c5: {  	[tilespmem:s0+$0x7030] =	vst v11;
	v10 =	vsel vm13, $0x3F800000, v9;
	vm14 =	veq.s32 v12, $0x0  }
0x4c6: {  	[tilespmem:s0+$0x7040] =	vst v10;
	v10 =	vsel vm14, $0x3F800000, v9;
	vm15 =	veq.s32 v62, $0x0  }
0x4c7: {  	[tilespmem:s0+$0x7050] =	vst v10;
	v10 =	vsel vm15, $0x3F800000, v9  }
0x4c8: {  	s6 =	simm.s32 $0x7000;
	[tilespmem:s0+$0x7060] =	vst v10  }
0x4c9: {  	[hbm4b:s19+s21] =	stream.strided.scatter [tilespmem:s6], [sflag:$0x3], $0x1000, s22, s21, $0x38;
	[tilespmem:$0x18000] =	vst v63  }
0x4ca: {  	_ =	swait.ge [sflag:s25], $0x1000  }
0x4cb: {  	[sflag:s25] =	ssyncset.done $0x0  }
0x4cc: {  	[sflag:s25] =	ssyncadd.s32 $0xFFFFF000  }
0x4cd: {  	_ =	swait.ge [sflag:s25], $0x1000  }
0x4ce: {  	[sflag:s25] =	ssyncset.done $0x0  }
0x4cf: {  	[sflag:s25] =	ssyncadd.s32 $0xFFFFF000  }
0x4d0: {  	_ =	swait.ge [sflag:s25], $0x1000  }
0x4d1: {  	[sflag:s25] =	ssyncset.done $0x0  }
0x4d2: {  	[sflag:s25] =	ssyncadd.s32 $0xFFFFF000  }
0x4d3: {  	_ =	swait.ge [sflag:s25], $0x1000  }
0x4d4: {  	[sflag:s25] =	ssyncset.done $0x0  }
0x4d5: {  	[sflag:s25] =	ssyncadd.s32 $0xFFFFF000  }
0x4d6: {  	_ =	swait.ge [sflag:s25], $0x1000  }
0x4d7: {  	[sflag:s25] =	ssyncset.done $0x0  }
0x4d8: {  	[sflag:s25] =	ssyncadd.s32 $0xFFFFF000  }
0x4d9: {  	_ =	swait.ge [sflag:s25], $0x1000  }
0x4da: {  	[sflag:s25] =	ssyncset.done $0x0  }
0x4db: {  	s31 =	sadd.s32 $0x1, s31;
	[sflag:s25] =	ssyncadd.s32 $0xFFFFF000  }
0x4dc: {  	p0 =	sne.s32 s31, s20;
	_ =	swait.ge [sflag:s25], $0x1000  }
.Ltmp17:
0x4dd: {  	[sflag:s25] =	ssyncset.done $0x0;
	(pc) =	sbr.rel @p0 .LBB2_1-.Ltmp17, $4  }
0x4de: {  	[sflag:s25] =	ssyncadd.s32 $0xFFFFF000  }
0x4df: {  	_ =	swait.ge [sflag:s25], $0x1000  }
0x4e0: {  	[sflag:s25] =	ssyncset.done $0x0  }
0x4e1: {  	[sflag:s25] =	ssyncadd.s32 $0xFFFFF000  }
0x4e2: {  	_ =	sfence.sel $0x180000  }
0x4e3: {  	[bflag:$0x0] =	sbarrier.arrive $0xFFFF  }
0x4e4: {  	_ =	strace $0x90000047  }
0x4e5: {  	s0 =	stileid.u32;
	[bflag:$0x2] =	sbarrier.arrive $0xFFFF  }
0x4e6: {  	p0 =	sne.s32 s0, $0x0;
	s0 =	rddreg [dreg:$0x3]  }
0x4e7: {  	s0 =	sadd.s32 @!p0 $0x100000, s0  }
0x4e8: {  	[sflag:s0] =	ssyncadd.tile.s32 @!p0 $0x1;
	_ =	shalt  }
.Lfunc_end2:
_tile_overlayer_lowered:
.L_overlay_start_2:
0x4e9: {  	(tag) =	ssettag $0x2  }
0x4ea: {  	s0 =	rddreg [dreg:$0x0];
	s2 =	stileid.u32  }
0x4eb: {  	s1 =	rddreg [dreg:$0x1];
	p0 =	sne.s32 s2, $0x0  }
0x4ec: {  	s3 =	rddreg [dreg:$0x2];
	[bflag:$0x3] =	sbarrier.arrive $0xFFFF;
	s2 =	simm.s32 @!p0 $0x1C04  }
0x4ed: {  	[timem:s3], [sflag:s2] =	dma.local @!p0 [hbm:s0], s1  }
0x4ee: {  	s0 =	simm.s32 @!p0 $0x4  }
0x4ef: {  	_ =	swait.ge @!p0 [sflag:s0], s1  }
0x4f0: {  	s1 =	ssub.s32 @!p0 $0x0, s1;
	[sflag:s0] =	ssyncset.done @!p0 $0x0  }
0x4f1: {  	[sflag:s0] =	ssyncadd.s32 @!p0 s1  }
0x4f2: {  	[bflag:$0x3] =	sbarrier.arrive $0xFFFF  }
0x4f3: {  	_ =	shalt  }

</sc_bundles>
